<compile_context>
chip_gen: v7x
topology: tpu7x:2x2x1
jax: 0.10.2.dev20260603
libtpu: 0.0.44.dev20260713+nightly
codegen_flags: <defaults>
</compile_context>

<pallas_src>
import functools

import jax
import jax.numpy as jnp
from jax import lax
from jax.experimental import pallas as pl
from jax.experimental.pallas import tpu as pltpu
from jax.experimental.pallas import tpu_sc as plsc

F32 = jnp.float32
_PC = pl.pallas_call
BF16 = jnp.bfloat16


def _dot(a, b):
    return jnp.dot(a.astype(BF16), b.astype(BF16), preferred_element_type=F32)

H = 300
HP = 384
BM = 512


def _rup(x, m):
    return ((x + m - 1) // m) * m


def _sc_gather(table, idx, chunk=96):
    B = idx.shape[0]
    V, D = table.shape
    NW = 32
    b_per_w = B // NW
    n_chunks = b_per_w // chunk
    mesh = plsc.VectorSubcoreMesh(core_axis_name="c", subcore_axis_name="s")

    @functools.partial(
        pl.kernel,
        mesh=mesh,
        out_type=jax.ShapeDtypeStruct((B, D), F32),
        scratch_types=[
            pltpu.VMEM((b_per_w,), jnp.int32),
            pltpu.VMEM((chunk, D), F32),
            pltpu.VMEM((chunk, D), F32),
            pltpu.SemaphoreType.DMA,
            pltpu.SemaphoreType.DMA,
        ],
    )
    def k(table_hbm, idx_hbm, out_hbm, idx_v, rows_v0, rows_v1, sem0, sem1):
        wid = lax.axis_index("s") * 2 + lax.axis_index("c")
        base = wid * b_per_w
        pltpu.sync_copy(idx_hbm.at[pl.ds(base, b_per_w)], idx_v)

        @pl.loop(0, n_chunks, step=2)
        def _(i):
            o0 = i * chunk
            o1 = o0 + chunk
            g0 = pltpu.make_async_copy(
                table_hbm.at[idx_v.at[pl.ds(o0, chunk)]], rows_v0, sem0)
            g0.start()
            g1 = pltpu.make_async_copy(
                table_hbm.at[idx_v.at[pl.ds(o1, chunk)]], rows_v1, sem1)
            g1.start()
            g0.wait()
            pltpu.sync_copy(rows_v0, out_hbm.at[pl.ds(base + o0, chunk)])
            g1.wait()
            pltpu.sync_copy(rows_v1, out_hbm.at[pl.ds(base + o1, chunk)])

    return k(table, idx)


def _mm_relu(x, wT):
    M, K = x.shape
    N = wT.shape[1]

    def body(x_ref, w_ref, o_ref):
        o_ref[...] = jnp.maximum(
            _dot(x_ref[...], w_ref[...]), 0.0)

    return _PC(
        body,
        grid=(M // BM,),
        in_specs=[pl.BlockSpec((BM, K), lambda i: (i, 0)),
                  pl.BlockSpec((K, N), lambda i: (0, 0))],
        out_specs=pl.BlockSpec((BM, N), lambda i: (i, 0)),
        out_shape=jax.ShapeDtypeStruct((M, N), F32),
    )(x, wT)


def _aggregate(nei, ma, add_ma):
    _, A, D = nei.shape

    def body(nei_ref, ma_ref, o_ref):
        acc = nei_ref[0]
        mx = nei_ref[0]
        for k in range(1, 6):
            v = nei_ref[k]
            acc = acc + v
            mx = jnp.maximum(mx, v)
        agg = acc * mx
        o_ref[...] = ma_ref[...] + agg if add_ma else agg

    return _PC(
        body,
        grid=(A // BM,),
        in_specs=[pl.BlockSpec((6, BM, D), lambda i: (0, i, 0)),
                  pl.BlockSpec((BM, D), lambda i: (i, 0))],
        out_specs=pl.BlockSpec((BM, D), lambda i: (i, 0)),
        out_shape=jax.ShapeDtypeStruct((A, D), F32),
    )(nei, ma)


def _bond_update(ib, am, rv, whT, nb_real):
    M, D = ib.shape

    def body(ib_ref, am_ref, rv_ref, w_ref, o_ref):
        i = pl.program_id(0)
        x = am_ref[...] - rv_ref[...]
        y = ib_ref[...] + _dot(x, w_ref[...])
        rows = i * BM + lax.broadcasted_iota(jnp.int32, (BM, 1), 0)
        o_ref[...] = jnp.where(rows < nb_real, jnp.maximum(y, 0.0), 0.0)

    return _PC(
        body,
        grid=(M // BM,),
        in_specs=[pl.BlockSpec((BM, D), lambda i: (i, 0)),
                  pl.BlockSpec((BM, D), lambda i: (i, 0)),
                  pl.BlockSpec((BM, D), lambda i: (i, 0)),
                  pl.BlockSpec((D, D), lambda i: (0, 0))],
        out_specs=pl.BlockSpec((BM, D), lambda i: (i, 0)),
        out_shape=jax.ShapeDtypeStruct((M, D), F32),
    )(ib, am, rv, whT)


def _lr_project(agg, ma, ia, wcat, gb):
    M, D = agg.shape
    N = wcat.shape[1]

    def body(a_ref, m_ref, i_ref, w_ref, gb_ref, hid_ref, msg_ref):
        cat = jnp.concatenate(
            [a_ref[:, :N], m_ref[:, :N], i_ref[:, :N]], axis=1)
        h = jnp.dot(cat, w_ref[...], preferred_element_type=F32)
        hid_ref[...] = h
        msg_ref[...] = jnp.maximum(h + gb_ref[...], 0.0)

    return _PC(
        body,
        grid=(M // BM,),
        in_specs=[pl.BlockSpec((BM, D), lambda i: (i, 0)),
                  pl.BlockSpec((BM, D), lambda i: (i, 0)),
                  pl.BlockSpec((BM, D), lambda i: (i, 0)),
                  pl.BlockSpec((3 * N, N), lambda i: (0, 0)),
                  pl.BlockSpec((1, N), lambda i: (0, 0))],
        out_specs=[pl.BlockSpec((BM, N), lambda i: (i, 0)),
                   pl.BlockSpec((BM, N), lambda i: (i, 0))],
        out_shape=[jax.ShapeDtypeStruct((M, N), F32),
                   jax.ShapeDtypeStruct((M, N), F32)],
    )(agg, ma, ia, wcat, gb)


def _seg_max(hid_m):
    nm, apm, D = hid_m.shape
    bm = 40

    def body(x_ref, o_ref):
        mx = x_ref[:, 0, :]
        for t in range(1, apm):
            mx = jnp.maximum(mx, x_ref[:, t, :])
        o_ref[...] = mx

    return _PC(
        body,
        grid=(nm // bm,),
        in_specs=[pl.BlockSpec((bm, apm, D), lambda i: (i, 0, 0))],
        out_specs=pl.BlockSpec((bm, D), lambda i: (i, 0)),
        out_shape=jax.ShapeDtypeStruct((nm, D), F32),
    )(hid_m)


def _bigru(xT, h0, wf, bf, wb, bb):
    T, B, D = xT.shape

    def body(xf_ref, xb_ref, h0_ref,
             firT, fizT, finT, fhrT, fhzT, fhnT, fbr, fbz, fbi, fbh,
             birT, bizT, binT, bhrT, bhzT, bhnT, bbr, bbz, bbi, bbh,
             of_ref, ob_ref, hf_s, hb_s):
        t = pl.program_id(0)

        @pl.when(t == 0)
        def _():
            hf_s[...] = h0_ref[...]
            hb_s[...] = h0_ref[...]

        def step(x, h, wirT, wizT, winT, whrT, whzT, whnT, br, bz, bi, bh):
            dot = lambda a, w: jnp.dot(a, w[...], preferred_element_type=F32)
            r = jax.nn.sigmoid(dot(x, wirT) + dot(h, whrT) + br[...])
            z = jax.nn.sigmoid(dot(x, wizT) + dot(h, whzT) + bz[...])
            n = jnp.tanh(dot(x, winT) + bi[...] + r * (dot(h, whnT) + bh[...]))
            return (1.0 - z) * n + z * h

        hf = step(xf_ref[0], hf_s[...], firT, fizT, finT, fhrT, fhzT, fhnT,
                  fbr, fbz, fbi, fbh)
        hf_s[...] = hf
        of_ref[0] = hf
        hb = step(xb_ref[0], hb_s[...], birT, bizT, binT, bhrT, bhzT, bhnT,
                  bbr, bbz, bbi, bbh)
        hb_s[...] = hb
        ob_ref[0] = hb

    w_spec = pl.BlockSpec((D, D), lambda t: (0, 0))
    b_spec = pl.BlockSpec((1, D), lambda t: (0, 0))
    return _PC(
        body,
        grid=(T,),
        in_specs=[pl.BlockSpec((1, B, D), lambda t: (t, 0, 0)),
                  pl.BlockSpec((1, B, D), lambda t: (T - 1 - t, 0, 0)),
                  pl.BlockSpec((B, D), lambda t: (0, 0))]
                 + [w_spec] * 6 + [b_spec] * 4
                 + [w_spec] * 6 + [b_spec] * 4,
        out_specs=[pl.BlockSpec((1, B, D), lambda t: (t, 0, 0)),
                   pl.BlockSpec((1, B, D), lambda t: (T - 1 - t, 0, 0))],
        out_shape=[jax.ShapeDtypeStruct((T, B, D), F32),
                   jax.ShapeDtypeStruct((T, B, D), F32)],
        scratch_shapes=[pltpu.VMEM((B, D), F32), pltpu.VMEM((B, D), F32)],
    )(xT, xT, h0, *wf, *bf, *wb, *bb)


def _out_project(out_f, out_b, wo, bo):
    T, B, D = out_f.shape

    def body(of_ref, ob_ref, w_ref, bo_ref, o_ref, acc_s):
        t = pl.program_id(0)
        cat = jnp.concatenate([of_ref[0], ob_ref[0]], axis=1)
        v = jnp.maximum(_dot(cat, w_ref[...]) + bo_ref[...], 0.0)

        @pl.when(t == 0)
        def _():
            acc_s[...] = v

        @pl.when(t > 0)
        def _():
            acc_s[...] = acc_s[...] + v

        @pl.when(t == T - 1)
        def _():
            o_ref[...] = acc_s[...] * (1.0 / T)

    return _PC(
        body,
        grid=(T,),
        in_specs=[pl.BlockSpec((1, B, D), lambda t: (t, 0, 0)),
                  pl.BlockSpec((1, B, D), lambda t: (t, 0, 0)),
                  pl.BlockSpec((2 * D, D), lambda t: (0, 0)),
                  pl.BlockSpec((1, D), lambda t: (0, 0))],
        out_specs=pl.BlockSpec((B, D), lambda t: (0, 0)),
        out_shape=jax.ShapeDtypeStruct((B, D), F32),
        scratch_shapes=[pltpu.VMEM((B, D), F32)],
    )(out_f, out_b, wo, bo)


def kernel(f_atoms, f_bonds, a2b, b2a, b2revb, W_i_atom, W_i_bond, W_h_0,
           W_h_1, W_lr, gru_bias, Wih_f, Whh_f, bih_f, bhh_f, Wih_b, Whh_b,
           bih_b, bhh_b, W_o, b_o, n_mols, atoms_per_mol):
    NA = f_atoms.shape[0]
    NB = f_bonds.shape[0]
    ZR = NB
    A_pad = _rup(NA, 1024)
    B_pad = _rup(NB + 1, 6144)
    apm = 50
    nm = (NA - 1) // apm

    fa = jnp.pad(f_atoms, ((0, A_pad - NA), (0, 0)))
    fb = jnp.pad(f_bonds, ((0, B_pad - NB), (0, 0)))
    a2b_eff = jnp.where(a2b == 0, ZR, a2b).astype(jnp.int32)
    idx_nei = jnp.pad(a2b_eff.T, ((0, 0), (0, A_pad - NA)),
                      constant_values=ZR).reshape(-1)
    idx_rev = jnp.pad(b2revb.astype(jnp.int32), (0, B_pad - NB))
    idx_b2a = jnp.pad(b2a.astype(jnp.int32), (0, B_pad - NB))

    def padT(w, cols=HP):
        wt = w.T
        return jnp.pad(wt, ((0, 0), (0, cols - wt.shape[1])))

    wiaT = padT(W_i_atom)
    wibT = padT(W_i_bond)
    whT = [jnp.pad(W.T, ((0, HP - H), (0, HP - H))) for W in (W_h_0, W_h_1)]
    wl = W_lr.T
    gb = gru_bias.reshape(1, H)

    def gru_mats(Wih, Whh, bih, bhh):
        wf = tuple(Wih[j * H:(j + 1) * H, :].T for j in range(3)) + \
             tuple(Whh[j * H:(j + 1) * H, :].T for j in range(3))
        bf = ((bih[:H] + bhh[:H]).reshape(1, H),
              (bih[H:2 * H] + bhh[H:2 * H]).reshape(1, H),
              bih[2 * H:].reshape(1, H), bhh[2 * H:].reshape(1, H))
        return wf, bf

    wf, bf = gru_mats(Wih_f, Whh_f, bih_f, bhh_f)
    wb, bb = gru_mats(Wih_b, Whh_b, bih_b, bhh_b)
    wo = W_o.T
    bo = b_o.reshape(1, H)

    input_atom = _mm_relu(fa, wiaT)
    input_bond = _mm_relu(fb, wibT)
    message_atom = input_atom
    message_bond = input_bond

    for r in range(2):
        nei = _sc_gather(message_bond, idx_nei).reshape(6, A_pad, HP)
        message_atom = _aggregate(nei, message_atom, add_ma=True)
        rev = _sc_gather(message_bond, idx_rev)
        am = _sc_gather(message_atom, idx_b2a)
        message_bond = _bond_update(input_bond, am, rev, whT[r], NB)

    nei = _sc_gather(message_bond, idx_nei).reshape(6, A_pad, HP)
    agg = _aggregate(nei, message_atom, add_ma=False)
    hid, msg = _lr_project(agg, message_atom, input_atom, wl, gb)

    hid_m = hid[1:1 + nm * apm].reshape(nm, apm, H)
    h0 = _seg_max(hid_m)
    xT = msg[1:1 + nm * apm].reshape(nm, apm, H).transpose(1, 0, 2)
    out_f, out_b = _bigru(xT, h0, wf, bf, wb, bb)
    return _out_project(out_f, out_b, wo, bo)

# --- scband reference (transcript-rebuilt; emitter-appended) ---
"""Pipeline reference for scband-cmpnencoder-72078141161742 (READ-ONLY COPY).

The authoritative reference and input builder live on the scoring server;
editing this copy changes nothing except your own understanding.
"""

import jax, jax.numpy as jnp
import numpy as np

H = 300

def _gru_dir(x, h0, Wih, Whh, bih, bhh):
    def step(h, xt):
        gi = xt @ Wih.T + bih
        gh = h @ Whh.T + bhh
        ir, iz, inn = jnp.split(gi, 3, axis=-1)
        hr, hz, hn = jnp.split(gh, 3, axis=-1)
        r = jax.nn.sigmoid(ir + hr)
        z = jax.nn.sigmoid(iz + hz)
        n = jnp.tanh(inn + r * hn)
        hnew = (1.0 - z) * n + z * h
        return hnew, hnew
    _, ys = jax.lax.scan(step, h0, jnp.swapaxes(x, 0, 1))
    return jnp.swapaxes(ys, 0, 1)


def setup_inputs(seed: int = 0):
    key = jax.random.key(seed)
    ks = jax.random.split(key, 24)
    n_atoms, n_bonds = 50001, 200001
    afd, bfd = 133, 147
    s = 0.05
    inp = {}
    inp['f_atoms'] = jax.random.normal(ks[0], (n_atoms, afd), dtype=jnp.float32)
    inp['f_bonds'] = jax.random.normal(ks[1], (n_bonds, bfd), dtype=jnp.float32)
    inp['a2b'] = jax.random.randint(ks[2], (n_atoms, 6), 0, n_bonds)
    inp['b2a'] = jax.random.randint(ks[3], (n_bonds,), 0, n_atoms)
    inp['b2revb'] = jax.random.randint(ks[4], (n_bonds,), 0, n_bonds)
    inp['W_i_atom'] = jax.random.normal(ks[5], (H, afd), dtype=jnp.float32) * s
    inp['W_i_bond'] = jax.random.normal(ks[6], (H, bfd), dtype=jnp.float32) * s
    inp['W_h_0'] = jax.random.normal(ks[7], (H, H), dtype=jnp.float32) * s
    inp['W_h_1'] = jax.random.normal(ks[8], (H, H), dtype=jnp.float32) * s
    inp['W_lr'] = jax.random.normal(ks[9], (H, 3 * H), dtype=jnp.float32) * s
    inp['gru_bias'] = jax.random.uniform(ks[10], (H,), dtype=jnp.float32, minval=-1.0 / np.sqrt(H), maxval=1.0 / np.sqrt(H))
    inp['Wih_f'] = jax.random.normal(ks[11], (3 * H, H), dtype=jnp.float32) * s
    inp['Whh_f'] = jax.random.normal(ks[12], (3 * H, H), dtype=jnp.float32) * s
    inp['bih_f'] = jax.random.normal(ks[13], (3 * H,), dtype=jnp.float32) * s
    inp['bhh_f'] = jax.random.normal(ks[14], (3 * H,), dtype=jnp.float32) * s
    inp['Wih_b'] = jax.random.normal(ks[15], (3 * H, H), dtype=jnp.float32) * s
    inp['Whh_b'] = jax.random.normal(ks[16], (3 * H, H), dtype=jnp.float32) * s
    inp['bih_b'] = jax.random.normal(ks[17], (3 * H,), dtype=jnp.float32) * s
    inp['bhh_b'] = jax.random.normal(ks[18], (3 * H,), dtype=jnp.float32) * s
    inp['W_o'] = jax.random.normal(ks[19], (H, 2 * H), dtype=jnp.float32) * s
    inp['b_o'] = jax.random.normal(ks[20], (H,), dtype=jnp.float32) * s
    inp['n_mols'] = 1000
    inp['atoms_per_mol'] = 50
    return inp


def reference(f_atoms, f_bonds, a2b, b2a, b2revb, W_i_atom, W_i_bond, W_h_0, W_h_1, W_lr, gru_bias, Wih_f, Whh_f, bih_f, bhh_f, Wih_b, Whh_b, bih_b, bhh_b, W_o, b_o, n_mols, atoms_per_mol):
    relu = jax.nn.relu
    apm_s = 50
    nm_s = (f_atoms.shape[0] - 1) // apm_s
    dep = (jnp.asarray(n_mols) * jnp.asarray(atoms_per_mol) * 0).astype(jnp.float32)
    # W_i_atom.prompt_generator is attached externally in the original repo; treated as identity here
    input_atom = relu(f_atoms @ W_i_atom.T)
    message_atom = input_atom
    input_bond = relu(f_bonds @ W_i_bond.T)
    message_bond = input_bond
    pad_mask = (a2b == 0)[..., None]
    for W_h in (W_h_0, W_h_1):
        nei = jnp.where(pad_mask, 0.0, message_bond[a2b])  # index_select_ND with zeroed pad entries
        agg = nei.sum(axis=1) * nei.max(axis=1)
        message_atom = message_atom + agg
        rev = message_bond[b2revb]
        message_bond = relu(input_bond + (message_atom[b2a] - rev) @ W_h.T)
    nei = jnp.where(pad_mask, 0.0, message_bond[a2b])
    agg = nei.sum(axis=1) * nei.max(axis=1)
    agg = jnp.concatenate([agg, message_atom, input_atom], axis=1) @ W_lr.T
    # BatchGRU with regular a_scope = [(1 + i*L, L) for i in range(n_mols)]
    message = relu(agg + gru_bias)
    msg_m = message[1:].reshape(nm_s, apm_s, H)
    hid_m = agg[1:].reshape(nm_s, apm_s, H)
    h0 = hid_m.max(axis=1)
    out_f = _gru_dir(msg_m, h0, Wih_f, Whh_f, bih_f, bhh_f)
    out_b = _gru_dir(msg_m[:, ::-1], h0, Wih_b, Whh_b, bih_b, bhh_b)[:, ::-1]
    gru_out = jnp.concatenate([out_f, out_b], axis=-1).reshape(nm_s * apm_s, 2 * H)
    message = jnp.concatenate([jnp.concatenate([message[0:1], message[0:1]], axis=1), gru_out], axis=0)
    atom_hiddens = relu(message @ W_o.T + b_o)
    mol_vecs = atom_hiddens[1:].reshape(nm_s, apm_s, H).mean(axis=1) + dep
    return mol_vecs

if __name__ == "__main__":
    import jax
    _d = setup_inputs()
    print(jax.jit(kernel)(*tuple(_d.values())))

</pallas_src>

<mosaic_0001>
#map = affine_map<(d0, d1) -> (0, 0)>
#map1 = affine_map<(d0, d1) -> (0)>
module attributes {stable_mosaic.version = 14 : i64} {
  func.func @k(%arg0: i32, %arg1: i32, %arg2: memref<202752x384xf32, #tpu.memory_space<hbm>>, %arg3: memref<202752xi32, #tpu.memory_space<hbm>>, %arg4: memref<202752x384xf32, #tpu.memory_space<hbm>>, %arg5: memref<6336xi32, #tpu.memory_space<vmem>>, %arg6: memref<96x384xf32, #tpu.memory_space<vmem>>, %arg7: memref<96x384xf32, #tpu.memory_space<vmem>>, %arg8: memref<!tpu.dma_semaphore, #tpu.memory_space<semaphore_mem>>, %arg9: memref<!tpu.dma_semaphore, #tpu.memory_space<semaphore_mem>>) attributes {dimension_semantics = [#tpu.dimension_semantics<core_parallel>, #tpu.dimension_semantics<subcore_parallel>], iteration_bounds = array<i64: 2, 16>, scalar_prefetch = 0 : i64, scratch_operands = 5 : i64, tpu.core_type = #tpu.core_type<sc_vector_subcore>, window_params = [{transform_indices = #map}, {transform_indices = #map1}, {transform_indices = #map}]} {
    %mul3A = arith.constant 2 : i32
    %mul3A_0 = arith.muli %arg1, %mul3A : i32
    %add3A = arith.addi %mul3A_0, %arg0 : i32
    %mul3A_1 = arith.constant 6336 : i32
    %mul3A_2 = arith.muli %add3A, %mul3A_1 : i32
    "tpu.region"() ({
      %run_scoped3A = tpu.sem_alloc : memref<!tpu.dma_semaphore, #tpu.memory_space<semaphore_mem>>
      %dma_start3A = tpu.memref_slice %arg3[%mul3A_2] : memref<202752xi32, #tpu.memory_space<hbm>> -> memref<6336xi32, #tpu.memory_space<hbm>>
      %dma_start3A_7 = tpu.memref_slice %arg3[%mul3A_2] : memref<202752xi32, #tpu.memory_space<hbm>> -> memref<6336xi32, #tpu.memory_space<hbm>>
      tpu.enqueue_dma source(%dma_start3A_7 : memref<6336xi32, #tpu.memory_space<hbm>>) target(%arg5 : memref<6336xi32, #tpu.memory_space<vmem>>) target_semaphore(%run_scoped3A : memref<!tpu.dma_semaphore, #tpu.memory_space<semaphore_mem>>)
      %dma_wait3A = tpu.memref_slice %arg3[%mul3A_2] : memref<202752xi32, #tpu.memory_space<hbm>> -> memref<6336xi32, #tpu.memory_space<hbm>>
      %dma_wait3A_8 = tpu.memref_slice %arg3[%mul3A_2] : memref<202752xi32, #tpu.memory_space<hbm>> -> memref<6336xi32, #tpu.memory_space<hbm>>
      tpu.wait_dma2 semaphore(%run_scoped3A : memref<!tpu.dma_semaphore, #tpu.memory_space<semaphore_mem>>) src(%dma_wait3A_8 : memref<6336xi32, #tpu.memory_space<hbm>>) dst(%arg5 : memref<6336xi32, #tpu.memory_space<vmem>>)
      tpu.yield
    }) : () -> ()
    %scan3A = arith.constant 0 : i32
    %scan3A_3 = arith.constant 33 : i32
    %scan3A_4 = arith.addi %scan3A, %scan3A_3 : i32
    %scan3A_5 = arith.constant 1 : i32
    scf.for %scan3A_7 = %scan3A to %scan3A_4 step %scan3A_5  : i32 {
      %mul3A_8 = arith.constant 2 : i32
      %mul3A_9 = arith.muli %scan3A_7, %mul3A_8 : i32
      %add3A_10 = arith.constant 0 : i32
      %add3A_11 = arith.addi %add3A_10, %mul3A_9 : i32
      %mul3A_12 = arith.constant 96 : i32
      %mul3A_13 = arith.muli %add3A_11, %mul3A_12 : i32
      %add3A_14 = arith.constant 96 : i32
      %add3A_15 = arith.addi %mul3A_13, %add3A_14 : i32
      %dma_start3A = tpu.memref_slice %arg5[%mul3A_13] : memref<6336xi32, #tpu.memory_space<vmem>> -> memref<96xi32, #tpu.memory_space<vmem>>
      %dma_start3A_16 = arith.constant 0 : i32
      %dma_start3A_17 = arith.constant 0 : i32
      %dma_start3A_18 = tpu.memref_slice %arg2[%dma_start3A_16, %dma_start3A_17] : memref<202752x384xf32, #tpu.memory_space<hbm>> -> memref<202752x384xf32, #tpu.memory_space<hbm>>
      tpu.enqueue_indirect_dma source(%dma_start3A_18 : memref<202752x384xf32, #tpu.memory_space<hbm>>) target(%arg6 : memref<96x384xf32, #tpu.memory_space<vmem>>) offsets(%dma_start3A : memref<96xi32, #tpu.memory_space<vmem>>) semaphore(%arg8 : memref<!tpu.dma_semaphore, #tpu.memory_space<semaphore_mem>>)
      %dma_start3A_19 = tpu.memref_slice %arg5[%add3A_15] : memref<6336xi32, #tpu.memory_space<vmem>> -> memref<96xi32, #tpu.memory_space<vmem>>
      %dma_start3A_20 = arith.constant 0 : i32
      %dma_start3A_21 = arith.constant 0 : i32
      %dma_start3A_22 = tpu.memref_slice %arg2[%dma_start3A_20, %dma_start3A_21] : memref<202752x384xf32, #tpu.memory_space<hbm>> -> memref<202752x384xf32, #tpu.memory_space<hbm>>
      tpu.enqueue_indirect_dma source(%dma_start3A_22 : memref<202752x384xf32, #tpu.memory_space<hbm>>) target(%arg7 : memref<96x384xf32, #tpu.memory_space<vmem>>) offsets(%dma_start3A_19 : memref<96xi32, #tpu.memory_space<vmem>>) semaphore(%arg9 : memref<!tpu.dma_semaphore, #tpu.memory_space<semaphore_mem>>)
      %dma_wait3A = tpu.memref_slice %arg5[%mul3A_13] : memref<6336xi32, #tpu.memory_space<vmem>> -> memref<96xi32, #tpu.memory_space<vmem>>
      %dma_wait3A_23 = arith.constant 0 : i32
      %dma_wait3A_24 = arith.constant 0 : i32
      %dma_wait3A_25 = tpu.memref_slice %arg2[%dma_wait3A_23, %dma_wait3A_24] : memref<202752x384xf32, #tpu.memory_space<hbm>> -> memref<202752x384xf32, #tpu.memory_space<hbm>>
      tpu.wait_indirect_dma semaphore(%arg8 : memref<!tpu.dma_semaphore, #tpu.memory_space<semaphore_mem>>) src(%dma_wait3A_25 : memref<202752x384xf32, #tpu.memory_space<hbm>>) dst(%arg6 : memref<96x384xf32, #tpu.memory_space<vmem>>)
      %add3A_26 = arith.addi %mul3A_2, %mul3A_13 : i32
      "tpu.region"() ({
        %run_scoped3A = tpu.sem_alloc : memref<!tpu.dma_semaphore, #tpu.memory_space<semaphore_mem>>
        %dma_start3A_32 = arith.constant 0 : i32
        %dma_start3A_33 = tpu.memref_slice %arg4[%add3A_26, %dma_start3A_32] : memref<202752x384xf32, #tpu.memory_space<hbm>> -> memref<96x384xf32, #tpu.memory_space<hbm>>
        %dma_start3A_34 = arith.constant 0 : i32
        %dma_start3A_35 = tpu.memref_slice %arg4[%add3A_26, %dma_start3A_34] : memref<202752x384xf32, #tpu.memory_space<hbm>> -> memref<96x384xf32, #tpu.memory_space<hbm>>
        tpu.enqueue_dma source(%arg6 : memref<96x384xf32, #tpu.memory_space<vmem>>) target(%dma_start3A_35 : memref<96x384xf32, #tpu.memory_space<hbm>>) target_semaphore(%run_scoped3A : memref<!tpu.dma_semaphore, #tpu.memory_space<semaphore_mem>>)
        %dma_wait3A_36 = arith.constant 0 : i32
        %dma_wait3A_37 = tpu.memref_slice %arg4[%add3A_26, %dma_wait3A_36] : memref<202752x384xf32, #tpu.memory_space<hbm>> -> memref<96x384xf32, #tpu.memory_space<hbm>>
        %dma_wait3A_38 = arith.constant 0 : i32
        %dma_wait3A_39 = tpu.memref_slice %arg4[%add3A_26, %dma_wait3A_38] : memref<202752x384xf32, #tpu.memory_space<hbm>> -> memref<96x384xf32, #tpu.memory_space<hbm>>
        tpu.wait_dma2 semaphore(%run_scoped3A : memref<!tpu.dma_semaphore, #tpu.memory_space<semaphore_mem>>) src(%arg6 : memref<96x384xf32, #tpu.memory_space<vmem>>) dst(%dma_wait3A_39 : memref<96x384xf32, #tpu.memory_space<hbm>>)
        tpu.yield
      }) : () -> ()
      %dma_wait3A_27 = tpu.memref_slice %arg5[%add3A_15] : memref<6336xi32, #tpu.memory_space<vmem>> -> memref<96xi32, #tpu.memory_space<vmem>>
      %dma_wait3A_28 = arith.constant 0 : i32
      %dma_wait3A_29 = arith.constant 0 : i32
      %dma_wait3A_30 = tpu.memref_slice %arg2[%dma_wait3A_28, %dma_wait3A_29] : memref<202752x384xf32, #tpu.memory_space<hbm>> -> memref<202752x384xf32, #tpu.memory_space<hbm>>
      tpu.wait_indirect_dma semaphore(%arg9 : memref<!tpu.dma_semaphore, #tpu.memory_space<semaphore_mem>>) src(%dma_wait3A_30 : memref<202752x384xf32, #tpu.memory_space<hbm>>) dst(%arg7 : memref<96x384xf32, #tpu.memory_space<vmem>>)
      %add3A_31 = arith.addi %mul3A_2, %add3A_15 : i32
      "tpu.region"() ({
        %run_scoped3A = tpu.sem_alloc : memref<!tpu.dma_semaphore, #tpu.memory_space<semaphore_mem>>
        %dma_start3A_32 = arith.constant 0 : i32
        %dma_start3A_33 = tpu.memref_slice %arg4[%add3A_31, %dma_start3A_32] : memref<202752x384xf32, #tpu.memory_space<hbm>> -> memref<96x384xf32, #tpu.memory_space<hbm>>
        %dma_start3A_34 = arith.constant 0 : i32
        %dma_start3A_35 = tpu.memref_slice %arg4[%add3A_31, %dma_start3A_34] : memref<202752x384xf32, #tpu.memory_space<hbm>> -> memref<96x384xf32, #tpu.memory_space<hbm>>
        tpu.enqueue_dma source(%arg7 : memref<96x384xf32, #tpu.memory_space<vmem>>) target(%dma_start3A_35 : memref<96x384xf32, #tpu.memory_space<hbm>>) target_semaphore(%run_scoped3A : memref<!tpu.dma_semaphore, #tpu.memory_space<semaphore_mem>>)
        %dma_wait3A_36 = arith.constant 0 : i32
        %dma_wait3A_37 = tpu.memref_slice %arg4[%add3A_31, %dma_wait3A_36] : memref<202752x384xf32, #tpu.memory_space<hbm>> -> memref<96x384xf32, #tpu.memory_space<hbm>>
        %dma_wait3A_38 = arith.constant 0 : i32
        %dma_wait3A_39 = tpu.memref_slice %arg4[%add3A_31, %dma_wait3A_38] : memref<202752x384xf32, #tpu.memory_space<hbm>> -> memref<96x384xf32, #tpu.memory_space<hbm>>
        tpu.wait_dma2 semaphore(%run_scoped3A : memref<!tpu.dma_semaphore, #tpu.memory_space<semaphore_mem>>) src(%arg7 : memref<96x384xf32, #tpu.memory_space<vmem>>) dst(%dma_wait3A_39 : memref<96x384xf32, #tpu.memory_space<hbm>>)
        tpu.yield
      }) : () -> ()
    }
    %scan3A_6 = arith.constant 33 : i32
    return
  }
}

#map = affine_map<(d0, d1) -> (0, 0)>
#map1 = affine_map<(d0, d1) -> (0)>
module attributes {stable_mosaic.version = 14 : i64} {
  func.func @k(%arg0: i32, %arg1: i32, %arg2: memref<50176x384xf32, #tpu.memory_space<hbm>>, %arg3: memref<202752xi32, #tpu.memory_space<hbm>>, %arg4: memref<202752x384xf32, #tpu.memory_space<hbm>>, %arg5: memref<6336xi32, #tpu.memory_space<vmem>>, %arg6: memref<96x384xf32, #tpu.memory_space<vmem>>, %arg7: memref<96x384xf32, #tpu.memory_space<vmem>>, %arg8: memref<!tpu.dma_semaphore, #tpu.memory_space<semaphore_mem>>, %arg9: memref<!tpu.dma_semaphore, #tpu.memory_space<semaphore_mem>>) attributes {dimension_semantics = [#tpu.dimension_semantics<core_parallel>, #tpu.dimension_semantics<subcore_parallel>], iteration_bounds = array<i64: 2, 16>, scalar_prefetch = 0 : i64, scratch_operands = 5 : i64, tpu.core_type = #tpu.core_type<sc_vector_subcore>, window_params = [{transform_indices = #map}, {transform_indices = #map1}, {transform_indices = #map}]} {
    %mul3A = arith.constant 2 : i32
    %mul3A_0 = arith.muli %arg1, %mul3A : i32
    %add3A = arith.addi %mul3A_0, %arg0 : i32
    %mul3A_1 = arith.constant 6336 : i32
    %mul3A_2 = arith.muli %add3A, %mul3A_1 : i32
    "tpu.region"() ({
      %run_scoped3A = tpu.sem_alloc : memref<!tpu.dma_semaphore, #tpu.memory_space<semaphore_mem>>
      %dma_start3A = tpu.memref_slice %arg3[%mul3A_2] : memref<202752xi32, #tpu.memory_space<hbm>> -> memref<6336xi32, #tpu.memory_space<hbm>>
      %dma_start3A_7 = tpu.memref_slice %arg3[%mul3A_2] : memref<202752xi32, #tpu.memory_space<hbm>> -> memref<6336xi32, #tpu.memory_space<hbm>>
      tpu.enqueue_dma source(%dma_start3A_7 : memref<6336xi32, #tpu.memory_space<hbm>>) target(%arg5 : memref<6336xi32, #tpu.memory_space<vmem>>) target_semaphore(%run_scoped3A : memref<!tpu.dma_semaphore, #tpu.memory_space<semaphore_mem>>)
      %dma_wait3A = tpu.memref_slice %arg3[%mul3A_2] : memref<202752xi32, #tpu.memory_space<hbm>> -> memref<6336xi32, #tpu.memory_space<hbm>>
      %dma_wait3A_8 = tpu.memref_slice %arg3[%mul3A_2] : memref<202752xi32, #tpu.memory_space<hbm>> -> memref<6336xi32, #tpu.memory_space<hbm>>
      tpu.wait_dma2 semaphore(%run_scoped3A : memref<!tpu.dma_semaphore, #tpu.memory_space<semaphore_mem>>) src(%dma_wait3A_8 : memref<6336xi32, #tpu.memory_space<hbm>>) dst(%arg5 : memref<6336xi32, #tpu.memory_space<vmem>>)
      tpu.yield
    }) : () -> ()
    %scan3A = arith.constant 0 : i32
    %scan3A_3 = arith.constant 33 : i32
    %scan3A_4 = arith.addi %scan3A, %scan3A_3 : i32
    %scan3A_5 = arith.constant 1 : i32
    scf.for %scan3A_7 = %scan3A to %scan3A_4 step %scan3A_5  : i32 {
      %mul3A_8 = arith.constant 2 : i32
      %mul3A_9 = arith.muli %scan3A_7, %mul3A_8 : i32
      %add3A_10 = arith.constant 0 : i32
      %add3A_11 = arith.addi %add3A_10, %mul3A_9 : i32
      %mul3A_12 = arith.constant 96 : i32
      %mul3A_13 = arith.muli %add3A_11, %mul3A_12 : i32
      %add3A_14 = arith.constant 96 : i32
      %add3A_15 = arith.addi %mul3A_13, %add3A_14 : i32
      %dma_start3A = tpu.memref_slice %arg5[%mul3A_13] : memref<6336xi32, #tpu.memory_space<vmem>> -> memref<96xi32, #tpu.memory_space<vmem>>
      %dma_start3A_16 = arith.constant 0 : i32
      %dma_start3A_17 = arith.constant 0 : i32
      %dma_start3A_18 = tpu.memref_slice %arg2[%dma_start3A_16, %dma_start3A_17] : memref<50176x384xf32, #tpu.memory_space<hbm>> -> memref<50176x384xf32, #tpu.memory_space<hbm>>
      tpu.enqueue_indirect_dma source(%dma_start3A_18 : memref<50176x384xf32, #tpu.memory_space<hbm>>) target(%arg6 : memref<96x384xf32, #tpu.memory_space<vmem>>) offsets(%dma_start3A : memref<96xi32, #tpu.memory_space<vmem>>) semaphore(%arg8 : memref<!tpu.dma_semaphore, #tpu.memory_space<semaphore_mem>>)
      %dma_start3A_19 = tpu.memref_slice %arg5[%add3A_15] : memref<6336xi32, #tpu.memory_space<vmem>> -> memref<96xi32, #tpu.memory_space<vmem>>
      %dma_start3A_20 = arith.constant 0 : i32
      %dma_start3A_21 = arith.constant 0 : i32
      %dma_start3A_22 = tpu.memref_slice %arg2[%dma_start3A_20, %dma_start3A_21] : memref<50176x384xf32, #tpu.memory_space<hbm>> -> memref<50176x384xf32, #tpu.memory_space<hbm>>
      tpu.enqueue_indirect_dma source(%dma_start3A_22 : memref<50176x384xf32, #tpu.memory_space<hbm>>) target(%arg7 : memref<96x384xf32, #tpu.memory_space<vmem>>) offsets(%dma_start3A_19 : memref<96xi32, #tpu.memory_space<vmem>>) semaphore(%arg9 : memref<!tpu.dma_semaphore, #tpu.memory_space<semaphore_mem>>)
      %dma_wait3A = tpu.memref_slice %arg5[%mul3A_13] : memref<6336xi32, #tpu.memory_space<vmem>> -> memref<96xi32, #tpu.memory_space<vmem>>
      %dma_wait3A_23 = arith.constant 0 : i32
      %dma_wait3A_24 = arith.constant 0 : i32
      %dma_wait3A_25 = tpu.memref_slice %arg2[%dma_wait3A_23, %dma_wait3A_24] : memref<50176x384xf32, #tpu.memory_space<hbm>> -> memref<50176x384xf32, #tpu.memory_space<hbm>>
      tpu.wait_indirect_dma semaphore(%arg8 : memref<!tpu.dma_semaphore, #tpu.memory_space<semaphore_mem>>) src(%dma_wait3A_25 : memref<50176x384xf32, #tpu.memory_space<hbm>>) dst(%arg6 : memref<96x384xf32, #tpu.memory_space<vmem>>)
      %add3A_26 = arith.addi %mul3A_2, %mul3A_13 : i32
      "tpu.region"() ({
        %run_scoped3A = tpu.sem_alloc : memref<!tpu.dma_semaphore, #tpu.memory_space<semaphore_mem>>
        %dma_start3A_32 = arith.constant 0 : i32
        %dma_start3A_33 = tpu.memref_slice %arg4[%add3A_26, %dma_start3A_32] : memref<202752x384xf32, #tpu.memory_space<hbm>> -> memref<96x384xf32, #tpu.memory_space<hbm>>
        %dma_start3A_34 = arith.constant 0 : i32
        %dma_start3A_35 = tpu.memref_slice %arg4[%add3A_26, %dma_start3A_34] : memref<202752x384xf32, #tpu.memory_space<hbm>> -> memref<96x384xf32, #tpu.memory_space<hbm>>
        tpu.enqueue_dma source(%arg6 : memref<96x384xf32, #tpu.memory_space<vmem>>) target(%dma_start3A_35 : memref<96x384xf32, #tpu.memory_space<hbm>>) target_semaphore(%run_scoped3A : memref<!tpu.dma_semaphore, #tpu.memory_space<semaphore_mem>>)
        %dma_wait3A_36 = arith.constant 0 : i32
        %dma_wait3A_37 = tpu.memref_slice %arg4[%add3A_26, %dma_wait3A_36] : memref<202752x384xf32, #tpu.memory_space<hbm>> -> memref<96x384xf32, #tpu.memory_space<hbm>>
        %dma_wait3A_38 = arith.constant 0 : i32
        %dma_wait3A_39 = tpu.memref_slice %arg4[%add3A_26, %dma_wait3A_38] : memref<202752x384xf32, #tpu.memory_space<hbm>> -> memref<96x384xf32, #tpu.memory_space<hbm>>
        tpu.wait_dma2 semaphore(%run_scoped3A : memref<!tpu.dma_semaphore, #tpu.memory_space<semaphore_mem>>) src(%arg6 : memref<96x384xf32, #tpu.memory_space<vmem>>) dst(%dma_wait3A_39 : memref<96x384xf32, #tpu.memory_space<hbm>>)
        tpu.yield
      }) : () -> ()
      %dma_wait3A_27 = tpu.memref_slice %arg5[%add3A_15] : memref<6336xi32, #tpu.memory_space<vmem>> -> memref<96xi32, #tpu.memory_space<vmem>>
      %dma_wait3A_28 = arith.constant 0 : i32
      %dma_wait3A_29 = arith.constant 0 : i32
      %dma_wait3A_30 = tpu.memref_slice %arg2[%dma_wait3A_28, %dma_wait3A_29] : memref<50176x384xf32, #tpu.memory_space<hbm>> -> memref<50176x384xf32, #tpu.memory_space<hbm>>
      tpu.wait_indirect_dma semaphore(%arg9 : memref<!tpu.dma_semaphore, #tpu.memory_space<semaphore_mem>>) src(%dma_wait3A_30 : memref<50176x384xf32, #tpu.memory_space<hbm>>) dst(%arg7 : memref<96x384xf32, #tpu.memory_space<vmem>>)
      %add3A_31 = arith.addi %mul3A_2, %add3A_15 : i32
      "tpu.region"() ({
        %run_scoped3A = tpu.sem_alloc : memref<!tpu.dma_semaphore, #tpu.memory_space<semaphore_mem>>
        %dma_start3A_32 = arith.constant 0 : i32
        %dma_start3A_33 = tpu.memref_slice %arg4[%add3A_31, %dma_start3A_32] : memref<202752x384xf32, #tpu.memory_space<hbm>> -> memref<96x384xf32, #tpu.memory_space<hbm>>
        %dma_start3A_34 = arith.constant 0 : i32
        %dma_start3A_35 = tpu.memref_slice %arg4[%add3A_31, %dma_start3A_34] : memref<202752x384xf32, #tpu.memory_space<hbm>> -> memref<96x384xf32, #tpu.memory_space<hbm>>
        tpu.enqueue_dma source(%arg7 : memref<96x384xf32, #tpu.memory_space<vmem>>) target(%dma_start3A_35 : memref<96x384xf32, #tpu.memory_space<hbm>>) target_semaphore(%run_scoped3A : memref<!tpu.dma_semaphore, #tpu.memory_space<semaphore_mem>>)
        %dma_wait3A_36 = arith.constant 0 : i32
        %dma_wait3A_37 = tpu.memref_slice %arg4[%add3A_31, %dma_wait3A_36] : memref<202752x384xf32, #tpu.memory_space<hbm>> -> memref<96x384xf32, #tpu.memory_space<hbm>>
        %dma_wait3A_38 = arith.constant 0 : i32
        %dma_wait3A_39 = tpu.memref_slice %arg4[%add3A_31, %dma_wait3A_38] : memref<202752x384xf32, #tpu.memory_space<hbm>> -> memref<96x384xf32, #tpu.memory_space<hbm>>
        tpu.wait_dma2 semaphore(%run_scoped3A : memref<!tpu.dma_semaphore, #tpu.memory_space<semaphore_mem>>) src(%arg7 : memref<96x384xf32, #tpu.memory_space<vmem>>) dst(%dma_wait3A_39 : memref<96x384xf32, #tpu.memory_space<hbm>>)
        tpu.yield
      }) : () -> ()
    }
    %scan3A_6 = arith.constant 33 : i32
    return
  }
}

#map = affine_map<(d0, d1) -> (0, 0)>
#map1 = affine_map<(d0, d1) -> (0)>
module attributes {stable_mosaic.version = 14 : i64} {
  func.func @k(%arg0: i32, %arg1: i32, %arg2: memref<202752x384xf32, #tpu.memory_space<hbm>>, %arg3: memref<301056xi32, #tpu.memory_space<hbm>>, %arg4: memref<301056x384xf32, #tpu.memory_space<hbm>>, %arg5: memref<9408xi32, #tpu.memory_space<vmem>>, %arg6: memref<96x384xf32, #tpu.memory_space<vmem>>, %arg7: memref<96x384xf32, #tpu.memory_space<vmem>>, %arg8: memref<!tpu.dma_semaphore, #tpu.memory_space<semaphore_mem>>, %arg9: memref<!tpu.dma_semaphore, #tpu.memory_space<semaphore_mem>>) attributes {dimension_semantics = [#tpu.dimension_semantics<core_parallel>, #tpu.dimension_semantics<subcore_parallel>], iteration_bounds = array<i64: 2, 16>, scalar_prefetch = 0 : i64, scratch_operands = 5 : i64, tpu.core_type = #tpu.core_type<sc_vector_subcore>, window_params = [{transform_indices = #map}, {transform_indices = #map1}, {transform_indices = #map}]} {
    %mul3A = arith.constant 2 : i32
    %mul3A_0 = arith.muli %arg1, %mul3A : i32
    %add3A = arith.addi %mul3A_0, %arg0 : i32
    %mul3A_1 = arith.constant 9408 : i32
    %mul3A_2 = arith.muli %add3A, %mul3A_1 : i32
    "tpu.region"() ({
      %run_scoped3A = tpu.sem_alloc : memref<!tpu.dma_semaphore, #tpu.memory_space<semaphore_mem>>
      %dma_start3A = tpu.memref_slice %arg3[%mul3A_2] : memref<301056xi32, #tpu.memory_space<hbm>> -> memref<9408xi32, #tpu.memory_space<hbm>>
      %dma_start3A_7 = tpu.memref_slice %arg3[%mul3A_2] : memref<301056xi32, #tpu.memory_space<hbm>> -> memref<9408xi32, #tpu.memory_space<hbm>>
      tpu.enqueue_dma source(%dma_start3A_7 : memref<9408xi32, #tpu.memory_space<hbm>>) target(%arg5 : memref<9408xi32, #tpu.memory_space<vmem>>) target_semaphore(%run_scoped3A : memref<!tpu.dma_semaphore, #tpu.memory_space<semaphore_mem>>)
      %dma_wait3A = tpu.memref_slice %arg3[%mul3A_2] : memref<301056xi32, #tpu.memory_space<hbm>> -> memref<9408xi32, #tpu.memory_space<hbm>>
      %dma_wait3A_8 = tpu.memref_slice %arg3[%mul3A_2] : memref<301056xi32, #tpu.memory_space<hbm>> -> memref<9408xi32, #tpu.memory_space<hbm>>
      tpu.wait_dma2 semaphore(%run_scoped3A : memref<!tpu.dma_semaphore, #tpu.memory_space<semaphore_mem>>) src(%dma_wait3A_8 : memref<9408xi32, #tpu.memory_space<hbm>>) dst(%arg5 : memref<9408xi32, #tpu.memory_space<vmem>>)
      tpu.yield
    }) : () -> ()
    %scan3A = arith.constant 0 : i32
    %scan3A_3 = arith.constant 49 : i32
    %scan3A_4 = arith.addi %scan3A, %scan3A_3 : i32
    %scan3A_5 = arith.constant 1 : i32
    scf.for %scan3A_7 = %scan3A to %scan3A_4 step %scan3A_5  : i32 {
      %mul3A_8 = arith.constant 2 : i32
      %mul3A_9 = arith.muli %scan3A_7, %mul3A_8 : i32
      %add3A_10 = arith.constant 0 : i32
      %add3A_11 = arith.addi %add3A_10, %mul3A_9 : i32
      %mul3A_12 = arith.constant 96 : i32
      %mul3A_13 = arith.muli %add3A_11, %mul3A_12 : i32
      %add3A_14 = arith.constant 96 : i32
      %add3A_15 = arith.addi %mul3A_13, %add3A_14 : i32
      %dma_start3A = tpu.memref_slice %arg5[%mul3A_13] : memref<9408xi32, #tpu.memory_space<vmem>> -> memref<96xi32, #tpu.memory_space<vmem>>
      %dma_start3A_16 = arith.constant 0 : i32
      %dma_start3A_17 = arith.constant 0 : i32
      %dma_start3A_18 = tpu.memref_slice %arg2[%dma_start3A_16, %dma_start3A_17] : memref<202752x384xf32, #tpu.memory_space<hbm>> -> memref<202752x384xf32, #tpu.memory_space<hbm>>
      tpu.enqueue_indirect_dma source(%dma_start3A_18 : memref<202752x384xf32, #tpu.memory_space<hbm>>) target(%arg6 : memref<96x384xf32, #tpu.memory_space<vmem>>) offsets(%dma_start3A : memref<96xi32, #tpu.memory_space<vmem>>) semaphore(%arg8 : memref<!tpu.dma_semaphore, #tpu.memory_space<semaphore_mem>>)
      %dma_start3A_19 = tpu.memref_slice %arg5[%add3A_15] : memref<9408xi32, #tpu.memory_space<vmem>> -> memref<96xi32, #tpu.memory_space<vmem>>
      %dma_start3A_20 = arith.constant 0 : i32
      %dma_start3A_21 = arith.constant 0 : i32
      %dma_start3A_22 = tpu.memref_slice %arg2[%dma_start3A_20, %dma_start3A_21] : memref<202752x384xf32, #tpu.memory_space<hbm>> -> memref<202752x384xf32, #tpu.memory_space<hbm>>
      tpu.enqueue_indirect_dma source(%dma_start3A_22 : memref<202752x384xf32, #tpu.memory_space<hbm>>) target(%arg7 : memref<96x384xf32, #tpu.memory_space<vmem>>) offsets(%dma_start3A_19 : memref<96xi32, #tpu.memory_space<vmem>>) semaphore(%arg9 : memref<!tpu.dma_semaphore, #tpu.memory_space<semaphore_mem>>)
      %dma_wait3A = tpu.memref_slice %arg5[%mul3A_13] : memref<9408xi32, #tpu.memory_space<vmem>> -> memref<96xi32, #tpu.memory_space<vmem>>
      %dma_wait3A_23 = arith.constant 0 : i32
      %dma_wait3A_24 = arith.constant 0 : i32
      %dma_wait3A_25 = tpu.memref_slice %arg2[%dma_wait3A_23, %dma_wait3A_24] : memref<202752x384xf32, #tpu.memory_space<hbm>> -> memref<202752x384xf32, #tpu.memory_space<hbm>>
      tpu.wait_indirect_dma semaphore(%arg8 : memref<!tpu.dma_semaphore, #tpu.memory_space<semaphore_mem>>) src(%dma_wait3A_25 : memref<202752x384xf32, #tpu.memory_space<hbm>>) dst(%arg6 : memref<96x384xf32, #tpu.memory_space<vmem>>)
      %add3A_26 = arith.addi %mul3A_2, %mul3A_13 : i32
      "tpu.region"() ({
        %run_scoped3A = tpu.sem_alloc : memref<!tpu.dma_semaphore, #tpu.memory_space<semaphore_mem>>
        %dma_start3A_32 = arith.constant 0 : i32
        %dma_start3A_33 = tpu.memref_slice %arg4[%add3A_26, %dma_start3A_32] : memref<301056x384xf32, #tpu.memory_space<hbm>> -> memref<96x384xf32, #tpu.memory_space<hbm>>
        %dma_start3A_34 = arith.constant 0 : i32
        %dma_start3A_35 = tpu.memref_slice %arg4[%add3A_26, %dma_start3A_34] : memref<301056x384xf32, #tpu.memory_space<hbm>> -> memref<96x384xf32, #tpu.memory_space<hbm>>
        tpu.enqueue_dma source(%arg6 : memref<96x384xf32, #tpu.memory_space<vmem>>) target(%dma_start3A_35 : memref<96x384xf32, #tpu.memory_space<hbm>>) target_semaphore(%run_scoped3A : memref<!tpu.dma_semaphore, #tpu.memory_space<semaphore_mem>>)
        %dma_wait3A_36 = arith.constant 0 : i32
        %dma_wait3A_37 = tpu.memref_slice %arg4[%add3A_26, %dma_wait3A_36] : memref<301056x384xf32, #tpu.memory_space<hbm>> -> memref<96x384xf32, #tpu.memory_space<hbm>>
        %dma_wait3A_38 = arith.constant 0 : i32
        %dma_wait3A_39 = tpu.memref_slice %arg4[%add3A_26, %dma_wait3A_38] : memref<301056x384xf32, #tpu.memory_space<hbm>> -> memref<96x384xf32, #tpu.memory_space<hbm>>
        tpu.wait_dma2 semaphore(%run_scoped3A : memref<!tpu.dma_semaphore, #tpu.memory_space<semaphore_mem>>) src(%arg6 : memref<96x384xf32, #tpu.memory_space<vmem>>) dst(%dma_wait3A_39 : memref<96x384xf32, #tpu.memory_space<hbm>>)
        tpu.yield
      }) : () -> ()
      %dma_wait3A_27 = tpu.memref_slice %arg5[%add3A_15] : memref<9408xi32, #tpu.memory_space<vmem>> -> memref<96xi32, #tpu.memory_space<vmem>>
      %dma_wait3A_28 = arith.constant 0 : i32
      %dma_wait3A_29 = arith.constant 0 : i32
      %dma_wait3A_30 = tpu.memref_slice %arg2[%dma_wait3A_28, %dma_wait3A_29] : memref<202752x384xf32, #tpu.memory_space<hbm>> -> memref<202752x384xf32, #tpu.memory_space<hbm>>
      tpu.wait_indirect_dma semaphore(%arg9 : memref<!tpu.dma_semaphore, #tpu.memory_space<semaphore_mem>>) src(%dma_wait3A_30 : memref<202752x384xf32, #tpu.memory_space<hbm>>) dst(%arg7 : memref<96x384xf32, #tpu.memory_space<vmem>>)
      %add3A_31 = arith.addi %mul3A_2, %add3A_15 : i32
      "tpu.region"() ({
        %run_scoped3A = tpu.sem_alloc : memref<!tpu.dma_semaphore, #tpu.memory_space<semaphore_mem>>
        %dma_start3A_32 = arith.constant 0 : i32
        %dma_start3A_33 = tpu.memref_slice %arg4[%add3A_31, %dma_start3A_32] : memref<301056x384xf32, #tpu.memory_space<hbm>> -> memref<96x384xf32, #tpu.memory_space<hbm>>
        %dma_start3A_34 = arith.constant 0 : i32
        %dma_start3A_35 = tpu.memref_slice %arg4[%add3A_31, %dma_start3A_34] : memref<301056x384xf32, #tpu.memory_space<hbm>> -> memref<96x384xf32, #tpu.memory_space<hbm>>
        tpu.enqueue_dma source(%arg7 : memref<96x384xf32, #tpu.memory_space<vmem>>) target(%dma_start3A_35 : memref<96x384xf32, #tpu.memory_space<hbm>>) target_semaphore(%run_scoped3A : memref<!tpu.dma_semaphore, #tpu.memory_space<semaphore_mem>>)
        %dma_wait3A_36 = arith.constant 0 : i32
        %dma_wait3A_37 = tpu.memref_slice %arg4[%add3A_31, %dma_wait3A_36] : memref<301056x384xf32, #tpu.memory_space<hbm>> -> memref<96x384xf32, #tpu.memory_space<hbm>>
        %dma_wait3A_38 = arith.constant 0 : i32
        %dma_wait3A_39 = tpu.memref_slice %arg4[%add3A_31, %dma_wait3A_38] : memref<301056x384xf32, #tpu.memory_space<hbm>> -> memref<96x384xf32, #tpu.memory_space<hbm>>
        tpu.wait_dma2 semaphore(%run_scoped3A : memref<!tpu.dma_semaphore, #tpu.memory_space<semaphore_mem>>) src(%arg7 : memref<96x384xf32, #tpu.memory_space<vmem>>) dst(%dma_wait3A_39 : memref<96x384xf32, #tpu.memory_space<hbm>>)
        tpu.yield
      }) : () -> ()
    }
    %scan3A_6 = arith.constant 49 : i32
    return
  }
}

#map = affine_map<(d0, d1) -> (0, 0)>
#map1 = affine_map<(d0, d1) -> (0)>
module attributes {stable_mosaic.version = 14 : i64} {
  func.func @k(%arg0: i32, %arg1: i32, %arg2: memref<202752x384xf32, #tpu.memory_space<hbm>>, %arg3: memref<301056xi32, #tpu.memory_space<hbm>>, %arg4: memref<301056x384xf32, #tpu.memory_space<hbm>>, %arg5: memref<9408xi32, #tpu.memory_space<vmem>>, %arg6: memref<96x384xf32, #tpu.memory_space<vmem>>, %arg7: memref<96x384xf32, #tpu.memory_space<vmem>>, %arg8: memref<!tpu.dma_semaphore, #tpu.memory_space<semaphore_mem>>, %arg9: memref<!tpu.dma_semaphore, #tpu.memory_space<semaphore_mem>>) attributes {dimension_semantics = [#tpu.dimension_semantics<core_parallel>, #tpu.dimension_semantics<subcore_parallel>], iteration_bounds = array<i64: 2, 16>, scalar_prefetch = 0 : i64, scratch_operands = 5 : i64, tpu.core_type = #tpu.core_type<sc_vector_subcore>, window_params = [{transform_indices = #map}, {transform_indices = #map1}, {transform_indices = #map}]} {
    %mul3A = arith.constant 2 : i32
    %mul3A_0 = arith.muli %arg1, %mul3A : i32
    %add3A = arith.addi %mul3A_0, %arg0 : i32
    %mul3A_1 = arith.constant 9408 : i32
    %mul3A_2 = arith.muli %add3A, %mul3A_1 : i32
    "tpu.region"() ({
      %run_scoped3A = tpu.sem_alloc : memref<!tpu.dma_semaphore, #tpu.memory_space<semaphore_mem>>
      %dma_start3A = tpu.memref_slice %arg3[%mul3A_2] : memref<301056xi32, #tpu.memory_space<hbm>> -> memref<9408xi32, #tpu.memory_space<hbm>>
      %dma_start3A_7 = tpu.memref_slice %arg3[%mul3A_2] : memref<301056xi32, #tpu.memory_space<hbm>> -> memref<9408xi32, #tpu.memory_space<hbm>>
      tpu.enqueue_dma source(%dma_start3A_7 : memref<9408xi32, #tpu.memory_space<hbm>>) target(%arg5 : memref<9408xi32, #tpu.memory_space<vmem>>) target_semaphore(%run_scoped3A : memref<!tpu.dma_semaphore, #tpu.memory_space<semaphore_mem>>)
      %dma_wait3A = tpu.memref_slice %arg3[%mul3A_2] : memref<301056xi32, #tpu.memory_space<hbm>> -> memref<9408xi32, #tpu.memory_space<hbm>>
      %dma_wait3A_8 = tpu.memref_slice %arg3[%mul3A_2] : memref<301056xi32, #tpu.memory_space<hbm>> -> memref<9408xi32, #tpu.memory_space<hbm>>
      tpu.wait_dma2 semaphore(%run_scoped3A : memref<!tpu.dma_semaphore, #tpu.memory_space<semaphore_mem>>) src(%dma_wait3A_8 : memref<9408xi32, #tpu.memory_space<hbm>>) dst(%arg5 : memref<9408xi32, #tpu.memory_space<vmem>>)
      tpu.yield
    }) : () -> ()
    %scan3A = arith.constant 0 : i32
    %scan3A_3 = arith.constant 49 : i32
    %scan3A_4 = arith.addi %scan3A, %scan3A_3 : i32
    %scan3A_5 = arith.constant 1 : i32
    scf.for %scan3A_7 = %scan3A to %scan3A_4 step %scan3A_5  : i32 {
      %mul3A_8 = arith.constant 2 : i32
      %mul3A_9 = arith.muli %scan3A_7, %mul3A_8 : i32
      %add3A_10 = arith.constant 0 : i32
      %add3A_11 = arith.addi %add3A_10, %mul3A_9 : i32
      %mul3A_12 = arith.constant 96 : i32
      %mul3A_13 = arith.muli %add3A_11, %mul3A_12 : i32
      %add3A_14 = arith.constant 96 : i32
      %add3A_15 = arith.addi %mul3A_13, %add3A_14 : i32
      %dma_start3A = tpu.memref_slice %arg5[%mul3A_13] : memref<9408xi32, #tpu.memory_space<vmem>> -> memref<96xi32, #tpu.memory_space<vmem>>
      %dma_start3A_16 = arith.constant 0 : i32
      %dma_start3A_17 = arith.constant 0 : i32
      %dma_start3A_18 = tpu.memref_slice %arg2[%dma_start3A_16, %dma_start3A_17] : memref<202752x384xf32, #tpu.memory_space<hbm>> -> memref<202752x384xf32, #tpu.memory_space<hbm>>
      tpu.enqueue_indirect_dma source(%dma_start3A_18 : memref<202752x384xf32, #tpu.memory_space<hbm>>) target(%arg6 : memref<96x384xf32, #tpu.memory_space<vmem>>) offsets(%dma_start3A : memref<96xi32, #tpu.memory_space<vmem>>) semaphore(%arg8 : memref<!tpu.dma_semaphore, #tpu.memory_space<semaphore_mem>>)
      %dma_start3A_19 = tpu.memref_slice %arg5[%add3A_15] : memref<9408xi32, #tpu.memory_space<vmem>> -> memref<96xi32, #tpu.memory_space<vmem>>
      %dma_start3A_20 = arith.constant 0 : i32
      %dma_start3A_21 = arith.constant 0 : i32
      %dma_start3A_22 = tpu.memref_slice %arg2[%dma_start3A_20, %dma_start3A_21] : memref<202752x384xf32, #tpu.memory_space<hbm>> -> memref<202752x384xf32, #tpu.memory_space<hbm>>
      tpu.enqueue_indirect_dma source(%dma_start3A_22 : memref<202752x384xf32, #tpu.memory_space<hbm>>) target(%arg7 : memref<96x384xf32, #tpu.memory_space<vmem>>) offsets(%dma_start3A_19 : memref<96xi32, #tpu.memory_space<vmem>>) semaphore(%arg9 : memref<!tpu.dma_semaphore, #tpu.memory_space<semaphore_mem>>)
      %dma_wait3A = tpu.memref_slice %arg5[%mul3A_13] : memref<9408xi32, #tpu.memory_space<vmem>> -> memref<96xi32, #tpu.memory_space<vmem>>
      %dma_wait3A_23 = arith.constant 0 : i32
      %dma_wait3A_24 = arith.constant 0 : i32
      %dma_wait3A_25 = tpu.memref_slice %arg2[%dma_wait3A_23, %dma_wait3A_24] : memref<202752x384xf32, #tpu.memory_space<hbm>> -> memref<202752x384xf32, #tpu.memory_space<hbm>>
      tpu.wait_indirect_dma semaphore(%arg8 : memref<!tpu.dma_semaphore, #tpu.memory_space<semaphore_mem>>) src(%dma_wait3A_25 : memref<202752x384xf32, #tpu.memory_space<hbm>>) dst(%arg6 : memref<96x384xf32, #tpu.memory_space<vmem>>)
      %add3A_26 = arith.addi %mul3A_2, %mul3A_13 : i32
      "tpu.region"() ({
        %run_scoped3A = tpu.sem_alloc : memref<!tpu.dma_semaphore, #tpu.memory_space<semaphore_mem>>
        %dma_start3A_32 = arith.constant 0 : i32
        %dma_start3A_33 = tpu.memref_slice %arg4[%add3A_26, %dma_start3A_32] : memref<301056x384xf32, #tpu.memory_space<hbm>> -> memref<96x384xf32, #tpu.memory_space<hbm>>
        %dma_start3A_34 = arith.constant 0 : i32
        %dma_start3A_35 = tpu.memref_slice %arg4[%add3A_26, %dma_start3A_34] : memref<301056x384xf32, #tpu.memory_space<hbm>> -> memref<96x384xf32, #tpu.memory_space<hbm>>
        tpu.enqueue_dma source(%arg6 : memref<96x384xf32, #tpu.memory_space<vmem>>) target(%dma_start3A_35 : memref<96x384xf32, #tpu.memory_space<hbm>>) target_semaphore(%run_scoped3A : memref<!tpu.dma_semaphore, #tpu.memory_space<semaphore_mem>>)
        %dma_wait3A_36 = arith.constant 0 : i32
        %dma_wait3A_37 = tpu.memref_slice %arg4[%add3A_26, %dma_wait3A_36] : memref<301056x384xf32, #tpu.memory_space<hbm>> -> memref<96x384xf32, #tpu.memory_space<hbm>>
        %dma_wait3A_38 = arith.constant 0 : i32
        %dma_wait3A_39 = tpu.memref_slice %arg4[%add3A_26, %dma_wait3A_38] : memref<301056x384xf32, #tpu.memory_space<hbm>> -> memref<96x384xf32, #tpu.memory_space<hbm>>
        tpu.wait_dma2 semaphore(%run_scoped3A : memref<!tpu.dma_semaphore, #tpu.memory_space<semaphore_mem>>) src(%arg6 : memref<96x384xf32, #tpu.memory_space<vmem>>) dst(%dma_wait3A_39 : memref<96x384xf32, #tpu.memory_space<hbm>>)
        tpu.yield
      }) : () -> ()
      %dma_wait3A_27 = tpu.memref_slice %arg5[%add3A_15] : memref<9408xi32, #tpu.memory_space<vmem>> -> memref<96xi32, #tpu.memory_space<vmem>>
      %dma_wait3A_28 = arith.constant 0 : i32
      %dma_wait3A_29 = arith.constant 0 : i32
      %dma_wait3A_30 = tpu.memref_slice %arg2[%dma_wait3A_28, %dma_wait3A_29] : memref<202752x384xf32, #tpu.memory_space<hbm>> -> memref<202752x384xf32, #tpu.memory_space<hbm>>
      tpu.wait_indirect_dma semaphore(%arg9 : memref<!tpu.dma_semaphore, #tpu.memory_space<semaphore_mem>>) src(%dma_wait3A_30 : memref<202752x384xf32, #tpu.memory_space<hbm>>) dst(%arg7 : memref<96x384xf32, #tpu.memory_space<vmem>>)
      %add3A_31 = arith.addi %mul3A_2, %add3A_15 : i32
      "tpu.region"() ({
        %run_scoped3A = tpu.sem_alloc : memref<!tpu.dma_semaphore, #tpu.memory_space<semaphore_mem>>
        %dma_start3A_32 = arith.constant 0 : i32
        %dma_start3A_33 = tpu.memref_slice %arg4[%add3A_31, %dma_start3A_32] : memref<301056x384xf32, #tpu.memory_space<hbm>> -> memref<96x384xf32, #tpu.memory_space<hbm>>
        %dma_start3A_34 = arith.constant 0 : i32
        %dma_start3A_35 = tpu.memref_slice %arg4[%add3A_31, %dma_start3A_34] : memref<301056x384xf32, #tpu.memory_space<hbm>> -> memref<96x384xf32, #tpu.memory_space<hbm>>
        tpu.enqueue_dma source(%arg7 : memref<96x384xf32, #tpu.memory_space<vmem>>) target(%dma_start3A_35 : memref<96x384xf32, #tpu.memory_space<hbm>>) target_semaphore(%run_scoped3A : memref<!tpu.dma_semaphore, #tpu.memory_space<semaphore_mem>>)
        %dma_wait3A_36 = arith.constant 0 : i32
        %dma_wait3A_37 = tpu.memref_slice %arg4[%add3A_31, %dma_wait3A_36] : memref<301056x384xf32, #tpu.memory_space<hbm>> -> memref<96x384xf32, #tpu.memory_space<hbm>>
        %dma_wait3A_38 = arith.constant 0 : i32
        %dma_wait3A_39 = tpu.memref_slice %arg4[%add3A_31, %dma_wait3A_38] : memref<301056x384xf32, #tpu.memory_space<hbm>> -> memref<96x384xf32, #tpu.memory_space<hbm>>
        tpu.wait_dma2 semaphore(%run_scoped3A : memref<!tpu.dma_semaphore, #tpu.memory_space<semaphore_mem>>) src(%arg7 : memref<96x384xf32, #tpu.memory_space<vmem>>) dst(%dma_wait3A_39 : memref<96x384xf32, #tpu.memory_space<hbm>>)
        tpu.yield
      }) : () -> ()
    }
    %scan3A_6 = arith.constant 49 : i32
    return
  }
}

#map = affine_map<(d0, d1) -> (0, 0)>
#map1 = affine_map<(d0, d1) -> (0)>
module attributes {stable_mosaic.version = 14 : i64} {
  func.func @k(%arg0: i32, %arg1: i32, %arg2: memref<202752x384xf32, #tpu.memory_space<hbm>>, %arg3: memref<202752xi32, #tpu.memory_space<hbm>>, %arg4: memref<202752x384xf32, #tpu.memory_space<hbm>>, %arg5: memref<6336xi32, #tpu.memory_space<vmem>>, %arg6: memref<96x384xf32, #tpu.memory_space<vmem>>, %arg7: memref<96x384xf32, #tpu.memory_space<vmem>>, %arg8: memref<!tpu.dma_semaphore, #tpu.memory_space<semaphore_mem>>, %arg9: memref<!tpu.dma_semaphore, #tpu.memory_space<semaphore_mem>>) attributes {dimension_semantics = [#tpu.dimension_semantics<core_parallel>, #tpu.dimension_semantics<subcore_parallel>], iteration_bounds = array<i64: 2, 16>, scalar_prefetch = 0 : i64, scratch_operands = 5 : i64, tpu.core_type = #tpu.core_type<sc_vector_subcore>, window_params = [{transform_indices = #map}, {transform_indices = #map1}, {transform_indices = #map}]} {
    %mul3A = arith.constant 2 : i32
    %mul3A_0 = arith.muli %arg1, %mul3A : i32
    %add3A = arith.addi %mul3A_0, %arg0 : i32
    %mul3A_1 = arith.constant 6336 : i32
    %mul3A_2 = arith.muli %add3A, %mul3A_1 : i32
    "tpu.region"() ({
      %run_scoped3A = tpu.sem_alloc : memref<!tpu.dma_semaphore, #tpu.memory_space<semaphore_mem>>
      %dma_start3A = tpu.memref_slice %arg3[%mul3A_2] : memref<202752xi32, #tpu.memory_space<hbm>> -> memref<6336xi32, #tpu.memory_space<hbm>>
      %dma_start3A_7 = tpu.memref_slice %arg3[%mul3A_2] : memref<202752xi32, #tpu.memory_space<hbm>> -> memref<6336xi32, #tpu.memory_space<hbm>>
      tpu.enqueue_dma source(%dma_start3A_7 : memref<6336xi32, #tpu.memory_space<hbm>>) target(%arg5 : memref<6336xi32, #tpu.memory_space<vmem>>) target_semaphore(%run_scoped3A : memref<!tpu.dma_semaphore, #tpu.memory_space<semaphore_mem>>)
      %dma_wait3A = tpu.memref_slice %arg3[%mul3A_2] : memref<202752xi32, #tpu.memory_space<hbm>> -> memref<6336xi32, #tpu.memory_space<hbm>>
      %dma_wait3A_8 = tpu.memref_slice %arg3[%mul3A_2] : memref<202752xi32, #tpu.memory_space<hbm>> -> memref<6336xi32, #tpu.memory_space<hbm>>
      tpu.wait_dma2 semaphore(%run_scoped3A : memref<!tpu.dma_semaphore, #tpu.memory_space<semaphore_mem>>) src(%dma_wait3A_8 : memref<6336xi32, #tpu.memory_space<hbm>>) dst(%arg5 : memref<6336xi32, #tpu.memory_space<vmem>>)
      tpu.yield
    }) : () -> ()
    %scan3A = arith.constant 0 : i32
    %scan3A_3 = arith.constant 33 : i32
    %scan3A_4 = arith.addi %scan3A, %scan3A_3 : i32
    %scan3A_5 = arith.constant 1 : i32
    scf.for %scan3A_7 = %scan3A to %scan3A_4 step %scan3A_5  : i32 {
      %mul3A_8 = arith.constant 2 : i32
      %mul3A_9 = arith.muli %scan3A_7, %mul3A_8 : i32
      %add3A_10 = arith.constant 0 : i32
      %add3A_11 = arith.addi %add3A_10, %mul3A_9 : i32
      %mul3A_12 = arith.constant 96 : i32
      %mul3A_13 = arith.muli %add3A_11, %mul3A_12 : i32
      %add3A_14 = arith.constant 96 : i32
      %add3A_15 = arith.addi %mul3A_13, %add3A_14 : i32
      %dma_start3A = tpu.memref_slice %arg5[%mul3A_13] : memref<6336xi32, #tpu.memory_space<vmem>> -> memref<96xi32, #tpu.memory_space<vmem>>
      %dma_start3A_16 = arith.constant 0 : i32
      %dma_start3A_17 = arith.constant 0 : i32
      %dma_start3A_18 = tpu.memref_slice %arg2[%dma_start3A_16, %dma_start3A_17] : memref<202752x384xf32, #tpu.memory_space<hbm>> -> memref<202752x384xf32, #tpu.memory_space<hbm>>
      tpu.enqueue_indirect_dma source(%dma_start3A_18 : memref<202752x384xf32, #tpu.memory_space<hbm>>) target(%arg6 : memref<96x384xf32, #tpu.memory_space<vmem>>) offsets(%dma_start3A : memref<96xi32, #tpu.memory_space<vmem>>) semaphore(%arg8 : memref<!tpu.dma_semaphore, #tpu.memory_space<semaphore_mem>>)
      %dma_start3A_19 = tpu.memref_slice %arg5[%add3A_15] : memref<6336xi32, #tpu.memory_space<vmem>> -> memref<96xi32, #tpu.memory_space<vmem>>
      %dma_start3A_20 = arith.constant 0 : i32
      %dma_start3A_21 = arith.constant 0 : i32
      %dma_start3A_22 = tpu.memref_slice %arg2[%dma_start3A_20, %dma_start3A_21] : memref<202752x384xf32, #tpu.memory_space<hbm>> -> memref<202752x384xf32, #tpu.memory_space<hbm>>
      tpu.enqueue_indirect_dma source(%dma_start3A_22 : memref<202752x384xf32, #tpu.memory_space<hbm>>) target(%arg7 : memref<96x384xf32, #tpu.memory_space<vmem>>) offsets(%dma_start3A_19 : memref<96xi32, #tpu.memory_space<vmem>>) semaphore(%arg9 : memref<!tpu.dma_semaphore, #tpu.memory_space<semaphore_mem>>)
      %dma_wait3A = tpu.memref_slice %arg5[%mul3A_13] : memref<6336xi32, #tpu.memory_space<vmem>> -> memref<96xi32, #tpu.memory_space<vmem>>
      %dma_wait3A_23 = arith.constant 0 : i32
      %dma_wait3A_24 = arith.constant 0 : i32
      %dma_wait3A_25 = tpu.memref_slice %arg2[%dma_wait3A_23, %dma_wait3A_24] : memref<202752x384xf32, #tpu.memory_space<hbm>> -> memref<202752x384xf32, #tpu.memory_space<hbm>>
      tpu.wait_indirect_dma semaphore(%arg8 : memref<!tpu.dma_semaphore, #tpu.memory_space<semaphore_mem>>) src(%dma_wait3A_25 : memref<202752x384xf32, #tpu.memory_space<hbm>>) dst(%arg6 : memref<96x384xf32, #tpu.memory_space<vmem>>)
      %add3A_26 = arith.addi %mul3A_2, %mul3A_13 : i32
      "tpu.region"() ({
        %run_scoped3A = tpu.sem_alloc : memref<!tpu.dma_semaphore, #tpu.memory_space<semaphore_mem>>
        %dma_start3A_32 = arith.constant 0 : i32
        %dma_start3A_33 = tpu.memref_slice %arg4[%add3A_26, %dma_start3A_32] : memref<202752x384xf32, #tpu.memory_space<hbm>> -> memref<96x384xf32, #tpu.memory_space<hbm>>
        %dma_start3A_34 = arith.constant 0 : i32
        %dma_start3A_35 = tpu.memref_slice %arg4[%add3A_26, %dma_start3A_34] : memref<202752x384xf32, #tpu.memory_space<hbm>> -> memref<96x384xf32, #tpu.memory_space<hbm>>
        tpu.enqueue_dma source(%arg6 : memref<96x384xf32, #tpu.memory_space<vmem>>) target(%dma_start3A_35 : memref<96x384xf32, #tpu.memory_space<hbm>>) target_semaphore(%run_scoped3A : memref<!tpu.dma_semaphore, #tpu.memory_space<semaphore_mem>>)
        %dma_wait3A_36 = arith.constant 0 : i32
        %dma_wait3A_37 = tpu.memref_slice %arg4[%add3A_26, %dma_wait3A_36] : memref<202752x384xf32, #tpu.memory_space<hbm>> -> memref<96x384xf32, #tpu.memory_space<hbm>>
        %dma_wait3A_38 = arith.constant 0 : i32
        %dma_wait3A_39 = tpu.memref_slice %arg4[%add3A_26, %dma_wait3A_38] : memref<202752x384xf32, #tpu.memory_space<hbm>> -> memref<96x384xf32, #tpu.memory_space<hbm>>
        tpu.wait_dma2 semaphore(%run_scoped3A : memref<!tpu.dma_semaphore, #tpu.memory_space<semaphore_mem>>) src(%arg6 : memref<96x384xf32, #tpu.memory_space<vmem>>) dst(%dma_wait3A_39 : memref<96x384xf32, #tpu.memory_space<hbm>>)
        tpu.yield
      }) : () -> ()
      %dma_wait3A_27 = tpu.memref_slice %arg5[%add3A_15] : memref<6336xi32, #tpu.memory_space<vmem>> -> memref<96xi32, #tpu.memory_space<vmem>>
      %dma_wait3A_28 = arith.constant 0 : i32
      %dma_wait3A_29 = arith.constant 0 : i32
      %dma_wait3A_30 = tpu.memref_slice %arg2[%dma_wait3A_28, %dma_wait3A_29] : memref<202752x384xf32, #tpu.memory_space<hbm>> -> memref<202752x384xf32, #tpu.memory_space<hbm>>
      tpu.wait_indirect_dma semaphore(%arg9 : memref<!tpu.dma_semaphore, #tpu.memory_space<semaphore_mem>>) src(%dma_wait3A_30 : memref<202752x384xf32, #tpu.memory_space<hbm>>) dst(%arg7 : memref<96x384xf32, #tpu.memory_space<vmem>>)
      %add3A_31 = arith.addi %mul3A_2, %add3A_15 : i32
      "tpu.region"() ({
        %run_scoped3A = tpu.sem_alloc : memref<!tpu.dma_semaphore, #tpu.memory_space<semaphore_mem>>
        %dma_start3A_32 = arith.constant 0 : i32
        %dma_start3A_33 = tpu.memref_slice %arg4[%add3A_31, %dma_start3A_32] : memref<202752x384xf32, #tpu.memory_space<hbm>> -> memref<96x384xf32, #tpu.memory_space<hbm>>
        %dma_start3A_34 = arith.constant 0 : i32
        %dma_start3A_35 = tpu.memref_slice %arg4[%add3A_31, %dma_start3A_34] : memref<202752x384xf32, #tpu.memory_space<hbm>> -> memref<96x384xf32, #tpu.memory_space<hbm>>
        tpu.enqueue_dma source(%arg7 : memref<96x384xf32, #tpu.memory_space<vmem>>) target(%dma_start3A_35 : memref<96x384xf32, #tpu.memory_space<hbm>>) target_semaphore(%run_scoped3A : memref<!tpu.dma_semaphore, #tpu.memory_space<semaphore_mem>>)
        %dma_wait3A_36 = arith.constant 0 : i32
        %dma_wait3A_37 = tpu.memref_slice %arg4[%add3A_31, %dma_wait3A_36] : memref<202752x384xf32, #tpu.memory_space<hbm>> -> memref<96x384xf32, #tpu.memory_space<hbm>>
        %dma_wait3A_38 = arith.constant 0 : i32
        %dma_wait3A_39 = tpu.memref_slice %arg4[%add3A_31, %dma_wait3A_38] : memref<202752x384xf32, #tpu.memory_space<hbm>> -> memref<96x384xf32, #tpu.memory_space<hbm>>
        tpu.wait_dma2 semaphore(%run_scoped3A : memref<!tpu.dma_semaphore, #tpu.memory_space<semaphore_mem>>) src(%arg7 : memref<96x384xf32, #tpu.memory_space<vmem>>) dst(%dma_wait3A_39 : memref<96x384xf32, #tpu.memory_space<hbm>>)
        tpu.yield
      }) : () -> ()
    }
    %scan3A_6 = arith.constant 33 : i32
    return
  }
}

#map = affine_map<(d0, d1) -> (0, 0)>
#map1 = affine_map<(d0, d1) -> (0)>
module attributes {stable_mosaic.version = 14 : i64} {
  func.func @k(%arg0: i32, %arg1: i32, %arg2: memref<50176x384xf32, #tpu.memory_space<hbm>>, %arg3: memref<202752xi32, #tpu.memory_space<hbm>>, %arg4: memref<202752x384xf32, #tpu.memory_space<hbm>>, %arg5: memref<6336xi32, #tpu.memory_space<vmem>>, %arg6: memref<96x384xf32, #tpu.memory_space<vmem>>, %arg7: memref<96x384xf32, #tpu.memory_space<vmem>>, %arg8: memref<!tpu.dma_semaphore, #tpu.memory_space<semaphore_mem>>, %arg9: memref<!tpu.dma_semaphore, #tpu.memory_space<semaphore_mem>>) attributes {dimension_semantics = [#tpu.dimension_semantics<core_parallel>, #tpu.dimension_semantics<subcore_parallel>], iteration_bounds = array<i64: 2, 16>, scalar_prefetch = 0 : i64, scratch_operands = 5 : i64, tpu.core_type = #tpu.core_type<sc_vector_subcore>, window_params = [{transform_indices = #map}, {transform_indices = #map1}, {transform_indices = #map}]} {
    %mul3A = arith.constant 2 : i32
    %mul3A_0 = arith.muli %arg1, %mul3A : i32
    %add3A = arith.addi %mul3A_0, %arg0 : i32
    %mul3A_1 = arith.constant 6336 : i32
    %mul3A_2 = arith.muli %add3A, %mul3A_1 : i32
    "tpu.region"() ({
      %run_scoped3A = tpu.sem_alloc : memref<!tpu.dma_semaphore, #tpu.memory_space<semaphore_mem>>
      %dma_start3A = tpu.memref_slice %arg3[%mul3A_2] : memref<202752xi32, #tpu.memory_space<hbm>> -> memref<6336xi32, #tpu.memory_space<hbm>>
      %dma_start3A_7 = tpu.memref_slice %arg3[%mul3A_2] : memref<202752xi32, #tpu.memory_space<hbm>> -> memref<6336xi32, #tpu.memory_space<hbm>>
      tpu.enqueue_dma source(%dma_start3A_7 : memref<6336xi32, #tpu.memory_space<hbm>>) target(%arg5 : memref<6336xi32, #tpu.memory_space<vmem>>) target_semaphore(%run_scoped3A : memref<!tpu.dma_semaphore, #tpu.memory_space<semaphore_mem>>)
      %dma_wait3A = tpu.memref_slice %arg3[%mul3A_2] : memref<202752xi32, #tpu.memory_space<hbm>> -> memref<6336xi32, #tpu.memory_space<hbm>>
      %dma_wait3A_8 = tpu.memref_slice %arg3[%mul3A_2] : memref<202752xi32, #tpu.memory_space<hbm>> -> memref<6336xi32, #tpu.memory_space<hbm>>
      tpu.wait_dma2 semaphore(%run_scoped3A : memref<!tpu.dma_semaphore, #tpu.memory_space<semaphore_mem>>) src(%dma_wait3A_8 : memref<6336xi32, #tpu.memory_space<hbm>>) dst(%arg5 : memref<6336xi32, #tpu.memory_space<vmem>>)
      tpu.yield
    }) : () -> ()
    %scan3A = arith.constant 0 : i32
    %scan3A_3 = arith.constant 33 : i32
    %scan3A_4 = arith.addi %scan3A, %scan3A_3 : i32
    %scan3A_5 = arith.constant 1 : i32
    scf.for %scan3A_7 = %scan3A to %scan3A_4 step %scan3A_5  : i32 {
      %mul3A_8 = arith.constant 2 : i32
      %mul3A_9 = arith.muli %scan3A_7, %mul3A_8 : i32
      %add3A_10 = arith.constant 0 : i32
      %add3A_11 = arith.addi %add3A_10, %mul3A_9 : i32
      %mul3A_12 = arith.constant 96 : i32
      %mul3A_13 = arith.muli %add3A_11, %mul3A_12 : i32
      %add3A_14 = arith.constant 96 : i32
      %add3A_15 = arith.addi %mul3A_13, %add3A_14 : i32
      %dma_start3A = tpu.memref_slice %arg5[%mul3A_13] : memref<6336xi32, #tpu.memory_space<vmem>> -> memref<96xi32, #tpu.memory_space<vmem>>
      %dma_start3A_16 = arith.constant 0 : i32
      %dma_start3A_17 = arith.constant 0 : i32
      %dma_start3A_18 = tpu.memref_slice %arg2[%dma_start3A_16, %dma_start3A_17] : memref<50176x384xf32, #tpu.memory_space<hbm>> -> memref<50176x384xf32, #tpu.memory_space<hbm>>
      tpu.enqueue_indirect_dma source(%dma_start3A_18 : memref<50176x384xf32, #tpu.memory_space<hbm>>) target(%arg6 : memref<96x384xf32, #tpu.memory_space<vmem>>) offsets(%dma_start3A : memref<96xi32, #tpu.memory_space<vmem>>) semaphore(%arg8 : memref<!tpu.dma_semaphore, #tpu.memory_space<semaphore_mem>>)
      %dma_start3A_19 = tpu.memref_slice %arg5[%add3A_15] : memref<6336xi32, #tpu.memory_space<vmem>> -> memref<96xi32, #tpu.memory_space<vmem>>
      %dma_start3A_20 = arith.constant 0 : i32
      %dma_start3A_21 = arith.constant 0 : i32
      %dma_start3A_22 = tpu.memref_slice %arg2[%dma_start3A_20, %dma_start3A_21] : memref<50176x384xf32, #tpu.memory_space<hbm>> -> memref<50176x384xf32, #tpu.memory_space<hbm>>
      tpu.enqueue_indirect_dma source(%dma_start3A_22 : memref<50176x384xf32, #tpu.memory_space<hbm>>) target(%arg7 : memref<96x384xf32, #tpu.memory_space<vmem>>) offsets(%dma_start3A_19 : memref<96xi32, #tpu.memory_space<vmem>>) semaphore(%arg9 : memref<!tpu.dma_semaphore, #tpu.memory_space<semaphore_mem>>)
      %dma_wait3A = tpu.memref_slice %arg5[%mul3A_13] : memref<6336xi32, #tpu.memory_space<vmem>> -> memref<96xi32, #tpu.memory_space<vmem>>
      %dma_wait3A_23 = arith.constant 0 : i32
      %dma_wait3A_24 = arith.constant 0 : i32
      %dma_wait3A_25 = tpu.memref_slice %arg2[%dma_wait3A_23, %dma_wait3A_24] : memref<50176x384xf32, #tpu.memory_space<hbm>> -> memref<50176x384xf32, #tpu.memory_space<hbm>>
      tpu.wait_indirect_dma semaphore(%arg8 : memref<!tpu.dma_semaphore, #tpu.memory_space<semaphore_mem>>) src(%dma_wait3A_25 : memref<50176x384xf32, #tpu.memory_space<hbm>>) dst(%arg6 : memref<96x384xf32, #tpu.memory_space<vmem>>)
      %add3A_26 = arith.addi %mul3A_2, %mul3A_13 : i32
      "tpu.region"() ({
        %run_scoped3A = tpu.sem_alloc : memref<!tpu.dma_semaphore, #tpu.memory_space<semaphore_mem>>
        %dma_start3A_32 = arith.constant 0 : i32
        %dma_start3A_33 = tpu.memref_slice %arg4[%add3A_26, %dma_start3A_32] : memref<202752x384xf32, #tpu.memory_space<hbm>> -> memref<96x384xf32, #tpu.memory_space<hbm>>
        %dma_start3A_34 = arith.constant 0 : i32
        %dma_start3A_35 = tpu.memref_slice %arg4[%add3A_26, %dma_start3A_34] : memref<202752x384xf32, #tpu.memory_space<hbm>> -> memref<96x384xf32, #tpu.memory_space<hbm>>
        tpu.enqueue_dma source(%arg6 : memref<96x384xf32, #tpu.memory_space<vmem>>) target(%dma_start3A_35 : memref<96x384xf32, #tpu.memory_space<hbm>>) target_semaphore(%run_scoped3A : memref<!tpu.dma_semaphore, #tpu.memory_space<semaphore_mem>>)
        %dma_wait3A_36 = arith.constant 0 : i32
        %dma_wait3A_37 = tpu.memref_slice %arg4[%add3A_26, %dma_wait3A_36] : memref<202752x384xf32, #tpu.memory_space<hbm>> -> memref<96x384xf32, #tpu.memory_space<hbm>>
        %dma_wait3A_38 = arith.constant 0 : i32
        %dma_wait3A_39 = tpu.memref_slice %arg4[%add3A_26, %dma_wait3A_38] : memref<202752x384xf32, #tpu.memory_space<hbm>> -> memref<96x384xf32, #tpu.memory_space<hbm>>
        tpu.wait_dma2 semaphore(%run_scoped3A : memref<!tpu.dma_semaphore, #tpu.memory_space<semaphore_mem>>) src(%arg6 : memref<96x384xf32, #tpu.memory_space<vmem>>) dst(%dma_wait3A_39 : memref<96x384xf32, #tpu.memory_space<hbm>>)
        tpu.yield
      }) : () -> ()
      %dma_wait3A_27 = tpu.memref_slice %arg5[%add3A_15] : memref<6336xi32, #tpu.memory_space<vmem>> -> memref<96xi32, #tpu.memory_space<vmem>>
      %dma_wait3A_28 = arith.constant 0 : i32
      %dma_wait3A_29 = arith.constant 0 : i32
      %dma_wait3A_30 = tpu.memref_slice %arg2[%dma_wait3A_28, %dma_wait3A_29] : memref<50176x384xf32, #tpu.memory_space<hbm>> -> memref<50176x384xf32, #tpu.memory_space<hbm>>
      tpu.wait_indirect_dma semaphore(%arg9 : memref<!tpu.dma_semaphore, #tpu.memory_space<semaphore_mem>>) src(%dma_wait3A_30 : memref<50176x384xf32, #tpu.memory_space<hbm>>) dst(%arg7 : memref<96x384xf32, #tpu.memory_space<vmem>>)
      %add3A_31 = arith.addi %mul3A_2, %add3A_15 : i32
      "tpu.region"() ({
        %run_scoped3A = tpu.sem_alloc : memref<!tpu.dma_semaphore, #tpu.memory_space<semaphore_mem>>
        %dma_start3A_32 = arith.constant 0 : i32
        %dma_start3A_33 = tpu.memref_slice %arg4[%add3A_31, %dma_start3A_32] : memref<202752x384xf32, #tpu.memory_space<hbm>> -> memref<96x384xf32, #tpu.memory_space<hbm>>
        %dma_start3A_34 = arith.constant 0 : i32
        %dma_start3A_35 = tpu.memref_slice %arg4[%add3A_31, %dma_start3A_34] : memref<202752x384xf32, #tpu.memory_space<hbm>> -> memref<96x384xf32, #tpu.memory_space<hbm>>
        tpu.enqueue_dma source(%arg7 : memref<96x384xf32, #tpu.memory_space<vmem>>) target(%dma_start3A_35 : memref<96x384xf32, #tpu.memory_space<hbm>>) target_semaphore(%run_scoped3A : memref<!tpu.dma_semaphore, #tpu.memory_space<semaphore_mem>>)
        %dma_wait3A_36 = arith.constant 0 : i32
        %dma_wait3A_37 = tpu.memref_slice %arg4[%add3A_31, %dma_wait3A_36] : memref<202752x384xf32, #tpu.memory_space<hbm>> -> memref<96x384xf32, #tpu.memory_space<hbm>>
        %dma_wait3A_38 = arith.constant 0 : i32
        %dma_wait3A_39 = tpu.memref_slice %arg4[%add3A_31, %dma_wait3A_38] : memref<202752x384xf32, #tpu.memory_space<hbm>> -> memref<96x384xf32, #tpu.memory_space<hbm>>
        tpu.wait_dma2 semaphore(%run_scoped3A : memref<!tpu.dma_semaphore, #tpu.memory_space<semaphore_mem>>) src(%arg7 : memref<96x384xf32, #tpu.memory_space<vmem>>) dst(%dma_wait3A_39 : memref<96x384xf32, #tpu.memory_space<hbm>>)
        tpu.yield
      }) : () -> ()
    }
    %scan3A_6 = arith.constant 33 : i32
    return
  }
}

#map = affine_map<(d0, d1) -> (0, 0)>
#map1 = affine_map<(d0, d1) -> (0)>
module attributes {stable_mosaic.version = 14 : i64} {
  func.func @k(%arg0: i32, %arg1: i32, %arg2: memref<202752x384xf32, #tpu.memory_space<hbm>>, %arg3: memref<301056xi32, #tpu.memory_space<hbm>>, %arg4: memref<301056x384xf32, #tpu.memory_space<hbm>>, %arg5: memref<9408xi32, #tpu.memory_space<vmem>>, %arg6: memref<96x384xf32, #tpu.memory_space<vmem>>, %arg7: memref<96x384xf32, #tpu.memory_space<vmem>>, %arg8: memref<!tpu.dma_semaphore, #tpu.memory_space<semaphore_mem>>, %arg9: memref<!tpu.dma_semaphore, #tpu.memory_space<semaphore_mem>>) attributes {dimension_semantics = [#tpu.dimension_semantics<core_parallel>, #tpu.dimension_semantics<subcore_parallel>], iteration_bounds = array<i64: 2, 16>, scalar_prefetch = 0 : i64, scratch_operands = 5 : i64, tpu.core_type = #tpu.core_type<sc_vector_subcore>, window_params = [{transform_indices = #map}, {transform_indices = #map1}, {transform_indices = #map}]} {
    %mul3A = arith.constant 2 : i32
    %mul3A_0 = arith.muli %arg1, %mul3A : i32
    %add3A = arith.addi %mul3A_0, %arg0 : i32
    %mul3A_1 = arith.constant 9408 : i32
    %mul3A_2 = arith.muli %add3A, %mul3A_1 : i32
    "tpu.region"() ({
      %run_scoped3A = tpu.sem_alloc : memref<!tpu.dma_semaphore, #tpu.memory_space<semaphore_mem>>
      %dma_start3A = tpu.memref_slice %arg3[%mul3A_2] : memref<301056xi32, #tpu.memory_space<hbm>> -> memref<9408xi32, #tpu.memory_space<hbm>>
      %dma_start3A_7 = tpu.memref_slice %arg3[%mul3A_2] : memref<301056xi32, #tpu.memory_space<hbm>> -> memref<9408xi32, #tpu.memory_space<hbm>>
      tpu.enqueue_dma source(%dma_start3A_7 : memref<9408xi32, #tpu.memory_space<hbm>>) target(%arg5 : memref<9408xi32, #tpu.memory_space<vmem>>) target_semaphore(%run_scoped3A : memref<!tpu.dma_semaphore, #tpu.memory_space<semaphore_mem>>)
      %dma_wait3A = tpu.memref_slice %arg3[%mul3A_2] : memref<301056xi32, #tpu.memory_space<hbm>> -> memref<9408xi32, #tpu.memory_space<hbm>>
      %dma_wait3A_8 = tpu.memref_slice %arg3[%mul3A_2] : memref<301056xi32, #tpu.memory_space<hbm>> -> memref<9408xi32, #tpu.memory_space<hbm>>
      tpu.wait_dma2 semaphore(%run_scoped3A : memref<!tpu.dma_semaphore, #tpu.memory_space<semaphore_mem>>) src(%dma_wait3A_8 : memref<9408xi32, #tpu.memory_space<hbm>>) dst(%arg5 : memref<9408xi32, #tpu.memory_space<vmem>>)
      tpu.yield
    }) : () -> ()
    %scan3A = arith.constant 0 : i32
    %scan3A_3 = arith.constant 49 : i32
    %scan3A_4 = arith.addi %scan3A, %scan3A_3 : i32
    %scan3A_5 = arith.constant 1 : i32
    scf.for %scan3A_7 = %scan3A to %scan3A_4 step %scan3A_5  : i32 {
      %mul3A_8 = arith.constant 2 : i32
      %mul3A_9 = arith.muli %scan3A_7, %mul3A_8 : i32
      %add3A_10 = arith.constant 0 : i32
      %add3A_11 = arith.addi %add3A_10, %mul3A_9 : i32
      %mul3A_12 = arith.constant 96 : i32
      %mul3A_13 = arith.muli %add3A_11, %mul3A_12 : i32
      %add3A_14 = arith.constant 96 : i32
      %add3A_15 = arith.addi %mul3A_13, %add3A_14 : i32
      %dma_start3A = tpu.memref_slice %arg5[%mul3A_13] : memref<9408xi32, #tpu.memory_space<vmem>> -> memref<96xi32, #tpu.memory_space<vmem>>
      %dma_start3A_16 = arith.constant 0 : i32
      %dma_start3A_17 = arith.constant 0 : i32
      %dma_start3A_18 = tpu.memref_slice %arg2[%dma_start3A_16, %dma_start3A_17] : memref<202752x384xf32, #tpu.memory_space<hbm>> -> memref<202752x384xf32, #tpu.memory_space<hbm>>
      tpu.enqueue_indirect_dma source(%dma_start3A_18 : memref<202752x384xf32, #tpu.memory_space<hbm>>) target(%arg6 : memref<96x384xf32, #tpu.memory_space<vmem>>) offsets(%dma_start3A : memref<96xi32, #tpu.memory_space<vmem>>) semaphore(%arg8 : memref<!tpu.dma_semaphore, #tpu.memory_space<semaphore_mem>>)
      %dma_start3A_19 = tpu.memref_slice %arg5[%add3A_15] : memref<9408xi32, #tpu.memory_space<vmem>> -> memref<96xi32, #tpu.memory_space<vmem>>
      %dma_start3A_20 = arith.constant 0 : i32
      %dma_start3A_21 = arith.constant 0 : i32
      %dma_start3A_22 = tpu.memref_slice %arg2[%dma_start3A_20, %dma_start3A_21] : memref<202752x384xf32, #tpu.memory_space<hbm>> -> memref<202752x384xf32, #tpu.memory_space<hbm>>
      tpu.enqueue_indirect_dma source(%dma_start3A_22 : memref<202752x384xf32, #tpu.memory_space<hbm>>) target(%arg7 : memref<96x384xf32, #tpu.memory_space<vmem>>) offsets(%dma_start3A_19 : memref<96xi32, #tpu.memory_space<vmem>>) semaphore(%arg9 : memref<!tpu.dma_semaphore, #tpu.memory_space<semaphore_mem>>)
      %dma_wait3A = tpu.memref_slice %arg5[%mul3A_13] : memref<9408xi32, #tpu.memory_space<vmem>> -> memref<96xi32, #tpu.memory_space<vmem>>
      %dma_wait3A_23 = arith.constant 0 : i32
      %dma_wait3A_24 = arith.constant 0 : i32
      %dma_wait3A_25 = tpu.memref_slice %arg2[%dma_wait3A_23, %dma_wait3A_24] : memref<202752x384xf32, #tpu.memory_space<hbm>> -> memref<202752x384xf32, #tpu.memory_space<hbm>>
      tpu.wait_indirect_dma semaphore(%arg8 : memref<!tpu.dma_semaphore, #tpu.memory_space<semaphore_mem>>) src(%dma_wait3A_25 : memref<202752x384xf32, #tpu.memory_space<hbm>>) dst(%arg6 : memref<96x384xf32, #tpu.memory_space<vmem>>)
      %add3A_26 = arith.addi %mul3A_2, %mul3A_13 : i32
      "tpu.region"() ({
        %run_scoped3A = tpu.sem_alloc : memref<!tpu.dma_semaphore, #tpu.memory_space<semaphore_mem>>
        %dma_start3A_32 = arith.constant 0 : i32
        %dma_start3A_33 = tpu.memref_slice %arg4[%add3A_26, %dma_start3A_32] : memref<301056x384xf32, #tpu.memory_space<hbm>> -> memref<96x384xf32, #tpu.memory_space<hbm>>
        %dma_start3A_34 = arith.constant 0 : i32
        %dma_start3A_35 = tpu.memref_slice %arg4[%add3A_26, %dma_start3A_34] : memref<301056x384xf32, #tpu.memory_space<hbm>> -> memref<96x384xf32, #tpu.memory_space<hbm>>
        tpu.enqueue_dma source(%arg6 : memref<96x384xf32, #tpu.memory_space<vmem>>) target(%dma_start3A_35 : memref<96x384xf32, #tpu.memory_space<hbm>>) target_semaphore(%run_scoped3A : memref<!tpu.dma_semaphore, #tpu.memory_space<semaphore_mem>>)
        %dma_wait3A_36 = arith.constant 0 : i32
        %dma_wait3A_37 = tpu.memref_slice %arg4[%add3A_26, %dma_wait3A_36] : memref<301056x384xf32, #tpu.memory_space<hbm>> -> memref<96x384xf32, #tpu.memory_space<hbm>>
        %dma_wait3A_38 = arith.constant 0 : i32
        %dma_wait3A_39 = tpu.memref_slice %arg4[%add3A_26, %dma_wait3A_38] : memref<301056x384xf32, #tpu.memory_space<hbm>> -> memref<96x384xf32, #tpu.memory_space<hbm>>
        tpu.wait_dma2 semaphore(%run_scoped3A : memref<!tpu.dma_semaphore, #tpu.memory_space<semaphore_mem>>) src(%arg6 : memref<96x384xf32, #tpu.memory_space<vmem>>) dst(%dma_wait3A_39 : memref<96x384xf32, #tpu.memory_space<hbm>>)
        tpu.yield
      }) : () -> ()
      %dma_wait3A_27 = tpu.memref_slice %arg5[%add3A_15] : memref<9408xi32, #tpu.memory_space<vmem>> -> memref<96xi32, #tpu.memory_space<vmem>>
      %dma_wait3A_28 = arith.constant 0 : i32
      %dma_wait3A_29 = arith.constant 0 : i32
      %dma_wait3A_30 = tpu.memref_slice %arg2[%dma_wait3A_28, %dma_wait3A_29] : memref<202752x384xf32, #tpu.memory_space<hbm>> -> memref<202752x384xf32, #tpu.memory_space<hbm>>
      tpu.wait_indirect_dma semaphore(%arg9 : memref<!tpu.dma_semaphore, #tpu.memory_space<semaphore_mem>>) src(%dma_wait3A_30 : memref<202752x384xf32, #tpu.memory_space<hbm>>) dst(%arg7 : memref<96x384xf32, #tpu.memory_space<vmem>>)
      %add3A_31 = arith.addi %mul3A_2, %add3A_15 : i32
      "tpu.region"() ({
        %run_scoped3A = tpu.sem_alloc : memref<!tpu.dma_semaphore, #tpu.memory_space<semaphore_mem>>
        %dma_start3A_32 = arith.constant 0 : i32
        %dma_start3A_33 = tpu.memref_slice %arg4[%add3A_31, %dma_start3A_32] : memref<301056x384xf32, #tpu.memory_space<hbm>> -> memref<96x384xf32, #tpu.memory_space<hbm>>
        %dma_start3A_34 = arith.constant 0 : i32
        %dma_start3A_35 = tpu.memref_slice %arg4[%add3A_31, %dma_start3A_34] : memref<301056x384xf32, #tpu.memory_space<hbm>> -> memref<96x384xf32, #tpu.memory_space<hbm>>
        tpu.enqueue_dma source(%arg7 : memref<96x384xf32, #tpu.memory_space<vmem>>) target(%dma_start3A_35 : memref<96x384xf32, #tpu.memory_space<hbm>>) target_semaphore(%run_scoped3A : memref<!tpu.dma_semaphore, #tpu.memory_space<semaphore_mem>>)
        %dma_wait3A_36 = arith.constant 0 : i32
        %dma_wait3A_37 = tpu.memref_slice %arg4[%add3A_31, %dma_wait3A_36] : memref<301056x384xf32, #tpu.memory_space<hbm>> -> memref<96x384xf32, #tpu.memory_space<hbm>>
        %dma_wait3A_38 = arith.constant 0 : i32
        %dma_wait3A_39 = tpu.memref_slice %arg4[%add3A_31, %dma_wait3A_38] : memref<301056x384xf32, #tpu.memory_space<hbm>> -> memref<96x384xf32, #tpu.memory_space<hbm>>
        tpu.wait_dma2 semaphore(%run_scoped3A : memref<!tpu.dma_semaphore, #tpu.memory_space<semaphore_mem>>) src(%arg7 : memref<96x384xf32, #tpu.memory_space<vmem>>) dst(%dma_wait3A_39 : memref<96x384xf32, #tpu.memory_space<hbm>>)
        tpu.yield
      }) : () -> ()
    }
    %scan3A_6 = arith.constant 49 : i32
    return
  }
}

module attributes {stable_mosaic.version = 14 : i64} {
  func.func @body(%arg0: i32, %arg1: memref<512x147xf32, #tpu.memory_space<vmem>>, %arg2: memref<147x384xf32, #tpu.memory_space<vmem>>, %arg3: memref<512x384xf32, #tpu.memory_space<vmem>>) attributes {dimension_semantics = [#tpu.dimension_semantics<arbitrary>], iteration_bounds = array<i64: 396>, scalar_prefetch = 0 : i64, scratch_operands = 0 : i64, tpu.core_type = #tpu.core_type<tc>, window_params = [{transform_indices = @transform_0, window_bounds = array<i64: 512, 147>}, {pipeline_mode = #tpu.pipeline_mode<synchronous>, transform_indices = @transform_1, window_bounds = array<i64: 147, 384>}, {transform_indices = @transform_2, window_bounds = array<i64: 512, 384>}]} {
    %get3A = arith.constant 0 : index
    %get3A_0 = arith.constant 0 : index
    %get3A_1 = vector.load %arg1[%get3A, %get3A_0] : memref<512x147xf32, #tpu.memory_space<vmem>>, vector<512x147xf32>
    %get3A_2 = arith.constant 0 : index
    %get3A_3 = arith.constant 0 : index
    %get3A_4 = vector.load %arg2[%get3A_2, %get3A_3] : memref<147x384xf32, #tpu.memory_space<vmem>>, vector<147x384xf32>
    %convert_element_type3A = arith.truncf %get3A_1 : vector<512x147xf32> to vector<512x147xbf16>
    %convert_element_type3A_5 = arith.truncf %get3A_4 : vector<147x384xf32> to vector<147x384xbf16>
    %dot_general3A = arith.constant dense<0.000000e+00> : vector<512x384xf32>
    %dot_general3A_6 = tpu.matmul %convert_element_type3A, %convert_element_type3A_5, %dot_general3A {dimension_numbers = #tpu.dot_dimension_numbers<[1], [0], [0], [1], [0, 0, 1, 1], [], []>, transpose_lhs_hint = false} : vector<512x147xbf16>, vector<147x384xbf16>, vector<512x384xf32> -> vector<512x384xf32>
    %max3A = arith.constant 0.000000e+00 : f32
    %max3A_7 = vector.broadcast %max3A : f32 to vector<512x384xf32>
    %max3A_8 = arith.maximumf %dot_general3A_6, %max3A_7 : vector<512x384xf32>
    %swap3A = arith.constant 0 : index
    %swap3A_9 = arith.constant 0 : index
    %swap3A_10 = vector.load %arg3[%swap3A, %swap3A_9] : memref<512x384xf32, #tpu.memory_space<vmem>>, vector<512x384xf32>
    tpu.vector_store %arg3[%swap3A, %swap3A_9], %max3A_8 {strides = array<i32>} : memref<512x384xf32, #tpu.memory_space<vmem>>, vector<512x384xf32>,
    return
  }
  func.func @transform_0(%arg0: i32) -> (i32, i32) {
    %c0_i32 = arith.constant 0 : i32
    %c0_i32_0 = arith.constant 0 : i32
    return %arg0, %c0_i32 : i32, i32
  }
  func.func @transform_1(%arg0: i32) -> (i32, i32) {
    %c0_i32 = arith.constant 0 : i32
    %c0_i32_0 = arith.constant 0 : i32
    %c0_i32_1 = arith.constant 0 : i32
    return %c0_i32, %c0_i32_0 : i32, i32
  }
  func.func @transform_2(%arg0: i32) -> (i32, i32) {
    %c0_i32 = arith.constant 0 : i32
    %c0_i32_0 = arith.constant 0 : i32
    return %arg0, %c0_i32 : i32, i32
  }
}

module attributes {stable_mosaic.version = 14 : i64} {
  func.func @body(%arg0: i32, %arg1: memref<512x133xf32, #tpu.memory_space<vmem>>, %arg2: memref<133x384xf32, #tpu.memory_space<vmem>>, %arg3: memref<512x384xf32, #tpu.memory_space<vmem>>) attributes {dimension_semantics = [#tpu.dimension_semantics<arbitrary>], iteration_bounds = array<i64: 98>, scalar_prefetch = 0 : i64, scratch_operands = 0 : i64, tpu.core_type = #tpu.core_type<tc>, window_params = [{transform_indices = @transform_0, window_bounds = array<i64: 512, 133>}, {pipeline_mode = #tpu.pipeline_mode<synchronous>, transform_indices = @transform_1, window_bounds = array<i64: 133, 384>}, {transform_indices = @transform_2, window_bounds = array<i64: 512, 384>}]} {
    %get3A = arith.constant 0 : index
    %get3A_0 = arith.constant 0 : index
    %get3A_1 = vector.load %arg1[%get3A, %get3A_0] : memref<512x133xf32, #tpu.memory_space<vmem>>, vector<512x133xf32>
    %get3A_2 = arith.constant 0 : index
    %get3A_3 = arith.constant 0 : index
    %get3A_4 = vector.load %arg2[%get3A_2, %get3A_3] : memref<133x384xf32, #tpu.memory_space<vmem>>, vector<133x384xf32>
    %convert_element_type3A = arith.truncf %get3A_1 : vector<512x133xf32> to vector<512x133xbf16>
    %convert_element_type3A_5 = arith.truncf %get3A_4 : vector<133x384xf32> to vector<133x384xbf16>
    %dot_general3A = arith.constant dense<0.000000e+00> : vector<512x384xf32>
    %dot_general3A_6 = tpu.matmul %convert_element_type3A, %convert_element_type3A_5, %dot_general3A {dimension_numbers = #tpu.dot_dimension_numbers<[1], [0], [0], [1], [0, 0, 1, 1], [], []>, transpose_lhs_hint = false} : vector<512x133xbf16>, vector<133x384xbf16>, vector<512x384xf32> -> vector<512x384xf32>
    %max3A = arith.constant 0.000000e+00 : f32
    %max3A_7 = vector.broadcast %max3A : f32 to vector<512x384xf32>
    %max3A_8 = arith.maximumf %dot_general3A_6, %max3A_7 : vector<512x384xf32>
    %swap3A = arith.constant 0 : index
    %swap3A_9 = arith.constant 0 : index
    %swap3A_10 = vector.load %arg3[%swap3A, %swap3A_9] : memref<512x384xf32, #tpu.memory_space<vmem>>, vector<512x384xf32>
    tpu.vector_store %arg3[%swap3A, %swap3A_9], %max3A_8 {strides = array<i32>} : memref<512x384xf32, #tpu.memory_space<vmem>>, vector<512x384xf32>,
    return
  }
  func.func @transform_0(%arg0: i32) -> (i32, i32) {
    %c0_i32 = arith.constant 0 : i32
    %c0_i32_0 = arith.constant 0 : i32
    return %arg0, %c0_i32 : i32, i32
  }
  func.func @transform_1(%arg0: i32) -> (i32, i32) {
    %c0_i32 = arith.constant 0 : i32
    %c0_i32_0 = arith.constant 0 : i32
    %c0_i32_1 = arith.constant 0 : i32
    return %c0_i32, %c0_i32_0 : i32, i32
  }
  func.func @transform_2(%arg0: i32) -> (i32, i32) {
    %c0_i32 = arith.constant 0 : i32
    %c0_i32_0 = arith.constant 0 : i32
    return %arg0, %c0_i32 : i32, i32
  }
}

module attributes {stable_mosaic.version = 14 : i64} {
  func.func @body(%arg0: i32, %arg1: memref<6x512x384xf32, #tpu.memory_space<vmem>>, %arg2: memref<512x384xf32, #tpu.memory_space<vmem>>, %arg3: memref<512x384xf32, #tpu.memory_space<vmem>>) attributes {dimension_semantics = [#tpu.dimension_semantics<arbitrary>], iteration_bounds = array<i64: 98>, scalar_prefetch = 0 : i64, scratch_operands = 0 : i64, tpu.core_type = #tpu.core_type<tc>, window_params = [{transform_indices = @transform_0, window_bounds = array<i64: 6, 512, 384>}, {transform_indices = @transform_1, window_bounds = array<i64: 512, 384>}, {transform_indices = @transform_2, window_bounds = array<i64: 512, 384>}]} {
    %get3A = arith.constant 0 : index
    %get3A_0 = arith.constant 0 : index
    %get3A_1 = arith.constant 0 : index
    %get3A_2 = vector.load %arg1[%get3A, %get3A_0, %get3A_1] : memref<6x512x384xf32, #tpu.memory_space<vmem>>, vector<1x512x384xf32>
    %get3A_3 = vector.shape_cast %get3A_2 : vector<1x512x384xf32> to vector<512x384xf32>
    %get3A_4 = arith.constant 0 : index
    %get3A_5 = arith.constant 0 : index
    %get3A_6 = arith.constant 0 : index
    %get3A_7 = vector.load %arg1[%get3A_4, %get3A_5, %get3A_6] : memref<6x512x384xf32, #tpu.memory_space<vmem>>, vector<1x512x384xf32>
    %get3A_8 = vector.shape_cast %get3A_7 : vector<1x512x384xf32> to vector<512x384xf32>
    %get3A_9 = arith.constant 1 : index
    %get3A_10 = arith.constant 0 : index
    %get3A_11 = arith.constant 0 : index
    %get3A_12 = vector.load %arg1[%get3A_9, %get3A_10, %get3A_11] : memref<6x512x384xf32, #tpu.memory_space<vmem>>, vector<1x512x384xf32>
    %get3A_13 = vector.shape_cast %get3A_12 : vector<1x512x384xf32> to vector<512x384xf32>
    %add3A = arith.addf %get3A_3, %get3A_13 : vector<512x384xf32>
    %max3A = arith.maximumf %get3A_8, %get3A_13 : vector<512x384xf32>
    %get3A_14 = arith.constant 2 : index
    %get3A_15 = arith.constant 0 : index
    %get3A_16 = arith.constant 0 : index
    %get3A_17 = vector.load %arg1[%get3A_14, %get3A_15, %get3A_16] : memref<6x512x384xf32, #tpu.memory_space<vmem>>, vector<1x512x384xf32>
    %get3A_18 = vector.shape_cast %get3A_17 : vector<1x512x384xf32> to vector<512x384xf32>
    %add3A_19 = arith.addf %add3A, %get3A_18 : vector<512x384xf32>
    %max3A_20 = arith.maximumf %max3A, %get3A_18 : vector<512x384xf32>
    %get3A_21 = arith.constant 3 : index
    %get3A_22 = arith.constant 0 : index
    %get3A_23 = arith.constant 0 : index
    %get3A_24 = vector.load %arg1[%get3A_21, %get3A_22, %get3A_23] : memref<6x512x384xf32, #tpu.memory_space<vmem>>, vector<1x512x384xf32>
    %get3A_25 = vector.shape_cast %get3A_24 : vector<1x512x384xf32> to vector<512x384xf32>
    %add3A_26 = arith.addf %add3A_19, %get3A_25 : vector<512x384xf32>
    %max3A_27 = arith.maximumf %max3A_20, %get3A_25 : vector<512x384xf32>
    %get3A_28 = arith.constant 4 : index
    %get3A_29 = arith.constant 0 : index
    %get3A_30 = arith.constant 0 : index
    %get3A_31 = vector.load %arg1[%get3A_28, %get3A_29, %get3A_30] : memref<6x512x384xf32, #tpu.memory_space<vmem>>, vector<1x512x384xf32>
    %get3A_32 = vector.shape_cast %get3A_31 : vector<1x512x384xf32> to vector<512x384xf32>
    %add3A_33 = arith.addf %add3A_26, %get3A_32 : vector<512x384xf32>
    %max3A_34 = arith.maximumf %max3A_27, %get3A_32 : vector<512x384xf32>
    %get3A_35 = arith.constant 5 : index
    %get3A_36 = arith.constant 0 : index
    %get3A_37 = arith.constant 0 : index
    %get3A_38 = vector.load %arg1[%get3A_35, %get3A_36, %get3A_37] : memref<6x512x384xf32, #tpu.memory_space<vmem>>, vector<1x512x384xf32>
    %get3A_39 = vector.shape_cast %get3A_38 : vector<1x512x384xf32> to vector<512x384xf32>
    %add3A_40 = arith.addf %add3A_33, %get3A_39 : vector<512x384xf32>
    %max3A_41 = arith.maximumf %max3A_34, %get3A_39 : vector<512x384xf32>
    %mul3A = arith.mulf %add3A_40, %max3A_41 : vector<512x384xf32>
    %get3A_42 = arith.constant 0 : index
    %get3A_43 = arith.constant 0 : index
    %get3A_44 = vector.load %arg2[%get3A_42, %get3A_43] : memref<512x384xf32, #tpu.memory_space<vmem>>, vector<512x384xf32>
    %add3A_45 = arith.addf %get3A_44, %mul3A : vector<512x384xf32>
    %swap3A = arith.constant 0 : index
    %swap3A_46 = arith.constant 0 : index
    %swap3A_47 = vector.load %arg3[%swap3A, %swap3A_46] : memref<512x384xf32, #tpu.memory_space<vmem>>, vector<512x384xf32>
    tpu.vector_store %arg3[%swap3A, %swap3A_46], %add3A_45 {strides = array<i32>} : memref<512x384xf32, #tpu.memory_space<vmem>>, vector<512x384xf32>,
    return
  }
  func.func @transform_0(%arg0: i32) -> (i32, i32, i32) {
    %c0_i32 = arith.constant 0 : i32
    %c0_i32_0 = arith.constant 0 : i32
    %c0_i32_1 = arith.constant 0 : i32
    return %c0_i32, %arg0, %c0_i32_0 : i32, i32, i32
  }
  func.func @transform_1(%arg0: i32) -> (i32, i32) {
    %c0_i32 = arith.constant 0 : i32
    %c0_i32_0 = arith.constant 0 : i32
    return %arg0, %c0_i32 : i32, i32
  }
  func.func @transform_2(%arg0: i32) -> (i32, i32) {
    %c0_i32 = arith.constant 0 : i32
    %c0_i32_0 = arith.constant 0 : i32
    return %arg0, %c0_i32 : i32, i32
  }
}

module attributes {stable_mosaic.version = 14 : i64} {
  func.func @body(%arg0: i32, %arg1: memref<512x384xf32, #tpu.memory_space<vmem>>, %arg2: memref<512x384xf32, #tpu.memory_space<vmem>>, %arg3: memref<512x384xf32, #tpu.memory_space<vmem>>, %arg4: memref<384x384xf32, #tpu.memory_space<vmem>>, %arg5: memref<512x384xf32, #tpu.memory_space<vmem>>) attributes {dimension_semantics = [#tpu.dimension_semantics<arbitrary>], iteration_bounds = array<i64: 396>, scalar_prefetch = 0 : i64, scratch_operands = 0 : i64, tpu.core_type = #tpu.core_type<tc>, window_params = [{transform_indices = @transform_0, window_bounds = array<i64: 512, 384>}, {transform_indices = @transform_1, window_bounds = array<i64: 512, 384>}, {transform_indices = @transform_2, window_bounds = array<i64: 512, 384>}, {pipeline_mode = #tpu.pipeline_mode<synchronous>, transform_indices = @transform_3, window_bounds = array<i64: 384, 384>}, {transform_indices = @transform_4, window_bounds = array<i64: 512, 384>}]} {
    %get3A = arith.constant 0 : index
    %get3A_0 = arith.constant 0 : index
    %get3A_1 = vector.load %arg2[%get3A, %get3A_0] : memref<512x384xf32, #tpu.memory_space<vmem>>, vector<512x384xf32>
    %get3A_2 = arith.constant 0 : index
    %get3A_3 = arith.constant 0 : index
    %get3A_4 = vector.load %arg3[%get3A_2, %get3A_3] : memref<512x384xf32, #tpu.memory_space<vmem>>, vector<512x384xf32>
    %sub3A = arith.subf %get3A_1, %get3A_4 : vector<512x384xf32>
    %get3A_5 = arith.constant 0 : index
    %get3A_6 = arith.constant 0 : index
    %get3A_7 = vector.load %arg1[%get3A_5, %get3A_6] : memref<512x384xf32, #tpu.memory_space<vmem>>, vector<512x384xf32>
    %get3A_8 = arith.constant 0 : index
    %get3A_9 = arith.constant 0 : index
    %get3A_10 = vector.load %arg4[%get3A_8, %get3A_9] : memref<384x384xf32, #tpu.memory_space<vmem>>, vector<384x384xf32>
    %convert_element_type3A = arith.truncf %sub3A : vector<512x384xf32> to vector<512x384xbf16>
    %convert_element_type3A_11 = arith.truncf %get3A_10 : vector<384x384xf32> to vector<384x384xbf16>
    %dot_general3A = arith.constant dense<0.000000e+00> : vector<512x384xf32>
    %dot_general3A_12 = tpu.matmul %convert_element_type3A, %convert_element_type3A_11, %dot_general3A {dimension_numbers = #tpu.dot_dimension_numbers<[1], [0], [0], [1], [0, 0, 1, 1], [], []>, transpose_lhs_hint = false} : vector<512x384xbf16>, vector<384x384xbf16>, vector<512x384xf32> -> vector<512x384xf32>
    %add3A = arith.addf %get3A_7, %dot_general3A_12 : vector<512x384xf32>
    %mul3A = arith.constant 512 : i32
    %mul3A_13 = arith.muli %arg0, %mul3A : i32
    %iota3A = tpu.iota {dimensions = array<i32: 0>} : vector<512x1xi32>
    %add3A_14 = vector.broadcast %mul3A_13 : i32 to vector<512x1xi32>
    %add3A_15 = arith.addi %add3A_14, %iota3A : vector<512x1xi32>
    %lt3A = arith.constant 200001 : i32
    %lt3A_16 = vector.broadcast %lt3A : i32 to vector<512x1xi32>
    %lt3A_17 = arith.cmpi slt, %add3A_15, %lt3A_16 : vector<512x1xi32>
    %max3A = arith.constant 0.000000e+00 : f32
    %max3A_18 = vector.broadcast %max3A : f32 to vector<512x384xf32>
    %max3A_19 = arith.maximumf %add3A, %max3A_18 : vector<512x384xf32>
    %jit3A = arith.constant 0.000000e+00 : f32
    %broadcast_in_dim3A = vector.shape_cast %lt3A_17 : vector<512x1xi1> to vector<512x1xi1>
    %broadcast_in_dim3A_20 = vector.broadcast %broadcast_in_dim3A : vector<512x1xi1> to vector<512x384xi1>
    %broadcast_in_dim3A_21 = vector.broadcast %jit3A : f32 to vector<512x384xf32>
    %select_n3A = arith.select %broadcast_in_dim3A_20, %max3A_19, %broadcast_in_dim3A_21 : vector<512x384xi1>, vector<512x384xf32>
    %swap3A = arith.constant 0 : index
    %swap3A_22 = arith.constant 0 : index
    %swap3A_23 = vector.load %arg5[%swap3A, %swap3A_22] : memref<512x384xf32, #tpu.memory_space<vmem>>, vector<512x384xf32>
    tpu.vector_store %arg5[%swap3A, %swap3A_22], %select_n3A {strides = array<i32>} : memref<512x384xf32, #tpu.memory_space<vmem>>, vector<512x384xf32>,
    return
  }
  func.func @transform_0(%arg0: i32) -> (i32, i32) {
    %c0_i32 = arith.constant 0 : i32
    %c0_i32_0 = arith.constant 0 : i32
    return %arg0, %c0_i32 : i32, i32
  }
  func.func @transform_1(%arg0: i32) -> (i32, i32) {
    %c0_i32 = arith.constant 0 : i32
    %c0_i32_0 = arith.constant 0 : i32
    return %arg0, %c0_i32 : i32, i32
  }
  func.func @transform_2(%arg0: i32) -> (i32, i32) {
    %c0_i32 = arith.constant 0 : i32
    %c0_i32_0 = arith.constant 0 : i32
    return %arg0, %c0_i32 : i32, i32
  }
  func.func @transform_3(%arg0: i32) -> (i32, i32) {
    %c0_i32 = arith.constant 0 : i32
    %c0_i32_0 = arith.constant 0 : i32
    %c0_i32_1 = arith.constant 0 : i32
    return %c0_i32, %c0_i32_0 : i32, i32
  }
  func.func @transform_4(%arg0: i32) -> (i32, i32) {
    %c0_i32 = arith.constant 0 : i32
    %c0_i32_0 = arith.constant 0 : i32
    return %arg0, %c0_i32 : i32, i32
  }
}

module attributes {stable_mosaic.version = 14 : i64} {
  func.func @body(%arg0: i32, %arg1: memref<6x512x384xf32, #tpu.memory_space<vmem>>, %arg2: memref<512x384xf32, #tpu.memory_space<vmem>>, %arg3: memref<512x384xf32, #tpu.memory_space<vmem>>) attributes {dimension_semantics = [#tpu.dimension_semantics<arbitrary>], iteration_bounds = array<i64: 98>, scalar_prefetch = 0 : i64, scratch_operands = 0 : i64, tpu.core_type = #tpu.core_type<tc>, window_params = [{transform_indices = @transform_0, window_bounds = array<i64: 6, 512, 384>}, {transform_indices = @transform_1, window_bounds = array<i64: 512, 384>}, {transform_indices = @transform_2, window_bounds = array<i64: 512, 384>}]} {
    %get3A = arith.constant 0 : index
    %get3A_0 = arith.constant 0 : index
    %get3A_1 = arith.constant 0 : index
    %get3A_2 = vector.load %arg1[%get3A, %get3A_0, %get3A_1] : memref<6x512x384xf32, #tpu.memory_space<vmem>>, vector<1x512x384xf32>
    %get3A_3 = vector.shape_cast %get3A_2 : vector<1x512x384xf32> to vector<512x384xf32>
    %get3A_4 = arith.constant 0 : index
    %get3A_5 = arith.constant 0 : index
    %get3A_6 = arith.constant 0 : index
    %get3A_7 = vector.load %arg1[%get3A_4, %get3A_5, %get3A_6] : memref<6x512x384xf32, #tpu.memory_space<vmem>>, vector<1x512x384xf32>
    %get3A_8 = vector.shape_cast %get3A_7 : vector<1x512x384xf32> to vector<512x384xf32>
    %get3A_9 = arith.constant 1 : index
    %get3A_10 = arith.constant 0 : index
    %get3A_11 = arith.constant 0 : index
    %get3A_12 = vector.load %arg1[%get3A_9, %get3A_10, %get3A_11] : memref<6x512x384xf32, #tpu.memory_space<vmem>>, vector<1x512x384xf32>
    %get3A_13 = vector.shape_cast %get3A_12 : vector<1x512x384xf32> to vector<512x384xf32>
    %add3A = arith.addf %get3A_3, %get3A_13 : vector<512x384xf32>
    %max3A = arith.maximumf %get3A_8, %get3A_13 : vector<512x384xf32>
    %get3A_14 = arith.constant 2 : index
    %get3A_15 = arith.constant 0 : index
    %get3A_16 = arith.constant 0 : index
    %get3A_17 = vector.load %arg1[%get3A_14, %get3A_15, %get3A_16] : memref<6x512x384xf32, #tpu.memory_space<vmem>>, vector<1x512x384xf32>
    %get3A_18 = vector.shape_cast %get3A_17 : vector<1x512x384xf32> to vector<512x384xf32>
    %add3A_19 = arith.addf %add3A, %get3A_18 : vector<512x384xf32>
    %max3A_20 = arith.maximumf %max3A, %get3A_18 : vector<512x384xf32>
    %get3A_21 = arith.constant 3 : index
    %get3A_22 = arith.constant 0 : index
    %get3A_23 = arith.constant 0 : index
    %get3A_24 = vector.load %arg1[%get3A_21, %get3A_22, %get3A_23] : memref<6x512x384xf32, #tpu.memory_space<vmem>>, vector<1x512x384xf32>
    %get3A_25 = vector.shape_cast %get3A_24 : vector<1x512x384xf32> to vector<512x384xf32>
    %add3A_26 = arith.addf %add3A_19, %get3A_25 : vector<512x384xf32>
    %max3A_27 = arith.maximumf %max3A_20, %get3A_25 : vector<512x384xf32>
    %get3A_28 = arith.constant 4 : index
    %get3A_29 = arith.constant 0 : index
    %get3A_30 = arith.constant 0 : index
    %get3A_31 = vector.load %arg1[%get3A_28, %get3A_29, %get3A_30] : memref<6x512x384xf32, #tpu.memory_space<vmem>>, vector<1x512x384xf32>
    %get3A_32 = vector.shape_cast %get3A_31 : vector<1x512x384xf32> to vector<512x384xf32>
    %add3A_33 = arith.addf %add3A_26, %get3A_32 : vector<512x384xf32>
    %max3A_34 = arith.maximumf %max3A_27, %get3A_32 : vector<512x384xf32>
    %get3A_35 = arith.constant 5 : index
    %get3A_36 = arith.constant 0 : index
    %get3A_37 = arith.constant 0 : index
    %get3A_38 = vector.load %arg1[%get3A_35, %get3A_36, %get3A_37] : memref<6x512x384xf32, #tpu.memory_space<vmem>>, vector<1x512x384xf32>
    %get3A_39 = vector.shape_cast %get3A_38 : vector<1x512x384xf32> to vector<512x384xf32>
    %add3A_40 = arith.addf %add3A_33, %get3A_39 : vector<512x384xf32>
    %max3A_41 = arith.maximumf %max3A_34, %get3A_39 : vector<512x384xf32>
    %mul3A = arith.mulf %add3A_40, %max3A_41 : vector<512x384xf32>
    %swap3A = arith.constant 0 : index
    %swap3A_42 = arith.constant 0 : index
    %swap3A_43 = vector.load %arg3[%swap3A, %swap3A_42] : memref<512x384xf32, #tpu.memory_space<vmem>>, vector<512x384xf32>
    tpu.vector_store %arg3[%swap3A, %swap3A_42], %mul3A {strides = array<i32>} : memref<512x384xf32, #tpu.memory_space<vmem>>, vector<512x384xf32>,
    return
  }
  func.func @transform_0(%arg0: i32) -> (i32, i32, i32) {
    %c0_i32 = arith.constant 0 : i32
    %c0_i32_0 = arith.constant 0 : i32
    %c0_i32_1 = arith.constant 0 : i32
    return %c0_i32, %arg0, %c0_i32_0 : i32, i32, i32
  }
  func.func @transform_1(%arg0: i32) -> (i32, i32) {
    %c0_i32 = arith.constant 0 : i32
    %c0_i32_0 = arith.constant 0 : i32
    return %arg0, %c0_i32 : i32, i32
  }
  func.func @transform_2(%arg0: i32) -> (i32, i32) {
    %c0_i32 = arith.constant 0 : i32
    %c0_i32_0 = arith.constant 0 : i32
    return %arg0, %c0_i32 : i32, i32
  }
}

module attributes {stable_mosaic.version = 14 : i64} {
  func.func @body(%arg0: i32, %arg1: memref<512x384xf32, #tpu.memory_space<vmem>>, %arg2: memref<512x384xf32, #tpu.memory_space<vmem>>, %arg3: memref<512x384xf32, #tpu.memory_space<vmem>>, %arg4: memref<900x300xf32, #tpu.memory_space<vmem>>, %arg5: memref<1x300xf32, #tpu.memory_space<vmem>>, %arg6: memref<512x300xf32, #tpu.memory_space<vmem>>, %arg7: memref<512x300xf32, #tpu.memory_space<vmem>>) attributes {dimension_semantics = [#tpu.dimension_semantics<arbitrary>], iteration_bounds = array<i64: 98>, scalar_prefetch = 0 : i64, scratch_operands = 0 : i64, tpu.core_type = #tpu.core_type<tc>, window_params = [{transform_indices = @transform_0, window_bounds = array<i64: 512, 384>}, {transform_indices = @transform_1, window_bounds = array<i64: 512, 384>}, {transform_indices = @transform_2, window_bounds = array<i64: 512, 384>}, {pipeline_mode = #tpu.pipeline_mode<synchronous>, transform_indices = @transform_3, window_bounds = array<i64: 900, 300>}, {pipeline_mode = #tpu.pipeline_mode<synchronous>, transform_indices = @transform_4, window_bounds = array<i64: 1, 300>}, {transform_indices = @transform_5, window_bounds = array<i64: 512, 300>}, {transform_indices = @transform_6, window_bounds = array<i64: 512, 300>}]} {
    %get3A = arith.constant 0 : index
    %get3A_0 = arith.constant 0 : index
    %get3A_1 = vector.load %arg1[%get3A, %get3A_0] : memref<512x384xf32, #tpu.memory_space<vmem>>, vector<512x300xf32>
    %get3A_2 = arith.constant 0 : index
    %get3A_3 = arith.constant 0 : index
    %get3A_4 = vector.load %arg2[%get3A_2, %get3A_3] : memref<512x384xf32, #tpu.memory_space<vmem>>, vector<512x300xf32>
    %get3A_5 = arith.constant 0 : index
    %get3A_6 = arith.constant 0 : index
    %get3A_7 = vector.load %arg3[%get3A_5, %get3A_6] : memref<512x384xf32, #tpu.memory_space<vmem>>, vector<512x300xf32>
    %concatenate3A = tpu.concatenate %get3A_1, %get3A_4, %get3A_7 in 1 : vector<512x300xf32>, vector<512x300xf32>, vector<512x300xf32> -> vector<512x900xf32>
    %get3A_8 = arith.constant 0 : index
    %get3A_9 = arith.constant 0 : index
    %get3A_10 = vector.load %arg4[%get3A_8, %get3A_9] : memref<900x300xf32, #tpu.memory_space<vmem>>, vector<900x300xf32>
    %dot_general3A = arith.constant dense<0.000000e+00> : vector<512x300xf32>
    %dot_general3A_11 = tpu.matmul %concatenate3A, %get3A_10, %dot_general3A {dimension_numbers = #tpu.dot_dimension_numbers<[1], [0], [0], [1], [0, 0, 1, 1], [], []>, transpose_lhs_hint = false} : vector<512x900xf32>, vector<900x300xf32>, vector<512x300xf32> -> vector<512x300xf32>
    %swap3A = arith.constant 0 : index
    %swap3A_12 = arith.constant 0 : index
    %swap3A_13 = vector.load %arg6[%swap3A, %swap3A_12] : memref<512x300xf32, #tpu.memory_space<vmem>>, vector<512x300xf32>
    tpu.vector_store %arg6[%swap3A, %swap3A_12], %dot_general3A_11 {strides = array<i32>} : memref<512x300xf32, #tpu.memory_space<vmem>>, vector<512x300xf32>,
    %get3A_14 = arith.constant 0 : index
    %get3A_15 = arith.constant 0 : index
    %get3A_16 = vector.load %arg5[%get3A_14, %get3A_15] : memref<1x300xf32, #tpu.memory_space<vmem>>, vector<1x300xf32>
    %add3A = vector.broadcast %get3A_16 : vector<1x300xf32> to vector<512x300xf32>
    %add3A_17 = arith.addf %dot_general3A_11, %add3A : vector<512x300xf32>
    %max3A = arith.constant 0.000000e+00 : f32
    %max3A_18 = vector.broadcast %max3A : f32 to vector<512x300xf32>
    %max3A_19 = arith.maximumf %add3A_17, %max3A_18 : vector<512x300xf32>
    %swap3A_20 = arith.constant 0 : index
    %swap3A_21 = arith.constant 0 : index
    %swap3A_22 = vector.load %arg7[%swap3A_20, %swap3A_21] : memref<512x300xf32, #tpu.memory_space<vmem>>, vector<512x300xf32>
    tpu.vector_store %arg7[%swap3A_20, %swap3A_21], %max3A_19 {strides = array<i32>} : memref<512x300xf32, #tpu.memory_space<vmem>>, vector<512x300xf32>,
    return
  }
  func.func @transform_0(%arg0: i32) -> (i32, i32) {
    %c0_i32 = arith.constant 0 : i32
    %c0_i32_0 = arith.constant 0 : i32
    return %arg0, %c0_i32 : i32, i32
  }
  func.func @transform_1(%arg0: i32) -> (i32, i32) {
    %c0_i32 = arith.constant 0 : i32
    %c0_i32_0 = arith.constant 0 : i32
    return %arg0, %c0_i32 : i32, i32
  }
  func.func @transform_2(%arg0: i32) -> (i32, i32) {
    %c0_i32 = arith.constant 0 : i32
    %c0_i32_0 = arith.constant 0 : i32
    return %arg0, %c0_i32 : i32, i32
  }
  func.func @transform_3(%arg0: i32) -> (i32, i32) {
    %c0_i32 = arith.constant 0 : i32
    %c0_i32_0 = arith.constant 0 : i32
    %c0_i32_1 = arith.constant 0 : i32
    return %c0_i32, %c0_i32_0 : i32, i32
  }
  func.func @transform_4(%arg0: i32) -> (i32, i32) {
    %c0_i32 = arith.constant 0 : i32
    %c0_i32_0 = arith.constant 0 : i32
    %c0_i32_1 = arith.constant 0 : i32
    return %c0_i32, %c0_i32_0 : i32, i32
  }
  func.func @transform_5(%arg0: i32) -> (i32, i32) {
    %c0_i32 = arith.constant 0 : i32
    %c0_i32_0 = arith.constant 0 : i32
    return %arg0, %c0_i32 : i32, i32
  }
  func.func @transform_6(%arg0: i32) -> (i32, i32) {
    %c0_i32 = arith.constant 0 : i32
    %c0_i32_0 = arith.constant 0 : i32
    return %arg0, %c0_i32 : i32, i32
  }
}

module attributes {stable_mosaic.version = 14 : i64} {
  func.func @body(%arg0: i32, %arg1: memref<40x50x300xf32, #tpu.memory_space<vmem>>, %arg2: memref<40x300xf32, #tpu.memory_space<vmem>>) attributes {dimension_semantics = [#tpu.dimension_semantics<arbitrary>], iteration_bounds = array<i64: 25>, scalar_prefetch = 0 : i64, scratch_operands = 0 : i64, tpu.core_type = #tpu.core_type<tc>, window_params = [{transform_indices = @transform_0, window_bounds = array<i64: 40, 50, 300>}, {transform_indices = @transform_1, window_bounds = array<i64: 40, 300>}]} {
    %get3A = arith.constant 0 : index
    %get3A_0 = arith.constant 0 : index
    %get3A_1 = arith.constant 0 : index
    %get3A_2 = vector.load %arg1[%get3A, %get3A_0, %get3A_1] : memref<40x50x300xf32, #tpu.memory_space<vmem>>, vector<40x1x300xf32>
    %get3A_3 = vector.shape_cast %get3A_2 : vector<40x1x300xf32> to vector<40x300xf32>
    %get3A_4 = arith.constant 0 : index
    %get3A_5 = arith.constant 1 : index
    %get3A_6 = arith.constant 0 : index
    %get3A_7 = vector.load %arg1[%get3A_4, %get3A_5, %get3A_6] : memref<40x50x300xf32, #tpu.memory_space<vmem>>, vector<40x1x300xf32>
    %get3A_8 = vector.shape_cast %get3A_7 : vector<40x1x300xf32> to vector<40x300xf32>
    %max3A = arith.maximumf %get3A_3, %get3A_8 : vector<40x300xf32>
    %get3A_9 = arith.constant 0 : index
    %get3A_10 = arith.constant 2 : index
    %get3A_11 = arith.constant 0 : index
    %get3A_12 = vector.load %arg1[%get3A_9, %get3A_10, %get3A_11] : memref<40x50x300xf32, #tpu.memory_space<vmem>>, vector<40x1x300xf32>
    %get3A_13 = vector.shape_cast %get3A_12 : vector<40x1x300xf32> to vector<40x300xf32>
    %max3A_14 = arith.maximumf %max3A, %get3A_13 : vector<40x300xf32>
    %get3A_15 = arith.constant 0 : index
    %get3A_16 = arith.constant 3 : index
    %get3A_17 = arith.constant 0 : index
    %get3A_18 = vector.load %arg1[%get3A_15, %get3A_16, %get3A_17] : memref<40x50x300xf32, #tpu.memory_space<vmem>>, vector<40x1x300xf32>
    %get3A_19 = vector.shape_cast %get3A_18 : vector<40x1x300xf32> to vector<40x300xf32>
    %max3A_20 = arith.maximumf %max3A_14, %get3A_19 : vector<40x300xf32>
    %get3A_21 = arith.constant 0 : index
    %get3A_22 = arith.constant 4 : index
    %get3A_23 = arith.constant 0 : index
    %get3A_24 = vector.load %arg1[%get3A_21, %get3A_22, %get3A_23] : memref<40x50x300xf32, #tpu.memory_space<vmem>>, vector<40x1x300xf32>
    %get3A_25 = vector.shape_cast %get3A_24 : vector<40x1x300xf32> to vector<40x300xf32>
    %max3A_26 = arith.maximumf %max3A_20, %get3A_25 : vector<40x300xf32>
    %get3A_27 = arith.constant 0 : index
    %get3A_28 = arith.constant 5 : index
    %get3A_29 = arith.constant 0 : index
    %get3A_30 = vector.load %arg1[%get3A_27, %get3A_28, %get3A_29] : memref<40x50x300xf32, #tpu.memory_space<vmem>>, vector<40x1x300xf32>
    %get3A_31 = vector.shape_cast %get3A_30 : vector<40x1x300xf32> to vector<40x300xf32>
    %max3A_32 = arith.maximumf %max3A_26, %get3A_31 : vector<40x300xf32>
    %get3A_33 = arith.constant 0 : index
    %get3A_34 = arith.constant 6 : index
    %get3A_35 = arith.constant 0 : index
    %get3A_36 = vector.load %arg1[%get3A_33, %get3A_34, %get3A_35] : memref<40x50x300xf32, #tpu.memory_space<vmem>>, vector<40x1x300xf32>
    %get3A_37 = vector.shape_cast %get3A_36 : vector<40x1x300xf32> to vector<40x300xf32>
    %max3A_38 = arith.maximumf %max3A_32, %get3A_37 : vector<40x300xf32>
    %get3A_39 = arith.constant 0 : index
    %get3A_40 = arith.constant 7 : index
    %get3A_41 = arith.constant 0 : index
    %get3A_42 = vector.load %arg1[%get3A_39, %get3A_40, %get3A_41] : memref<40x50x300xf32, #tpu.memory_space<vmem>>, vector<40x1x300xf32>
    %get3A_43 = vector.shape_cast %get3A_42 : vector<40x1x300xf32> to vector<40x300xf32>
    %max3A_44 = arith.maximumf %max3A_38, %get3A_43 : vector<40x300xf32>
    %get3A_45 = arith.constant 0 : index
    %get3A_46 = arith.constant 8 : index
    %get3A_47 = arith.constant 0 : index
    %get3A_48 = vector.load %arg1[%get3A_45, %get3A_46, %get3A_47] : memref<40x50x300xf32, #tpu.memory_space<vmem>>, vector<40x1x300xf32>
    %get3A_49 = vector.shape_cast %get3A_48 : vector<40x1x300xf32> to vector<40x300xf32>
    %max3A_50 = arith.maximumf %max3A_44, %get3A_49 : vector<40x300xf32>
    %get3A_51 = arith.constant 0 : index
    %get3A_52 = arith.constant 9 : index
    %get3A_53 = arith.constant 0 : index
    %get3A_54 = vector.load %arg1[%get3A_51, %get3A_52, %get3A_53] : memref<40x50x300xf32, #tpu.memory_space<vmem>>, vector<40x1x300xf32>
    %get3A_55 = vector.shape_cast %get3A_54 : vector<40x1x300xf32> to vector<40x300xf32>
    %max3A_56 = arith.maximumf %max3A_50, %get3A_55 : vector<40x300xf32>
    %get3A_57 = arith.constant 0 : index
    %get3A_58 = arith.constant 10 : index
    %get3A_59 = arith.constant 0 : index
    %get3A_60 = vector.load %arg1[%get3A_57, %get3A_58, %get3A_59] : memref<40x50x300xf32, #tpu.memory_space<vmem>>, vector<40x1x300xf32>
    %get3A_61 = vector.shape_cast %get3A_60 : vector<40x1x300xf32> to vector<40x300xf32>
    %max3A_62 = arith.maximumf %max3A_56, %get3A_61 : vector<40x300xf32>
    %get3A_63 = arith.constant 0 : index
    %get3A_64 = arith.constant 11 : index
    %get3A_65 = arith.constant 0 : index
    %get3A_66 = vector.load %arg1[%get3A_63, %get3A_64, %get3A_65] : memref<40x50x300xf32, #tpu.memory_space<vmem>>, vector<40x1x300xf32>
    %get3A_67 = vector.shape_cast %get3A_66 : vector<40x1x300xf32> to vector<40x300xf32>
    %max3A_68 = arith.maximumf %max3A_62, %get3A_67 : vector<40x300xf32>
    %get3A_69 = arith.constant 0 : index
    %get3A_70 = arith.constant 12 : index
    %get3A_71 = arith.constant 0 : index
    %get3A_72 = vector.load %arg1[%get3A_69, %get3A_70, %get3A_71] : memref<40x50x300xf32, #tpu.memory_space<vmem>>, vector<40x1x300xf32>
    %get3A_73 = vector.shape_cast %get3A_72 : vector<40x1x300xf32> to vector<40x300xf32>
    %max3A_74 = arith.maximumf %max3A_68, %get3A_73 : vector<40x300xf32>
    %get3A_75 = arith.constant 0 : index
    %get3A_76 = arith.constant 13 : index
    %get3A_77 = arith.constant 0 : index
    %get3A_78 = vector.load %arg1[%get3A_75, %get3A_76, %get3A_77] : memref<40x50x300xf32, #tpu.memory_space<vmem>>, vector<40x1x300xf32>
    %get3A_79 = vector.shape_cast %get3A_78 : vector<40x1x300xf32> to vector<40x300xf32>
    %max3A_80 = arith.maximumf %max3A_74, %get3A_79 : vector<40x300xf32>
    %get3A_81 = arith.constant 0 : index
    %get3A_82 = arith.constant 14 : index
    %get3A_83 = arith.constant 0 : index
    %get3A_84 = vector.load %arg1[%get3A_81, %get3A_82, %get3A_83] : memref<40x50x300xf32, #tpu.memory_space<vmem>>, vector<40x1x300xf32>
    %get3A_85 = vector.shape_cast %get3A_84 : vector<40x1x300xf32> to vector<40x300xf32>
    %max3A_86 = arith.maximumf %max3A_80, %get3A_85 : vector<40x300xf32>
    %get3A_87 = arith.constant 0 : index
    %get3A_88 = arith.constant 15 : index
    %get3A_89 = arith.constant 0 : index
    %get3A_90 = vector.load %arg1[%get3A_87, %get3A_88, %get3A_89] : memref<40x50x300xf32, #tpu.memory_space<vmem>>, vector<40x1x300xf32>
    %get3A_91 = vector.shape_cast %get3A_90 : vector<40x1x300xf32> to vector<40x300xf32>
    %max3A_92 = arith.maximumf %max3A_86, %get3A_91 : vector<40x300xf32>
    %get3A_93 = arith.constant 0 : index
    %get3A_94 = arith.constant 16 : index
    %get3A_95 = arith.constant 0 : index
    %get3A_96 = vector.load %arg1[%get3A_93, %get3A_94, %get3A_95] : memref<40x50x300xf32, #tpu.memory_space<vmem>>, vector<40x1x300xf32>
    %get3A_97 = vector.shape_cast %get3A_96 : vector<40x1x300xf32> to vector<40x300xf32>
    %max3A_98 = arith.maximumf %max3A_92, %get3A_97 : vector<40x300xf32>
    %get3A_99 = arith.constant 0 : index
    %get3A_100 = arith.constant 17 : index
    %get3A_101 = arith.constant 0 : index
    %get3A_102 = vector.load %arg1[%get3A_99, %get3A_100, %get3A_101] : memref<40x50x300xf32, #tpu.memory_space<vmem>>, vector<40x1x300xf32>
    %get3A_103 = vector.shape_cast %get3A_102 : vector<40x1x300xf32> to vector<40x300xf32>
    %max3A_104 = arith.maximumf %max3A_98, %get3A_103 : vector<40x300xf32>
    %get3A_105 = arith.constant 0 : index
    %get3A_106 = arith.constant 18 : index
    %get3A_107 = arith.constant 0 : index
    %get3A_108 = vector.load %arg1[%get3A_105, %get3A_106, %get3A_107] : memref<40x50x300xf32, #tpu.memory_space<vmem>>, vector<40x1x300xf32>
    %get3A_109 = vector.shape_cast %get3A_108 : vector<40x1x300xf32> to vector<40x300xf32>
    %max3A_110 = arith.maximumf %max3A_104, %get3A_109 : vector<40x300xf32>
    %get3A_111 = arith.constant 0 : index
    %get3A_112 = arith.constant 19 : index
    %get3A_113 = arith.constant 0 : index
    %get3A_114 = vector.load %arg1[%get3A_111, %get3A_112, %get3A_113] : memref<40x50x300xf32, #tpu.memory_space<vmem>>, vector<40x1x300xf32>
    %get3A_115 = vector.shape_cast %get3A_114 : vector<40x1x300xf32> to vector<40x300xf32>
    %max3A_116 = arith.maximumf %max3A_110, %get3A_115 : vector<40x300xf32>
    %get3A_117 = arith.constant 0 : index
    %get3A_118 = arith.constant 20 : index
    %get3A_119 = arith.constant 0 : index
    %get3A_120 = vector.load %arg1[%get3A_117, %get3A_118, %get3A_119] : memref<40x50x300xf32, #tpu.memory_space<vmem>>, vector<40x1x300xf32>
    %get3A_121 = vector.shape_cast %get3A_120 : vector<40x1x300xf32> to vector<40x300xf32>
    %max3A_122 = arith.maximumf %max3A_116, %get3A_121 : vector<40x300xf32>
    %get3A_123 = arith.constant 0 : index
    %get3A_124 = arith.constant 21 : index
    %get3A_125 = arith.constant 0 : index
    %get3A_126 = vector.load %arg1[%get3A_123, %get3A_124, %get3A_125] : memref<40x50x300xf32, #tpu.memory_space<vmem>>, vector<40x1x300xf32>
    %get3A_127 = vector.shape_cast %get3A_126 : vector<40x1x300xf32> to vector<40x300xf32>
    %max3A_128 = arith.maximumf %max3A_122, %get3A_127 : vector<40x300xf32>
    %get3A_129 = arith.constant 0 : index
    %get3A_130 = arith.constant 22 : index
    %get3A_131 = arith.constant 0 : index
    %get3A_132 = vector.load %arg1[%get3A_129, %get3A_130, %get3A_131] : memref<40x50x300xf32, #tpu.memory_space<vmem>>, vector<40x1x300xf32>
    %get3A_133 = vector.shape_cast %get3A_132 : vector<40x1x300xf32> to vector<40x300xf32>
    %max3A_134 = arith.maximumf %max3A_128, %get3A_133 : vector<40x300xf32>
    %get3A_135 = arith.constant 0 : index
    %get3A_136 = arith.constant 23 : index
    %get3A_137 = arith.constant 0 : index
    %get3A_138 = vector.load %arg1[%get3A_135, %get3A_136, %get3A_137] : memref<40x50x300xf32, #tpu.memory_space<vmem>>, vector<40x1x300xf32>
    %get3A_139 = vector.shape_cast %get3A_138 : vector<40x1x300xf32> to vector<40x300xf32>
    %max3A_140 = arith.maximumf %max3A_134, %get3A_139 : vector<40x300xf32>
    %get3A_141 = arith.constant 0 : index
    %get3A_142 = arith.constant 24 : index
    %get3A_143 = arith.constant 0 : index
    %get3A_144 = vector.load %arg1[%get3A_141, %get3A_142, %get3A_143] : memref<40x50x300xf32, #tpu.memory_space<vmem>>, vector<40x1x300xf32>
    %get3A_145 = vector.shape_cast %get3A_144 : vector<40x1x300xf32> to vector<40x300xf32>
    %max3A_146 = arith.maximumf %max3A_140, %get3A_145 : vector<40x300xf32>
    %get3A_147 = arith.constant 0 : index
    %get3A_148 = arith.constant 25 : index
    %get3A_149 = arith.constant 0 : index
    %get3A_150 = vector.load %arg1[%get3A_147, %get3A_148, %get3A_149] : memref<40x50x300xf32, #tpu.memory_space<vmem>>, vector<40x1x300xf32>
    %get3A_151 = vector.shape_cast %get3A_150 : vector<40x1x300xf32> to vector<40x300xf32>
    %max3A_152 = arith.maximumf %max3A_146, %get3A_151 : vector<40x300xf32>
    %get3A_153 = arith.constant 0 : index
    %get3A_154 = arith.constant 26 : index
    %get3A_155 = arith.constant 0 : index
    %get3A_156 = vector.load %arg1[%get3A_153, %get3A_154, %get3A_155] : memref<40x50x300xf32, #tpu.memory_space<vmem>>, vector<40x1x300xf32>
    %get3A_157 = vector.shape_cast %get3A_156 : vector<40x1x300xf32> to vector<40x300xf32>
    %max3A_158 = arith.maximumf %max3A_152, %get3A_157 : vector<40x300xf32>
    %get3A_159 = arith.constant 0 : index
    %get3A_160 = arith.constant 27 : index
    %get3A_161 = arith.constant 0 : index
    %get3A_162 = vector.load %arg1[%get3A_159, %get3A_160, %get3A_161] : memref<40x50x300xf32, #tpu.memory_space<vmem>>, vector<40x1x300xf32>
    %get3A_163 = vector.shape_cast %get3A_162 : vector<40x1x300xf32> to vector<40x300xf32>
    %max3A_164 = arith.maximumf %max3A_158, %get3A_163 : vector<40x300xf32>
    %get3A_165 = arith.constant 0 : index
    %get3A_166 = arith.constant 28 : index
    %get3A_167 = arith.constant 0 : index
    %get3A_168 = vector.load %arg1[%get3A_165, %get3A_166, %get3A_167] : memref<40x50x300xf32, #tpu.memory_space<vmem>>, vector<40x1x300xf32>
    %get3A_169 = vector.shape_cast %get3A_168 : vector<40x1x300xf32> to vector<40x300xf32>
    %max3A_170 = arith.maximumf %max3A_164, %get3A_169 : vector<40x300xf32>
    %get3A_171 = arith.constant 0 : index
    %get3A_172 = arith.constant 29 : index
    %get3A_173 = arith.constant 0 : index
    %get3A_174 = vector.load %arg1[%get3A_171, %get3A_172, %get3A_173] : memref<40x50x300xf32, #tpu.memory_space<vmem>>, vector<40x1x300xf32>
    %get3A_175 = vector.shape_cast %get3A_174 : vector<40x1x300xf32> to vector<40x300xf32>
    %max3A_176 = arith.maximumf %max3A_170, %get3A_175 : vector<40x300xf32>
    %get3A_177 = arith.constant 0 : index
    %get3A_178 = arith.constant 30 : index
    %get3A_179 = arith.constant 0 : index
    %get3A_180 = vector.load %arg1[%get3A_177, %get3A_178, %get3A_179] : memref<40x50x300xf32, #tpu.memory_space<vmem>>, vector<40x1x300xf32>
    %get3A_181 = vector.shape_cast %get3A_180 : vector<40x1x300xf32> to vector<40x300xf32>
    %max3A_182 = arith.maximumf %max3A_176, %get3A_181 : vector<40x300xf32>
    %get3A_183 = arith.constant 0 : index
    %get3A_184 = arith.constant 31 : index
    %get3A_185 = arith.constant 0 : index
    %get3A_186 = vector.load %arg1[%get3A_183, %get3A_184, %get3A_185] : memref<40x50x300xf32, #tpu.memory_space<vmem>>, vector<40x1x300xf32>
    %get3A_187 = vector.shape_cast %get3A_186 : vector<40x1x300xf32> to vector<40x300xf32>
    %max3A_188 = arith.maximumf %max3A_182, %get3A_187 : vector<40x300xf32>
    %get3A_189 = arith.constant 0 : index
    %get3A_190 = arith.constant 32 : index
    %get3A_191 = arith.constant 0 : index
    %get3A_192 = vector.load %arg1[%get3A_189, %get3A_190, %get3A_191] : memref<40x50x300xf32, #tpu.memory_space<vmem>>, vector<40x1x300xf32>
    %get3A_193 = vector.shape_cast %get3A_192 : vector<40x1x300xf32> to vector<40x300xf32>
    %max3A_194 = arith.maximumf %max3A_188, %get3A_193 : vector<40x300xf32>
    %get3A_195 = arith.constant 0 : index
    %get3A_196 = arith.constant 33 : index
    %get3A_197 = arith.constant 0 : index
    %get3A_198 = vector.load %arg1[%get3A_195, %get3A_196, %get3A_197] : memref<40x50x300xf32, #tpu.memory_space<vmem>>, vector<40x1x300xf32>
    %get3A_199 = vector.shape_cast %get3A_198 : vector<40x1x300xf32> to vector<40x300xf32>
    %max3A_200 = arith.maximumf %max3A_194, %get3A_199 : vector<40x300xf32>
    %get3A_201 = arith.constant 0 : index
    %get3A_202 = arith.constant 34 : index
    %get3A_203 = arith.constant 0 : index
    %get3A_204 = vector.load %arg1[%get3A_201, %get3A_202, %get3A_203] : memref<40x50x300xf32, #tpu.memory_space<vmem>>, vector<40x1x300xf32>
    %get3A_205 = vector.shape_cast %get3A_204 : vector<40x1x300xf32> to vector<40x300xf32>
    %max3A_206 = arith.maximumf %max3A_200, %get3A_205 : vector<40x300xf32>
    %get3A_207 = arith.constant 0 : index
    %get3A_208 = arith.constant 35 : index
    %get3A_209 = arith.constant 0 : index
    %get3A_210 = vector.load %arg1[%get3A_207, %get3A_208, %get3A_209] : memref<40x50x300xf32, #tpu.memory_space<vmem>>, vector<40x1x300xf32>
    %get3A_211 = vector.shape_cast %get3A_210 : vector<40x1x300xf32> to vector<40x300xf32>
    %max3A_212 = arith.maximumf %max3A_206, %get3A_211 : vector<40x300xf32>
    %get3A_213 = arith.constant 0 : index
    %get3A_214 = arith.constant 36 : index
    %get3A_215 = arith.constant 0 : index
    %get3A_216 = vector.load %arg1[%get3A_213, %get3A_214, %get3A_215] : memref<40x50x300xf32, #tpu.memory_space<vmem>>, vector<40x1x300xf32>
    %get3A_217 = vector.shape_cast %get3A_216 : vector<40x1x300xf32> to vector<40x300xf32>
    %max3A_218 = arith.maximumf %max3A_212, %get3A_217 : vector<40x300xf32>
    %get3A_219 = arith.constant 0 : index
    %get3A_220 = arith.constant 37 : index
    %get3A_221 = arith.constant 0 : index
    %get3A_222 = vector.load %arg1[%get3A_219, %get3A_220, %get3A_221] : memref<40x50x300xf32, #tpu.memory_space<vmem>>, vector<40x1x300xf32>
    %get3A_223 = vector.shape_cast %get3A_222 : vector<40x1x300xf32> to vector<40x300xf32>
    %max3A_224 = arith.maximumf %max3A_218, %get3A_223 : vector<40x300xf32>
    %get3A_225 = arith.constant 0 : index
    %get3A_226 = arith.constant 38 : index
    %get3A_227 = arith.constant 0 : index
    %get3A_228 = vector.load %arg1[%get3A_225, %get3A_226, %get3A_227] : memref<40x50x300xf32, #tpu.memory_space<vmem>>, vector<40x1x300xf32>
    %get3A_229 = vector.shape_cast %get3A_228 : vector<40x1x300xf32> to vector<40x300xf32>
    %max3A_230 = arith.maximumf %max3A_224, %get3A_229 : vector<40x300xf32>
    %get3A_231 = arith.constant 0 : index
    %get3A_232 = arith.constant 39 : index
    %get3A_233 = arith.constant 0 : index
    %get3A_234 = vector.load %arg1[%get3A_231, %get3A_232, %get3A_233] : memref<40x50x300xf32, #tpu.memory_space<vmem>>, vector<40x1x300xf32>
    %get3A_235 = vector.shape_cast %get3A_234 : vector<40x1x300xf32> to vector<40x300xf32>
    %max3A_236 = arith.maximumf %max3A_230, %get3A_235 : vector<40x300xf32>
    %get3A_237 = arith.constant 0 : index
    %get3A_238 = arith.constant 40 : index
    %get3A_239 = arith.constant 0 : index
    %get3A_240 = vector.load %arg1[%get3A_237, %get3A_238, %get3A_239] : memref<40x50x300xf32, #tpu.memory_space<vmem>>, vector<40x1x300xf32>
    %get3A_241 = vector.shape_cast %get3A_240 : vector<40x1x300xf32> to vector<40x300xf32>
    %max3A_242 = arith.maximumf %max3A_236, %get3A_241 : vector<40x300xf32>
    %get3A_243 = arith.constant 0 : index
    %get3A_244 = arith.constant 41 : index
    %get3A_245 = arith.constant 0 : index
    %get3A_246 = vector.load %arg1[%get3A_243, %get3A_244, %get3A_245] : memref<40x50x300xf32, #tpu.memory_space<vmem>>, vector<40x1x300xf32>
    %get3A_247 = vector.shape_cast %get3A_246 : vector<40x1x300xf32> to vector<40x300xf32>
    %max3A_248 = arith.maximumf %max3A_242, %get3A_247 : vector<40x300xf32>
    %get3A_249 = arith.constant 0 : index
    %get3A_250 = arith.constant 42 : index
    %get3A_251 = arith.constant 0 : index
    %get3A_252 = vector.load %arg1[%get3A_249, %get3A_250, %get3A_251] : memref<40x50x300xf32, #tpu.memory_space<vmem>>, vector<40x1x300xf32>
    %get3A_253 = vector.shape_cast %get3A_252 : vector<40x1x300xf32> to vector<40x300xf32>
    %max3A_254 = arith.maximumf %max3A_248, %get3A_253 : vector<40x300xf32>
    %get3A_255 = arith.constant 0 : index
    %get3A_256 = arith.constant 43 : index
    %get3A_257 = arith.constant 0 : index
    %get3A_258 = vector.load %arg1[%get3A_255, %get3A_256, %get3A_257] : memref<40x50x300xf32, #tpu.memory_space<vmem>>, vector<40x1x300xf32>
    %get3A_259 = vector.shape_cast %get3A_258 : vector<40x1x300xf32> to vector<40x300xf32>
    %max3A_260 = arith.maximumf %max3A_254, %get3A_259 : vector<40x300xf32>
    %get3A_261 = arith.constant 0 : index
    %get3A_262 = arith.constant 44 : index
    %get3A_263 = arith.constant 0 : index
    %get3A_264 = vector.load %arg1[%get3A_261, %get3A_262, %get3A_263] : memref<40x50x300xf32, #tpu.memory_space<vmem>>, vector<40x1x300xf32>
    %get3A_265 = vector.shape_cast %get3A_264 : vector<40x1x300xf32> to vector<40x300xf32>
    %max3A_266 = arith.maximumf %max3A_260, %get3A_265 : vector<40x300xf32>
    %get3A_267 = arith.constant 0 : index
    %get3A_268 = arith.constant 45 : index
    %get3A_269 = arith.constant 0 : index
    %get3A_270 = vector.load %arg1[%get3A_267, %get3A_268, %get3A_269] : memref<40x50x300xf32, #tpu.memory_space<vmem>>, vector<40x1x300xf32>
    %get3A_271 = vector.shape_cast %get3A_270 : vector<40x1x300xf32> to vector<40x300xf32>
    %max3A_272 = arith.maximumf %max3A_266, %get3A_271 : vector<40x300xf32>
    %get3A_273 = arith.constant 0 : index
    %get3A_274 = arith.constant 46 : index
    %get3A_275 = arith.constant 0 : index
    %get3A_276 = vector.load %arg1[%get3A_273, %get3A_274, %get3A_275] : memref<40x50x300xf32, #tpu.memory_space<vmem>>, vector<40x1x300xf32>
    %get3A_277 = vector.shape_cast %get3A_276 : vector<40x1x300xf32> to vector<40x300xf32>
    %max3A_278 = arith.maximumf %max3A_272, %get3A_277 : vector<40x300xf32>
    %get3A_279 = arith.constant 0 : index
    %get3A_280 = arith.constant 47 : index
    %get3A_281 = arith.constant 0 : index
    %get3A_282 = vector.load %arg1[%get3A_279, %get3A_280, %get3A_281] : memref<40x50x300xf32, #tpu.memory_space<vmem>>, vector<40x1x300xf32>
    %get3A_283 = vector.shape_cast %get3A_282 : vector<40x1x300xf32> to vector<40x300xf32>
    %max3A_284 = arith.maximumf %max3A_278, %get3A_283 : vector<40x300xf32>
    %get3A_285 = arith.constant 0 : index
    %get3A_286 = arith.constant 48 : index
    %get3A_287 = arith.constant 0 : index
    %get3A_288 = vector.load %arg1[%get3A_285, %get3A_286, %get3A_287] : memref<40x50x300xf32, #tpu.memory_space<vmem>>, vector<40x1x300xf32>
    %get3A_289 = vector.shape_cast %get3A_288 : vector<40x1x300xf32> to vector<40x300xf32>
    %max3A_290 = arith.maximumf %max3A_284, %get3A_289 : vector<40x300xf32>
    %get3A_291 = arith.constant 0 : index
    %get3A_292 = arith.constant 49 : index
    %get3A_293 = arith.constant 0 : index
    %get3A_294 = vector.load %arg1[%get3A_291, %get3A_292, %get3A_293] : memref<40x50x300xf32, #tpu.memory_space<vmem>>, vector<40x1x300xf32>
    %get3A_295 = vector.shape_cast %get3A_294 : vector<40x1x300xf32> to vector<40x300xf32>
    %max3A_296 = arith.maximumf %max3A_290, %get3A_295 : vector<40x300xf32>
    %swap3A = arith.constant 0 : index
    %swap3A_297 = arith.constant 0 : index
    %swap3A_298 = vector.load %arg2[%swap3A, %swap3A_297] : memref<40x300xf32, #tpu.memory_space<vmem>>, vector<40x300xf32>
    tpu.vector_store %arg2[%swap3A, %swap3A_297], %max3A_296 {strides = array<i32>} : memref<40x300xf32, #tpu.memory_space<vmem>>, vector<40x300xf32>,
    return
  }
  func.func @transform_0(%arg0: i32) -> (i32, i32, i32) {
    %c0_i32 = arith.constant 0 : i32
    %c0_i32_0 = arith.constant 0 : i32
    %c0_i32_1 = arith.constant 0 : i32
    return %arg0, %c0_i32, %c0_i32_0 : i32, i32, i32
  }
  func.func @transform_1(%arg0: i32) -> (i32, i32) {
    %c0_i32 = arith.constant 0 : i32
    %c0_i32_0 = arith.constant 0 : i32
    return %arg0, %c0_i32 : i32, i32
  }
}

module attributes {stable_mosaic.version = 14 : i64} {
  func.func @body(%arg0: i32, %arg1: memref<1x1000x300xf32, #tpu.memory_space<vmem>>, %arg2: memref<1x1000x300xf32, #tpu.memory_space<vmem>>, %arg3: memref<1000x300xf32, #tpu.memory_space<vmem>>, %arg4: memref<300x300xf32, #tpu.memory_space<vmem>>, %arg5: memref<300x300xf32, #tpu.memory_space<vmem>>, %arg6: memref<300x300xf32, #tpu.memory_space<vmem>>, %arg7: memref<300x300xf32, #tpu.memory_space<vmem>>, %arg8: memref<300x300xf32, #tpu.memory_space<vmem>>, %arg9: memref<300x300xf32, #tpu.memory_space<vmem>>, %arg10: memref<1x300xf32, #tpu.memory_space<vmem>>, %arg11: memref<1x300xf32, #tpu.memory_space<vmem>>, %arg12: memref<1x300xf32, #tpu.memory_space<vmem>>, %arg13: memref<1x300xf32, #tpu.memory_space<vmem>>, %arg14: memref<300x300xf32, #tpu.memory_space<vmem>>, %arg15: memref<300x300xf32, #tpu.memory_space<vmem>>, %arg16: memref<300x300xf32, #tpu.memory_space<vmem>>, %arg17: memref<300x300xf32, #tpu.memory_space<vmem>>, %arg18: memref<300x300xf32, #tpu.memory_space<vmem>>, %arg19: memref<300x300xf32, #tpu.memory_space<vmem>>, %arg20: memref<1x300xf32, #tpu.memory_space<vmem>>, %arg21: memref<1x300xf32, #tpu.memory_space<vmem>>, %arg22: memref<1x300xf32, #tpu.memory_space<vmem>>, %arg23: memref<1x300xf32, #tpu.memory_space<vmem>>, %arg24: memref<1x1000x300xf32, #tpu.memory_space<vmem>>, %arg25: memref<1x1000x300xf32, #tpu.memory_space<vmem>>, %arg26: memref<1000x300xf32, #tpu.memory_space<vmem>>, %arg27: memref<1000x300xf32, #tpu.memory_space<vmem>>) attributes {dimension_semantics = [#tpu.dimension_semantics<arbitrary>], iteration_bounds = array<i64: 50>, scalar_prefetch = 0 : i64, scratch_operands = 2 : i64, tpu.core_type = #tpu.core_type<tc>, window_params = [{transform_indices = @transform_0, window_bounds = array<i64: 1, 1000, 300>}, {transform_indices = @transform_1, window_bounds = array<i64: 1, 1000, 300>}, {pipeline_mode = #tpu.pipeline_mode<synchronous>, transform_indices = @transform_2, window_bounds = array<i64: 1000, 300>}, {pipeline_mode = #tpu.pipeline_mode<synchronous>, transform_indices = @transform_3, window_bounds = array<i64: 300, 300>}, {pipeline_mode = #tpu.pipeline_mode<synchronous>, transform_indices = @transform_4, window_bounds = array<i64: 300, 300>}, {pipeline_mode = #tpu.pipeline_mode<synchronous>, transform_indices = @transform_5, window_bounds = array<i64: 300, 300>}, {pipeline_mode = #tpu.pipeline_mode<synchronous>, transform_indices = @transform_6, window_bounds = array<i64: 300, 300>}, {pipeline_mode = #tpu.pipeline_mode<synchronous>, transform_indices = @transform_7, window_bounds = array<i64: 300, 300>}, {pipeline_mode = #tpu.pipeline_mode<synchronous>, transform_indices = @transform_8, window_bounds = array<i64: 300, 300>}, {pipeline_mode = #tpu.pipeline_mode<synchronous>, transform_indices = @transform_9, window_bounds = array<i64: 1, 300>}, {pipeline_mode = #tpu.pipeline_mode<synchronous>, transform_indices = @transform_10, window_bounds = array<i64: 1, 300>}, {pipeline_mode = #tpu.pipeline_mode<synchronous>, transform_indices = @transform_11, window_bounds = array<i64: 1, 300>}, {pipeline_mode = #tpu.pipeline_mode<synchronous>, transform_indices = @transform_12, window_bounds = array<i64: 1, 300>}, {pipeline_mode = #tpu.pipeline_mode<synchronous>, transform_indices = @transform_13, window_bounds = array<i64: 300, 300>}, {pipeline_mode = #tpu.pipeline_mode<synchronous>, transform_indices = @transform_14, window_bounds = array<i64: 300, 300>}, {pipeline_mode = #tpu.pipeline_mode<synchronous>, transform_indices = @transform_15, window_bounds = array<i64: 300, 300>}, {pipeline_mode = #tpu.pipeline_mode<synchronous>, transform_indices = @transform_16, window_bounds = array<i64: 300, 300>}, {pipeline_mode = #tpu.pipeline_mode<synchronous>, transform_indices = @transform_17, window_bounds = array<i64: 300, 300>}, {pipeline_mode = #tpu.pipeline_mode<synchronous>, transform_indices = @transform_18, window_bounds = array<i64: 300, 300>}, {pipeline_mode = #tpu.pipeline_mode<synchronous>, transform_indices = @transform_19, window_bounds = array<i64: 1, 300>}, {pipeline_mode = #tpu.pipeline_mode<synchronous>, transform_indices = @transform_20, window_bounds = array<i64: 1, 300>}, {pipeline_mode = #tpu.pipeline_mode<synchronous>, transform_indices = @transform_21, window_bounds = array<i64: 1, 300>}, {pipeline_mode = #tpu.pipeline_mode<synchronous>, transform_indices = @transform_22, window_bounds = array<i64: 1, 300>}, {transform_indices = @transform_23, window_bounds = array<i64: 1, 1000, 300>}, {transform_indices = @transform_24, window_bounds = array<i64: 1, 1000, 300>}]} {
    %eq3A = arith.constant 0 : i32
    %eq3A_0 = arith.cmpi eq, %arg0, %eq3A : i32
    %convert_element_type3A = arith.extui %eq3A_0 : i1 to i32
    %cond3A = arith.constant 0 : i32
    %cond3A_1 = arith.cmpi ne, %convert_element_type3A, %cond3A : i32
    scf.if %cond3A_1 {
      %get3A_174 = arith.constant 0 : index
      %get3A_175 = arith.constant 0 : index
      %get3A_176 = vector.load %arg3[%get3A_174, %get3A_175] : memref<1000x300xf32, #tpu.memory_space<vmem>>, vector<1000x300xf32>
      %swap3A_177 = arith.constant 0 : index
      %swap3A_178 = arith.constant 0 : index
      %swap3A_179 = vector.load %arg26[%swap3A_177, %swap3A_178] : memref<1000x300xf32, #tpu.memory_space<vmem>>, vector<1000x300xf32>
      tpu.vector_store %arg26[%swap3A_177, %swap3A_178], %get3A_176 {strides = array<i32>} : memref<1000x300xf32, #tpu.memory_space<vmem>>, vector<1000x300xf32>,
      %get3A_180 = arith.constant 0 : index
      %get3A_181 = arith.constant 0 : index
      %get3A_182 = vector.load %arg3[%get3A_180, %get3A_181] : memref<1000x300xf32, #tpu.memory_space<vmem>>, vector<1000x300xf32>
      %swap3A_183 = arith.constant 0 : index
      %swap3A_184 = arith.constant 0 : index
      %swap3A_185 = vector.load %arg27[%swap3A_183, %swap3A_184] : memref<1000x300xf32, #tpu.memory_space<vmem>>, vector<1000x300xf32>
      tpu.vector_store %arg27[%swap3A_183, %swap3A_184], %get3A_182 {strides = array<i32>} : memref<1000x300xf32, #tpu.memory_space<vmem>>, vector<1000x300xf32>,
    } else {
    }
    %get3A = arith.constant 0 : index
    %get3A_2 = arith.constant 0 : index
    %get3A_3 = arith.constant 0 : index
    %get3A_4 = vector.load %arg1[%get3A, %get3A_2, %get3A_3] : memref<1x1000x300xf32, #tpu.memory_space<vmem>>, vector<1x1000x300xf32>
    %get3A_5 = vector.shape_cast %get3A_4 : vector<1x1000x300xf32> to vector<1000x300xf32>
    %get3A_6 = arith.constant 0 : index
    %get3A_7 = arith.constant 0 : index
    %get3A_8 = vector.load %arg26[%get3A_6, %get3A_7] : memref<1000x300xf32, #tpu.memory_space<vmem>>, vector<1000x300xf32>
    %get3A_9 = arith.constant 0 : index
    %get3A_10 = arith.constant 0 : index
    %get3A_11 = vector.load %arg4[%get3A_9, %get3A_10] : memref<300x300xf32, #tpu.memory_space<vmem>>, vector<300x300xf32>
    %dot_general3A = arith.constant dense<0.000000e+00> : vector<1000x300xf32>
    %dot_general3A_12 = tpu.matmul %get3A_5, %get3A_11, %dot_general3A {dimension_numbers = #tpu.dot_dimension_numbers<[1], [0], [0], [1], [0, 0, 1, 1], [], []>, transpose_lhs_hint = false} : vector<1000x300xf32>, vector<300x300xf32>, vector<1000x300xf32> -> vector<1000x300xf32>
    %get3A_13 = arith.constant 0 : index
    %get3A_14 = arith.constant 0 : index
    %get3A_15 = vector.load %arg7[%get3A_13, %get3A_14] : memref<300x300xf32, #tpu.memory_space<vmem>>, vector<300x300xf32>
    %dot_general3A_16 = arith.constant dense<0.000000e+00> : vector<1000x300xf32>
    %dot_general3A_17 = tpu.matmul %get3A_8, %get3A_15, %dot_general3A_16 {dimension_numbers = #tpu.dot_dimension_numbers<[1], [0], [0], [1], [0, 0, 1, 1], [], []>, transpose_lhs_hint = false} : vector<1000x300xf32>, vector<300x300xf32>, vector<1000x300xf32> -> vector<1000x300xf32>
    %add3A = arith.addf %dot_general3A_12, %dot_general3A_17 : vector<1000x300xf32>
    %get3A_18 = arith.constant 0 : index
    %get3A_19 = arith.constant 0 : index
    %get3A_20 = vector.load %arg10[%get3A_18, %get3A_19] : memref<1x300xf32, #tpu.memory_space<vmem>>, vector<1x300xf32>
    %add3A_21 = vector.broadcast %get3A_20 : vector<1x300xf32> to vector<1000x300xf32>
    %add3A_22 = arith.addf %add3A, %add3A_21 : vector<1000x300xf32>
    %logistic3A = arith.negf %add3A_22 : vector<1000x300xf32>
    %logistic3A_23 = math.exp %logistic3A : vector<1000x300xf32>
    %logistic3A_24 = arith.constant 1.000000e+00 : f32
    %logistic3A_25 = vector.broadcast %logistic3A_24 : f32 to vector<1000x300xf32>
    %logistic3A_26 = arith.addf %logistic3A_25, %logistic3A_23 : vector<1000x300xf32>
    %logistic3A_27 = arith.divf %logistic3A_25, %logistic3A_26 : vector<1000x300xf32>
    %get3A_28 = arith.constant 0 : index
    %get3A_29 = arith.constant 0 : index
    %get3A_30 = vector.load %arg5[%get3A_28, %get3A_29] : memref<300x300xf32, #tpu.memory_space<vmem>>, vector<300x300xf32>
    %dot_general3A_31 = arith.constant dense<0.000000e+00> : vector<1000x300xf32>
    %dot_general3A_32 = tpu.matmul %get3A_5, %get3A_30, %dot_general3A_31 {dimension_numbers = #tpu.dot_dimension_numbers<[1], [0], [0], [1], [0, 0, 1, 1], [], []>, transpose_lhs_hint = false} : vector<1000x300xf32>, vector<300x300xf32>, vector<1000x300xf32> -> vector<1000x300xf32>
    %get3A_33 = arith.constant 0 : index
    %get3A_34 = arith.constant 0 : index
    %get3A_35 = vector.load %arg8[%get3A_33, %get3A_34] : memref<300x300xf32, #tpu.memory_space<vmem>>, vector<300x300xf32>
    %dot_general3A_36 = arith.constant dense<0.000000e+00> : vector<1000x300xf32>
    %dot_general3A_37 = tpu.matmul %get3A_8, %get3A_35, %dot_general3A_36 {dimension_numbers = #tpu.dot_dimension_numbers<[1], [0], [0], [1], [0, 0, 1, 1], [], []>, transpose_lhs_hint = false} : vector<1000x300xf32>, vector<300x300xf32>, vector<1000x300xf32> -> vector<1000x300xf32>
    %add3A_38 = arith.addf %dot_general3A_32, %dot_general3A_37 : vector<1000x300xf32>
    %get3A_39 = arith.constant 0 : index
    %get3A_40 = arith.constant 0 : index
    %get3A_41 = vector.load %arg11[%get3A_39, %get3A_40] : memref<1x300xf32, #tpu.memory_space<vmem>>, vector<1x300xf32>
    %add3A_42 = vector.broadcast %get3A_41 : vector<1x300xf32> to vector<1000x300xf32>
    %add3A_43 = arith.addf %add3A_38, %add3A_42 : vector<1000x300xf32>
    %logistic3A_44 = arith.negf %add3A_43 : vector<1000x300xf32>
    %logistic3A_45 = math.exp %logistic3A_44 : vector<1000x300xf32>
    %logistic3A_46 = arith.constant 1.000000e+00 : f32
    %logistic3A_47 = vector.broadcast %logistic3A_46 : f32 to vector<1000x300xf32>
    %logistic3A_48 = arith.addf %logistic3A_47, %logistic3A_45 : vector<1000x300xf32>
    %logistic3A_49 = arith.divf %logistic3A_47, %logistic3A_48 : vector<1000x300xf32>
    %get3A_50 = arith.constant 0 : index
    %get3A_51 = arith.constant 0 : index
    %get3A_52 = vector.load %arg6[%get3A_50, %get3A_51] : memref<300x300xf32, #tpu.memory_space<vmem>>, vector<300x300xf32>
    %dot_general3A_53 = arith.constant dense<0.000000e+00> : vector<1000x300xf32>
    %dot_general3A_54 = tpu.matmul %get3A_5, %get3A_52, %dot_general3A_53 {dimension_numbers = #tpu.dot_dimension_numbers<[1], [0], [0], [1], [0, 0, 1, 1], [], []>, transpose_lhs_hint = false} : vector<1000x300xf32>, vector<300x300xf32>, vector<1000x300xf32> -> vector<1000x300xf32>
    %get3A_55 = arith.constant 0 : index
    %get3A_56 = arith.constant 0 : index
    %get3A_57 = vector.load %arg12[%get3A_55, %get3A_56] : memref<1x300xf32, #tpu.memory_space<vmem>>, vector<1x300xf32>
    %add3A_58 = vector.broadcast %get3A_57 : vector<1x300xf32> to vector<1000x300xf32>
    %add3A_59 = arith.addf %dot_general3A_54, %add3A_58 : vector<1000x300xf32>
    %get3A_60 = arith.constant 0 : index
    %get3A_61 = arith.constant 0 : index
    %get3A_62 = vector.load %arg9[%get3A_60, %get3A_61] : memref<300x300xf32, #tpu.memory_space<vmem>>, vector<300x300xf32>
    %dot_general3A_63 = arith.constant dense<0.000000e+00> : vector<1000x300xf32>
    %dot_general3A_64 = tpu.matmul %get3A_8, %get3A_62, %dot_general3A_63 {dimension_numbers = #tpu.dot_dimension_numbers<[1], [0], [0], [1], [0, 0, 1, 1], [], []>, transpose_lhs_hint = false} : vector<1000x300xf32>, vector<300x300xf32>, vector<1000x300xf32> -> vector<1000x300xf32>
    %get3A_65 = arith.constant 0 : index
    %get3A_66 = arith.constant 0 : index
    %get3A_67 = vector.load %arg13[%get3A_65, %get3A_66] : memref<1x300xf32, #tpu.memory_space<vmem>>, vector<1x300xf32>
    %add3A_68 = vector.broadcast %get3A_67 : vector<1x300xf32> to vector<1000x300xf32>
    %add3A_69 = arith.addf %dot_general3A_64, %add3A_68 : vector<1000x300xf32>
    %mul3A = arith.mulf %logistic3A_27, %add3A_69 : vector<1000x300xf32>
    %add3A_70 = arith.addf %add3A_59, %mul3A : vector<1000x300xf32>
    %tanh3A = math.tanh %add3A_70 : vector<1000x300xf32>
    %sub3A = arith.constant 1.000000e+00 : f32
    %sub3A_71 = vector.broadcast %sub3A : f32 to vector<1000x300xf32>
    %sub3A_72 = arith.subf %sub3A_71, %logistic3A_49 : vector<1000x300xf32>
    %mul3A_73 = arith.mulf %sub3A_72, %tanh3A : vector<1000x300xf32>
    %mul3A_74 = arith.mulf %logistic3A_49, %get3A_8 : vector<1000x300xf32>
    %add3A_75 = arith.addf %mul3A_73, %mul3A_74 : vector<1000x300xf32>
    %swap3A = arith.constant 0 : index
    %swap3A_76 = arith.constant 0 : index
    %swap3A_77 = vector.load %arg26[%swap3A, %swap3A_76] : memref<1000x300xf32, #tpu.memory_space<vmem>>, vector<1000x300xf32>
    tpu.vector_store %arg26[%swap3A, %swap3A_76], %add3A_75 {strides = array<i32>} : memref<1000x300xf32, #tpu.memory_space<vmem>>, vector<1000x300xf32>,
    %swap3A_78 = arith.constant 0 : index
    %swap3A_79 = arith.constant 0 : index
    %swap3A_80 = arith.constant 0 : index
    %swap3A_81 = vector.load %arg24[%swap3A_78, %swap3A_79, %swap3A_80] : memref<1x1000x300xf32, #tpu.memory_space<vmem>>, vector<1x1000x300xf32>
    %swap3A_82 = vector.shape_cast %swap3A_81 : vector<1x1000x300xf32> to vector<1000x300xf32>
    %swap3A_83 = vector.shape_cast %add3A_75 : vector<1000x300xf32> to vector<1x1000x300xf32>
    tpu.vector_store %arg24[%swap3A_78, %swap3A_79, %swap3A_80], %swap3A_83 {strides = array<i32>} : memref<1x1000x300xf32, #tpu.memory_space<vmem>>, vector<1x1000x300xf32>,
    %get3A_84 = arith.constant 0 : index
    %get3A_85 = arith.constant 0 : index
    %get3A_86 = arith.constant 0 : index
    %get3A_87 = vector.load %arg2[%get3A_84, %get3A_85, %get3A_86] : memref<1x1000x300xf32, #tpu.memory_space<vmem>>, vector<1x1000x300xf32>
    %get3A_88 = vector.shape_cast %get3A_87 : vector<1x1000x300xf32> to vector<1000x300xf32>
    %get3A_89 = arith.constant 0 : index
    %get3A_90 = arith.constant 0 : index
    %get3A_91 = vector.load %arg27[%get3A_89, %get3A_90] : memref<1000x300xf32, #tpu.memory_space<vmem>>, vector<1000x300xf32>
    %get3A_92 = arith.constant 0 : index
    %get3A_93 = arith.constant 0 : index
    %get3A_94 = vector.load %arg14[%get3A_92, %get3A_93] : memref<300x300xf32, #tpu.memory_space<vmem>>, vector<300x300xf32>
    %dot_general3A_95 = arith.constant dense<0.000000e+00> : vector<1000x300xf32>
    %dot_general3A_96 = tpu.matmul %get3A_88, %get3A_94, %dot_general3A_95 {dimension_numbers = #tpu.dot_dimension_numbers<[1], [0], [0], [1], [0, 0, 1, 1], [], []>, transpose_lhs_hint = false} : vector<1000x300xf32>, vector<300x300xf32>, vector<1000x300xf32> -> vector<1000x300xf32>
    %get3A_97 = arith.constant 0 : index
    %get3A_98 = arith.constant 0 : index
    %get3A_99 = vector.load %arg17[%get3A_97, %get3A_98] : memref<300x300xf32, #tpu.memory_space<vmem>>, vector<300x300xf32>
    %dot_general3A_100 = arith.constant dense<0.000000e+00> : vector<1000x300xf32>
    %dot_general3A_101 = tpu.matmul %get3A_91, %get3A_99, %dot_general3A_100 {dimension_numbers = #tpu.dot_dimension_numbers<[1], [0], [0], [1], [0, 0, 1, 1], [], []>, transpose_lhs_hint = false} : vector<1000x300xf32>, vector<300x300xf32>, vector<1000x300xf32> -> vector<1000x300xf32>
    %add3A_102 = arith.addf %dot_general3A_96, %dot_general3A_101 : vector<1000x300xf32>
    %get3A_103 = arith.constant 0 : index
    %get3A_104 = arith.constant 0 : index
    %get3A_105 = vector.load %arg20[%get3A_103, %get3A_104] : memref<1x300xf32, #tpu.memory_space<vmem>>, vector<1x300xf32>
    %add3A_106 = vector.broadcast %get3A_105 : vector<1x300xf32> to vector<1000x300xf32>
    %add3A_107 = arith.addf %add3A_102, %add3A_106 : vector<1000x300xf32>
    %logistic3A_108 = arith.negf %add3A_107 : vector<1000x300xf32>
    %logistic3A_109 = math.exp %logistic3A_108 : vector<1000x300xf32>
    %logistic3A_110 = arith.constant 1.000000e+00 : f32
    %logistic3A_111 = vector.broadcast %logistic3A_110 : f32 to vector<1000x300xf32>
    %logistic3A_112 = arith.addf %logistic3A_111, %logistic3A_109 : vector<1000x300xf32>
    %logistic3A_113 = arith.divf %logistic3A_111, %logistic3A_112 : vector<1000x300xf32>
    %get3A_114 = arith.constant 0 : index
    %get3A_115 = arith.constant 0 : index
    %get3A_116 = vector.load %arg15[%get3A_114, %get3A_115] : memref<300x300xf32, #tpu.memory_space<vmem>>, vector<300x300xf32>
    %dot_general3A_117 = arith.constant dense<0.000000e+00> : vector<1000x300xf32>
    %dot_general3A_118 = tpu.matmul %get3A_88, %get3A_116, %dot_general3A_117 {dimension_numbers = #tpu.dot_dimension_numbers<[1], [0], [0], [1], [0, 0, 1, 1], [], []>, transpose_lhs_hint = false} : vector<1000x300xf32>, vector<300x300xf32>, vector<1000x300xf32> -> vector<1000x300xf32>
    %get3A_119 = arith.constant 0 : index
    %get3A_120 = arith.constant 0 : index
    %get3A_121 = vector.load %arg18[%get3A_119, %get3A_120] : memref<300x300xf32, #tpu.memory_space<vmem>>, vector<300x300xf32>
    %dot_general3A_122 = arith.constant dense<0.000000e+00> : vector<1000x300xf32>
    %dot_general3A_123 = tpu.matmul %get3A_91, %get3A_121, %dot_general3A_122 {dimension_numbers = #tpu.dot_dimension_numbers<[1], [0], [0], [1], [0, 0, 1, 1], [], []>, transpose_lhs_hint = false} : vector<1000x300xf32>, vector<300x300xf32>, vector<1000x300xf32> -> vector<1000x300xf32>
    %add3A_124 = arith.addf %dot_general3A_118, %dot_general3A_123 : vector<1000x300xf32>
    %get3A_125 = arith.constant 0 : index
    %get3A_126 = arith.constant 0 : index
    %get3A_127 = vector.load %arg21[%get3A_125, %get3A_126] : memref<1x300xf32, #tpu.memory_space<vmem>>, vector<1x300xf32>
    %add3A_128 = vector.broadcast %get3A_127 : vector<1x300xf32> to vector<1000x300xf32>
    %add3A_129 = arith.addf %add3A_124, %add3A_128 : vector<1000x300xf32>
    %logistic3A_130 = arith.negf %add3A_129 : vector<1000x300xf32>
    %logistic3A_131 = math.exp %logistic3A_130 : vector<1000x300xf32>
    %logistic3A_132 = arith.constant 1.000000e+00 : f32
    %logistic3A_133 = vector.broadcast %logistic3A_132 : f32 to vector<1000x300xf32>
    %logistic3A_134 = arith.addf %logistic3A_133, %logistic3A_131 : vector<1000x300xf32>
    %logistic3A_135 = arith.divf %logistic3A_133, %logistic3A_134 : vector<1000x300xf32>
    %get3A_136 = arith.constant 0 : index
    %get3A_137 = arith.constant 0 : index
    %get3A_138 = vector.load %arg16[%get3A_136, %get3A_137] : memref<300x300xf32, #tpu.memory_space<vmem>>, vector<300x300xf32>
    %dot_general3A_139 = arith.constant dense<0.000000e+00> : vector<1000x300xf32>
    %dot_general3A_140 = tpu.matmul %get3A_88, %get3A_138, %dot_general3A_139 {dimension_numbers = #tpu.dot_dimension_numbers<[1], [0], [0], [1], [0, 0, 1, 1], [], []>, transpose_lhs_hint = false} : vector<1000x300xf32>, vector<300x300xf32>, vector<1000x300xf32> -> vector<1000x300xf32>
    %get3A_141 = arith.constant 0 : index
    %get3A_142 = arith.constant 0 : index
    %get3A_143 = vector.load %arg22[%get3A_141, %get3A_142] : memref<1x300xf32, #tpu.memory_space<vmem>>, vector<1x300xf32>
    %add3A_144 = vector.broadcast %get3A_143 : vector<1x300xf32> to vector<1000x300xf32>
    %add3A_145 = arith.addf %dot_general3A_140, %add3A_144 : vector<1000x300xf32>
    %get3A_146 = arith.constant 0 : index
    %get3A_147 = arith.constant 0 : index
    %get3A_148 = vector.load %arg19[%get3A_146, %get3A_147] : memref<300x300xf32, #tpu.memory_space<vmem>>, vector<300x300xf32>
    %dot_general3A_149 = arith.constant dense<0.000000e+00> : vector<1000x300xf32>
    %dot_general3A_150 = tpu.matmul %get3A_91, %get3A_148, %dot_general3A_149 {dimension_numbers = #tpu.dot_dimension_numbers<[1], [0], [0], [1], [0, 0, 1, 1], [], []>, transpose_lhs_hint = false} : vector<1000x300xf32>, vector<300x300xf32>, vector<1000x300xf32> -> vector<1000x300xf32>
    %get3A_151 = arith.constant 0 : index
    %get3A_152 = arith.constant 0 : index
    %get3A_153 = vector.load %arg23[%get3A_151, %get3A_152] : memref<1x300xf32, #tpu.memory_space<vmem>>, vector<1x300xf32>
    %add3A_154 = vector.broadcast %get3A_153 : vector<1x300xf32> to vector<1000x300xf32>
    %add3A_155 = arith.addf %dot_general3A_150, %add3A_154 : vector<1000x300xf32>
    %mul3A_156 = arith.mulf %logistic3A_113, %add3A_155 : vector<1000x300xf32>
    %add3A_157 = arith.addf %add3A_145, %mul3A_156 : vector<1000x300xf32>
    %tanh3A_158 = math.tanh %add3A_157 : vector<1000x300xf32>
    %sub3A_159 = arith.constant 1.000000e+00 : f32
    %sub3A_160 = vector.broadcast %sub3A_159 : f32 to vector<1000x300xf32>
    %sub3A_161 = arith.subf %sub3A_160, %logistic3A_135 : vector<1000x300xf32>
    %mul3A_162 = arith.mulf %sub3A_161, %tanh3A_158 : vector<1000x300xf32>
    %mul3A_163 = arith.mulf %logistic3A_135, %get3A_91 : vector<1000x300xf32>
    %add3A_164 = arith.addf %mul3A_162, %mul3A_163 : vector<1000x300xf32>
    %swap3A_165 = arith.constant 0 : index
    %swap3A_166 = arith.constant 0 : index
    %swap3A_167 = vector.load %arg27[%swap3A_165, %swap3A_166] : memref<1000x300xf32, #tpu.memory_space<vmem>>, vector<1000x300xf32>
    tpu.vector_store %arg27[%swap3A_165, %swap3A_166], %add3A_164 {strides = array<i32>} : memref<1000x300xf32, #tpu.memory_space<vmem>>, vector<1000x300xf32>,
    %swap3A_168 = arith.constant 0 : index
    %swap3A_169 = arith.constant 0 : index
    %swap3A_170 = arith.constant 0 : index
    %swap3A_171 = vector.load %arg25[%swap3A_168, %swap3A_169, %swap3A_170] : memref<1x1000x300xf32, #tpu.memory_space<vmem>>, vector<1x1000x300xf32>
    %swap3A_172 = vector.shape_cast %swap3A_171 : vector<1x1000x300xf32> to vector<1000x300xf32>
    %swap3A_173 = vector.shape_cast %add3A_164 : vector<1000x300xf32> to vector<1x1000x300xf32>
    tpu.vector_store %arg25[%swap3A_168, %swap3A_169, %swap3A_170], %swap3A_173 {strides = array<i32>} : memref<1x1000x300xf32, #tpu.memory_space<vmem>>, vector<1x1000x300xf32>,
    return
  }
  func.func @transform_0(%arg0: i32) -> (i32, i32, i32) {
    %c0_i32 = arith.constant 0 : i32
    %c0_i32_0 = arith.constant 0 : i32
    %c0_i32_1 = arith.constant 0 : i32
    return %arg0, %c0_i32, %c0_i32_0 : i32, i32, i32
  }
  func.func @transform_1(%arg0: i32) -> (i32, i32, i32) {
    %sub3A = arith.constant 49 : i32
    %sub3A_0 = arith.subi %sub3A, %arg0 : i32
    %c0_i32 = arith.constant 0 : i32
    %c0_i32_1 = arith.constant 0 : i32
    %c0_i32_2 = arith.constant 0 : i32
    return %sub3A_0, %c0_i32, %c0_i32_1 : i32, i32, i32
  }
  func.func @transform_2(%arg0: i32) -> (i32, i32) {
    %c0_i32 = arith.constant 0 : i32
    %c0_i32_0 = arith.constant 0 : i32
    %c0_i32_1 = arith.constant 0 : i32
    return %c0_i32, %c0_i32_0 : i32, i32
  }
  func.func @transform_3(%arg0: i32) -> (i32, i32) {
    %c0_i32 = arith.constant 0 : i32
    %c0_i32_0 = arith.constant 0 : i32
    %c0_i32_1 = arith.constant 0 : i32
    return %c0_i32, %c0_i32_0 : i32, i32
  }
  func.func @transform_4(%arg0: i32) -> (i32, i32) {
    %c0_i32 = arith.constant 0 : i32
    %c0_i32_0 = arith.constant 0 : i32
    %c0_i32_1 = arith.constant 0 : i32
    return %c0_i32, %c0_i32_0 : i32, i32
  }
  func.func @transform_5(%arg0: i32) -> (i32, i32) {
    %c0_i32 = arith.constant 0 : i32
    %c0_i32_0 = arith.constant 0 : i32
    %c0_i32_1 = arith.constant 0 : i32
    return %c0_i32, %c0_i32_0 : i32, i32
  }
  func.func @transform_6(%arg0: i32) -> (i32, i32) {
    %c0_i32 = arith.constant 0 : i32
    %c0_i32_0 = arith.constant 0 : i32
    %c0_i32_1 = arith.constant 0 : i32
    return %c0_i32, %c0_i32_0 : i32, i32
  }
  func.func @transform_7(%arg0: i32) -> (i32, i32) {
    %c0_i32 = arith.constant 0 : i32
    %c0_i32_0 = arith.constant 0 : i32
    %c0_i32_1 = arith.constant 0 : i32
    return %c0_i32, %c0_i32_0 : i32, i32
  }
  func.func @transform_8(%arg0: i32) -> (i32, i32) {
    %c0_i32 = arith.constant 0 : i32
    %c0_i32_0 = arith.constant 0 : i32
    %c0_i32_1 = arith.constant 0 : i32
    return %c0_i32, %c0_i32_0 : i32, i32
  }
  func.func @transform_9(%arg0: i32) -> (i32, i32) {
    %c0_i32 = arith.constant 0 : i32
    %c0_i32_0 = arith.constant 0 : i32
    %c0_i32_1 = arith.constant 0 : i32
    return %c0_i32, %c0_i32_0 : i32, i32
  }
  func.func @transform_10(%arg0: i32) -> (i32, i32) {
    %c0_i32 = arith.constant 0 : i32
    %c0_i32_0 = arith.constant 0 : i32
    %c0_i32_1 = arith.constant 0 : i32
    return %c0_i32, %c0_i32_0 : i32, i32
  }
  func.func @transform_11(%arg0: i32) -> (i32, i32) {
    %c0_i32 = arith.constant 0 : i32
    %c0_i32_0 = arith.constant 0 : i32
    %c0_i32_1 = arith.constant 0 : i32
    return %c0_i32, %c0_i32_0 : i32, i32
  }
  func.func @transform_12(%arg0: i32) -> (i32, i32) {
    %c0_i32 = arith.constant 0 : i32
    %c0_i32_0 = arith.constant 0 : i32
    %c0_i32_1 = arith.constant 0 : i32
    return %c0_i32, %c0_i32_0 : i32, i32
  }
  func.func @transform_13(%arg0: i32) -> (i32, i32) {
    %c0_i32 = arith.constant 0 : i32
    %c0_i32_0 = arith.constant 0 : i32
    %c0_i32_1 = arith.constant 0 : i32
    return %c0_i32, %c0_i32_0 : i32, i32
  }
  func.func @transform_14(%arg0: i32) -> (i32, i32) {
    %c0_i32 = arith.constant 0 : i32
    %c0_i32_0 = arith.constant 0 : i32
    %c0_i32_1 = arith.constant 0 : i32
    return %c0_i32, %c0_i32_0 : i32, i32
  }
  func.func @transform_15(%arg0: i32) -> (i32, i32) {
    %c0_i32 = arith.constant 0 : i32
    %c0_i32_0 = arith.constant 0 : i32
    %c0_i32_1 = arith.constant 0 : i32
    return %c0_i32, %c0_i32_0 : i32, i32
  }
  func.func @transform_16(%arg0: i32) -> (i32, i32) {
    %c0_i32 = arith.constant 0 : i32
    %c0_i32_0 = arith.constant 0 : i32
    %c0_i32_1 = arith.constant 0 : i32
    return %c0_i32, %c0_i32_0 : i32, i32
  }
  func.func @transform_17(%arg0: i32) -> (i32, i32) {
    %c0_i32 = arith.constant 0 : i32
    %c0_i32_0 = arith.constant 0 : i32
    %c0_i32_1 = arith.constant 0 : i32
    return %c0_i32, %c0_i32_0 : i32, i32
  }
  func.func @transform_18(%arg0: i32) -> (i32, i32) {
    %c0_i32 = arith.constant 0 : i32
    %c0_i32_0 = arith.constant 0 : i32
    %c0_i32_1 = arith.constant 0 : i32
    return %c0_i32, %c0_i32_0 : i32, i32
  }
  func.func @transform_19(%arg0: i32) -> (i32, i32) {
    %c0_i32 = arith.constant 0 : i32
    %c0_i32_0 = arith.constant 0 : i32
    %c0_i32_1 = arith.constant 0 : i32
    return %c0_i32, %c0_i32_0 : i32, i32
  }
  func.func @transform_20(%arg0: i32) -> (i32, i32) {
    %c0_i32 = arith.constant 0 : i32
    %c0_i32_0 = arith.constant 0 : i32
    %c0_i32_1 = arith.constant 0 : i32
    return %c0_i32, %c0_i32_0 : i32, i32
  }
  func.func @transform_21(%arg0: i32) -> (i32, i32) {
    %c0_i32 = arith.constant 0 : i32
    %c0_i32_0 = arith.constant 0 : i32
    %c0_i32_1 = arith.constant 0 : i32
    return %c0_i32, %c0_i32_0 : i32, i32
  }
  func.func @transform_22(%arg0: i32) -> (i32, i32) {
    %c0_i32 = arith.constant 0 : i32
    %c0_i32_0 = arith.constant 0 : i32
    %c0_i32_1 = arith.constant 0 : i32
    return %c0_i32, %c0_i32_0 : i32, i32
  }
  func.func @transform_23(%arg0: i32) -> (i32, i32, i32) {
    %c0_i32 = arith.constant 0 : i32
    %c0_i32_0 = arith.constant 0 : i32
    %c0_i32_1 = arith.constant 0 : i32
    return %arg0, %c0_i32, %c0_i32_0 : i32, i32, i32
  }
  func.func @transform_24(%arg0: i32) -> (i32, i32, i32) {
    %sub3A = arith.constant 49 : i32
    %sub3A_0 = arith.subi %sub3A, %arg0 : i32
    %c0_i32 = arith.constant 0 : i32
    %c0_i32_1 = arith.constant 0 : i32
    %c0_i32_2 = arith.constant 0 : i32
    return %sub3A_0, %c0_i32, %c0_i32_1 : i32, i32, i32
  }
}

module attributes {stable_mosaic.version = 14 : i64} {
  func.func @body(%arg0: i32, %arg1: memref<1x1000x300xf32, #tpu.memory_space<vmem>>, %arg2: memref<1x1000x300xf32, #tpu.memory_space<vmem>>, %arg3: memref<600x300xf32, #tpu.memory_space<vmem>>, %arg4: memref<1x300xf32, #tpu.memory_space<vmem>>, %arg5: memref<1000x300xf32, #tpu.memory_space<vmem>>, %arg6: memref<1000x300xf32, #tpu.memory_space<vmem>>) attributes {dimension_semantics = [#tpu.dimension_semantics<arbitrary>], iteration_bounds = array<i64: 50>, scalar_prefetch = 0 : i64, scratch_operands = 1 : i64, tpu.core_type = #tpu.core_type<tc>, window_params = [{transform_indices = @transform_0, window_bounds = array<i64: 1, 1000, 300>}, {transform_indices = @transform_1, window_bounds = array<i64: 1, 1000, 300>}, {pipeline_mode = #tpu.pipeline_mode<synchronous>, transform_indices = @transform_2, window_bounds = array<i64: 600, 300>}, {pipeline_mode = #tpu.pipeline_mode<synchronous>, transform_indices = @transform_3, window_bounds = array<i64: 1, 300>}, {pipeline_mode = #tpu.pipeline_mode<synchronous>, transform_indices = @transform_4, window_bounds = array<i64: 1000, 300>}]} {
    %get3A = arith.constant 0 : index
    %get3A_0 = arith.constant 0 : index
    %get3A_1 = arith.constant 0 : index
    %get3A_2 = vector.load %arg1[%get3A, %get3A_0, %get3A_1] : memref<1x1000x300xf32, #tpu.memory_space<vmem>>, vector<1x1000x300xf32>
    %get3A_3 = vector.shape_cast %get3A_2 : vector<1x1000x300xf32> to vector<1000x300xf32>
    %get3A_4 = arith.constant 0 : index
    %get3A_5 = arith.constant 0 : index
    %get3A_6 = arith.constant 0 : index
    %get3A_7 = vector.load %arg2[%get3A_4, %get3A_5, %get3A_6] : memref<1x1000x300xf32, #tpu.memory_space<vmem>>, vector<1x1000x300xf32>
    %get3A_8 = vector.shape_cast %get3A_7 : vector<1x1000x300xf32> to vector<1000x300xf32>
    %concatenate3A = tpu.concatenate %get3A_3, %get3A_8 in 1 : vector<1000x300xf32>, vector<1000x300xf32> -> vector<1000x600xf32>
    %get3A_9 = arith.constant 0 : index
    %get3A_10 = arith.constant 0 : index
    %get3A_11 = vector.load %arg3[%get3A_9, %get3A_10] : memref<600x300xf32, #tpu.memory_space<vmem>>, vector<600x300xf32>
    %convert_element_type3A = arith.truncf %concatenate3A : vector<1000x600xf32> to vector<1000x600xbf16>
    %convert_element_type3A_12 = arith.truncf %get3A_11 : vector<600x300xf32> to vector<600x300xbf16>
    %dot_general3A = arith.constant dense<0.000000e+00> : vector<1000x300xf32>
    %dot_general3A_13 = tpu.matmul %convert_element_type3A, %convert_element_type3A_12, %dot_general3A {dimension_numbers = #tpu.dot_dimension_numbers<[1], [0], [0], [1], [0, 0, 1, 1], [], []>, transpose_lhs_hint = false} : vector<1000x600xbf16>, vector<600x300xbf16>, vector<1000x300xf32> -> vector<1000x300xf32>
    %get3A_14 = arith.constant 0 : index
    %get3A_15 = arith.constant 0 : index
    %get3A_16 = vector.load %arg4[%get3A_14, %get3A_15] : memref<1x300xf32, #tpu.memory_space<vmem>>, vector<1x300xf32>
    %add3A = vector.broadcast %get3A_16 : vector<1x300xf32> to vector<1000x300xf32>
    %add3A_17 = arith.addf %dot_general3A_13, %add3A : vector<1000x300xf32>
    %max3A = arith.constant 0.000000e+00 : f32
    %max3A_18 = vector.broadcast %max3A : f32 to vector<1000x300xf32>
    %max3A_19 = arith.maximumf %add3A_17, %max3A_18 : vector<1000x300xf32>
    %eq3A = arith.constant 0 : i32
    %eq3A_20 = arith.cmpi eq, %arg0, %eq3A : i32
    %convert_element_type3A_21 = arith.extui %eq3A_20 : i1 to i32
    %cond3A = arith.constant 0 : i32
    %cond3A_22 = arith.cmpi ne, %convert_element_type3A_21, %cond3A : i32
    scf.if %cond3A_22 {
      %swap3A = arith.constant 0 : index
      %swap3A_32 = arith.constant 0 : index
      %swap3A_33 = vector.load %arg6[%swap3A, %swap3A_32] : memref<1000x300xf32, #tpu.memory_space<vmem>>, vector<1000x300xf32>
      tpu.vector_store %arg6[%swap3A, %swap3A_32], %max3A_19 {strides = array<i32>} : memref<1000x300xf32, #tpu.memory_space<vmem>>, vector<1000x300xf32>,
    } else {
    }
    %gt3A = arith.constant 0 : i32
    %gt3A_23 = arith.cmpi sgt, %arg0, %gt3A : i32
    %convert_element_type3A_24 = arith.extui %gt3A_23 : i1 to i32
    %cond3A_25 = arith.constant 0 : i32
    %cond3A_26 = arith.cmpi ne, %convert_element_type3A_24, %cond3A_25 : i32
    scf.if %cond3A_26 {
      %get3A_32 = arith.constant 0 : index
      %get3A_33 = arith.constant 0 : index
      %get3A_34 = vector.load %arg6[%get3A_32, %get3A_33] : memref<1000x300xf32, #tpu.memory_space<vmem>>, vector<1000x300xf32>
      %add3A_35 = arith.addf %get3A_34, %max3A_19 : vector<1000x300xf32>
      %swap3A = arith.constant 0 : index
      %swap3A_36 = arith.constant 0 : index
      %swap3A_37 = vector.load %arg6[%swap3A, %swap3A_36] : memref<1000x300xf32, #tpu.memory_space<vmem>>, vector<1000x300xf32>
      tpu.vector_store %arg6[%swap3A, %swap3A_36], %add3A_35 {strides = array<i32>} : memref<1000x300xf32, #tpu.memory_space<vmem>>, vector<1000x300xf32>,
    } else {
    }
    %eq3A_27 = arith.constant 49 : i32
    %eq3A_28 = arith.cmpi eq, %arg0, %eq3A_27 : i32
    %convert_element_type3A_29 = arith.extui %eq3A_28 : i1 to i32
    %cond3A_30 = arith.constant 0 : i32
    %cond3A_31 = arith.cmpi ne, %convert_element_type3A_29, %cond3A_30 : i32
    scf.if %cond3A_31 {
      %get3A_32 = arith.constant 0 : index
      %get3A_33 = arith.constant 0 : index
      %get3A_34 = vector.load %arg6[%get3A_32, %get3A_33] : memref<1000x300xf32, #tpu.memory_space<vmem>>, vector<1000x300xf32>
      %mul3A = arith.constant 2.000000e-02 : f32
      %mul3A_35 = vector.broadcast %mul3A : f32 to vector<1000x300xf32>
      %mul3A_36 = arith.mulf %get3A_34, %mul3A_35 : vector<1000x300xf32>
      %swap3A = arith.constant 0 : index
      %swap3A_37 = arith.constant 0 : index
      %swap3A_38 = vector.load %arg5[%swap3A, %swap3A_37] : memref<1000x300xf32, #tpu.memory_space<vmem>>, vector<1000x300xf32>
      tpu.vector_store %arg5[%swap3A, %swap3A_37], %mul3A_36 {strides = array<i32>} : memref<1000x300xf32, #tpu.memory_space<vmem>>, vector<1000x300xf32>,
    } else {
    }
    return
  }
  func.func @transform_0(%arg0: i32) -> (i32, i32, i32) {
    %c0_i32 = arith.constant 0 : i32
    %c0_i32_0 = arith.constant 0 : i32
    %c0_i32_1 = arith.constant 0 : i32
    return %arg0, %c0_i32, %c0_i32_0 : i32, i32, i32
  }
  func.func @transform_1(%arg0: i32) -> (i32, i32, i32) {
    %c0_i32 = arith.constant 0 : i32
    %c0_i32_0 = arith.constant 0 : i32
    %c0_i32_1 = arith.constant 0 : i32
    return %arg0, %c0_i32, %c0_i32_0 : i32, i32, i32
  }
  func.func @transform_2(%arg0: i32) -> (i32, i32) {
    %c0_i32 = arith.constant 0 : i32
    %c0_i32_0 = arith.constant 0 : i32
    %c0_i32_1 = arith.constant 0 : i32
    return %c0_i32, %c0_i32_0 : i32, i32
  }
  func.func @transform_3(%arg0: i32) -> (i32, i32) {
    %c0_i32 = arith.constant 0 : i32
    %c0_i32_0 = arith.constant 0 : i32
    %c0_i32_1 = arith.constant 0 : i32
    return %c0_i32, %c0_i32_0 : i32, i32
  }
  func.func @transform_4(%arg0: i32) -> (i32, i32) {
    %c0_i32 = arith.constant 0 : i32
    %c0_i32_0 = arith.constant 0 : i32
    %c0_i32_1 = arith.constant 0 : i32
    return %c0_i32, %c0_i32_0 : i32, i32
  }
}

</mosaic_0001>

<sc_bundles>
// kernel: kernel.20.cloned.1.call-start
scs
__scs_entry_jumppad:
0x0: {  	(pc) =	sbr.rel $0x88, $3  }
0x1: {  	(tag) =	ssettag $0x0;
	lr =	simm.s32 $0x1  }
0x2: {  	[smem:$0x3F8C] =	sst lr;
	_ =	strace $0xD0000000  }
0x3: {  	_ = 	snop  }
0x4: {  	_ = 	snop  }
0x5: {  	_ = 	snop  }
0x6: {  	_ = 	snop  }
0x7: {  	_ = 	snop  }
__scs_overlays_trampoline_lowered:
0x8: {  	[smem:$0x3F9B] =	sst s0  }
0x9: {  	[smem:$0x3F9C] =	sst s1  }
0xa: {  	[smem:$0x3F9D] =	sst s2  }
0xb: {  	[smem:$0x3F9E] =	sst s3  }
0xc: {  	[smem:$0x3F9F] =	sst s4  }
0xd: {  	[smem:$0x3FA0] =	sst s5  }
0xe: {  	[smem:$0x3FA1] =	sst s6  }
0xf: {  	[smem:$0x3FA2] =	sst s7  }
0x10: {  	[smem:$0x3FA3] =	sst s8  }
0x11: {  	[smem:$0x3FA4] =	sst s9;
	s0 =	simm.s32 @!p0 $0x0  }
0x12: {  	s1 =	sld [smem:$0x3F8A];
	s0 =	simm.s32 @p0 $0x1  }
0x13: {  	[smem:$0x3FA5] =	sst s0;
	s0 =	simm.s32 @!p1 $0x0  }
0x14: {  	s2 =	sld [smem:$0x3F89];
	s0 =	simm.s32 @p1 $0x1  }
0x15: {  	[smem:$0x3FA6] =	sst s0;
	s0 =	simm.s32 @!p2 $0x0  }
0x16: {  	s3 =	sld [smem:$0x3FDB];
	s0 =	simm.s32 @p2 $0x1  }
0x17: {  	s4 =	simm.s32 $0x1BF5;
	[smem:$0x3FA8] =	sst s0  }
0x18: {  	s0 =	sld [smem:$0x3F8B];
	_ =	swait.ge [sflag:s4], $0x0  }
0x19: {  	s7 =	sld [smem:$0x3F8C]  }
0x1a: {  	s8 =	sadd.s32 $0xFFFFE003, lr  }
0x1b: {  	s9 =	sadd.s32 $0xFFFFFEF7, lr;
	s5 =	simm.s32 $0xFFFFFFFF;
	p2 =	slt.u32 s8, $0xFFFFF086  }
0x1c: {  	p1 =	slt.u32 s9, $0xF7A;
	s5 =	simm.s32 @!p2 $0x0  }
0x1d: {  	s5 =	simm.s32 @p1 $0x1;
	p0 =	seq.s32 s7, s2  }
0x1e: {  	s7 =	smul.u32 @!p0 $0xF7A, s2;
	p2 =	seq.s32 @!p0 s5, $0x0  }
0x1f: {  	s9 =	smul.u32 $0xF7A, s1;
	s8 =	simm.s32 @!p0 $0x1BF5;
	p2 =	por !p2, p0  }
0x20: {  	[sflag:s8] =	ssyncset.s32 @!p0 $0xFFFFF086;
	s6 =	sadd.s32 @!p0 s3, s7;
	s7 =	simm.s32 @!p0 $0x108  }
0x21: {  	s3 =	sadd.s32 s3, s9;
	s6 =	sadd.s32 @!p0 $0x88, s6;
	s7 =	simm.s32 @p2 $0x1082  }
0x22: {  	[simem:s7], [sflag:s8] =	dma.local @!p0 [hbm:s6], $0xF7A  }
0x23: {  	s9 =	sor.u32 $0xD0000000, s2;
	s6 =	simm.s32 $0x108;
	_ =	swait.ge @!p0 [sflag:s8], $0x0  }
0x24: {  	s3 =	sadd.s32 $0x88, s3;
	s6 =	simm.s32 @!p1 $0x1082;
	[sflag:s4] =	ssyncset.s32 $0xFFFFF086  }
0x25: {  	[simem:s6], [sflag:s4] =	dma.local [hbm:s3], $0xF7A  }
0x26: {  	[smem:$0x3F8C] =	sst s1;
	(tag) =	ssettag s2;
	_ =	strace s9  }
0x27: {  	s1 =	sld [smem:$0x3F9C]  }
0x28: {  	s2 =	sld [smem:$0x3F9D]  }
0x29: {  	s4 =	sld [smem:$0x3F9F]  }
0x2a: {  	p0 =	seq.s32 s5, $0x0;
	s5 =	sld [smem:$0x3FA0]  }
0x2b: {  	s6 =	sld [smem:$0x3FA1]  }
0x2c: {  	s7 =	sld [smem:$0x3FA2]  }
0x2d: {  	s3 =	simm.s32 $0x108;
	s8 =	sld [smem:$0x3FA3]  }
0x2e: {  	s3 =	simm.s32 @!p0 $0x1082;
	s9 =	sld [smem:$0x3FA4]  }
0x2f: {  	lr =	sadd.s32 s0, s3;
	s0 =	sld [smem:$0x3F9B]  }
0x30: {  	s3 =	sld [smem:$0x3F9E]  }
0x31: {  	[smem:$0x3FA7] =	sst s10  }
0x32: {  	s10 =	sld [smem:$0x3FA5];
	_ =	sdelay $0x3  }
0x33: {  	p0 =	seq.s32 s10, $0x1;
	s10 =	sld [smem:$0x3FA7];
	_ =	sdelay $0x3  }
0x34: {  	[smem:$0x3FA7] =	sst s10  }
0x35: {  	s10 =	sld [smem:$0x3FA6];
	_ =	sdelay $0x3  }
0x36: {  	p1 =	seq.s32 s10, $0x1;
	s10 =	sld [smem:$0x3FA7];
	_ =	sdelay $0x3  }
0x37: {  	[smem:$0x3FA7] =	sst s10  }
0x38: {  	s10 =	sld [smem:$0x3FA8]  }
0x39: {  	_ = 	snop;
	(pc) =	sbr.ind lr, $3  }
0x3a: {  	_ = 	snop  }
0x3b: {  	_ = 	snop  }
0x3c: {  	p2 =	seq.s32 s10, $0x1;
	s10 =	sld [smem:$0x3FA7]  }
0x3d: {  	_ =	shalt  }
0x3e: {  	_ =	shalt  }
0x3f: {  	_ =	shalt  }
0x40: {  	_ =	shalt  }
0x41: {  	_ =	shalt  }
0x42: {  	_ =	shalt  }
0x43: {  	_ =	shalt  }
0x44: {  	_ =	shalt  }
0x45: {  	_ =	shalt  }
0x46: {  	_ =	shalt  }
0x47: {  	_ =	shalt  }
0x48: {  	_ =	shalt  }
0x49: {  	_ =	shalt  }
0x4a: {  	_ =	shalt  }
0x4b: {  	_ =	shalt  }
0x4c: {  	_ =	shalt  }
0x4d: {  	_ =	shalt  }
0x4e: {  	_ =	shalt  }
0x4f: {  	_ =	shalt  }
0x50: {  	_ =	shalt  }
0x51: {  	_ =	shalt  }
0x52: {  	_ =	shalt  }
0x53: {  	_ =	shalt  }
0x54: {  	_ =	shalt  }
0x55: {  	_ =	shalt  }
0x56: {  	_ =	shalt  }
0x57: {  	_ =	shalt  }
0x58: {  	_ =	shalt  }
0x59: {  	_ =	shalt  }
0x5a: {  	_ =	shalt  }
0x5b: {  	_ =	shalt  }
0x5c: {  	_ =	shalt  }
0x5d: {  	_ =	shalt  }
0x5e: {  	_ =	shalt  }
0x5f: {  	_ =	shalt  }
0x60: {  	_ =	shalt  }
0x61: {  	_ =	shalt  }
0x62: {  	_ =	shalt  }
0x63: {  	_ =	shalt  }
0x64: {  	_ =	shalt  }
0x65: {  	_ =	shalt  }
0x66: {  	_ =	shalt  }
0x67: {  	_ =	shalt  }
0x68: {  	_ =	shalt  }
0x69: {  	_ =	shalt  }
0x6a: {  	_ =	shalt  }
0x6b: {  	_ =	shalt  }
0x6c: {  	_ =	shalt  }
0x6d: {  	_ =	shalt  }
0x6e: {  	_ =	shalt  }
0x6f: {  	_ =	shalt  }
0x70: {  	_ =	shalt  }
0x71: {  	_ =	shalt  }
0x72: {  	_ =	shalt  }
0x73: {  	_ =	shalt  }
0x74: {  	_ =	shalt  }
0x75: {  	_ =	shalt  }
0x76: {  	_ =	shalt  }
0x77: {  	_ =	shalt  }
0x78: {  	_ =	shalt  }
0x79: {  	_ =	shalt  }
0x7a: {  	_ =	shalt  }
0x7b: {  	_ =	shalt  }
0x7c: {  	_ =	shalt  }
0x7d: {  	_ =	shalt  }
0x7e: {  	_ =	shalt  }
0x7f: {  	_ =	shalt  }
0x80: {  	_ =	shalt  }
0x81: {  	_ =	shalt  }
0x82: {  	_ =	shalt  }
0x83: {  	_ =	shalt  }
0x84: {  	_ =	shalt  }
0x85: {  	_ =	shalt  }
0x86: {  	_ =	shalt  }
0x87: {  	_ =	shalt  }
.Lfunc_end0:
.L_simem_size_0:
called_computation.1_lowered:
.L_overlay_start_0:
0x88: {  	s2 =	sld [smem:$0x3FD9]  }
0x89: {  	s3 =	sld [smem:$0x3FFE];
	_ =	sdelay $0x1  }
0x8a: {  	s1 =	srdreg.scid  }
0x8b: {  	s0 =	sand.u32 $0x1, s1  }
0x8c: {  	s17 =	sshll.u32 s0, $0xA;
	s2 =	sadd.s32 s3, s2  }
0x8d: {  	s2 =	sadd.s32 s2, s17  }
0x8e: {  	[smem:$0x3FB3] =	sst s2  }
0x8f: {  	_ = 	snop  }
0x90: {  	s2 =	sld [smem:$0x3FD0];
	(tm) =	ssettm $0x1  }
0x91: {  	s18 =	sld [smem:$0x3FFB];
	_ =	sdelay $0x3  }
0x92: {  	_ =	strace s18  }
0x93: {  	s3 =	sld [smem:$0x3FFC];
	_ =	sdelay $0x3  }
0x94: {  	_ =	strace s3  }
0x95: {  	s3 =	sld [smem:$0x3FFD];
	_ =	sdelay $0x3  }
0x96: {  	_ =	strace s3  }
0x97: {  	_ =	strace $0x8FFFFFFF  }
0x98: {  	s19 =	sld [smem:$0x3FDB];
	_ =	sdelay $0x1  }
0x99: {  	s4 =	simm.s32 $_scs_section_size  }
0x9a: {  	s5 =	simm.s32 $_size__tile_overlayer_lowered;
	s6 =	simm.s32 $_tile_overlayer_lowered  }
0x9b: {  	s22 =	simm.s32 $0x1BFF;
	s21 =	sshll.u32 s6, $0x1;
	s3 =	sadd.s32 s4, s19  }
0x9c: {  	s7 =	simm.s32 $0x0;
	s20 =	sshll.u32 s5, $0x1;
	s5 =	sadd.s32 s21, s3  }
0x9d: {  	[timem:s7], [sflag:s22] =	dma.local [hbm:s5], s20  }
0x9e: {  	_ =	swait.ge [sflag:s22], s20  }
0x9f: {  	s4 =	ssub.s32 $0x0, s20;
	[sflag:s22] =	ssyncset.done $0x0  }
0xa0: {  	[sflag:s22] =	ssyncadd.s32 s4;
	_ =	sdelay $0x1  }
0xa1: {  	s23 =	simm.s32 $0x1B8B  }
0xa2: {  	_ =	swait.ge [sflag:s23], $0x1  }
0xa3: {  	[sflag:s23] =	ssyncset.done $0x0  }
0xa4: {  	s25 =	simm.s32 $0x1B8E;
	s24 =	sld [smem:$0x3FFE];
	[sflag:s23] =	ssyncadd.s32 $0xFFFFFFFF  }
0xa5: {  	s26 =	simm.s32 $execute0_lowered;
	[smem:$0x3FD2] =	sst s25  }
0xa6: {  	s5 =	sshll.u32 s26, $0x1;
	_ =	strace $0x80000046;
	[dreg:$0x1] =	wrdreg $0xFFFFFFFF  }
0xa7: {  	s28 =	simm.s32 $_size_execute0_lowered;
	s3 =	sadd.s32 s3, s5;
	[dreg:$0x0] =	wrdreg $0x0  }
0xa8: {  	s5 =	sshll.u32 s28, $0x1;
	[dreg:$0x2] =	wrdreg s3  }
0xa9: {  	[dreg:$0x3] =	wrdreg s5  }
0xaa: {  	[dreg:$0x4] =	wrdreg $0xC0  }
0xab: {  	_ =	task [dreg:s7], $0x5FFFF  }
0xac: {  	[dreg:$0x1] =	wrdreg $0xFFFFFFFF  }
0xad: {  	[dreg:$0x0] =	wrdreg $0x60  }
0xae: {  	[dreg:$0x2] =	wrdreg s24  }
0xaf: {  	[dreg:$0x3] =	wrdreg s2  }
0xb0: {  	[dreg:$0x4] =	wrdreg $0xA  }
0xb1: {  	_ =	task.clear_ibuf [dreg:s7], $0x5FFFF;
	_ =	strace $0x90000046  }
0xb2: {  	s29 =	simm.s32 $0xA;
	_ =	strace $0x80000048  }
0xb3: {  	_ =	swait.ge [sflag:s29], $0x1  }
0xb4: {  	[sflag:s29] =	ssyncadd.s32 $0xFFFFFFFF  }
0xb5: {  	_ =	strace $0x90000048  }
0xb6: {  	_ =	sfence  }
0xb7: {  	s30 =	sld [smem:$0x0];
	_ =	sdelay $0x2  }
0xb8: {  	s31 =	sshll.u32 s1, $0xD;
	s1 =	sshrl.u32 s1, $0x2  }
0xb9: {  	s3 =	sand.u32 $0x4000, s31;
	s1 =	sadd.s32 s1, s30  }
0xba: {  	s0 =	sor.u32 s3, s0;
	s1 =	sshll.u32 s1, $0x11  }
0xbb: {  	s0 =	sor.u32 s1, s0  }
0xbc: {  	s0 =	sadd.s32 $0x8F2B, s0  }
0xbd: {  	[sflag:s0] =	ssyncadd.remote.s32 $0x1  }
0xbe: {  	_ =	sfence.sel $0xFFFF  }
0xbf: {  	[dreg:$0x0] =	wrdreg $0xFFFFFFFF;
	(pc) =	sbr.abs _section_cstart, $3  }
0xc0: {  	[dreg:$0x1] =	wrdreg $0xFFFFFFFF  }
0xc1: {  	_ =	task.clear_ibuf [dreg:s7], $0x2FFFF;
	_ =	strace $0x9FFFFFFF  }
0xc2: {  	(tm) =	ssettm $0x7FFFFFFF  }
0xc3: {  	_ =	shalt  }
tec
execute0_lowered:
.L_overlay_start_1:
0x0: {  	(tag) =	ssettag $0x1  }
0x1: {  	s1 =	srdreg.scid;
	s0 =	stileid.u32  }
0x2: {  	s5 =	sand.u32 $0x1, s1;
	s2 =	smul.u32 $0x4980, s0  }
0x3: {  	s3 =	smul.u32 $0x24C0, s5;
	_ =	sdelay $0x1  }
0x4: {  	s3 =	sadd.s32 s3, s2  }
0x5: {  	s4 =	rddreg [dreg:$0x1];
	s2 =	sadd.s32 $0x60, s3  }
0x6: {  	s1 =	rddreg [dreg:$0x0];
	s6 =	sshrl.u32 s2, $0x3;
	s2 =	simm.s32 $0x0  }
0x7: {  	s19 =	simm.s32 $0x2D00;
	[smem:$0x7FF] =	sst s2  }
0x8: {  	s20 =	simm.s32 $0x3100;
	_ =	strace $0x80000047;
	[dreg:$0x5] =	wrdreg s19  }
0x9: {  	s21 =	simm.s32 $0x3900;
	[dreg:$0x6] =	wrdreg s20  }
0xa: {  	s22 =	simm.s32 $0x3D00;
	[dreg:$0x7] =	wrdreg s21  }
0xb: {  	s23 =	simm.s32 $0x4500;
	[dreg:$0x8] =	wrdreg s22  }
0xc: {  	s24 =	simm.s32 $0x4900;
	[dreg:$0x9] =	wrdreg s23  }
0xd: {  	s25 =	simm.s32 $0x5100;
	[dreg:$0xa] =	wrdreg s24  }
0xe: {  	s26 =	simm.s32 $0x5500;
	[dreg:$0xb] =	wrdreg s25  }
0xf: {  	s31 =	simm.s32 $0x5D00;
	[dreg:$0xc] =	wrdreg s26  }
0x10: {  	s8 =	simm.s32 $0x6D00;
	s9 =	simm.s32 $0x7500;
	[dreg:$0xd] =	wrdreg s31  }
0x11: {  	s10 =	simm.s32 $0x7900;
	s11 =	simm.s32 $0x8100;
	[dreg:$0x10] =	wrdreg s8  }
0x12: {  	s12 =	simm.s32 $0x8500;
	s14 =	simm.s32 $0x8D00;
	[dreg:$0x11] =	wrdreg s9  }
0x13: {  	s15 =	simm.s32 $0x9100;
	s16 =	simm.s32 $0x9900;
	[dreg:$0x12] =	wrdreg s10  }
0x14: {  	s17 =	simm.s32 $0x9D00;
	s18 =	simm.s32 $0xA500;
	[dreg:$0x13] =	wrdreg s11  }
0x15: {  	s28 =	simm.s32 $0x1;
	s29 =	simm.s32 $0x2;
	[dreg:$0x14] =	wrdreg s12  }
0x16: {  	s30 =	simm.s32 $0x0;
	s3 =	sshrl.u32 s3, $0x3;
	[dreg:$0x15] =	wrdreg s14  }
0x17: {  	s7 =	sadd.s32 $0x1598600, s1;
	s3 =	smul.u32 $0x180, s3;
	[dreg:$0x16] =	wrdreg s15  }
0x18: {  	s13 =	ssub.s32 $0x2, s5;
	s6 =	smul.u32 $0x180, s6;
	[dreg:$0x17] =	wrdreg s16  }
0x19: {  	s3 =	sadd.s32 s3, s7;
	s8 =	sshrl.u32 s13, $0x1;
	[dreg:$0x18] =	wrdreg s17  }
0x1a: {  	s9 =	sshll.u32 s0, $0x1;
	[dreg:$0x19] =	wrdreg s18;
	s19 =	simm.s32 $0xA900  }
0x1b: {  	s20 =	simm.s32 $0xB100;
	s22 =	simm.s32 $0xBD00;
	s23 =	simm.s32 $0xC100  }
0x1c: {  	s24 =	simm.s32 $0xC900;
	s25 =	simm.s32 $0xCD00;
	[dreg:$0x4] =	wrdreg s3  }
0x1d: {  	s26 =	simm.s32 $0xD500;
	s31 =	simm.s32 $0xD900;
	[dreg:$0x1a] =	wrdreg s19  }
0x1e: {  	s10 =	simm.s32 $0xE100;
	s11 =	simm.s32 $0xE500;
	[dreg:$0x1b] =	wrdreg s20  }
0x1f: {  	s12 =	simm.s32 $0xED00;
	s14 =	simm.s32 $0xF900;
	[dreg:$0x1c] =	wrdreg s22  }
0x20: {  	s15 =	simm.s32 $0xFD00;
	s16 =	simm.s32 $0x10500;
	[dreg:$0x1d] =	wrdreg s23  }
0x21: {  	s17 =	simm.s32 $0x10900;
	s18 =	simm.s32 $0x11100;
	[dreg:$0x1e] =	wrdreg s24  }
0x22: {  	s6 =	sadd.s32 s6, s7;
	s7 =	simm.s32 $0x6900;
	[dreg:$0x1f] =	wrdreg s25  }
0x23: {  	s3 =	sadd.s32 $0xC50600, s1;
	s5 =	sor.u32 s5, s9;
	[smem:$0x7FC] =	sst s26  }
0x24: {  	s9 =	simm.s32 $0xB500;
	[smem:$0x7FD] =	sst s31;
	s19 =	simm.s32 $0x11500  }
0x25: {  	s20 =	simm.s32 $0x11D00;
	s22 =	simm.s32 $0x12900;
	s23 =	simm.s32 $0x12D00  }
0x26: {  	s24 =	simm.s32 $0x13500;
	s25 =	simm.s32 $0x13900;
	s26 =	simm.s32 $0x14100  }
0x27: {  	[dreg:$0x3] =	wrdreg s6;
	s6 =	simm.s32 $0x6100;
	s5 =	smul.u32 $0x24C0, s5  }
0x28: {  	[dreg:$0xf] =	wrdreg s7;
	s7 =	ssub.s32 s13, s8;
	s8 =	simm.s32 $0x2500  }
0x29: {  	v2 =	vlaneseq.u32;
	s13 =	simm.s32 $0xF100;
	[dreg:$0xe] =	wrdreg s6;
	s5 =	sshrl.u32 s5, $0x3  }
0x2a: {  	vm0 =	vmmov $0xffff;
	vm1 =	vmmov $0xff;
	v1 =	vshrl.u32 v2, $0x3;
	s6 =	smax.u32 s7, $0x1;
	s7 =	simm.s32 $0x3;
	s21 =	sadd.s32 s4, s5  }
0x2b: {  	v0 =	vand.u32 $0x7, v2;
	v2 =	vor.u32 $0x8, v2;
	v1 =	vmul.u32 $0x8, v1;
	s5 =	sadd.s32 $0xC50700, s1;
	[smem:$0x7FB] =	sst s21;
	s21 =	simm.s32 $0x12100  }
.LBB2_1:
0x2c: {  	s0 =	sld [smem:$0x7FB];
	_ =	sdelay $0x2  }
0x2d: {  	[tilespmem:s2], [sflag:$0x3] =	stream.linear.gather [hbm4b:s0+s2], $0x24C0, $0x38;
	[tilespmem:$0x14500] =	vst v63  }
0x2e: {  	_ =	swait.ge [sflag:s7], $0x24C0  }
0x2f: {  	[sflag:s7] =	ssyncset.done $0x0  }
0x30: {  	s31 =	simm.s32 $0x60;
	s1 =	simm.s32 $0x0;
	[sflag:s7] =	ssyncadd.s32 $0xFFFFDB40  }
.LBB2_2:
0x31: {  	v3 =	vld [tilespmem:s31+$0xFFFFFFA0];
	_ =	sdelay $0x4  }
0x32: {  	v4 =	vshrl.u32 v3, $0x3  }
0x33: {  	v4 =	vmul.u32 $0x18, v4  }
0x34: {  	v3 =	vand.u32 $0x7, v3  }
0x35: {  	v3 =	vor.u32 v3, v4  }
0x36: {  	v4 =	vperm.xlane v3, v0;
	_ =	sdelay $0x1  }
0x37: {  	v4 =	vadd.s32 v1, v4;
	_ =	sdelay $0x1  }
0x38: {  	v3 =	vperm.xlane v3, v2;
	_ =	sdelay $0x1  }
0x39: {  	v3 =	vadd.s32 v1, v3  }
0x3a: {  	[tilespmem:s8], [sflag:$0x1] =	stream.indirect_vreg.gather [hbm4b:s3+s2], $0x80, v4, vm0, $0xb8;
	[tilespmem:$0x14500] =	vst v63  }
0x3b: {  	s0 =	rddreg [dreg:$0x5]  }
0x3c: {  	[tilespmem:s0], [sflag:$0x1] =	stream.indirect_vreg.gather [hbm4b:s5+s2], $0x80, v4, vm1, $0xb8;
	[tilespmem:$0x14500] =	vst v63  }
0x3d: {  	s4 =	rddreg [dreg:$0x6]  }
0x3e: {  	[tilespmem:s4], [sflag:$0x1] =	stream.indirect_vreg.gather [hbm4b:s3+s2], $0x80, v3, vm0, $0xb8;
	[tilespmem:$0x14500] =	vst v63  }
0x3f: {  	s0 =	rddreg [dreg:$0x7]  }
0x40: {  	[tilespmem:s0], [sflag:$0x1] =	stream.indirect_vreg.gather [hbm4b:s5+s2], $0x80, v3, vm1, $0xb8;
	[tilespmem:$0x14500] =	vst v63  }
0x41: {  	v3 =	vld [tilespmem:s31+$0xFFFFFFB0];
	_ =	sdelay $0x4  }
0x42: {  	v53 =	vshrl.u32 v3, $0x3  }
0x43: {  	v4 =	vmul.u32 $0x18, v53  }
0x44: {  	v3 =	vand.u32 $0x7, v3  }
0x45: {  	v3 =	vor.u32 v3, v4  }
0x46: {  	v4 =	vperm.xlane v3, v0;
	_ =	sdelay $0x1  }
0x47: {  	v4 =	vadd.s32 v1, v4;
	_ =	sdelay $0x1  }
0x48: {  	v3 =	vperm.xlane v3, v2;
	_ =	sdelay $0x1  }
0x49: {  	s0 =	rddreg [dreg:$0x8];
	v3 =	vadd.s32 v1, v3  }
0x4a: {  	[tilespmem:s0], [sflag:$0x1] =	stream.indirect_vreg.gather [hbm4b:s3+s2], $0x80, v4, vm0, $0xb8;
	[tilespmem:$0x14500] =	vst v63  }
0x4b: {  	s4 =	rddreg [dreg:$0x9]  }
0x4c: {  	[tilespmem:s4], [sflag:$0x1] =	stream.indirect_vreg.gather [hbm4b:s5+s2], $0x80, v4, vm1, $0xb8;
	[tilespmem:$0x14500] =	vst v63  }
0x4d: {  	s0 =	rddreg [dreg:$0xa]  }
0x4e: {  	[tilespmem:s0], [sflag:$0x1] =	stream.indirect_vreg.gather [hbm4b:s3+s2], $0x80, v3, vm0, $0xb8;
	[tilespmem:$0x14500] =	vst v63  }
0x4f: {  	s4 =	rddreg [dreg:$0xb]  }
0x50: {  	[tilespmem:s4], [sflag:$0x1] =	stream.indirect_vreg.gather [hbm4b:s5+s2], $0x80, v3, vm1, $0xb8;
	[tilespmem:$0x14500] =	vst v63  }
0x51: {  	v3 =	vld [tilespmem:s31+$0xFFFFFFC0];
	_ =	sdelay $0x4  }
0x52: {  	v54 =	vshrl.u32 v3, $0x3  }
0x53: {  	v4 =	vmul.u32 $0x18, v54  }
0x54: {  	v3 =	vand.u32 $0x7, v3  }
0x55: {  	v3 =	vor.u32 v3, v4  }
0x56: {  	v4 =	vperm.xlane v3, v0;
	_ =	sdelay $0x1  }
0x57: {  	v4 =	vadd.s32 v1, v4;
	_ =	sdelay $0x1  }
0x58: {  	v3 =	vperm.xlane v3, v2;
	_ =	sdelay $0x1  }
0x59: {  	s0 =	rddreg [dreg:$0xc];
	v3 =	vadd.s32 v1, v3  }
0x5a: {  	[tilespmem:s0], [sflag:$0x1] =	stream.indirect_vreg.gather [hbm4b:s3+s2], $0x80, v4, vm0, $0xb8;
	[tilespmem:$0x14500] =	vst v63  }
0x5b: {  	s4 =	rddreg [dreg:$0xd]  }
0x5c: {  	[tilespmem:s4], [sflag:$0x1] =	stream.indirect_vreg.gather [hbm4b:s5+s2], $0x80, v4, vm1, $0xb8;
	[tilespmem:$0x14500] =	vst v63  }
0x5d: {  	s0 =	rddreg [dreg:$0xe]  }
0x5e: {  	[tilespmem:s0], [sflag:$0x1] =	stream.indirect_vreg.gather [hbm4b:s3+s2], $0x80, v3, vm0, $0xb8;
	[tilespmem:$0x14500] =	vst v63  }
0x5f: {  	s4 =	rddreg [dreg:$0xf]  }
0x60: {  	[tilespmem:s4], [sflag:$0x1] =	stream.indirect_vreg.gather [hbm4b:s5+s2], $0x80, v3, vm1, $0xb8;
	[tilespmem:$0x14500] =	vst v63  }
0x61: {  	v3 =	vld [tilespmem:s31+$0xFFFFFFD0];
	_ =	sdelay $0x4  }
0x62: {  	v55 =	vshrl.u32 v3, $0x3  }
0x63: {  	v4 =	vmul.u32 $0x18, v55  }
0x64: {  	v3 =	vand.u32 $0x7, v3  }
0x65: {  	v3 =	vor.u32 v3, v4  }
0x66: {  	v4 =	vperm.xlane v3, v0;
	_ =	sdelay $0x1  }
0x67: {  	v4 =	vadd.s32 v1, v4;
	_ =	sdelay $0x1  }
0x68: {  	v3 =	vperm.xlane v3, v2;
	_ =	sdelay $0x1  }
0x69: {  	s0 =	rddreg [dreg:$0x10];
	v3 =	vadd.s32 v1, v3  }
0x6a: {  	[tilespmem:s0], [sflag:$0x1] =	stream.indirect_vreg.gather [hbm4b:s3+s2], $0x80, v4, vm0, $0xb8;
	[tilespmem:$0x14500] =	vst v63  }
0x6b: {  	s4 =	rddreg [dreg:$0x11]  }
0x6c: {  	[tilespmem:s4], [sflag:$0x1] =	stream.indirect_vreg.gather [hbm4b:s5+s2], $0x80, v4, vm1, $0xb8;
	[tilespmem:$0x14500] =	vst v63  }
0x6d: {  	s0 =	rddreg [dreg:$0x12]  }
0x6e: {  	[tilespmem:s0], [sflag:$0x1] =	stream.indirect_vreg.gather [hbm4b:s3+s2], $0x80, v3, vm0, $0xb8;
	[tilespmem:$0x14500] =	vst v63  }
0x6f: {  	s4 =	rddreg [dreg:$0x13]  }
0x70: {  	[tilespmem:s4], [sflag:$0x1] =	stream.indirect_vreg.gather [hbm4b:s5+s2], $0x80, v3, vm1, $0xb8;
	[tilespmem:$0x14500] =	vst v63  }
0x71: {  	v3 =	vld [tilespmem:s31+$0xFFFFFFE0];
	_ =	sdelay $0x4  }
0x72: {  	v56 =	vshrl.u32 v3, $0x3  }
0x73: {  	v4 =	vmul.u32 $0x18, v56  }
0x74: {  	v3 =	vand.u32 $0x7, v3  }
0x75: {  	v3 =	vor.u32 v3, v4  }
0x76: {  	v4 =	vperm.xlane v3, v0;
	_ =	sdelay $0x1  }
0x77: {  	v4 =	vadd.s32 v1, v4;
	_ =	sdelay $0x1  }
0x78: {  	v3 =	vperm.xlane v3, v2;
	_ =	sdelay $0x1  }
0x79: {  	s0 =	rddreg [dreg:$0x14];
	v3 =	vadd.s32 v1, v3  }
0x7a: {  	[tilespmem:s0], [sflag:$0x1] =	stream.indirect_vreg.gather [hbm4b:s3+s2], $0x80, v4, vm0, $0xb8;
	[tilespmem:$0x14500] =	vst v63  }
0x7b: {  	s4 =	rddreg [dreg:$0x15]  }
0x7c: {  	[tilespmem:s4], [sflag:$0x1] =	stream.indirect_vreg.gather [hbm4b:s5+s2], $0x80, v4, vm1, $0xb8;
	[tilespmem:$0x14500] =	vst v63  }
0x7d: {  	s0 =	rddreg [dreg:$0x16]  }
0x7e: {  	[tilespmem:s0], [sflag:$0x1] =	stream.indirect_vreg.gather [hbm4b:s3+s2], $0x80, v3, vm0, $0xb8;
	[tilespmem:$0x14500] =	vst v63  }
0x7f: {  	s4 =	rddreg [dreg:$0x17]  }
0x80: {  	[tilespmem:s4], [sflag:$0x1] =	stream.indirect_vreg.gather [hbm4b:s5+s2], $0x80, v3, vm1, $0xb8;
	[tilespmem:$0x14500] =	vst v63  }
0x81: {  	v3 =	vld [tilespmem:s31+$0xFFFFFFF0];
	_ =	sdelay $0x4  }
0x82: {  	v57 =	vshrl.u32 v3, $0x3  }
0x83: {  	v4 =	vmul.u32 $0x18, v57  }
0x84: {  	v3 =	vand.u32 $0x7, v3  }
0x85: {  	v3 =	vor.u32 v3, v4  }
0x86: {  	v4 =	vperm.xlane v3, v0;
	_ =	sdelay $0x1  }
0x87: {  	v4 =	vadd.s32 v1, v4;
	_ =	sdelay $0x1  }
0x88: {  	v3 =	vperm.xlane v3, v2;
	_ =	sdelay $0x1  }
0x89: {  	s0 =	rddreg [dreg:$0x18];
	v3 =	vadd.s32 v1, v3  }
0x8a: {  	[tilespmem:s0], [sflag:$0x1] =	stream.indirect_vreg.gather [hbm4b:s3+s2], $0x80, v4, vm0, $0xb8;
	[tilespmem:$0x14500] =	vst v63  }
0x8b: {  	s4 =	rddreg [dreg:$0x19]  }
0x8c: {  	[tilespmem:s4], [sflag:$0x1] =	stream.indirect_vreg.gather [hbm4b:s5+s2], $0x80, v4, vm1, $0xb8;
	[tilespmem:$0x14500] =	vst v63  }
0x8d: {  	s0 =	rddreg [dreg:$0x1a]  }
0x8e: {  	[tilespmem:s0], [sflag:$0x1] =	stream.indirect_vreg.gather [hbm4b:s3+s2], $0x80, v3, vm0, $0xb8;
	[tilespmem:$0x14500] =	vst v63  }
0x8f: {  	s4 =	rddreg [dreg:$0x1b]  }
0x90: {  	[tilespmem:s4], [sflag:$0x1] =	stream.indirect_vreg.gather [hbm4b:s5+s2], $0x80, v3, vm1, $0xb8;
	[tilespmem:$0x14500] =	vst v63  }
0x91: {  	v3 =	vld [tilespmem:s31+$0x0];
	_ =	sdelay $0x4  }
0x92: {  	v58 =	vshrl.u32 v3, $0x3  }
0x93: {  	v4 =	vmul.u32 $0x18, v58  }
0x94: {  	v3 =	vand.u32 $0x7, v3  }
0x95: {  	v3 =	vor.u32 v3, v4  }
0x96: {  	v4 =	vperm.xlane v3, v0;
	_ =	sdelay $0x1  }
0x97: {  	v4 =	vadd.s32 v1, v4;
	_ =	sdelay $0x1  }
0x98: {  	v3 =	vperm.xlane v3, v2;
	_ =	sdelay $0x1  }
0x99: {  	v3 =	vadd.s32 v1, v3  }
0x9a: {  	[tilespmem:s9], [sflag:$0x2] =	stream.indirect_vreg.gather [hbm4b:s3+s2], $0x80, v4, vm0, $0xb8;
	[tilespmem:$0x14500] =	vst v63  }
0x9b: {  	s0 =	rddreg [dreg:$0x1c]  }
0x9c: {  	[tilespmem:s0], [sflag:$0x2] =	stream.indirect_vreg.gather [hbm4b:s5+s2], $0x80, v4, vm1, $0xb8;
	[tilespmem:$0x14500] =	vst v63  }
0x9d: {  	s4 =	rddreg [dreg:$0x1d]  }
0x9e: {  	[tilespmem:s4], [sflag:$0x2] =	stream.indirect_vreg.gather [hbm4b:s3+s2], $0x80, v3, vm0, $0xb8;
	[tilespmem:$0x14500] =	vst v63  }
0x9f: {  	s0 =	rddreg [dreg:$0x1e]  }
0xa0: {  	[tilespmem:s0], [sflag:$0x2] =	stream.indirect_vreg.gather [hbm4b:s5+s2], $0x80, v3, vm1, $0xb8;
	[tilespmem:$0x14500] =	vst v63  }
0xa1: {  	v3 =	vld [tilespmem:s31+$0x10];
	_ =	sdelay $0x4  }
0xa2: {  	v59 =	vshrl.u32 v3, $0x3  }
0xa3: {  	v4 =	vmul.u32 $0x18, v59  }
0xa4: {  	v3 =	vand.u32 $0x7, v3  }
0xa5: {  	v3 =	vor.u32 v3, v4  }
0xa6: {  	v4 =	vperm.xlane v3, v0;
	_ =	sdelay $0x1  }
0xa7: {  	v4 =	vadd.s32 v1, v4;
	_ =	sdelay $0x1  }
0xa8: {  	v3 =	vperm.xlane v3, v2  }
0xa9: {  	s4 =	sld [smem:$0x7FC]  }
0xaa: {  	s0 =	rddreg [dreg:$0x1f];
	v3 =	vadd.s32 v1, v3  }
0xab: {  	[tilespmem:s0], [sflag:$0x2] =	stream.indirect_vreg.gather [hbm4b:s3+s2], $0x80, v4, vm0, $0xb8;
	[tilespmem:$0x14500] =	vst v63  }
0xac: {  	s0 =	sld [smem:$0x7FD]  }
0xad: {  	[tilespmem:s4], [sflag:$0x2] =	stream.indirect_vreg.gather [hbm4b:s5+s2], $0x80, v4, vm1, $0xb8;
	[tilespmem:$0x14500] =	vst v63  }
0xae: {  	_ = 	snop  }
0xaf: {  	[tilespmem:s0], [sflag:$0x2] =	stream.indirect_vreg.gather [hbm4b:s3+s2], $0x80, v3, vm0, $0xb8;
	[tilespmem:$0x14500] =	vst v63  }
0xb0: {  	_ = 	snop  }
0xb1: {  	[tilespmem:s10], [sflag:$0x2] =	stream.indirect_vreg.gather [hbm4b:s5+s2], $0x80, v3, vm1, $0xb8;
	[tilespmem:$0x14500] =	vst v63  }
0xb2: {  	v3 =	vld [tilespmem:s31+$0x20];
	_ =	sdelay $0x4  }
0xb3: {  	v60 =	vshrl.u32 v3, $0x3  }
0xb4: {  	v4 =	vmul.u32 $0x18, v60  }
0xb5: {  	v3 =	vand.u32 $0x7, v3  }
0xb6: {  	v3 =	vor.u32 v3, v4  }
0xb7: {  	v4 =	vperm.xlane v3, v0;
	_ =	sdelay $0x1  }
0xb8: {  	v4 =	vadd.s32 v1, v4;
	_ =	sdelay $0x1  }
0xb9: {  	v3 =	vperm.xlane v3, v2;
	_ =	sdelay $0x1  }
0xba: {  	v3 =	vadd.s32 v1, v3  }
0xbb: {  	[tilespmem:s11], [sflag:$0x2] =	stream.indirect_vreg.gather [hbm4b:s3+s2], $0x80, v4, vm0, $0xb8;
	[tilespmem:$0x14500] =	vst v63  }
0xbc: {  	_ = 	snop  }
0xbd: {  	[tilespmem:s12], [sflag:$0x2] =	stream.indirect_vreg.gather [hbm4b:s5+s2], $0x80, v4, vm1, $0xb8;
	[tilespmem:$0x14500] =	vst v63  }
0xbe: {  	_ = 	snop  }
0xbf: {  	[tilespmem:s13], [sflag:$0x2] =	stream.indirect_vreg.gather [hbm4b:s3+s2], $0x80, v3, vm0, $0xb8;
	[tilespmem:$0x14500] =	vst v63  }
0xc0: {  	_ = 	snop  }
0xc1: {  	[tilespmem:s14], [sflag:$0x2] =	stream.indirect_vreg.gather [hbm4b:s5+s2], $0x80, v3, vm1, $0xb8;
	[tilespmem:$0x14500] =	vst v63  }
0xc2: {  	v3 =	vld [tilespmem:s31+$0x30];
	_ =	sdelay $0x4  }
0xc3: {  	v61 =	vshrl.u32 v3, $0x3  }
0xc4: {  	v4 =	vmul.u32 $0x18, v61  }
0xc5: {  	v3 =	vand.u32 $0x7, v3  }
0xc6: {  	v3 =	vor.u32 v3, v4  }
0xc7: {  	v4 =	vperm.xlane v3, v0;
	_ =	sdelay $0x1  }
0xc8: {  	v4 =	vadd.s32 v1, v4;
	_ =	sdelay $0x1  }
0xc9: {  	v3 =	vperm.xlane v3, v2;
	_ =	sdelay $0x1  }
0xca: {  	v3 =	vadd.s32 v1, v3  }
0xcb: {  	[tilespmem:s15], [sflag:$0x2] =	stream.indirect_vreg.gather [hbm4b:s3+s2], $0x80, v4, vm0, $0xb8;
	[tilespmem:$0x14500] =	vst v63  }
0xcc: {  	_ = 	snop  }
0xcd: {  	[tilespmem:s16], [sflag:$0x2] =	stream.indirect_vreg.gather [hbm4b:s5+s2], $0x80, v4, vm1, $0xb8;
	[tilespmem:$0x14500] =	vst v63  }
0xce: {  	_ = 	snop  }
0xcf: {  	[tilespmem:s17], [sflag:$0x2] =	stream.indirect_vreg.gather [hbm4b:s3+s2], $0x80, v3, vm0, $0xb8;
	[tilespmem:$0x14500] =	vst v63  }
0xd0: {  	_ = 	snop  }
0xd1: {  	[tilespmem:s18], [sflag:$0x2] =	stream.indirect_vreg.gather [hbm4b:s5+s2], $0x80, v3, vm1, $0xb8;
	[tilespmem:$0x14500] =	vst v63  }
0xd2: {  	v3 =	vld [tilespmem:s31+$0x40];
	_ =	sdelay $0x4  }
0xd3: {  	v62 =	vshrl.u32 v3, $0x3  }
0xd4: {  	v4 =	vmul.u32 $0x18, v62  }
0xd5: {  	v3 =	vand.u32 $0x7, v3  }
0xd6: {  	v3 =	vor.u32 v3, v4  }
0xd7: {  	v4 =	vperm.xlane v3, v0;
	_ =	sdelay $0x1  }
0xd8: {  	v4 =	vadd.s32 v1, v4;
	_ =	sdelay $0x1  }
0xd9: {  	v3 =	vperm.xlane v3, v2;
	_ =	sdelay $0x1  }
0xda: {  	v3 =	vadd.s32 v1, v3  }
0xdb: {  	[tilespmem:s19], [sflag:$0x2] =	stream.indirect_vreg.gather [hbm4b:s3+s2], $0x80, v4, vm0, $0xb8;
	[tilespmem:$0x14500] =	vst v63  }
0xdc: {  	_ = 	snop  }
0xdd: {  	[tilespmem:s20], [sflag:$0x2] =	stream.indirect_vreg.gather [hbm4b:s5+s2], $0x80, v4, vm1, $0xb8;
	[tilespmem:$0x14500] =	vst v63  }
0xde: {  	_ = 	snop  }
0xdf: {  	[tilespmem:s21], [sflag:$0x2] =	stream.indirect_vreg.gather [hbm4b:s3+s2], $0x80, v3, vm0, $0xb8;
	[tilespmem:$0x14500] =	vst v63  }
0xe0: {  	_ = 	snop  }
0xe1: {  	[tilespmem:s22], [sflag:$0x2] =	stream.indirect_vreg.gather [hbm4b:s5+s2], $0x80, v3, vm1, $0xb8;
	[tilespmem:$0x14500] =	vst v63  }
0xe2: {  	v3 =	vld [tilespmem:s31+$0x50];
	_ =	sdelay $0x4  }
0xe3: {  	v63 =	vshrl.u32 v3, $0x3  }
0xe4: {  	v4 =	vmul.u32 $0x18, v63  }
0xe5: {  	v3 =	vand.u32 $0x7, v3  }
0xe6: {  	v3 =	vor.u32 v3, v4  }
0xe7: {  	v4 =	vperm.xlane v3, v0;
	_ =	sdelay $0x1  }
0xe8: {  	v4 =	vadd.s32 v1, v4;
	_ =	sdelay $0x1  }
0xe9: {  	v3 =	vperm.xlane v3, v2;
	_ =	sdelay $0x1  }
0xea: {  	v3 =	vadd.s32 v1, v3  }
0xeb: {  	[tilespmem:s23], [sflag:$0x2] =	stream.indirect_vreg.gather [hbm4b:s3+s2], $0x80, v4, vm0, $0xb8;
	[tilespmem:$0x14500] =	vst v63  }
0xec: {  	_ = 	snop  }
0xed: {  	[tilespmem:s24], [sflag:$0x2] =	stream.indirect_vreg.gather [hbm4b:s5+s2], $0x80, v4, vm1, $0xb8;
	[tilespmem:$0x14500] =	vst v63  }
0xee: {  	_ = 	snop  }
0xef: {  	[tilespmem:s25], [sflag:$0x2] =	stream.indirect_vreg.gather [hbm4b:s3+s2], $0x80, v3, vm0, $0xb8;
	[tilespmem:$0x14500] =	vst v63  }
0xf0: {  	_ = 	snop  }
0xf1: {  	[tilespmem:s26], [sflag:$0x2] =	stream.indirect_vreg.gather [hbm4b:s5+s2], $0x80, v3, vm1, $0xb8;
	[tilespmem:$0x14500] =	vst v63  }
0xf2: {  	_ =	swait.ge [sflag:s28], $0x9000  }
0xf3: {  	s4 =	rddreg [dreg:$0x4];
	[sflag:s28] =	ssyncset.done $0x0  }
0xf4: {  	[sflag:s28] =	ssyncadd.s32 $0xFFFF7000;
	s0 =	sadd.s32 s1, s4  }
0xf5: {  	[hbm4b:s0+s2] =	stream.linear.scatter [tilespmem:s8], [sflag:$0x3], $0x9000, $0x38;
	[tilespmem:$0x14500] =	vst v63  }
0xf6: {  	_ =	swait.ge [sflag:s7], $0x9000  }
0xf7: {  	[sflag:s7] =	ssyncset.done $0x0  }
0xf8: {  	[sflag:s7] =	ssyncadd.s32 $0xFFFF7000  }
0xf9: {  	_ =	swait.ge [sflag:s29], $0x9000  }
0xfa: {  	p0 =	sne.s32 s1, $0x6C000;
	s4 =	rddreg [dreg:$0x3];
	[sflag:s29] =	ssyncset.done $0x0  }
.Ltmp0:
0xfb: {  	[sflag:s29] =	ssyncadd.s32 $0xFFFF7000;
	s0 =	sadd.s32 s1, s4;
	(pc) =	sbr.rel @p0 .LBB2_2-.Ltmp0, $4  }
0xfc: {  	[hbm4b:s0+s2] =	stream.linear.scatter [tilespmem:s9], [sflag:$0x3], $0x9000, $0x38;
	[tilespmem:$0x14500] =	vst v63  }
0xfd: {  	_ =	swait.ge [sflag:s7], $0x9000  }
0xfe: {  	[sflag:s7] =	ssyncset.done $0x0  }
0xff: {  	s31 =	sadd.s32 $0xC0, s31;
	s1 =	sadd.s32 $0x2400, s1;
	[sflag:s7] =	ssyncadd.s32 $0xFFFF7000  }
0x100: {  	s30 =	sadd.s32 $0x1, s30  }
0x101: {  	p0 =	sne.s32 s30, s6  }
.Ltmp1:
0x102: {  	_ = 	snop;
	(pc) =	sbr.rel @p0 .LBB2_1-.Ltmp1, $1  }
0x103: {  	_ =	sdelay $0x3  }
0x104: {  	_ =	sfence.sel $0x180000  }
0x105: {  	[bflag:$0x0] =	sbarrier.arrive $0xFFFF  }
0x106: {  	_ =	strace $0x90000047  }
0x107: {  	s0 =	stileid.u32;
	[bflag:$0x2] =	sbarrier.arrive $0xFFFF  }
0x108: {  	p0 =	sne.s32 s0, $0x0;
	s0 =	rddreg [dreg:$0x2]  }
0x109: {  	s0 =	sadd.s32 @!p0 $0x100000, s0  }
0x10a: {  	[sflag:s0] =	ssyncadd.tile.s32 @!p0 $0x1;
	_ =	shalt  }
.Lfunc_end2:
_tile_overlayer_lowered:
.L_overlay_start_2:
0x10b: {  	(tag) =	ssettag $0x2  }
0x10c: {  	s0 =	rddreg [dreg:$0x0];
	s2 =	stileid.u32  }
0x10d: {  	s1 =	rddreg [dreg:$0x1];
	p0 =	sne.s32 s2, $0x0  }
0x10e: {  	s3 =	rddreg [dreg:$0x2];
	[bflag:$0x3] =	sbarrier.arrive $0xFFFF;
	s2 =	simm.s32 @!p0 $0x1C03  }
0x10f: {  	[timem:s3], [sflag:s2] =	dma.local @!p0 [hbm:s0], s1  }
0x110: {  	s0 =	simm.s32 @!p0 $0x3  }
0x111: {  	_ =	swait.ge @!p0 [sflag:s0], s1  }
0x112: {  	s1 =	ssub.s32 @!p0 $0x0, s1;
	[sflag:s0] =	ssyncset.done @!p0 $0x0  }
0x113: {  	[sflag:s0] =	ssyncadd.s32 @!p0 s1  }
0x114: {  	[bflag:$0x3] =	sbarrier.arrive $0xFFFF  }
0x115: {  	_ =	shalt  }

// kernel: kernel.23.cloned.1.call-start
scs
__scs_entry_jumppad:
0x0: {  	(pc) =	sbr.rel $0x88, $3  }
0x1: {  	(tag) =	ssettag $0x0;
	lr =	simm.s32 $0x1  }
0x2: {  	[smem:$0x3F8C] =	sst lr;
	_ =	strace $0xD0000000  }
0x3: {  	_ = 	snop  }
0x4: {  	_ = 	snop  }
0x5: {  	_ = 	snop  }
0x6: {  	_ = 	snop  }
0x7: {  	_ = 	snop  }
__scs_overlays_trampoline_lowered:
0x8: {  	[smem:$0x3F9B] =	sst s0  }
0x9: {  	[smem:$0x3F9C] =	sst s1  }
0xa: {  	[smem:$0x3F9D] =	sst s2  }
0xb: {  	[smem:$0x3F9E] =	sst s3  }
0xc: {  	[smem:$0x3F9F] =	sst s4  }
0xd: {  	[smem:$0x3FA0] =	sst s5  }
0xe: {  	[smem:$0x3FA1] =	sst s6  }
0xf: {  	[smem:$0x3FA2] =	sst s7  }
0x10: {  	[smem:$0x3FA3] =	sst s8  }
0x11: {  	[smem:$0x3FA4] =	sst s9;
	s0 =	simm.s32 @!p0 $0x0  }
0x12: {  	s1 =	sld [smem:$0x3F8A];
	s0 =	simm.s32 @p0 $0x1  }
0x13: {  	[smem:$0x3FA5] =	sst s0;
	s0 =	simm.s32 @!p1 $0x0  }
0x14: {  	s2 =	sld [smem:$0x3F89];
	s0 =	simm.s32 @p1 $0x1  }
0x15: {  	[smem:$0x3FA6] =	sst s0;
	s0 =	simm.s32 @!p2 $0x0  }
0x16: {  	s3 =	sld [smem:$0x3FDB];
	s0 =	simm.s32 @p2 $0x1  }
0x17: {  	s4 =	simm.s32 $0x1BF5;
	[smem:$0x3FA8] =	sst s0  }
0x18: {  	s0 =	sld [smem:$0x3F8B];
	_ =	swait.ge [sflag:s4], $0x0  }
0x19: {  	s7 =	sld [smem:$0x3F8C]  }
0x1a: {  	s8 =	sadd.s32 $0xFFFFE003, lr  }
0x1b: {  	s9 =	sadd.s32 $0xFFFFFEF7, lr;
	s5 =	simm.s32 $0xFFFFFFFF;
	p2 =	slt.u32 s8, $0xFFFFF086  }
0x1c: {  	p1 =	slt.u32 s9, $0xF7A;
	s5 =	simm.s32 @!p2 $0x0  }
0x1d: {  	s5 =	simm.s32 @p1 $0x1;
	p0 =	seq.s32 s7, s2  }
0x1e: {  	s7 =	smul.u32 @!p0 $0xF7A, s2;
	p2 =	seq.s32 @!p0 s5, $0x0  }
0x1f: {  	s9 =	smul.u32 $0xF7A, s1;
	s8 =	simm.s32 @!p0 $0x1BF5;
	p2 =	por !p2, p0  }
0x20: {  	[sflag:s8] =	ssyncset.s32 @!p0 $0xFFFFF086;
	s6 =	sadd.s32 @!p0 s3, s7;
	s7 =	simm.s32 @!p0 $0x108  }
0x21: {  	s3 =	sadd.s32 s3, s9;
	s6 =	sadd.s32 @!p0 $0x88, s6;
	s7 =	simm.s32 @p2 $0x1082  }
0x22: {  	[simem:s7], [sflag:s8] =	dma.local @!p0 [hbm:s6], $0xF7A  }
0x23: {  	s9 =	sor.u32 $0xD0000000, s2;
	s6 =	simm.s32 $0x108;
	_ =	swait.ge @!p0 [sflag:s8], $0x0  }
0x24: {  	s3 =	sadd.s32 $0x88, s3;
	s6 =	simm.s32 @!p1 $0x1082;
	[sflag:s4] =	ssyncset.s32 $0xFFFFF086  }
0x25: {  	[simem:s6], [sflag:s4] =	dma.local [hbm:s3], $0xF7A  }
0x26: {  	[smem:$0x3F8C] =	sst s1;
	(tag) =	ssettag s2;
	_ =	strace s9  }
0x27: {  	s1 =	sld [smem:$0x3F9C]  }
0x28: {  	s2 =	sld [smem:$0x3F9D]  }
0x29: {  	s4 =	sld [smem:$0x3F9F]  }
0x2a: {  	p0 =	seq.s32 s5, $0x0;
	s5 =	sld [smem:$0x3FA0]  }
0x2b: {  	s6 =	sld [smem:$0x3FA1]  }
0x2c: {  	s7 =	sld [smem:$0x3FA2]  }
0x2d: {  	s3 =	simm.s32 $0x108;
	s8 =	sld [smem:$0x3FA3]  }
0x2e: {  	s3 =	simm.s32 @!p0 $0x1082;
	s9 =	sld [smem:$0x3FA4]  }
0x2f: {  	lr =	sadd.s32 s0, s3;
	s0 =	sld [smem:$0x3F9B]  }
0x30: {  	s3 =	sld [smem:$0x3F9E]  }
0x31: {  	[smem:$0x3FA7] =	sst s10  }
0x32: {  	s10 =	sld [smem:$0x3FA5];
	_ =	sdelay $0x3  }
0x33: {  	p0 =	seq.s32 s10, $0x1;
	s10 =	sld [smem:$0x3FA7];
	_ =	sdelay $0x3  }
0x34: {  	[smem:$0x3FA7] =	sst s10  }
0x35: {  	s10 =	sld [smem:$0x3FA6];
	_ =	sdelay $0x3  }
0x36: {  	p1 =	seq.s32 s10, $0x1;
	s10 =	sld [smem:$0x3FA7];
	_ =	sdelay $0x3  }
0x37: {  	[smem:$0x3FA7] =	sst s10  }
0x38: {  	s10 =	sld [smem:$0x3FA8]  }
0x39: {  	_ = 	snop;
	(pc) =	sbr.ind lr, $3  }
0x3a: {  	_ = 	snop  }
0x3b: {  	_ = 	snop  }
0x3c: {  	p2 =	seq.s32 s10, $0x1;
	s10 =	sld [smem:$0x3FA7]  }
0x3d: {  	_ =	shalt  }
0x3e: {  	_ =	shalt  }
0x3f: {  	_ =	shalt  }
0x40: {  	_ =	shalt  }
0x41: {  	_ =	shalt  }
0x42: {  	_ =	shalt  }
0x43: {  	_ =	shalt  }
0x44: {  	_ =	shalt  }
0x45: {  	_ =	shalt  }
0x46: {  	_ =	shalt  }
0x47: {  	_ =	shalt  }
0x48: {  	_ =	shalt  }
0x49: {  	_ =	shalt  }
0x4a: {  	_ =	shalt  }
0x4b: {  	_ =	shalt  }
0x4c: {  	_ =	shalt  }
0x4d: {  	_ =	shalt  }
0x4e: {  	_ =	shalt  }
0x4f: {  	_ =	shalt  }
0x50: {  	_ =	shalt  }
0x51: {  	_ =	shalt  }
0x52: {  	_ =	shalt  }
0x53: {  	_ =	shalt  }
0x54: {  	_ =	shalt  }
0x55: {  	_ =	shalt  }
0x56: {  	_ =	shalt  }
0x57: {  	_ =	shalt  }
0x58: {  	_ =	shalt  }
0x59: {  	_ =	shalt  }
0x5a: {  	_ =	shalt  }
0x5b: {  	_ =	shalt  }
0x5c: {  	_ =	shalt  }
0x5d: {  	_ =	shalt  }
0x5e: {  	_ =	shalt  }
0x5f: {  	_ =	shalt  }
0x60: {  	_ =	shalt  }
0x61: {  	_ =	shalt  }
0x62: {  	_ =	shalt  }
0x63: {  	_ =	shalt  }
0x64: {  	_ =	shalt  }
0x65: {  	_ =	shalt  }
0x66: {  	_ =	shalt  }
0x67: {  	_ =	shalt  }
0x68: {  	_ =	shalt  }
0x69: {  	_ =	shalt  }
0x6a: {  	_ =	shalt  }
0x6b: {  	_ =	shalt  }
0x6c: {  	_ =	shalt  }
0x6d: {  	_ =	shalt  }
0x6e: {  	_ =	shalt  }
0x6f: {  	_ =	shalt  }
0x70: {  	_ =	shalt  }
0x71: {  	_ =	shalt  }
0x72: {  	_ =	shalt  }
0x73: {  	_ =	shalt  }
0x74: {  	_ =	shalt  }
0x75: {  	_ =	shalt  }
0x76: {  	_ =	shalt  }
0x77: {  	_ =	shalt  }
0x78: {  	_ =	shalt  }
0x79: {  	_ =	shalt  }
0x7a: {  	_ =	shalt  }
0x7b: {  	_ =	shalt  }
0x7c: {  	_ =	shalt  }
0x7d: {  	_ =	shalt  }
0x7e: {  	_ =	shalt  }
0x7f: {  	_ =	shalt  }
0x80: {  	_ =	shalt  }
0x81: {  	_ =	shalt  }
0x82: {  	_ =	shalt  }
0x83: {  	_ =	shalt  }
0x84: {  	_ =	shalt  }
0x85: {  	_ =	shalt  }
0x86: {  	_ =	shalt  }
0x87: {  	_ =	shalt  }
.Lfunc_end0:
.L_simem_size_0:
called_computation.2_lowered:
.L_overlay_start_0:
0x88: {  	s2 =	sld [smem:$0x3FD9]  }
0x89: {  	s3 =	sld [smem:$0x3FFE];
	_ =	sdelay $0x1  }
0x8a: {  	s1 =	srdreg.scid  }
0x8b: {  	s0 =	sand.u32 $0x1, s1  }
0x8c: {  	s17 =	sshll.u32 s0, $0xA;
	s2 =	sadd.s32 s3, s2  }
0x8d: {  	s2 =	sadd.s32 s2, s17  }
0x8e: {  	[smem:$0x3FB3] =	sst s2  }
0x8f: {  	_ = 	snop  }
0x90: {  	(tm) =	ssettm $0x1  }
0x91: {  	s18 =	sld [smem:$0x3FFB];
	_ =	sdelay $0x3  }
0x92: {  	_ =	strace s18  }
0x93: {  	s2 =	sld [smem:$0x3FFC];
	_ =	sdelay $0x3  }
0x94: {  	_ =	strace s2  }
0x95: {  	s2 =	sld [smem:$0x3FFD];
	_ =	sdelay $0x3  }
0x96: {  	_ =	strace s2  }
0x97: {  	_ =	strace $0x8FFFFFFF  }
0x98: {  	s19 =	sld [smem:$0x3FDB];
	_ =	sdelay $0x1  }
0x99: {  	s20 =	simm.s32 $_scs_section_size  }
0x9a: {  	s4 =	simm.s32 $_size__tile_overlayer_lowered;
	s5 =	simm.s32 $_tile_overlayer_lowered  }
0x9b: {  	s6 =	simm.s32 $0x1BFF;
	s21 =	sshll.u32 s5, $0x1;
	s3 =	sadd.s32 s20, s19  }
0x9c: {  	s22 =	simm.s32 $0x0;
	s4 =	sshll.u32 s4, $0x1;
	s5 =	sadd.s32 s21, s3  }
0x9d: {  	[timem:s22], [sflag:s6] =	dma.local [hbm:s5], s4  }
0x9e: {  	_ =	swait.ge [sflag:s6], s4  }
0x9f: {  	s4 =	ssub.s32 $0x0, s4;
	[sflag:s6] =	ssyncset.done $0x0  }
0xa0: {  	[sflag:s6] =	ssyncadd.s32 s4;
	_ =	sdelay $0x1  }
0xa1: {  	s23 =	simm.s32 $0x1B8B  }
0xa2: {  	_ =	swait.ge [sflag:s23], $0x1  }
0xa3: {  	[sflag:s23] =	ssyncset.done $0x0  }
0xa4: {  	[sflag:s23] =	ssyncadd.s32 $0xFFFFFFFF  }
0xa5: {  	s4 =	sld [smem:$0x0]  }
0xa6: {  	s5 =	sand.u32 $0xFFFFFFFE, s1  }
0xa7: {  	p0 =	sne.s32 s1, s5  }
0xa8: {  	s5 =	sshll.u32 @p0 s5, $0xE  }
0xa9: {  	s5 =	sadd.s32 @p0 $0x11B8D, s5;
	s6 =	sshll.u32 @p0 s4, $0x11  }
0xaa: {  	s5 =	sor.u32 @p0 s6, s5  }
0xab: {  	[sflag:s5] =	ssyncadd.remote.s32 @p0 $0x1;
	_ =	sdelay $0x1  }
0xac: {  	s5 =	simm.s32 @p0 $0x1B8D  }
0xad: {  	_ =	swait.eq @p0 [sflag:s5], $0x1  }
0xae: {  	[sflag:s5] =	ssyncadd.s32 @p0 $0xFFFFFFFF  }
0xaf: {  	s6 =	sshll.u32 @!p0 s1, $0xE  }
0xb0: {  	s6 =	sor.u32 @!p0 $0x4000, s6;
	s5 =	simm.s32 @!p0 $0x1B8D  }
0xb1: {  	s4 =	sshll.u32 @!p0 s4, $0x11;
	s6 =	sadd.s32 @!p0 $0x11B8D, s6;
	_ =	swait.eq @!p0 [sflag:s5], $0x1  }
0xb2: {  	s4 =	sor.u32 @!p0 s4, s6;
	[sflag:s5] =	ssyncadd.s32 @!p0 $0xFFFFFFFF  }
0xb3: {  	s25 =	simm.s32 $0x1B8E;
	s24 =	sld [smem:$0x3FFE];
	[sflag:s4] =	ssyncadd.remote.s32 @!p0 $0x1  }
0xb4: {  	s26 =	simm.s32 $execute0_lowered;
	[smem:$0x3FD2] =	sst s25  }
0xb5: {  	s5 =	sshll.u32 s26, $0x1;
	_ =	strace $0x80000049;
	[dreg:$0x1] =	wrdreg $0xFFFFFFFF  }
0xb6: {  	s28 =	simm.s32 $_size_execute0_lowered;
	s3 =	sadd.s32 s3, s5;
	[dreg:$0x0] =	wrdreg $0x0  }
0xb7: {  	s5 =	sshll.u32 s28, $0x1;
	[dreg:$0x2] =	wrdreg s3  }
0xb8: {  	[dreg:$0x3] =	wrdreg s5  }
0xb9: {  	[dreg:$0x4] =	wrdreg $0xC0  }
0xba: {  	_ =	task [dreg:s22], $0x5FFFF  }
0xbb: {  	[dreg:$0x1] =	wrdreg $0xFFFFFFFF  }
0xbc: {  	[dreg:$0x0] =	wrdreg $0x60  }
0xbd: {  	[dreg:$0x2] =	wrdreg s24  }
0xbe: {  	[dreg:$0x3] =	wrdreg $0x9  }
0xbf: {  	_ =	task.clear_ibuf [dreg:s22], $0x4FFFF;
	_ =	strace $0x90000049  }
0xc0: {  	s29 =	simm.s32 $0x9;
	_ =	strace $0x8000004B  }
0xc1: {  	_ =	swait.ge [sflag:s29], $0x1  }
0xc2: {  	[sflag:s29] =	ssyncadd.s32 $0xFFFFFFFF  }
0xc3: {  	_ =	strace $0x9000004B  }
0xc4: {  	_ =	sfence  }
0xc5: {  	s30 =	sld [smem:$0x0];
	_ =	sdelay $0x2  }
0xc6: {  	s31 =	sshll.u32 s1, $0xD;
	s1 =	sshrl.u32 s1, $0x2  }
0xc7: {  	s4 =	sand.u32 $0x4000, s31;
	s1 =	sadd.s32 s1, s30  }
0xc8: {  	s0 =	sor.u32 s4, s0;
	s1 =	sshll.u32 s1, $0x11  }
0xc9: {  	s0 =	sor.u32 s1, s0  }
0xca: {  	s0 =	sadd.s32 $0x8F2B, s0  }
0xcb: {  	[sflag:s0] =	ssyncadd.remote.s32 $0x1  }
0xcc: {  	_ =	sfence.sel $0xFFFF  }
0xcd: {  	[dreg:$0x0] =	wrdreg $0xFFFFFFFF;
	(pc) =	sbr.abs _section_cstart, $3  }
0xce: {  	[dreg:$0x1] =	wrdreg $0xFFFFFFFF  }
0xcf: {  	_ =	task.clear_ibuf [dreg:s22], $0x2FFFF;
	_ =	strace $0x9FFFFFFF  }
0xd0: {  	(tm) =	ssettm $0x7FFFFFFF  }
0xd1: {  	_ =	shalt  }
tec
execute0_lowered:
.L_overlay_start_1:
0x0: {  	(tag) =	ssettag $0x1  }
0x1: {  	s1 =	srdreg.scid;
	s0 =	stileid.u32  }
0x2: {  	s4 =	sand.u32 $0x1, s1;
	s19 =	smul.u32 $0x3180, s0  }
0x3: {  	s2 =	smul.u32 $0x18C0, s4;
	_ =	sdelay $0x1  }
0x4: {  	s3 =	sadd.s32 s2, s19  }
0x5: {  	s2 =	sadd.s32 $0x60, s3  }
0x6: {  	s1 =	rddreg [dreg:$0x0];
	s5 =	sshrl.u32 s2, $0x3;
	s2 =	simm.s32 $0x0  }
0x7: {  	s20 =	simm.s32 $0x2100;
	[smem:$0x7FF] =	sst s2  }
0x8: {  	s21 =	simm.s32 $0x2500;
	_ =	strace $0x8000004A;
	[dreg:$0x4] =	wrdreg s20  }
0x9: {  	s22 =	simm.s32 $0x2D00;
	[dreg:$0x5] =	wrdreg s21  }
0xa: {  	s23 =	simm.s32 $0x3100;
	[dreg:$0x6] =	wrdreg s22  }
0xb: {  	s24 =	simm.s32 $0x3900;
	[dreg:$0x7] =	wrdreg s23  }
0xc: {  	s25 =	simm.s32 $0x3D00;
	[dreg:$0x8] =	wrdreg s24  }
0xd: {  	s26 =	simm.s32 $0x4500;
	[dreg:$0x9] =	wrdreg s25  }
0xe: {  	s31 =	simm.s32 $0x4900;
	[dreg:$0xa] =	wrdreg s26  }
0xf: {  	s7 =	simm.s32 $0x5D00;
	[dreg:$0xb] =	wrdreg s31  }
0x10: {  	s8 =	simm.s32 $0x6100;
	[dreg:$0xe] =	wrdreg s7  }
0x11: {  	s9 =	simm.s32 $0x6900;
	[dreg:$0xf] =	wrdreg s8  }
0x12: {  	s10 =	simm.s32 $0x6D00;
	s12 =	simm.s32 $0x7500;
	[dreg:$0x10] =	wrdreg s9  }
0x13: {  	s13 =	simm.s32 $0x7900;
	s14 =	simm.s32 $0x8100;
	[dreg:$0x11] =	wrdreg s10  }
0x14: {  	s15 =	simm.s32 $0x8500;
	s16 =	simm.s32 $0x8D00;
	[dreg:$0x12] =	wrdreg s12  }
0x15: {  	s17 =	simm.s32 $0x9100;
	s18 =	simm.s32 $0x9900;
	[dreg:$0x13] =	wrdreg s13  }
0x16: {  	s28 =	simm.s32 $0x1;
	s29 =	simm.s32 $0x2;
	[dreg:$0x14] =	wrdreg s14  }
0x17: {  	s30 =	simm.s32 $0x0;
	s3 =	sshrl.u32 s3, $0x3;
	[dreg:$0x15] =	wrdreg s15  }
0x18: {  	s11 =	sshll.u32 s0, $0x1;
	s3 =	smul.u32 $0x180, s3;
	[dreg:$0x16] =	wrdreg s16  }
0x19: {  	s6 =	sadd.s32 $0xC000, s1;
	s19 =	simm.s32 $0x9D00;
	[dreg:$0x17] =	wrdreg s17  }
0x1a: {  	s5 =	smul.u32 $0x180, s5;
	s3 =	sadd.s32 s3, s6;
	[dreg:$0x18] =	wrdreg s18  }
0x1b: {  	[dreg:$0x19] =	wrdreg s19;
	s20 =	simm.s32 $0xA500;
	s22 =	simm.s32 $0xB100  }
0x1c: {  	s23 =	simm.s32 $0xB500;
	s24 =	simm.s32 $0xBD00;
	s25 =	simm.s32 $0xC100  }
0x1d: {  	s8 =	simm.s32 $0x1900;
	s26 =	simm.s32 $0xC900;
	[dreg:$0x3] =	wrdreg s3  }
0x1e: {  	s9 =	simm.s32 $0xA900;
	s31 =	simm.s32 $0xCD00;
	[dreg:$0x1a] =	wrdreg s20  }
0x1f: {  	s10 =	simm.s32 $0xD500;
	s12 =	simm.s32 $0xE100;
	[dreg:$0x1b] =	wrdreg s22  }
0x20: {  	s13 =	simm.s32 $0xE500;
	s14 =	simm.s32 $0xED00;
	[dreg:$0x1c] =	wrdreg s23  }
0x21: {  	s15 =	simm.s32 $0xF100;
	s16 =	simm.s32 $0xF900;
	[dreg:$0x1d] =	wrdreg s24  }
0x22: {  	s17 =	simm.s32 $0xFD00;
	s18 =	simm.s32 $0x10500;
	[dreg:$0x1e] =	wrdreg s25  }
0x23: {  	s19 =	simm.s32 $0x10900;
	s5 =	sadd.s32 s5, s6;
	[dreg:$0x1f] =	wrdreg s26  }
0x24: {  	s6 =	simm.s32 $0x5500;
	s3 =	sadd.s32 $0xC50600, s1;
	[smem:$0x7FD] =	sst s31  }
0x25: {  	s20 =	simm.s32 $0x11100;
	[dreg:$0x2] =	wrdreg s5;
	s5 =	simm.s32 $0x5100  }
0x26: {  	s22 =	simm.s32 $0x11D00;
	[dreg:$0xc] =	wrdreg s5;
	s5 =	sor.u32 s4, s11  }
0x27: {  	s23 =	simm.s32 $0x12100;
	s24 =	simm.s32 $0x12900;
	s5 =	smul.u32 $0x18C0, s5  }
0x28: {  	s25 =	simm.s32 $0x12D00;
	s26 =	simm.s32 $0x13500;
	s4 =	ssub.s32 $0x2, s4  }
0x29: {  	[dreg:$0xd] =	wrdreg s6;
	s7 =	sshrl.u32 s4, $0x1;
	s5 =	sshrl.u32 s5, $0x3  }
0x2a: {  	v2 =	vlaneseq.u32;
	s11 =	simm.s32 $0xD900;
	s7 =	ssub.s32 s4, s7;
	s5 =	sadd.s32 s5, s1  }
0x2b: {  	vm0 =	vmmov $0xffff;
	vm1 =	vmmov $0xff;
	v1 =	vshrl.u32 v2, $0x3;
	s6 =	smax.u32 s7, $0x1;
	s7 =	simm.s32 $0x3;
	s21 =	sadd.s32 $0x5C00, s5  }
0x2c: {  	v0 =	vand.u32 $0x7, v2;
	v2 =	vor.u32 $0x8, v2;
	v1 =	vmul.u32 $0x8, v1;
	s5 =	sadd.s32 $0xC50700, s1;
	[smem:$0x7FC] =	sst s21;
	s21 =	simm.s32 $0x11500  }
.LBB2_1:
0x2d: {  	s0 =	sld [smem:$0x7FC];
	_ =	sdelay $0x2  }
0x2e: {  	[tilespmem:s2], [sflag:$0x3] =	stream.linear.gather [hbm4b:s0+s2], $0x18C0, $0x38;
	[tilespmem:$0x13900] =	vst v63  }
0x2f: {  	_ =	swait.ge [sflag:s7], $0x18C0  }
0x30: {  	[sflag:s7] =	ssyncset.done $0x0  }
0x31: {  	s31 =	simm.s32 $0x60;
	s1 =	simm.s32 $0x0;
	[sflag:s7] =	ssyncadd.s32 $0xFFFFE740  }
.LBB2_2:
0x32: {  	v3 =	vld [tilespmem:s31+$0xFFFFFFA0];
	_ =	sdelay $0x4  }
0x33: {  	v4 =	vshrl.u32 v3, $0x3  }
0x34: {  	v4 =	vmul.u32 $0x18, v4  }
0x35: {  	v3 =	vand.u32 $0x7, v3  }
0x36: {  	v3 =	vor.u32 v3, v4  }
0x37: {  	v4 =	vperm.xlane v3, v0;
	_ =	sdelay $0x1  }
0x38: {  	v4 =	vadd.s32 v1, v4;
	_ =	sdelay $0x1  }
0x39: {  	v3 =	vperm.xlane v3, v2;
	_ =	sdelay $0x1  }
0x3a: {  	v3 =	vadd.s32 v1, v3  }
0x3b: {  	[tilespmem:s8], [sflag:$0x1] =	stream.indirect_vreg.gather [hbm4b:s3+s2], $0x80, v4, vm0, $0xb8;
	[tilespmem:$0x13900] =	vst v63  }
0x3c: {  	s0 =	rddreg [dreg:$0x4]  }
0x3d: {  	[tilespmem:s0], [sflag:$0x1] =	stream.indirect_vreg.gather [hbm4b:s5+s2], $0x80, v4, vm1, $0xb8;
	[tilespmem:$0x13900] =	vst v63  }
0x3e: {  	s4 =	rddreg [dreg:$0x5]  }
0x3f: {  	[tilespmem:s4], [sflag:$0x1] =	stream.indirect_vreg.gather [hbm4b:s3+s2], $0x80, v3, vm0, $0xb8;
	[tilespmem:$0x13900] =	vst v63  }
0x40: {  	s0 =	rddreg [dreg:$0x6]  }
0x41: {  	[tilespmem:s0], [sflag:$0x1] =	stream.indirect_vreg.gather [hbm4b:s5+s2], $0x80, v3, vm1, $0xb8;
	[tilespmem:$0x13900] =	vst v63  }
0x42: {  	v3 =	vld [tilespmem:s31+$0xFFFFFFB0];
	_ =	sdelay $0x4  }
0x43: {  	v53 =	vshrl.u32 v3, $0x3  }
0x44: {  	v4 =	vmul.u32 $0x18, v53  }
0x45: {  	v3 =	vand.u32 $0x7, v3  }
0x46: {  	v3 =	vor.u32 v3, v4  }
0x47: {  	v4 =	vperm.xlane v3, v0;
	_ =	sdelay $0x1  }
0x48: {  	v4 =	vadd.s32 v1, v4;
	_ =	sdelay $0x1  }
0x49: {  	v3 =	vperm.xlane v3, v2;
	_ =	sdelay $0x1  }
0x4a: {  	s0 =	rddreg [dreg:$0x7];
	v3 =	vadd.s32 v1, v3  }
0x4b: {  	[tilespmem:s0], [sflag:$0x1] =	stream.indirect_vreg.gather [hbm4b:s3+s2], $0x80, v4, vm0, $0xb8;
	[tilespmem:$0x13900] =	vst v63  }
0x4c: {  	s4 =	rddreg [dreg:$0x8]  }
0x4d: {  	[tilespmem:s4], [sflag:$0x1] =	stream.indirect_vreg.gather [hbm4b:s5+s2], $0x80, v4, vm1, $0xb8;
	[tilespmem:$0x13900] =	vst v63  }
0x4e: {  	s0 =	rddreg [dreg:$0x9]  }
0x4f: {  	[tilespmem:s0], [sflag:$0x1] =	stream.indirect_vreg.gather [hbm4b:s3+s2], $0x80, v3, vm0, $0xb8;
	[tilespmem:$0x13900] =	vst v63  }
0x50: {  	s4 =	rddreg [dreg:$0xa]  }
0x51: {  	[tilespmem:s4], [sflag:$0x1] =	stream.indirect_vreg.gather [hbm4b:s5+s2], $0x80, v3, vm1, $0xb8;
	[tilespmem:$0x13900] =	vst v63  }
0x52: {  	v3 =	vld [tilespmem:s31+$0xFFFFFFC0];
	_ =	sdelay $0x4  }
0x53: {  	v54 =	vshrl.u32 v3, $0x3  }
0x54: {  	v4 =	vmul.u32 $0x18, v54  }
0x55: {  	v3 =	vand.u32 $0x7, v3  }
0x56: {  	v3 =	vor.u32 v3, v4  }
0x57: {  	v4 =	vperm.xlane v3, v0;
	_ =	sdelay $0x1  }
0x58: {  	v4 =	vadd.s32 v1, v4;
	_ =	sdelay $0x1  }
0x59: {  	v3 =	vperm.xlane v3, v2;
	_ =	sdelay $0x1  }
0x5a: {  	s0 =	rddreg [dreg:$0xb];
	v3 =	vadd.s32 v1, v3  }
0x5b: {  	[tilespmem:s0], [sflag:$0x1] =	stream.indirect_vreg.gather [hbm4b:s3+s2], $0x80, v4, vm0, $0xb8;
	[tilespmem:$0x13900] =	vst v63  }
0x5c: {  	s4 =	rddreg [dreg:$0xc]  }
0x5d: {  	[tilespmem:s4], [sflag:$0x1] =	stream.indirect_vreg.gather [hbm4b:s5+s2], $0x80, v4, vm1, $0xb8;
	[tilespmem:$0x13900] =	vst v63  }
0x5e: {  	s0 =	rddreg [dreg:$0xd]  }
0x5f: {  	[tilespmem:s0], [sflag:$0x1] =	stream.indirect_vreg.gather [hbm4b:s3+s2], $0x80, v3, vm0, $0xb8;
	[tilespmem:$0x13900] =	vst v63  }
0x60: {  	s4 =	rddreg [dreg:$0xe]  }
0x61: {  	[tilespmem:s4], [sflag:$0x1] =	stream.indirect_vreg.gather [hbm4b:s5+s2], $0x80, v3, vm1, $0xb8;
	[tilespmem:$0x13900] =	vst v63  }
0x62: {  	v3 =	vld [tilespmem:s31+$0xFFFFFFD0];
	_ =	sdelay $0x4  }
0x63: {  	v55 =	vshrl.u32 v3, $0x3  }
0x64: {  	v4 =	vmul.u32 $0x18, v55  }
0x65: {  	v3 =	vand.u32 $0x7, v3  }
0x66: {  	v3 =	vor.u32 v3, v4  }
0x67: {  	v4 =	vperm.xlane v3, v0;
	_ =	sdelay $0x1  }
0x68: {  	v4 =	vadd.s32 v1, v4;
	_ =	sdelay $0x1  }
0x69: {  	v3 =	vperm.xlane v3, v2;
	_ =	sdelay $0x1  }
0x6a: {  	s0 =	rddreg [dreg:$0xf];
	v3 =	vadd.s32 v1, v3  }
0x6b: {  	[tilespmem:s0], [sflag:$0x1] =	stream.indirect_vreg.gather [hbm4b:s3+s2], $0x80, v4, vm0, $0xb8;
	[tilespmem:$0x13900] =	vst v63  }
0x6c: {  	s4 =	rddreg [dreg:$0x10]  }
0x6d: {  	[tilespmem:s4], [sflag:$0x1] =	stream.indirect_vreg.gather [hbm4b:s5+s2], $0x80, v4, vm1, $0xb8;
	[tilespmem:$0x13900] =	vst v63  }
0x6e: {  	s0 =	rddreg [dreg:$0x11]  }
0x6f: {  	[tilespmem:s0], [sflag:$0x1] =	stream.indirect_vreg.gather [hbm4b:s3+s2], $0x80, v3, vm0, $0xb8;
	[tilespmem:$0x13900] =	vst v63  }
0x70: {  	s4 =	rddreg [dreg:$0x12]  }
0x71: {  	[tilespmem:s4], [sflag:$0x1] =	stream.indirect_vreg.gather [hbm4b:s5+s2], $0x80, v3, vm1, $0xb8;
	[tilespmem:$0x13900] =	vst v63  }
0x72: {  	v3 =	vld [tilespmem:s31+$0xFFFFFFE0];
	_ =	sdelay $0x4  }
0x73: {  	v56 =	vshrl.u32 v3, $0x3  }
0x74: {  	v4 =	vmul.u32 $0x18, v56  }
0x75: {  	v3 =	vand.u32 $0x7, v3  }
0x76: {  	v3 =	vor.u32 v3, v4  }
0x77: {  	v4 =	vperm.xlane v3, v0;
	_ =	sdelay $0x1  }
0x78: {  	v4 =	vadd.s32 v1, v4;
	_ =	sdelay $0x1  }
0x79: {  	v3 =	vperm.xlane v3, v2;
	_ =	sdelay $0x1  }
0x7a: {  	s0 =	rddreg [dreg:$0x13];
	v3 =	vadd.s32 v1, v3  }
0x7b: {  	[tilespmem:s0], [sflag:$0x1] =	stream.indirect_vreg.gather [hbm4b:s3+s2], $0x80, v4, vm0, $0xb8;
	[tilespmem:$0x13900] =	vst v63  }
0x7c: {  	s4 =	rddreg [dreg:$0x14]  }
0x7d: {  	[tilespmem:s4], [sflag:$0x1] =	stream.indirect_vreg.gather [hbm4b:s5+s2], $0x80, v4, vm1, $0xb8;
	[tilespmem:$0x13900] =	vst v63  }
0x7e: {  	s0 =	rddreg [dreg:$0x15]  }
0x7f: {  	[tilespmem:s0], [sflag:$0x1] =	stream.indirect_vreg.gather [hbm4b:s3+s2], $0x80, v3, vm0, $0xb8;
	[tilespmem:$0x13900] =	vst v63  }
0x80: {  	s4 =	rddreg [dreg:$0x16]  }
0x81: {  	[tilespmem:s4], [sflag:$0x1] =	stream.indirect_vreg.gather [hbm4b:s5+s2], $0x80, v3, vm1, $0xb8;
	[tilespmem:$0x13900] =	vst v63  }
0x82: {  	v3 =	vld [tilespmem:s31+$0xFFFFFFF0];
	_ =	sdelay $0x4  }
0x83: {  	v57 =	vshrl.u32 v3, $0x3  }
0x84: {  	v4 =	vmul.u32 $0x18, v57  }
0x85: {  	v3 =	vand.u32 $0x7, v3  }
0x86: {  	v3 =	vor.u32 v3, v4  }
0x87: {  	v4 =	vperm.xlane v3, v0;
	_ =	sdelay $0x1  }
0x88: {  	v4 =	vadd.s32 v1, v4;
	_ =	sdelay $0x1  }
0x89: {  	v3 =	vperm.xlane v3, v2;
	_ =	sdelay $0x1  }
0x8a: {  	s0 =	rddreg [dreg:$0x17];
	v3 =	vadd.s32 v1, v3  }
0x8b: {  	[tilespmem:s0], [sflag:$0x1] =	stream.indirect_vreg.gather [hbm4b:s3+s2], $0x80, v4, vm0, $0xb8;
	[tilespmem:$0x13900] =	vst v63  }
0x8c: {  	s4 =	rddreg [dreg:$0x18]  }
0x8d: {  	[tilespmem:s4], [sflag:$0x1] =	stream.indirect_vreg.gather [hbm4b:s5+s2], $0x80, v4, vm1, $0xb8;
	[tilespmem:$0x13900] =	vst v63  }
0x8e: {  	s0 =	rddreg [dreg:$0x19]  }
0x8f: {  	[tilespmem:s0], [sflag:$0x1] =	stream.indirect_vreg.gather [hbm4b:s3+s2], $0x80, v3, vm0, $0xb8;
	[tilespmem:$0x13900] =	vst v63  }
0x90: {  	s4 =	rddreg [dreg:$0x1a]  }
0x91: {  	[tilespmem:s4], [sflag:$0x1] =	stream.indirect_vreg.gather [hbm4b:s5+s2], $0x80, v3, vm1, $0xb8;
	[tilespmem:$0x13900] =	vst v63  }
0x92: {  	v3 =	vld [tilespmem:s31+$0x0];
	_ =	sdelay $0x4  }
0x93: {  	v58 =	vshrl.u32 v3, $0x3  }
0x94: {  	v4 =	vmul.u32 $0x18, v58  }
0x95: {  	v3 =	vand.u32 $0x7, v3  }
0x96: {  	v3 =	vor.u32 v3, v4  }
0x97: {  	v4 =	vperm.xlane v3, v0;
	_ =	sdelay $0x1  }
0x98: {  	v4 =	vadd.s32 v1, v4;
	_ =	sdelay $0x1  }
0x99: {  	v3 =	vperm.xlane v3, v2;
	_ =	sdelay $0x1  }
0x9a: {  	v3 =	vadd.s32 v1, v3  }
0x9b: {  	[tilespmem:s9], [sflag:$0x2] =	stream.indirect_vreg.gather [hbm4b:s3+s2], $0x80, v4, vm0, $0xb8;
	[tilespmem:$0x13900] =	vst v63  }
0x9c: {  	s0 =	rddreg [dreg:$0x1b]  }
0x9d: {  	[tilespmem:s0], [sflag:$0x2] =	stream.indirect_vreg.gather [hbm4b:s5+s2], $0x80, v4, vm1, $0xb8;
	[tilespmem:$0x13900] =	vst v63  }
0x9e: {  	s4 =	rddreg [dreg:$0x1c]  }
0x9f: {  	[tilespmem:s4], [sflag:$0x2] =	stream.indirect_vreg.gather [hbm4b:s3+s2], $0x80, v3, vm0, $0xb8;
	[tilespmem:$0x13900] =	vst v63  }
0xa0: {  	s0 =	rddreg [dreg:$0x1d]  }
0xa1: {  	[tilespmem:s0], [sflag:$0x2] =	stream.indirect_vreg.gather [hbm4b:s5+s2], $0x80, v3, vm1, $0xb8;
	[tilespmem:$0x13900] =	vst v63  }
0xa2: {  	v3 =	vld [tilespmem:s31+$0x10];
	_ =	sdelay $0x4  }
0xa3: {  	v59 =	vshrl.u32 v3, $0x3  }
0xa4: {  	v4 =	vmul.u32 $0x18, v59  }
0xa5: {  	v3 =	vand.u32 $0x7, v3  }
0xa6: {  	v3 =	vor.u32 v3, v4  }
0xa7: {  	v4 =	vperm.xlane v3, v0;
	_ =	sdelay $0x1  }
0xa8: {  	v4 =	vadd.s32 v1, v4;
	_ =	sdelay $0x1  }
0xa9: {  	v3 =	vperm.xlane v3, v2  }
0xaa: {  	s4 =	rddreg [dreg:$0x1f]  }
0xab: {  	s0 =	rddreg [dreg:$0x1e];
	v3 =	vadd.s32 v1, v3  }
0xac: {  	[tilespmem:s0], [sflag:$0x2] =	stream.indirect_vreg.gather [hbm4b:s3+s2], $0x80, v4, vm0, $0xb8;
	[tilespmem:$0x13900] =	vst v63  }
0xad: {  	s0 =	sld [smem:$0x7FD]  }
0xae: {  	[tilespmem:s4], [sflag:$0x2] =	stream.indirect_vreg.gather [hbm4b:s5+s2], $0x80, v4, vm1, $0xb8;
	[tilespmem:$0x13900] =	vst v63  }
0xaf: {  	_ = 	snop  }
0xb0: {  	[tilespmem:s0], [sflag:$0x2] =	stream.indirect_vreg.gather [hbm4b:s3+s2], $0x80, v3, vm0, $0xb8;
	[tilespmem:$0x13900] =	vst v63  }
0xb1: {  	_ = 	snop  }
0xb2: {  	[tilespmem:s10], [sflag:$0x2] =	stream.indirect_vreg.gather [hbm4b:s5+s2], $0x80, v3, vm1, $0xb8;
	[tilespmem:$0x13900] =	vst v63  }
0xb3: {  	v3 =	vld [tilespmem:s31+$0x20];
	_ =	sdelay $0x4  }
0xb4: {  	v60 =	vshrl.u32 v3, $0x3  }
0xb5: {  	v4 =	vmul.u32 $0x18, v60  }
0xb6: {  	v3 =	vand.u32 $0x7, v3  }
0xb7: {  	v3 =	vor.u32 v3, v4  }
0xb8: {  	v4 =	vperm.xlane v3, v0;
	_ =	sdelay $0x1  }
0xb9: {  	v4 =	vadd.s32 v1, v4;
	_ =	sdelay $0x1  }
0xba: {  	v3 =	vperm.xlane v3, v2;
	_ =	sdelay $0x1  }
0xbb: {  	v3 =	vadd.s32 v1, v3  }
0xbc: {  	[tilespmem:s11], [sflag:$0x2] =	stream.indirect_vreg.gather [hbm4b:s3+s2], $0x80, v4, vm0, $0xb8;
	[tilespmem:$0x13900] =	vst v63  }
0xbd: {  	_ = 	snop  }
0xbe: {  	[tilespmem:s12], [sflag:$0x2] =	stream.indirect_vreg.gather [hbm4b:s5+s2], $0x80, v4, vm1, $0xb8;
	[tilespmem:$0x13900] =	vst v63  }
0xbf: {  	_ = 	snop  }
0xc0: {  	[tilespmem:s13], [sflag:$0x2] =	stream.indirect_vreg.gather [hbm4b:s3+s2], $0x80, v3, vm0, $0xb8;
	[tilespmem:$0x13900] =	vst v63  }
0xc1: {  	_ = 	snop  }
0xc2: {  	[tilespmem:s14], [sflag:$0x2] =	stream.indirect_vreg.gather [hbm4b:s5+s2], $0x80, v3, vm1, $0xb8;
	[tilespmem:$0x13900] =	vst v63  }
0xc3: {  	v3 =	vld [tilespmem:s31+$0x30];
	_ =	sdelay $0x4  }
0xc4: {  	v61 =	vshrl.u32 v3, $0x3  }
0xc5: {  	v4 =	vmul.u32 $0x18, v61  }
0xc6: {  	v3 =	vand.u32 $0x7, v3  }
0xc7: {  	v3 =	vor.u32 v3, v4  }
0xc8: {  	v4 =	vperm.xlane v3, v0;
	_ =	sdelay $0x1  }
0xc9: {  	v4 =	vadd.s32 v1, v4;
	_ =	sdelay $0x1  }
0xca: {  	v3 =	vperm.xlane v3, v2;
	_ =	sdelay $0x1  }
0xcb: {  	v3 =	vadd.s32 v1, v3  }
0xcc: {  	[tilespmem:s15], [sflag:$0x2] =	stream.indirect_vreg.gather [hbm4b:s3+s2], $0x80, v4, vm0, $0xb8;
	[tilespmem:$0x13900] =	vst v63  }
0xcd: {  	_ = 	snop  }
0xce: {  	[tilespmem:s16], [sflag:$0x2] =	stream.indirect_vreg.gather [hbm4b:s5+s2], $0x80, v4, vm1, $0xb8;
	[tilespmem:$0x13900] =	vst v63  }
0xcf: {  	_ = 	snop  }
0xd0: {  	[tilespmem:s17], [sflag:$0x2] =	stream.indirect_vreg.gather [hbm4b:s3+s2], $0x80, v3, vm0, $0xb8;
	[tilespmem:$0x13900] =	vst v63  }
0xd1: {  	_ = 	snop  }
0xd2: {  	[tilespmem:s18], [sflag:$0x2] =	stream.indirect_vreg.gather [hbm4b:s5+s2], $0x80, v3, vm1, $0xb8;
	[tilespmem:$0x13900] =	vst v63  }
0xd3: {  	v3 =	vld [tilespmem:s31+$0x40];
	_ =	sdelay $0x4  }
0xd4: {  	v62 =	vshrl.u32 v3, $0x3  }
0xd5: {  	v4 =	vmul.u32 $0x18, v62  }
0xd6: {  	v3 =	vand.u32 $0x7, v3  }
0xd7: {  	v3 =	vor.u32 v3, v4  }
0xd8: {  	v4 =	vperm.xlane v3, v0;
	_ =	sdelay $0x1  }
0xd9: {  	v4 =	vadd.s32 v1, v4;
	_ =	sdelay $0x1  }
0xda: {  	v3 =	vperm.xlane v3, v2;
	_ =	sdelay $0x1  }
0xdb: {  	v3 =	vadd.s32 v1, v3  }
0xdc: {  	[tilespmem:s19], [sflag:$0x2] =	stream.indirect_vreg.gather [hbm4b:s3+s2], $0x80, v4, vm0, $0xb8;
	[tilespmem:$0x13900] =	vst v63  }
0xdd: {  	_ = 	snop  }
0xde: {  	[tilespmem:s20], [sflag:$0x2] =	stream.indirect_vreg.gather [hbm4b:s5+s2], $0x80, v4, vm1, $0xb8;
	[tilespmem:$0x13900] =	vst v63  }
0xdf: {  	_ = 	snop  }
0xe0: {  	[tilespmem:s21], [sflag:$0x2] =	stream.indirect_vreg.gather [hbm4b:s3+s2], $0x80, v3, vm0, $0xb8;
	[tilespmem:$0x13900] =	vst v63  }
0xe1: {  	_ = 	snop  }
0xe2: {  	[tilespmem:s22], [sflag:$0x2] =	stream.indirect_vreg.gather [hbm4b:s5+s2], $0x80, v3, vm1, $0xb8;
	[tilespmem:$0x13900] =	vst v63  }
0xe3: {  	v3 =	vld [tilespmem:s31+$0x50];
	_ =	sdelay $0x4  }
0xe4: {  	v63 =	vshrl.u32 v3, $0x3  }
0xe5: {  	v4 =	vmul.u32 $0x18, v63  }
0xe6: {  	v3 =	vand.u32 $0x7, v3  }
0xe7: {  	v3 =	vor.u32 v3, v4  }
0xe8: {  	v4 =	vperm.xlane v3, v0;
	_ =	sdelay $0x1  }
0xe9: {  	v4 =	vadd.s32 v1, v4;
	_ =	sdelay $0x1  }
0xea: {  	v3 =	vperm.xlane v3, v2;
	_ =	sdelay $0x1  }
0xeb: {  	v3 =	vadd.s32 v1, v3  }
0xec: {  	[tilespmem:s23], [sflag:$0x2] =	stream.indirect_vreg.gather [hbm4b:s3+s2], $0x80, v4, vm0, $0xb8;
	[tilespmem:$0x13900] =	vst v63  }
0xed: {  	_ = 	snop  }
0xee: {  	[tilespmem:s24], [sflag:$0x2] =	stream.indirect_vreg.gather [hbm4b:s5+s2], $0x80, v4, vm1, $0xb8;
	[tilespmem:$0x13900] =	vst v63  }
0xef: {  	_ = 	snop  }
0xf0: {  	[tilespmem:s25], [sflag:$0x2] =	stream.indirect_vreg.gather [hbm4b:s3+s2], $0x80, v3, vm0, $0xb8;
	[tilespmem:$0x13900] =	vst v63  }
0xf1: {  	_ = 	snop  }
0xf2: {  	[tilespmem:s26], [sflag:$0x2] =	stream.indirect_vreg.gather [hbm4b:s5+s2], $0x80, v3, vm1, $0xb8;
	[tilespmem:$0x13900] =	vst v63  }
0xf3: {  	_ =	swait.ge [sflag:s28], $0x9000  }
0xf4: {  	s4 =	rddreg [dreg:$0x3];
	[sflag:s28] =	ssyncset.done $0x0  }
0xf5: {  	[sflag:s28] =	ssyncadd.s32 $0xFFFF7000;
	s0 =	sadd.s32 s1, s4  }
0xf6: {  	[hbm4b:s0+s2] =	stream.linear.scatter [tilespmem:s8], [sflag:$0x3], $0x9000, $0x38;
	[tilespmem:$0x13900] =	vst v63  }
0xf7: {  	_ =	swait.ge [sflag:s7], $0x9000  }
0xf8: {  	[sflag:s7] =	ssyncset.done $0x0  }
0xf9: {  	[sflag:s7] =	ssyncadd.s32 $0xFFFF7000  }
0xfa: {  	_ =	swait.ge [sflag:s29], $0x9000  }
0xfb: {  	p0 =	sne.s32 s1, $0x48000;
	s4 =	rddreg [dreg:$0x2];
	[sflag:s29] =	ssyncset.done $0x0  }
.Ltmp0:
0xfc: {  	[sflag:s29] =	ssyncadd.s32 $0xFFFF7000;
	s0 =	sadd.s32 s1, s4;
	(pc) =	sbr.rel @p0 .LBB2_2-.Ltmp0, $4  }
0xfd: {  	[hbm4b:s0+s2] =	stream.linear.scatter [tilespmem:s9], [sflag:$0x3], $0x9000, $0x38;
	[tilespmem:$0x13900] =	vst v63  }
0xfe: {  	_ =	swait.ge [sflag:s7], $0x9000  }
0xff: {  	[sflag:s7] =	ssyncset.done $0x0  }
0x100: {  	s31 =	sadd.s32 $0xC0, s31;
	s1 =	sadd.s32 $0x2400, s1;
	[sflag:s7] =	ssyncadd.s32 $0xFFFF7000  }
0x101: {  	s30 =	sadd.s32 $0x1, s30  }
0x102: {  	p0 =	sne.s32 s30, s6  }
.Ltmp1:
0x103: {  	_ = 	snop;
	(pc) =	sbr.rel @p0 .LBB2_1-.Ltmp1, $1  }
0x104: {  	_ =	sdelay $0x3  }
0x105: {  	_ =	sfence.sel $0x180000  }
0x106: {  	[bflag:$0x0] =	sbarrier.arrive $0xFFFF  }
0x107: {  	_ =	strace $0x9000004A  }
0x108: {  	s0 =	stileid.u32;
	[bflag:$0x2] =	sbarrier.arrive $0xFFFF  }
0x109: {  	p0 =	sne.s32 s0, $0x0;
	s0 =	rddreg [dreg:$0x1]  }
0x10a: {  	s0 =	sadd.s32 @!p0 $0x100000, s0  }
0x10b: {  	[sflag:s0] =	ssyncadd.tile.s32 @!p0 $0x1;
	_ =	shalt  }
.Lfunc_end2:
_tile_overlayer_lowered:
.L_overlay_start_2:
0x10c: {  	(tag) =	ssettag $0x2  }
0x10d: {  	s0 =	rddreg [dreg:$0x0];
	s2 =	stileid.u32  }
0x10e: {  	s1 =	rddreg [dreg:$0x1];
	p0 =	sne.s32 s2, $0x0  }
0x10f: {  	s3 =	rddreg [dreg:$0x2];
	[bflag:$0x3] =	sbarrier.arrive $0xFFFF;
	s2 =	simm.s32 @!p0 $0x1C03  }
0x110: {  	[timem:s3], [sflag:s2] =	dma.local @!p0 [hbm:s0], s1  }
0x111: {  	s0 =	simm.s32 @!p0 $0x3  }
0x112: {  	_ =	swait.ge @!p0 [sflag:s0], s1  }
0x113: {  	s1 =	ssub.s32 @!p0 $0x0, s1;
	[sflag:s0] =	ssyncset.done @!p0 $0x0  }
0x114: {  	[sflag:s0] =	ssyncadd.s32 @!p0 s1  }
0x115: {  	[bflag:$0x3] =	sbarrier.arrive $0xFFFF  }
0x116: {  	_ =	shalt  }

// kernel: kernel.26.cloned.1.call-start
scs
__scs_entry_jumppad:
0x0: {  	(pc) =	sbr.rel $0x88, $3  }
0x1: {  	(tag) =	ssettag $0x0;
	lr =	simm.s32 $0x1  }
0x2: {  	[smem:$0x3F8C] =	sst lr;
	_ =	strace $0xD0000000  }
0x3: {  	_ = 	snop  }
0x4: {  	_ = 	snop  }
0x5: {  	_ = 	snop  }
0x6: {  	_ = 	snop  }
0x7: {  	_ = 	snop  }
__scs_overlays_trampoline_lowered:
0x8: {  	[smem:$0x3F9B] =	sst s0  }
0x9: {  	[smem:$0x3F9C] =	sst s1  }
0xa: {  	[smem:$0x3F9D] =	sst s2  }
0xb: {  	[smem:$0x3F9E] =	sst s3  }
0xc: {  	[smem:$0x3F9F] =	sst s4  }
0xd: {  	[smem:$0x3FA0] =	sst s5  }
0xe: {  	[smem:$0x3FA1] =	sst s6  }
0xf: {  	[smem:$0x3FA2] =	sst s7  }
0x10: {  	[smem:$0x3FA3] =	sst s8  }
0x11: {  	[smem:$0x3FA4] =	sst s9;
	s0 =	simm.s32 @!p0 $0x0  }
0x12: {  	s1 =	sld [smem:$0x3F8A];
	s0 =	simm.s32 @p0 $0x1  }
0x13: {  	[smem:$0x3FA5] =	sst s0;
	s0 =	simm.s32 @!p1 $0x0  }
0x14: {  	s2 =	sld [smem:$0x3F89];
	s0 =	simm.s32 @p1 $0x1  }
0x15: {  	[smem:$0x3FA6] =	sst s0;
	s0 =	simm.s32 @!p2 $0x0  }
0x16: {  	s3 =	sld [smem:$0x3FDB];
	s0 =	simm.s32 @p2 $0x1  }
0x17: {  	s4 =	simm.s32 $0x1BF5;
	[smem:$0x3FA8] =	sst s0  }
0x18: {  	s0 =	sld [smem:$0x3F8B];
	_ =	swait.ge [sflag:s4], $0x0  }
0x19: {  	s7 =	sld [smem:$0x3F8C]  }
0x1a: {  	s8 =	sadd.s32 $0xFFFFE003, lr  }
0x1b: {  	s9 =	sadd.s32 $0xFFFFFEF7, lr;
	s5 =	simm.s32 $0xFFFFFFFF;
	p2 =	slt.u32 s8, $0xFFFFF086  }
0x1c: {  	p1 =	slt.u32 s9, $0xF7A;
	s5 =	simm.s32 @!p2 $0x0  }
0x1d: {  	s5 =	simm.s32 @p1 $0x1;
	p0 =	seq.s32 s7, s2  }
0x1e: {  	s7 =	smul.u32 @!p0 $0xF7A, s2;
	p2 =	seq.s32 @!p0 s5, $0x0  }
0x1f: {  	s9 =	smul.u32 $0xF7A, s1;
	s8 =	simm.s32 @!p0 $0x1BF5;
	p2 =	por !p2, p0  }
0x20: {  	[sflag:s8] =	ssyncset.s32 @!p0 $0xFFFFF086;
	s6 =	sadd.s32 @!p0 s3, s7;
	s7 =	simm.s32 @!p0 $0x108  }
0x21: {  	s3 =	sadd.s32 s3, s9;
	s6 =	sadd.s32 @!p0 $0x88, s6;
	s7 =	simm.s32 @p2 $0x1082  }
0x22: {  	[simem:s7], [sflag:s8] =	dma.local @!p0 [hbm:s6], $0xF7A  }
0x23: {  	s9 =	sor.u32 $0xD0000000, s2;
	s6 =	simm.s32 $0x108;
	_ =	swait.ge @!p0 [sflag:s8], $0x0  }
0x24: {  	s3 =	sadd.s32 $0x88, s3;
	s6 =	simm.s32 @!p1 $0x1082;
	[sflag:s4] =	ssyncset.s32 $0xFFFFF086  }
0x25: {  	[simem:s6], [sflag:s4] =	dma.local [hbm:s3], $0xF7A  }
0x26: {  	[smem:$0x3F8C] =	sst s1;
	(tag) =	ssettag s2;
	_ =	strace s9  }
0x27: {  	s1 =	sld [smem:$0x3F9C]  }
0x28: {  	s2 =	sld [smem:$0x3F9D]  }
0x29: {  	s4 =	sld [smem:$0x3F9F]  }
0x2a: {  	p0 =	seq.s32 s5, $0x0;
	s5 =	sld [smem:$0x3FA0]  }
0x2b: {  	s6 =	sld [smem:$0x3FA1]  }
0x2c: {  	s7 =	sld [smem:$0x3FA2]  }
0x2d: {  	s3 =	simm.s32 $0x108;
	s8 =	sld [smem:$0x3FA3]  }
0x2e: {  	s3 =	simm.s32 @!p0 $0x1082;
	s9 =	sld [smem:$0x3FA4]  }
0x2f: {  	lr =	sadd.s32 s0, s3;
	s0 =	sld [smem:$0x3F9B]  }
0x30: {  	s3 =	sld [smem:$0x3F9E]  }
0x31: {  	[smem:$0x3FA7] =	sst s10  }
0x32: {  	s10 =	sld [smem:$0x3FA5];
	_ =	sdelay $0x3  }
0x33: {  	p0 =	seq.s32 s10, $0x1;
	s10 =	sld [smem:$0x3FA7];
	_ =	sdelay $0x3  }
0x34: {  	[smem:$0x3FA7] =	sst s10  }
0x35: {  	s10 =	sld [smem:$0x3FA6];
	_ =	sdelay $0x3  }
0x36: {  	p1 =	seq.s32 s10, $0x1;
	s10 =	sld [smem:$0x3FA7];
	_ =	sdelay $0x3  }
0x37: {  	[smem:$0x3FA7] =	sst s10  }
0x38: {  	s10 =	sld [smem:$0x3FA8]  }
0x39: {  	_ = 	snop;
	(pc) =	sbr.ind lr, $3  }
0x3a: {  	_ = 	snop  }
0x3b: {  	_ = 	snop  }
0x3c: {  	p2 =	seq.s32 s10, $0x1;
	s10 =	sld [smem:$0x3FA7]  }
0x3d: {  	_ =	shalt  }
0x3e: {  	_ =	shalt  }
0x3f: {  	_ =	shalt  }
0x40: {  	_ =	shalt  }
0x41: {  	_ =	shalt  }
0x42: {  	_ =	shalt  }
0x43: {  	_ =	shalt  }
0x44: {  	_ =	shalt  }
0x45: {  	_ =	shalt  }
0x46: {  	_ =	shalt  }
0x47: {  	_ =	shalt  }
0x48: {  	_ =	shalt  }
0x49: {  	_ =	shalt  }
0x4a: {  	_ =	shalt  }
0x4b: {  	_ =	shalt  }
0x4c: {  	_ =	shalt  }
0x4d: {  	_ =	shalt  }
0x4e: {  	_ =	shalt  }
0x4f: {  	_ =	shalt  }
0x50: {  	_ =	shalt  }
0x51: {  	_ =	shalt  }
0x52: {  	_ =	shalt  }
0x53: {  	_ =	shalt  }
0x54: {  	_ =	shalt  }
0x55: {  	_ =	shalt  }
0x56: {  	_ =	shalt  }
0x57: {  	_ =	shalt  }
0x58: {  	_ =	shalt  }
0x59: {  	_ =	shalt  }
0x5a: {  	_ =	shalt  }
0x5b: {  	_ =	shalt  }
0x5c: {  	_ =	shalt  }
0x5d: {  	_ =	shalt  }
0x5e: {  	_ =	shalt  }
0x5f: {  	_ =	shalt  }
0x60: {  	_ =	shalt  }
0x61: {  	_ =	shalt  }
0x62: {  	_ =	shalt  }
0x63: {  	_ =	shalt  }
0x64: {  	_ =	shalt  }
0x65: {  	_ =	shalt  }
0x66: {  	_ =	shalt  }
0x67: {  	_ =	shalt  }
0x68: {  	_ =	shalt  }
0x69: {  	_ =	shalt  }
0x6a: {  	_ =	shalt  }
0x6b: {  	_ =	shalt  }
0x6c: {  	_ =	shalt  }
0x6d: {  	_ =	shalt  }
0x6e: {  	_ =	shalt  }
0x6f: {  	_ =	shalt  }
0x70: {  	_ =	shalt  }
0x71: {  	_ =	shalt  }
0x72: {  	_ =	shalt  }
0x73: {  	_ =	shalt  }
0x74: {  	_ =	shalt  }
0x75: {  	_ =	shalt  }
0x76: {  	_ =	shalt  }
0x77: {  	_ =	shalt  }
0x78: {  	_ =	shalt  }
0x79: {  	_ =	shalt  }
0x7a: {  	_ =	shalt  }
0x7b: {  	_ =	shalt  }
0x7c: {  	_ =	shalt  }
0x7d: {  	_ =	shalt  }
0x7e: {  	_ =	shalt  }
0x7f: {  	_ =	shalt  }
0x80: {  	_ =	shalt  }
0x81: {  	_ =	shalt  }
0x82: {  	_ =	shalt  }
0x83: {  	_ =	shalt  }
0x84: {  	_ =	shalt  }
0x85: {  	_ =	shalt  }
0x86: {  	_ =	shalt  }
0x87: {  	_ =	shalt  }
.Lfunc_end0:
.L_simem_size_0:
called_computation.3_lowered:
.L_overlay_start_0:
0x88: {  	s2 =	sld [smem:$0x3FD9]  }
0x89: {  	s3 =	sld [smem:$0x3FFE];
	_ =	sdelay $0x1  }
0x8a: {  	s1 =	srdreg.scid  }
0x8b: {  	s0 =	sand.u32 $0x1, s1  }
0x8c: {  	s17 =	sshll.u32 s0, $0xA;
	s2 =	sadd.s32 s3, s2  }
0x8d: {  	s2 =	sadd.s32 s2, s17  }
0x8e: {  	[smem:$0x3FB3] =	sst s2  }
0x8f: {  	_ = 	snop  }
0x90: {  	(tm) =	ssettm $0x1  }
0x91: {  	s18 =	sld [smem:$0x3FFB];
	_ =	sdelay $0x3  }
0x92: {  	_ =	strace s18  }
0x93: {  	s2 =	sld [smem:$0x3FFC];
	_ =	sdelay $0x3  }
0x94: {  	_ =	strace s2  }
0x95: {  	s2 =	sld [smem:$0x3FFD];
	_ =	sdelay $0x3  }
0x96: {  	_ =	strace s2  }
0x97: {  	_ =	strace $0x8FFFFFFF  }
0x98: {  	s19 =	sld [smem:$0x3FDB];
	_ =	sdelay $0x1  }
0x99: {  	s20 =	simm.s32 $_scs_section_size  }
0x9a: {  	s4 =	simm.s32 $_size__tile_overlayer_lowered;
	s5 =	simm.s32 $_tile_overlayer_lowered  }
0x9b: {  	s6 =	simm.s32 $0x1BFF;
	s21 =	sshll.u32 s5, $0x1;
	s3 =	sadd.s32 s20, s19  }
0x9c: {  	s22 =	simm.s32 $0x0;
	s4 =	sshll.u32 s4, $0x1;
	s5 =	sadd.s32 s21, s3  }
0x9d: {  	[timem:s22], [sflag:s6] =	dma.local [hbm:s5], s4  }
0x9e: {  	_ =	swait.ge [sflag:s6], s4  }
0x9f: {  	s4 =	ssub.s32 $0x0, s4;
	[sflag:s6] =	ssyncset.done $0x0  }
0xa0: {  	[sflag:s6] =	ssyncadd.s32 s4;
	_ =	sdelay $0x1  }
0xa1: {  	s23 =	simm.s32 $0x1B8B  }
0xa2: {  	_ =	swait.ge [sflag:s23], $0x1  }
0xa3: {  	[sflag:s23] =	ssyncset.done $0x0  }
0xa4: {  	[sflag:s23] =	ssyncadd.s32 $0xFFFFFFFF  }
0xa5: {  	s4 =	sld [smem:$0x0]  }
0xa6: {  	s5 =	sand.u32 $0xFFFFFFFE, s1  }
0xa7: {  	p0 =	sne.s32 s1, s5  }
0xa8: {  	s5 =	sshll.u32 @p0 s5, $0xE  }
0xa9: {  	s5 =	sadd.s32 @p0 $0x11B8D, s5;
	s6 =	sshll.u32 @p0 s4, $0x11  }
0xaa: {  	s5 =	sor.u32 @p0 s6, s5  }
0xab: {  	[sflag:s5] =	ssyncadd.remote.s32 @p0 $0x1;
	_ =	sdelay $0x1  }
0xac: {  	s5 =	simm.s32 @p0 $0x1B8D  }
0xad: {  	_ =	swait.eq @p0 [sflag:s5], $0x1  }
0xae: {  	[sflag:s5] =	ssyncadd.s32 @p0 $0xFFFFFFFF  }
0xaf: {  	s6 =	sshll.u32 @!p0 s1, $0xE  }
0xb0: {  	s6 =	sor.u32 @!p0 $0x4000, s6;
	s5 =	simm.s32 @!p0 $0x1B8D  }
0xb1: {  	s4 =	sshll.u32 @!p0 s4, $0x11;
	s6 =	sadd.s32 @!p0 $0x11B8D, s6;
	_ =	swait.eq @!p0 [sflag:s5], $0x1  }
0xb2: {  	s4 =	sor.u32 @!p0 s4, s6;
	[sflag:s5] =	ssyncadd.s32 @!p0 $0xFFFFFFFF  }
0xb3: {  	s25 =	simm.s32 $0x1B8E;
	s24 =	sld [smem:$0x3FFE];
	[sflag:s4] =	ssyncadd.remote.s32 @!p0 $0x1  }
0xb4: {  	s26 =	simm.s32 $execute0_lowered;
	[smem:$0x3FD2] =	sst s25  }
0xb5: {  	s5 =	sshll.u32 s26, $0x1;
	_ =	strace $0x8000004C;
	[dreg:$0x1] =	wrdreg $0xFFFFFFFF  }
0xb6: {  	s28 =	simm.s32 $_size_execute0_lowered;
	s3 =	sadd.s32 s3, s5;
	[dreg:$0x0] =	wrdreg $0x0  }
0xb7: {  	s5 =	sshll.u32 s28, $0x1;
	[dreg:$0x2] =	wrdreg s3  }
0xb8: {  	[dreg:$0x3] =	wrdreg s5  }
0xb9: {  	[dreg:$0x4] =	wrdreg $0xC0  }
0xba: {  	_ =	task [dreg:s22], $0x5FFFF  }
0xbb: {  	[dreg:$0x1] =	wrdreg $0xFFFFFFFF  }
0xbc: {  	[dreg:$0x0] =	wrdreg $0x60  }
0xbd: {  	[dreg:$0x2] =	wrdreg s24  }
0xbe: {  	[dreg:$0x3] =	wrdreg $0xA  }
0xbf: {  	_ =	task.clear_ibuf [dreg:s22], $0x4FFFF;
	_ =	strace $0x9000004C  }
0xc0: {  	s29 =	simm.s32 $0xA;
	_ =	strace $0x8000004E  }
0xc1: {  	_ =	swait.ge [sflag:s29], $0x1  }
0xc2: {  	[sflag:s29] =	ssyncadd.s32 $0xFFFFFFFF  }
0xc3: {  	_ =	strace $0x9000004E  }
0xc4: {  	_ =	sfence  }
0xc5: {  	s30 =	sld [smem:$0x0];
	_ =	sdelay $0x2  }
0xc6: {  	s31 =	sshll.u32 s1, $0xD;
	s1 =	sshrl.u32 s1, $0x2  }
0xc7: {  	s4 =	sand.u32 $0x4000, s31;
	s1 =	sadd.s32 s1, s30  }
0xc8: {  	s0 =	sor.u32 s4, s0;
	s1 =	sshll.u32 s1, $0x11  }
0xc9: {  	s0 =	sor.u32 s1, s0  }
0xca: {  	s0 =	sadd.s32 $0x8F2B, s0  }
0xcb: {  	[sflag:s0] =	ssyncadd.remote.s32 $0x1  }
0xcc: {  	_ =	sfence.sel $0xFFFF  }
0xcd: {  	[dreg:$0x0] =	wrdreg $0xFFFFFFFF;
	(pc) =	sbr.abs _section_cstart, $3  }
0xce: {  	[dreg:$0x1] =	wrdreg $0xFFFFFFFF  }
0xcf: {  	_ =	task.clear_ibuf [dreg:s22], $0x2FFFF;
	_ =	strace $0x9FFFFFFF  }
0xd0: {  	(tm) =	ssettm $0x7FFFFFFF  }
0xd1: {  	_ =	shalt  }
tec
execute0_lowered:
.L_overlay_start_1:
0x0: {  	(tag) =	ssettag $0x1  }
0x1: {  	s1 =	srdreg.scid;
	s0 =	stileid.u32  }
0x2: {  	s4 =	sand.u32 $0x1, s1;
	s19 =	smul.u32 $0x3180, s0  }
0x3: {  	s2 =	smul.u32 $0x18C0, s4;
	_ =	sdelay $0x1  }
0x4: {  	s3 =	sadd.s32 s2, s19  }
0x5: {  	s2 =	sadd.s32 $0x60, s3  }
0x6: {  	s1 =	rddreg [dreg:$0x0];
	s5 =	sshrl.u32 s2, $0x3;
	s2 =	simm.s32 $0x0  }
0x7: {  	s20 =	simm.s32 $0x2100;
	[smem:$0x7FF] =	sst s2  }
0x8: {  	s21 =	simm.s32 $0x2500;
	_ =	strace $0x8000004D;
	[dreg:$0x4] =	wrdreg s20  }
0x9: {  	s22 =	simm.s32 $0x2D00;
	[dreg:$0x5] =	wrdreg s21  }
0xa: {  	s23 =	simm.s32 $0x3100;
	[dreg:$0x6] =	wrdreg s22  }
0xb: {  	s24 =	simm.s32 $0x3900;
	[dreg:$0x7] =	wrdreg s23  }
0xc: {  	s25 =	simm.s32 $0x3D00;
	[dreg:$0x8] =	wrdreg s24  }
0xd: {  	s26 =	simm.s32 $0x4500;
	[dreg:$0x9] =	wrdreg s25  }
0xe: {  	s31 =	simm.s32 $0x4900;
	[dreg:$0xa] =	wrdreg s26  }
0xf: {  	s7 =	simm.s32 $0x5D00;
	[dreg:$0xb] =	wrdreg s31  }
0x10: {  	s8 =	simm.s32 $0x6100;
	[dreg:$0xe] =	wrdreg s7  }
0x11: {  	s9 =	simm.s32 $0x6900;
	[dreg:$0xf] =	wrdreg s8  }
0x12: {  	s10 =	simm.s32 $0x6D00;
	s12 =	simm.s32 $0x7500;
	[dreg:$0x10] =	wrdreg s9  }
0x13: {  	s13 =	simm.s32 $0x7900;
	s14 =	simm.s32 $0x8100;
	[dreg:$0x11] =	wrdreg s10  }
0x14: {  	s15 =	simm.s32 $0x8500;
	s16 =	simm.s32 $0x8D00;
	[dreg:$0x12] =	wrdreg s12  }
0x15: {  	s17 =	simm.s32 $0x9100;
	s18 =	simm.s32 $0x9900;
	[dreg:$0x13] =	wrdreg s13  }
0x16: {  	s28 =	simm.s32 $0x1;
	s29 =	simm.s32 $0x2;
	[dreg:$0x14] =	wrdreg s14  }
0x17: {  	s30 =	simm.s32 $0x0;
	s3 =	sshrl.u32 s3, $0x3;
	[dreg:$0x15] =	wrdreg s15  }
0x18: {  	s11 =	sshll.u32 s0, $0x1;
	s3 =	smul.u32 $0x180, s3;
	[dreg:$0x16] =	wrdreg s16  }
0x19: {  	s6 =	sadd.s32 $0x1598600, s1;
	s19 =	simm.s32 $0x9D00;
	[dreg:$0x17] =	wrdreg s17  }
0x1a: {  	s5 =	smul.u32 $0x180, s5;
	s3 =	sadd.s32 s3, s6;
	[dreg:$0x18] =	wrdreg s18  }
0x1b: {  	[dreg:$0x19] =	wrdreg s19;
	s20 =	simm.s32 $0xA500;
	s22 =	simm.s32 $0xB100  }
0x1c: {  	s23 =	simm.s32 $0xB500;
	s24 =	simm.s32 $0xBD00;
	s25 =	simm.s32 $0xC100  }
0x1d: {  	s8 =	simm.s32 $0x1900;
	s26 =	simm.s32 $0xC900;
	[dreg:$0x3] =	wrdreg s3  }
0x1e: {  	s9 =	simm.s32 $0xA900;
	s31 =	simm.s32 $0xCD00;
	[dreg:$0x1a] =	wrdreg s20  }
0x1f: {  	s10 =	simm.s32 $0xD500;
	s12 =	simm.s32 $0xE100;
	[dreg:$0x1b] =	wrdreg s22  }
0x20: {  	s13 =	simm.s32 $0xE500;
	s14 =	simm.s32 $0xED00;
	[dreg:$0x1c] =	wrdreg s23  }
0x21: {  	s15 =	simm.s32 $0xF100;
	s16 =	simm.s32 $0xF900;
	[dreg:$0x1d] =	wrdreg s24  }
0x22: {  	s17 =	simm.s32 $0xFD00;
	s18 =	simm.s32 $0x10500;
	[dreg:$0x1e] =	wrdreg s25  }
0x23: {  	s19 =	simm.s32 $0x10900;
	s5 =	sadd.s32 s5, s6;
	[dreg:$0x1f] =	wrdreg s26  }
0x24: {  	s6 =	simm.s32 $0x5500;
	s3 =	sadd.s32 $0x2360600, s1;
	[smem:$0x7FD] =	sst s31  }
0x25: {  	s20 =	simm.s32 $0x11100;
	[dreg:$0x2] =	wrdreg s5;
	s5 =	simm.s32 $0x5100  }
0x26: {  	s22 =	simm.s32 $0x11D00;
	[dreg:$0xc] =	wrdreg s5;
	s5 =	sor.u32 s4, s11  }
0x27: {  	s23 =	simm.s32 $0x12100;
	s24 =	simm.s32 $0x12900;
	s5 =	smul.u32 $0x18C0, s5  }
0x28: {  	s25 =	simm.s32 $0x12D00;
	s26 =	simm.s32 $0x13500;
	s4 =	ssub.s32 $0x2, s4  }
0x29: {  	[dreg:$0xd] =	wrdreg s6;
	s7 =	sshrl.u32 s4, $0x1;
	s5 =	sshrl.u32 s5, $0x3  }
0x2a: {  	v2 =	vlaneseq.u32;
	s11 =	simm.s32 $0xD900;
	s7 =	ssub.s32 s4, s7;
	s5 =	sadd.s32 s5, s1  }
0x2b: {  	vm0 =	vmmov $0xffff;
	vm1 =	vmmov $0xff;
	v1 =	vshrl.u32 v2, $0x3;
	s6 =	smax.u32 s7, $0x1;
	s7 =	simm.s32 $0x3;
	s21 =	sadd.s32 $0x954000, s5  }
0x2c: {  	v0 =	vand.u32 $0x7, v2;
	v2 =	vor.u32 $0x8, v2;
	v1 =	vmul.u32 $0x8, v1;
	s5 =	sadd.s32 $0x2360700, s1;
	[smem:$0x7FC] =	sst s21;
	s21 =	simm.s32 $0x11500  }
.LBB2_1:
0x2d: {  	s0 =	sld [smem:$0x7FC];
	_ =	sdelay $0x2  }
0x2e: {  	[tilespmem:s2], [sflag:$0x3] =	stream.linear.gather [hbm4b:s0+s2], $0x18C0, $0x38;
	[tilespmem:$0x13900] =	vst v63  }
0x2f: {  	_ =	swait.ge [sflag:s7], $0x18C0  }
0x30: {  	[sflag:s7] =	ssyncset.done $0x0  }
0x31: {  	s31 =	simm.s32 $0x60;
	s1 =	simm.s32 $0x0;
	[sflag:s7] =	ssyncadd.s32 $0xFFFFE740  }
.LBB2_2:
0x32: {  	v3 =	vld [tilespmem:s31+$0xFFFFFFA0];
	_ =	sdelay $0x4  }
0x33: {  	v4 =	vshrl.u32 v3, $0x3  }
0x34: {  	v4 =	vmul.u32 $0x18, v4  }
0x35: {  	v3 =	vand.u32 $0x7, v3  }
0x36: {  	v3 =	vor.u32 v3, v4  }
0x37: {  	v4 =	vperm.xlane v3, v0;
	_ =	sdelay $0x1  }
0x38: {  	v4 =	vadd.s32 v1, v4;
	_ =	sdelay $0x1  }
0x39: {  	v3 =	vperm.xlane v3, v2;
	_ =	sdelay $0x1  }
0x3a: {  	v3 =	vadd.s32 v1, v3  }
0x3b: {  	[tilespmem:s8], [sflag:$0x1] =	stream.indirect_vreg.gather [hbm4b:s3+s2], $0x80, v4, vm0, $0xb8;
	[tilespmem:$0x13900] =	vst v63  }
0x3c: {  	s0 =	rddreg [dreg:$0x4]  }
0x3d: {  	[tilespmem:s0], [sflag:$0x1] =	stream.indirect_vreg.gather [hbm4b:s5+s2], $0x80, v4, vm1, $0xb8;
	[tilespmem:$0x13900] =	vst v63  }
0x3e: {  	s4 =	rddreg [dreg:$0x5]  }
0x3f: {  	[tilespmem:s4], [sflag:$0x1] =	stream.indirect_vreg.gather [hbm4b:s3+s2], $0x80, v3, vm0, $0xb8;
	[tilespmem:$0x13900] =	vst v63  }
0x40: {  	s0 =	rddreg [dreg:$0x6]  }
0x41: {  	[tilespmem:s0], [sflag:$0x1] =	stream.indirect_vreg.gather [hbm4b:s5+s2], $0x80, v3, vm1, $0xb8;
	[tilespmem:$0x13900] =	vst v63  }
0x42: {  	v3 =	vld [tilespmem:s31+$0xFFFFFFB0];
	_ =	sdelay $0x4  }
0x43: {  	v53 =	vshrl.u32 v3, $0x3  }
0x44: {  	v4 =	vmul.u32 $0x18, v53  }
0x45: {  	v3 =	vand.u32 $0x7, v3  }
0x46: {  	v3 =	vor.u32 v3, v4  }
0x47: {  	v4 =	vperm.xlane v3, v0;
	_ =	sdelay $0x1  }
0x48: {  	v4 =	vadd.s32 v1, v4;
	_ =	sdelay $0x1  }
0x49: {  	v3 =	vperm.xlane v3, v2;
	_ =	sdelay $0x1  }
0x4a: {  	s0 =	rddreg [dreg:$0x7];
	v3 =	vadd.s32 v1, v3  }
0x4b: {  	[tilespmem:s0], [sflag:$0x1] =	stream.indirect_vreg.gather [hbm4b:s3+s2], $0x80, v4, vm0, $0xb8;
	[tilespmem:$0x13900] =	vst v63  }
0x4c: {  	s4 =	rddreg [dreg:$0x8]  }
0x4d: {  	[tilespmem:s4], [sflag:$0x1] =	stream.indirect_vreg.gather [hbm4b:s5+s2], $0x80, v4, vm1, $0xb8;
	[tilespmem:$0x13900] =	vst v63  }
0x4e: {  	s0 =	rddreg [dreg:$0x9]  }
0x4f: {  	[tilespmem:s0], [sflag:$0x1] =	stream.indirect_vreg.gather [hbm4b:s3+s2], $0x80, v3, vm0, $0xb8;
	[tilespmem:$0x13900] =	vst v63  }
0x50: {  	s4 =	rddreg [dreg:$0xa]  }
0x51: {  	[tilespmem:s4], [sflag:$0x1] =	stream.indirect_vreg.gather [hbm4b:s5+s2], $0x80, v3, vm1, $0xb8;
	[tilespmem:$0x13900] =	vst v63  }
0x52: {  	v3 =	vld [tilespmem:s31+$0xFFFFFFC0];
	_ =	sdelay $0x4  }
0x53: {  	v54 =	vshrl.u32 v3, $0x3  }
0x54: {  	v4 =	vmul.u32 $0x18, v54  }
0x55: {  	v3 =	vand.u32 $0x7, v3  }
0x56: {  	v3 =	vor.u32 v3, v4  }
0x57: {  	v4 =	vperm.xlane v3, v0;
	_ =	sdelay $0x1  }
0x58: {  	v4 =	vadd.s32 v1, v4;
	_ =	sdelay $0x1  }
0x59: {  	v3 =	vperm.xlane v3, v2;
	_ =	sdelay $0x1  }
0x5a: {  	s0 =	rddreg [dreg:$0xb];
	v3 =	vadd.s32 v1, v3  }
0x5b: {  	[tilespmem:s0], [sflag:$0x1] =	stream.indirect_vreg.gather [hbm4b:s3+s2], $0x80, v4, vm0, $0xb8;
	[tilespmem:$0x13900] =	vst v63  }
0x5c: {  	s4 =	rddreg [dreg:$0xc]  }
0x5d: {  	[tilespmem:s4], [sflag:$0x1] =	stream.indirect_vreg.gather [hbm4b:s5+s2], $0x80, v4, vm1, $0xb8;
	[tilespmem:$0x13900] =	vst v63  }
0x5e: {  	s0 =	rddreg [dreg:$0xd]  }
0x5f: {  	[tilespmem:s0], [sflag:$0x1] =	stream.indirect_vreg.gather [hbm4b:s3+s2], $0x80, v3, vm0, $0xb8;
	[tilespmem:$0x13900] =	vst v63  }
0x60: {  	s4 =	rddreg [dreg:$0xe]  }
0x61: {  	[tilespmem:s4], [sflag:$0x1] =	stream.indirect_vreg.gather [hbm4b:s5+s2], $0x80, v3, vm1, $0xb8;
	[tilespmem:$0x13900] =	vst v63  }
0x62: {  	v3 =	vld [tilespmem:s31+$0xFFFFFFD0];
	_ =	sdelay $0x4  }
0x63: {  	v55 =	vshrl.u32 v3, $0x3  }
0x64: {  	v4 =	vmul.u32 $0x18, v55  }
0x65: {  	v3 =	vand.u32 $0x7, v3  }
0x66: {  	v3 =	vor.u32 v3, v4  }
0x67: {  	v4 =	vperm.xlane v3, v0;
	_ =	sdelay $0x1  }
0x68: {  	v4 =	vadd.s32 v1, v4;
	_ =	sdelay $0x1  }
0x69: {  	v3 =	vperm.xlane v3, v2;
	_ =	sdelay $0x1  }
0x6a: {  	s0 =	rddreg [dreg:$0xf];
	v3 =	vadd.s32 v1, v3  }
0x6b: {  	[tilespmem:s0], [sflag:$0x1] =	stream.indirect_vreg.gather [hbm4b:s3+s2], $0x80, v4, vm0, $0xb8;
	[tilespmem:$0x13900] =	vst v63  }
0x6c: {  	s4 =	rddreg [dreg:$0x10]  }
0x6d: {  	[tilespmem:s4], [sflag:$0x1] =	stream.indirect_vreg.gather [hbm4b:s5+s2], $0x80, v4, vm1, $0xb8;
	[tilespmem:$0x13900] =	vst v63  }
0x6e: {  	s0 =	rddreg [dreg:$0x11]  }
0x6f: {  	[tilespmem:s0], [sflag:$0x1] =	stream.indirect_vreg.gather [hbm4b:s3+s2], $0x80, v3, vm0, $0xb8;
	[tilespmem:$0x13900] =	vst v63  }
0x70: {  	s4 =	rddreg [dreg:$0x12]  }
0x71: {  	[tilespmem:s4], [sflag:$0x1] =	stream.indirect_vreg.gather [hbm4b:s5+s2], $0x80, v3, vm1, $0xb8;
	[tilespmem:$0x13900] =	vst v63  }
0x72: {  	v3 =	vld [tilespmem:s31+$0xFFFFFFE0];
	_ =	sdelay $0x4  }
0x73: {  	v56 =	vshrl.u32 v3, $0x3  }
0x74: {  	v4 =	vmul.u32 $0x18, v56  }
0x75: {  	v3 =	vand.u32 $0x7, v3  }
0x76: {  	v3 =	vor.u32 v3, v4  }
0x77: {  	v4 =	vperm.xlane v3, v0;
	_ =	sdelay $0x1  }
0x78: {  	v4 =	vadd.s32 v1, v4;
	_ =	sdelay $0x1  }
0x79: {  	v3 =	vperm.xlane v3, v2;
	_ =	sdelay $0x1  }
0x7a: {  	s0 =	rddreg [dreg:$0x13];
	v3 =	vadd.s32 v1, v3  }
0x7b: {  	[tilespmem:s0], [sflag:$0x1] =	stream.indirect_vreg.gather [hbm4b:s3+s2], $0x80, v4, vm0, $0xb8;
	[tilespmem:$0x13900] =	vst v63  }
0x7c: {  	s4 =	rddreg [dreg:$0x14]  }
0x7d: {  	[tilespmem:s4], [sflag:$0x1] =	stream.indirect_vreg.gather [hbm4b:s5+s2], $0x80, v4, vm1, $0xb8;
	[tilespmem:$0x13900] =	vst v63  }
0x7e: {  	s0 =	rddreg [dreg:$0x15]  }
0x7f: {  	[tilespmem:s0], [sflag:$0x1] =	stream.indirect_vreg.gather [hbm4b:s3+s2], $0x80, v3, vm0, $0xb8;
	[tilespmem:$0x13900] =	vst v63  }
0x80: {  	s4 =	rddreg [dreg:$0x16]  }
0x81: {  	[tilespmem:s4], [sflag:$0x1] =	stream.indirect_vreg.gather [hbm4b:s5+s2], $0x80, v3, vm1, $0xb8;
	[tilespmem:$0x13900] =	vst v63  }
0x82: {  	v3 =	vld [tilespmem:s31+$0xFFFFFFF0];
	_ =	sdelay $0x4  }
0x83: {  	v57 =	vshrl.u32 v3, $0x3  }
0x84: {  	v4 =	vmul.u32 $0x18, v57  }
0x85: {  	v3 =	vand.u32 $0x7, v3  }
0x86: {  	v3 =	vor.u32 v3, v4  }
0x87: {  	v4 =	vperm.xlane v3, v0;
	_ =	sdelay $0x1  }
0x88: {  	v4 =	vadd.s32 v1, v4;
	_ =	sdelay $0x1  }
0x89: {  	v3 =	vperm.xlane v3, v2;
	_ =	sdelay $0x1  }
0x8a: {  	s0 =	rddreg [dreg:$0x17];
	v3 =	vadd.s32 v1, v3  }
0x8b: {  	[tilespmem:s0], [sflag:$0x1] =	stream.indirect_vreg.gather [hbm4b:s3+s2], $0x80, v4, vm0, $0xb8;
	[tilespmem:$0x13900] =	vst v63  }
0x8c: {  	s4 =	rddreg [dreg:$0x18]  }
0x8d: {  	[tilespmem:s4], [sflag:$0x1] =	stream.indirect_vreg.gather [hbm4b:s5+s2], $0x80, v4, vm1, $0xb8;
	[tilespmem:$0x13900] =	vst v63  }
0x8e: {  	s0 =	rddreg [dreg:$0x19]  }
0x8f: {  	[tilespmem:s0], [sflag:$0x1] =	stream.indirect_vreg.gather [hbm4b:s3+s2], $0x80, v3, vm0, $0xb8;
	[tilespmem:$0x13900] =	vst v63  }
0x90: {  	s4 =	rddreg [dreg:$0x1a]  }
0x91: {  	[tilespmem:s4], [sflag:$0x1] =	stream.indirect_vreg.gather [hbm4b:s5+s2], $0x80, v3, vm1, $0xb8;
	[tilespmem:$0x13900] =	vst v63  }
0x92: {  	v3 =	vld [tilespmem:s31+$0x0];
	_ =	sdelay $0x4  }
0x93: {  	v58 =	vshrl.u32 v3, $0x3  }
0x94: {  	v4 =	vmul.u32 $0x18, v58  }
0x95: {  	v3 =	vand.u32 $0x7, v3  }
0x96: {  	v3 =	vor.u32 v3, v4  }
0x97: {  	v4 =	vperm.xlane v3, v0;
	_ =	sdelay $0x1  }
0x98: {  	v4 =	vadd.s32 v1, v4;
	_ =	sdelay $0x1  }
0x99: {  	v3 =	vperm.xlane v3, v2;
	_ =	sdelay $0x1  }
0x9a: {  	v3 =	vadd.s32 v1, v3  }
0x9b: {  	[tilespmem:s9], [sflag:$0x2] =	stream.indirect_vreg.gather [hbm4b:s3+s2], $0x80, v4, vm0, $0xb8;
	[tilespmem:$0x13900] =	vst v63  }
0x9c: {  	s0 =	rddreg [dreg:$0x1b]  }
0x9d: {  	[tilespmem:s0], [sflag:$0x2] =	stream.indirect_vreg.gather [hbm4b:s5+s2], $0x80, v4, vm1, $0xb8;
	[tilespmem:$0x13900] =	vst v63  }
0x9e: {  	s4 =	rddreg [dreg:$0x1c]  }
0x9f: {  	[tilespmem:s4], [sflag:$0x2] =	stream.indirect_vreg.gather [hbm4b:s3+s2], $0x80, v3, vm0, $0xb8;
	[tilespmem:$0x13900] =	vst v63  }
0xa0: {  	s0 =	rddreg [dreg:$0x1d]  }
0xa1: {  	[tilespmem:s0], [sflag:$0x2] =	stream.indirect_vreg.gather [hbm4b:s5+s2], $0x80, v3, vm1, $0xb8;
	[tilespmem:$0x13900] =	vst v63  }
0xa2: {  	v3 =	vld [tilespmem:s31+$0x10];
	_ =	sdelay $0x4  }
0xa3: {  	v59 =	vshrl.u32 v3, $0x3  }
0xa4: {  	v4 =	vmul.u32 $0x18, v59  }
0xa5: {  	v3 =	vand.u32 $0x7, v3  }
0xa6: {  	v3 =	vor.u32 v3, v4  }
0xa7: {  	v4 =	vperm.xlane v3, v0;
	_ =	sdelay $0x1  }
0xa8: {  	v4 =	vadd.s32 v1, v4;
	_ =	sdelay $0x1  }
0xa9: {  	v3 =	vperm.xlane v3, v2  }
0xaa: {  	s4 =	rddreg [dreg:$0x1f]  }
0xab: {  	s0 =	rddreg [dreg:$0x1e];
	v3 =	vadd.s32 v1, v3  }
0xac: {  	[tilespmem:s0], [sflag:$0x2] =	stream.indirect_vreg.gather [hbm4b:s3+s2], $0x80, v4, vm0, $0xb8;
	[tilespmem:$0x13900] =	vst v63  }
0xad: {  	s0 =	sld [smem:$0x7FD]  }
0xae: {  	[tilespmem:s4], [sflag:$0x2] =	stream.indirect_vreg.gather [hbm4b:s5+s2], $0x80, v4, vm1, $0xb8;
	[tilespmem:$0x13900] =	vst v63  }
0xaf: {  	_ = 	snop  }
0xb0: {  	[tilespmem:s0], [sflag:$0x2] =	stream.indirect_vreg.gather [hbm4b:s3+s2], $0x80, v3, vm0, $0xb8;
	[tilespmem:$0x13900] =	vst v63  }
0xb1: {  	_ = 	snop  }
0xb2: {  	[tilespmem:s10], [sflag:$0x2] =	stream.indirect_vreg.gather [hbm4b:s5+s2], $0x80, v3, vm1, $0xb8;
	[tilespmem:$0x13900] =	vst v63  }
0xb3: {  	v3 =	vld [tilespmem:s31+$0x20];
	_ =	sdelay $0x4  }
0xb4: {  	v60 =	vshrl.u32 v3, $0x3  }
0xb5: {  	v4 =	vmul.u32 $0x18, v60  }
0xb6: {  	v3 =	vand.u32 $0x7, v3  }
0xb7: {  	v3 =	vor.u32 v3, v4  }
0xb8: {  	v4 =	vperm.xlane v3, v0;
	_ =	sdelay $0x1  }
0xb9: {  	v4 =	vadd.s32 v1, v4;
	_ =	sdelay $0x1  }
0xba: {  	v3 =	vperm.xlane v3, v2;
	_ =	sdelay $0x1  }
0xbb: {  	v3 =	vadd.s32 v1, v3  }
0xbc: {  	[tilespmem:s11], [sflag:$0x2] =	stream.indirect_vreg.gather [hbm4b:s3+s2], $0x80, v4, vm0, $0xb8;
	[tilespmem:$0x13900] =	vst v63  }
0xbd: {  	_ = 	snop  }
0xbe: {  	[tilespmem:s12], [sflag:$0x2] =	stream.indirect_vreg.gather [hbm4b:s5+s2], $0x80, v4, vm1, $0xb8;
	[tilespmem:$0x13900] =	vst v63  }
0xbf: {  	_ = 	snop  }
0xc0: {  	[tilespmem:s13], [sflag:$0x2] =	stream.indirect_vreg.gather [hbm4b:s3+s2], $0x80, v3, vm0, $0xb8;
	[tilespmem:$0x13900] =	vst v63  }
0xc1: {  	_ = 	snop  }
0xc2: {  	[tilespmem:s14], [sflag:$0x2] =	stream.indirect_vreg.gather [hbm4b:s5+s2], $0x80, v3, vm1, $0xb8;
	[tilespmem:$0x13900] =	vst v63  }
0xc3: {  	v3 =	vld [tilespmem:s31+$0x30];
	_ =	sdelay $0x4  }
0xc4: {  	v61 =	vshrl.u32 v3, $0x3  }
0xc5: {  	v4 =	vmul.u32 $0x18, v61  }
0xc6: {  	v3 =	vand.u32 $0x7, v3  }
0xc7: {  	v3 =	vor.u32 v3, v4  }
0xc8: {  	v4 =	vperm.xlane v3, v0;
	_ =	sdelay $0x1  }
0xc9: {  	v4 =	vadd.s32 v1, v4;
	_ =	sdelay $0x1  }
0xca: {  	v3 =	vperm.xlane v3, v2;
	_ =	sdelay $0x1  }
0xcb: {  	v3 =	vadd.s32 v1, v3  }
0xcc: {  	[tilespmem:s15], [sflag:$0x2] =	stream.indirect_vreg.gather [hbm4b:s3+s2], $0x80, v4, vm0, $0xb8;
	[tilespmem:$0x13900] =	vst v63  }
0xcd: {  	_ = 	snop  }
0xce: {  	[tilespmem:s16], [sflag:$0x2] =	stream.indirect_vreg.gather [hbm4b:s5+s2], $0x80, v4, vm1, $0xb8;
	[tilespmem:$0x13900] =	vst v63  }
0xcf: {  	_ = 	snop  }
0xd0: {  	[tilespmem:s17], [sflag:$0x2] =	stream.indirect_vreg.gather [hbm4b:s3+s2], $0x80, v3, vm0, $0xb8;
	[tilespmem:$0x13900] =	vst v63  }
0xd1: {  	_ = 	snop  }
0xd2: {  	[tilespmem:s18], [sflag:$0x2] =	stream.indirect_vreg.gather [hbm4b:s5+s2], $0x80, v3, vm1, $0xb8;
	[tilespmem:$0x13900] =	vst v63  }
0xd3: {  	v3 =	vld [tilespmem:s31+$0x40];
	_ =	sdelay $0x4  }
0xd4: {  	v62 =	vshrl.u32 v3, $0x3  }
0xd5: {  	v4 =	vmul.u32 $0x18, v62  }
0xd6: {  	v3 =	vand.u32 $0x7, v3  }
0xd7: {  	v3 =	vor.u32 v3, v4  }
0xd8: {  	v4 =	vperm.xlane v3, v0;
	_ =	sdelay $0x1  }
0xd9: {  	v4 =	vadd.s32 v1, v4;
	_ =	sdelay $0x1  }
0xda: {  	v3 =	vperm.xlane v3, v2;
	_ =	sdelay $0x1  }
0xdb: {  	v3 =	vadd.s32 v1, v3  }
0xdc: {  	[tilespmem:s19], [sflag:$0x2] =	stream.indirect_vreg.gather [hbm4b:s3+s2], $0x80, v4, vm0, $0xb8;
	[tilespmem:$0x13900] =	vst v63  }
0xdd: {  	_ = 	snop  }
0xde: {  	[tilespmem:s20], [sflag:$0x2] =	stream.indirect_vreg.gather [hbm4b:s5+s2], $0x80, v4, vm1, $0xb8;
	[tilespmem:$0x13900] =	vst v63  }
0xdf: {  	_ = 	snop  }
0xe0: {  	[tilespmem:s21], [sflag:$0x2] =	stream.indirect_vreg.gather [hbm4b:s3+s2], $0x80, v3, vm0, $0xb8;
	[tilespmem:$0x13900] =	vst v63  }
0xe1: {  	_ = 	snop  }
0xe2: {  	[tilespmem:s22], [sflag:$0x2] =	stream.indirect_vreg.gather [hbm4b:s5+s2], $0x80, v3, vm1, $0xb8;
	[tilespmem:$0x13900] =	vst v63  }
0xe3: {  	v3 =	vld [tilespmem:s31+$0x50];
	_ =	sdelay $0x4  }
0xe4: {  	v63 =	vshrl.u32 v3, $0x3  }
0xe5: {  	v4 =	vmul.u32 $0x18, v63  }
0xe6: {  	v3 =	vand.u32 $0x7, v3  }
0xe7: {  	v3 =	vor.u32 v3, v4  }
0xe8: {  	v4 =	vperm.xlane v3, v0;
	_ =	sdelay $0x1  }
0xe9: {  	v4 =	vadd.s32 v1, v4;
	_ =	sdelay $0x1  }
0xea: {  	v3 =	vperm.xlane v3, v2;
	_ =	sdelay $0x1  }
0xeb: {  	v3 =	vadd.s32 v1, v3  }
0xec: {  	[tilespmem:s23], [sflag:$0x2] =	stream.indirect_vreg.gather [hbm4b:s3+s2], $0x80, v4, vm0, $0xb8;
	[tilespmem:$0x13900] =	vst v63  }
0xed: {  	_ = 	snop  }
0xee: {  	[tilespmem:s24], [sflag:$0x2] =	stream.indirect_vreg.gather [hbm4b:s5+s2], $0x80, v4, vm1, $0xb8;
	[tilespmem:$0x13900] =	vst v63  }
0xef: {  	_ = 	snop  }
0xf0: {  	[tilespmem:s25], [sflag:$0x2] =	stream.indirect_vreg.gather [hbm4b:s3+s2], $0x80, v3, vm0, $0xb8;
	[tilespmem:$0x13900] =	vst v63  }
0xf1: {  	_ = 	snop  }
0xf2: {  	[tilespmem:s26], [sflag:$0x2] =	stream.indirect_vreg.gather [hbm4b:s5+s2], $0x80, v3, vm1, $0xb8;
	[tilespmem:$0x13900] =	vst v63  }
0xf3: {  	_ =	swait.ge [sflag:s28], $0x9000  }
0xf4: {  	s4 =	rddreg [dreg:$0x3];
	[sflag:s28] =	ssyncset.done $0x0  }
0xf5: {  	[sflag:s28] =	ssyncadd.s32 $0xFFFF7000;
	s0 =	sadd.s32 s1, s4  }
0xf6: {  	[hbm4b:s0+s2] =	stream.linear.scatter [tilespmem:s8], [sflag:$0x3], $0x9000, $0x38;
	[tilespmem:$0x13900] =	vst v63  }
0xf7: {  	_ =	swait.ge [sflag:s7], $0x9000  }
0xf8: {  	[sflag:s7] =	ssyncset.done $0x0  }
0xf9: {  	[sflag:s7] =	ssyncadd.s32 $0xFFFF7000  }
0xfa: {  	_ =	swait.ge [sflag:s29], $0x9000  }
0xfb: {  	p0 =	sne.s32 s1, $0x48000;
	s4 =	rddreg [dreg:$0x2];
	[sflag:s29] =	ssyncset.done $0x0  }
.Ltmp0:
0xfc: {  	[sflag:s29] =	ssyncadd.s32 $0xFFFF7000;
	s0 =	sadd.s32 s1, s4;
	(pc) =	sbr.rel @p0 .LBB2_2-.Ltmp0, $4  }
0xfd: {  	[hbm4b:s0+s2] =	stream.linear.scatter [tilespmem:s9], [sflag:$0x3], $0x9000, $0x38;
	[tilespmem:$0x13900] =	vst v63  }
0xfe: {  	_ =	swait.ge [sflag:s7], $0x9000  }
0xff: {  	[sflag:s7] =	ssyncset.done $0x0  }
0x100: {  	s31 =	sadd.s32 $0xC0, s31;
	s1 =	sadd.s32 $0x2400, s1;
	[sflag:s7] =	ssyncadd.s32 $0xFFFF7000  }
0x101: {  	s30 =	sadd.s32 $0x1, s30  }
0x102: {  	p0 =	sne.s32 s30, s6  }
.Ltmp1:
0x103: {  	_ = 	snop;
	(pc) =	sbr.rel @p0 .LBB2_1-.Ltmp1, $1  }
0x104: {  	_ =	sdelay $0x3  }
0x105: {  	_ =	sfence.sel $0x180000  }
0x106: {  	[bflag:$0x0] =	sbarrier.arrive $0xFFFF  }
0x107: {  	_ =	strace $0x9000004D  }
0x108: {  	s0 =	stileid.u32;
	[bflag:$0x2] =	sbarrier.arrive $0xFFFF  }
0x109: {  	p0 =	sne.s32 s0, $0x0;
	s0 =	rddreg [dreg:$0x1]  }
0x10a: {  	s0 =	sadd.s32 @!p0 $0x100000, s0  }
0x10b: {  	[sflag:s0] =	ssyncadd.tile.s32 @!p0 $0x1;
	_ =	shalt  }
.Lfunc_end2:
_tile_overlayer_lowered:
.L_overlay_start_2:
0x10c: {  	(tag) =	ssettag $0x2  }
0x10d: {  	s0 =	rddreg [dreg:$0x0];
	s2 =	stileid.u32  }
0x10e: {  	s1 =	rddreg [dreg:$0x1];
	p0 =	sne.s32 s2, $0x0  }
0x10f: {  	s3 =	rddreg [dreg:$0x2];
	[bflag:$0x3] =	sbarrier.arrive $0xFFFF;
	s2 =	simm.s32 @!p0 $0x1C03  }
0x110: {  	[timem:s3], [sflag:s2] =	dma.local @!p0 [hbm:s0], s1  }
0x111: {  	s0 =	simm.s32 @!p0 $0x3  }
0x112: {  	_ =	swait.ge @!p0 [sflag:s0], s1  }
0x113: {  	s1 =	ssub.s32 @!p0 $0x0, s1;
	[sflag:s0] =	ssyncset.done @!p0 $0x0  }
0x114: {  	[sflag:s0] =	ssyncadd.s32 @!p0 s1  }
0x115: {  	[bflag:$0x3] =	sbarrier.arrive $0xFFFF  }
0x116: {  	_ =	shalt  }

// kernel: kernel.29.cloned.1.call-start
scs
__scs_entry_jumppad:
0x0: {  	(pc) =	sbr.rel $0x88, $3  }
0x1: {  	(tag) =	ssettag $0x0;
	lr =	simm.s32 $0x1  }
0x2: {  	[smem:$0x3F8C] =	sst lr;
	_ =	strace $0xD0000000  }
0x3: {  	_ = 	snop  }
0x4: {  	_ = 	snop  }
0x5: {  	_ = 	snop  }
0x6: {  	_ = 	snop  }
0x7: {  	_ = 	snop  }
__scs_overlays_trampoline_lowered:
0x8: {  	[smem:$0x3F9B] =	sst s0  }
0x9: {  	[smem:$0x3F9C] =	sst s1  }
0xa: {  	[smem:$0x3F9D] =	sst s2  }
0xb: {  	[smem:$0x3F9E] =	sst s3  }
0xc: {  	[smem:$0x3F9F] =	sst s4  }
0xd: {  	[smem:$0x3FA0] =	sst s5  }
0xe: {  	[smem:$0x3FA1] =	sst s6  }
0xf: {  	[smem:$0x3FA2] =	sst s7  }
0x10: {  	[smem:$0x3FA3] =	sst s8  }
0x11: {  	[smem:$0x3FA4] =	sst s9;
	s0 =	simm.s32 @!p0 $0x0  }
0x12: {  	s1 =	sld [smem:$0x3F8A];
	s0 =	simm.s32 @p0 $0x1  }
0x13: {  	[smem:$0x3FA5] =	sst s0;
	s0 =	simm.s32 @!p1 $0x0  }
0x14: {  	s2 =	sld [smem:$0x3F89];
	s0 =	simm.s32 @p1 $0x1  }
0x15: {  	[smem:$0x3FA6] =	sst s0;
	s0 =	simm.s32 @!p2 $0x0  }
0x16: {  	s3 =	sld [smem:$0x3FDB];
	s0 =	simm.s32 @p2 $0x1  }
0x17: {  	s4 =	simm.s32 $0x1BF5;
	[smem:$0x3FA8] =	sst s0  }
0x18: {  	s0 =	sld [smem:$0x3F8B];
	_ =	swait.ge [sflag:s4], $0x0  }
0x19: {  	s7 =	sld [smem:$0x3F8C]  }
0x1a: {  	s8 =	sadd.s32 $0xFFFFE003, lr  }
0x1b: {  	s9 =	sadd.s32 $0xFFFFFEF7, lr;
	s5 =	simm.s32 $0xFFFFFFFF;
	p2 =	slt.u32 s8, $0xFFFFF086  }
0x1c: {  	p1 =	slt.u32 s9, $0xF7A;
	s5 =	simm.s32 @!p2 $0x0  }
0x1d: {  	s5 =	simm.s32 @p1 $0x1;
	p0 =	seq.s32 s7, s2  }
0x1e: {  	s7 =	smul.u32 @!p0 $0xF7A, s2;
	p2 =	seq.s32 @!p0 s5, $0x0  }
0x1f: {  	s9 =	smul.u32 $0xF7A, s1;
	s8 =	simm.s32 @!p0 $0x1BF5;
	p2 =	por !p2, p0  }
0x20: {  	[sflag:s8] =	ssyncset.s32 @!p0 $0xFFFFF086;
	s6 =	sadd.s32 @!p0 s3, s7;
	s7 =	simm.s32 @!p0 $0x108  }
0x21: {  	s3 =	sadd.s32 s3, s9;
	s6 =	sadd.s32 @!p0 $0x88, s6;
	s7 =	simm.s32 @p2 $0x1082  }
0x22: {  	[simem:s7], [sflag:s8] =	dma.local @!p0 [hbm:s6], $0xF7A  }
0x23: {  	s9 =	sor.u32 $0xD0000000, s2;
	s6 =	simm.s32 $0x108;
	_ =	swait.ge @!p0 [sflag:s8], $0x0  }
0x24: {  	s3 =	sadd.s32 $0x88, s3;
	s6 =	simm.s32 @!p1 $0x1082;
	[sflag:s4] =	ssyncset.s32 $0xFFFFF086  }
0x25: {  	[simem:s6], [sflag:s4] =	dma.local [hbm:s3], $0xF7A  }
0x26: {  	[smem:$0x3F8C] =	sst s1;
	(tag) =	ssettag s2;
	_ =	strace s9  }
0x27: {  	s1 =	sld [smem:$0x3F9C]  }
0x28: {  	s2 =	sld [smem:$0x3F9D]  }
0x29: {  	s4 =	sld [smem:$0x3F9F]  }
0x2a: {  	p0 =	seq.s32 s5, $0x0;
	s5 =	sld [smem:$0x3FA0]  }
0x2b: {  	s6 =	sld [smem:$0x3FA1]  }
0x2c: {  	s7 =	sld [smem:$0x3FA2]  }
0x2d: {  	s3 =	simm.s32 $0x108;
	s8 =	sld [smem:$0x3FA3]  }
0x2e: {  	s3 =	simm.s32 @!p0 $0x1082;
	s9 =	sld [smem:$0x3FA4]  }
0x2f: {  	lr =	sadd.s32 s0, s3;
	s0 =	sld [smem:$0x3F9B]  }
0x30: {  	s3 =	sld [smem:$0x3F9E]  }
0x31: {  	[smem:$0x3FA7] =	sst s10  }
0x32: {  	s10 =	sld [smem:$0x3FA5];
	_ =	sdelay $0x3  }
0x33: {  	p0 =	seq.s32 s10, $0x1;
	s10 =	sld [smem:$0x3FA7];
	_ =	sdelay $0x3  }
0x34: {  	[smem:$0x3FA7] =	sst s10  }
0x35: {  	s10 =	sld [smem:$0x3FA6];
	_ =	sdelay $0x3  }
0x36: {  	p1 =	seq.s32 s10, $0x1;
	s10 =	sld [smem:$0x3FA7];
	_ =	sdelay $0x3  }
0x37: {  	[smem:$0x3FA7] =	sst s10  }
0x38: {  	s10 =	sld [smem:$0x3FA8]  }
0x39: {  	_ = 	snop;
	(pc) =	sbr.ind lr, $3  }
0x3a: {  	_ = 	snop  }
0x3b: {  	_ = 	snop  }
0x3c: {  	p2 =	seq.s32 s10, $0x1;
	s10 =	sld [smem:$0x3FA7]  }
0x3d: {  	_ =	shalt  }
0x3e: {  	_ =	shalt  }
0x3f: {  	_ =	shalt  }
0x40: {  	_ =	shalt  }
0x41: {  	_ =	shalt  }
0x42: {  	_ =	shalt  }
0x43: {  	_ =	shalt  }
0x44: {  	_ =	shalt  }
0x45: {  	_ =	shalt  }
0x46: {  	_ =	shalt  }
0x47: {  	_ =	shalt  }
0x48: {  	_ =	shalt  }
0x49: {  	_ =	shalt  }
0x4a: {  	_ =	shalt  }
0x4b: {  	_ =	shalt  }
0x4c: {  	_ =	shalt  }
0x4d: {  	_ =	shalt  }
0x4e: {  	_ =	shalt  }
0x4f: {  	_ =	shalt  }
0x50: {  	_ =	shalt  }
0x51: {  	_ =	shalt  }
0x52: {  	_ =	shalt  }
0x53: {  	_ =	shalt  }
0x54: {  	_ =	shalt  }
0x55: {  	_ =	shalt  }
0x56: {  	_ =	shalt  }
0x57: {  	_ =	shalt  }
0x58: {  	_ =	shalt  }
0x59: {  	_ =	shalt  }
0x5a: {  	_ =	shalt  }
0x5b: {  	_ =	shalt  }
0x5c: {  	_ =	shalt  }
0x5d: {  	_ =	shalt  }
0x5e: {  	_ =	shalt  }
0x5f: {  	_ =	shalt  }
0x60: {  	_ =	shalt  }
0x61: {  	_ =	shalt  }
0x62: {  	_ =	shalt  }
0x63: {  	_ =	shalt  }
0x64: {  	_ =	shalt  }
0x65: {  	_ =	shalt  }
0x66: {  	_ =	shalt  }
0x67: {  	_ =	shalt  }
0x68: {  	_ =	shalt  }
0x69: {  	_ =	shalt  }
0x6a: {  	_ =	shalt  }
0x6b: {  	_ =	shalt  }
0x6c: {  	_ =	shalt  }
0x6d: {  	_ =	shalt  }
0x6e: {  	_ =	shalt  }
0x6f: {  	_ =	shalt  }
0x70: {  	_ =	shalt  }
0x71: {  	_ =	shalt  }
0x72: {  	_ =	shalt  }
0x73: {  	_ =	shalt  }
0x74: {  	_ =	shalt  }
0x75: {  	_ =	shalt  }
0x76: {  	_ =	shalt  }
0x77: {  	_ =	shalt  }
0x78: {  	_ =	shalt  }
0x79: {  	_ =	shalt  }
0x7a: {  	_ =	shalt  }
0x7b: {  	_ =	shalt  }
0x7c: {  	_ =	shalt  }
0x7d: {  	_ =	shalt  }
0x7e: {  	_ =	shalt  }
0x7f: {  	_ =	shalt  }
0x80: {  	_ =	shalt  }
0x81: {  	_ =	shalt  }
0x82: {  	_ =	shalt  }
0x83: {  	_ =	shalt  }
0x84: {  	_ =	shalt  }
0x85: {  	_ =	shalt  }
0x86: {  	_ =	shalt  }
0x87: {  	_ =	shalt  }
.Lfunc_end0:
.L_simem_size_0:
called_computation.4_lowered:
.L_overlay_start_0:
0x88: {  	s2 =	sld [smem:$0x3FD9]  }
0x89: {  	s3 =	sld [smem:$0x3FFE];
	_ =	sdelay $0x1  }
0x8a: {  	s1 =	srdreg.scid  }
0x8b: {  	s0 =	sand.u32 $0x1, s1  }
0x8c: {  	s17 =	sshll.u32 s0, $0xA;
	s2 =	sadd.s32 s3, s2  }
0x8d: {  	s2 =	sadd.s32 s2, s17  }
0x8e: {  	[smem:$0x3FB3] =	sst s2  }
0x8f: {  	_ = 	snop  }
0x90: {  	s2 =	sld [smem:$0x3FD0];
	(tm) =	ssettm $0x1  }
0x91: {  	s18 =	sld [smem:$0x3FFB];
	_ =	sdelay $0x3  }
0x92: {  	_ =	strace s18  }
0x93: {  	s3 =	sld [smem:$0x3FFC];
	_ =	sdelay $0x3  }
0x94: {  	_ =	strace s3  }
0x95: {  	s3 =	sld [smem:$0x3FFD];
	_ =	sdelay $0x3  }
0x96: {  	_ =	strace s3  }
0x97: {  	_ =	strace $0x8FFFFFFF  }
0x98: {  	s19 =	sld [smem:$0x3FDB];
	_ =	sdelay $0x1  }
0x99: {  	s4 =	simm.s32 $_scs_section_size  }
0x9a: {  	s5 =	simm.s32 $_size__tile_overlayer_lowered;
	s6 =	simm.s32 $_tile_overlayer_lowered  }
0x9b: {  	s22 =	simm.s32 $0x1BFF;
	s21 =	sshll.u32 s6, $0x1;
	s3 =	sadd.s32 s4, s19  }
0x9c: {  	s7 =	simm.s32 $0x0;
	s20 =	sshll.u32 s5, $0x1;
	s5 =	sadd.s32 s21, s3  }
0x9d: {  	[timem:s7], [sflag:s22] =	dma.local [hbm:s5], s20  }
0x9e: {  	_ =	swait.ge [sflag:s22], s20  }
0x9f: {  	s4 =	ssub.s32 $0x0, s20;
	[sflag:s22] =	ssyncset.done $0x0  }
0xa0: {  	[sflag:s22] =	ssyncadd.s32 s4;
	_ =	sdelay $0x1  }
0xa1: {  	s23 =	simm.s32 $0x1B8B  }
0xa2: {  	_ =	swait.ge [sflag:s23], $0x1  }
0xa3: {  	[sflag:s23] =	ssyncset.done $0x0  }
0xa4: {  	s25 =	simm.s32 $0x1B8E;
	s24 =	sld [smem:$0x3FFE];
	[sflag:s23] =	ssyncadd.s32 $0xFFFFFFFF  }
0xa5: {  	s26 =	simm.s32 $execute0_lowered;
	[smem:$0x3FD2] =	sst s25  }
0xa6: {  	s5 =	sshll.u32 s26, $0x1;
	_ =	strace $0x8000004F;
	[dreg:$0x1] =	wrdreg $0xFFFFFFFF  }
0xa7: {  	s28 =	simm.s32 $_size_execute0_lowered;
	s3 =	sadd.s32 s3, s5;
	[dreg:$0x0] =	wrdreg $0x0  }
0xa8: {  	s5 =	sshll.u32 s28, $0x1;
	[dreg:$0x2] =	wrdreg s3  }
0xa9: {  	[dreg:$0x3] =	wrdreg s5  }
0xaa: {  	[dreg:$0x4] =	wrdreg $0xC0  }
0xab: {  	_ =	task [dreg:s7], $0x5FFFF  }
0xac: {  	[dreg:$0x1] =	wrdreg $0xFFFFFFFF  }
0xad: {  	[dreg:$0x0] =	wrdreg $0x60  }
0xae: {  	[dreg:$0x2] =	wrdreg s24  }
0xaf: {  	[dreg:$0x3] =	wrdreg s2  }
0xb0: {  	[dreg:$0x4] =	wrdreg $0xA  }
0xb1: {  	_ =	task.clear_ibuf [dreg:s7], $0x5FFFF;
	_ =	strace $0x9000004F  }
0xb2: {  	s29 =	simm.s32 $0xA;
	_ =	strace $0x80000051  }
0xb3: {  	_ =	swait.ge [sflag:s29], $0x1  }
0xb4: {  	[sflag:s29] =	ssyncadd.s32 $0xFFFFFFFF  }
0xb5: {  	_ =	strace $0x90000051  }
0xb6: {  	_ =	sfence  }
0xb7: {  	s30 =	sld [smem:$0x0];
	_ =	sdelay $0x2  }
0xb8: {  	s31 =	sshll.u32 s1, $0xD;
	s1 =	sshrl.u32 s1, $0x2  }
0xb9: {  	s3 =	sand.u32 $0x4000, s31;
	s1 =	sadd.s32 s1, s30  }
0xba: {  	s0 =	sor.u32 s3, s0;
	s1 =	sshll.u32 s1, $0x11  }
0xbb: {  	s0 =	sor.u32 s1, s0  }
0xbc: {  	s0 =	sadd.s32 $0x8F2B, s0  }
0xbd: {  	[sflag:s0] =	ssyncadd.remote.s32 $0x1  }
0xbe: {  	_ =	sfence.sel $0xFFFF  }
0xbf: {  	[dreg:$0x0] =	wrdreg $0xFFFFFFFF;
	(pc) =	sbr.abs _section_cstart, $3  }
0xc0: {  	[dreg:$0x1] =	wrdreg $0xFFFFFFFF  }
0xc1: {  	_ =	task.clear_ibuf [dreg:s7], $0x2FFFF;
	_ =	strace $0x9FFFFFFF  }
0xc2: {  	(tm) =	ssettm $0x7FFFFFFF  }
0xc3: {  	_ =	shalt  }
tec
execute0_lowered:
.L_overlay_start_1:
0x0: {  	(tag) =	ssettag $0x1  }
0x1: {  	s1 =	srdreg.scid;
	s0 =	stileid.u32  }
0x2: {  	s5 =	sand.u32 $0x1, s1;
	s2 =	smul.u32 $0x4980, s0  }
0x3: {  	s3 =	smul.u32 $0x24C0, s5;
	_ =	sdelay $0x1  }
0x4: {  	s3 =	sadd.s32 s3, s2  }
0x5: {  	s4 =	rddreg [dreg:$0x1];
	s2 =	sadd.s32 $0x60, s3  }
0x6: {  	s1 =	rddreg [dreg:$0x0];
	s6 =	sshrl.u32 s2, $0x3;
	s2 =	simm.s32 $0x0  }
0x7: {  	s19 =	simm.s32 $0x2D00;
	[smem:$0x7FF] =	sst s2  }
0x8: {  	s20 =	simm.s32 $0x3100;
	_ =	strace $0x80000050;
	[dreg:$0x5] =	wrdreg s19  }
0x9: {  	s21 =	simm.s32 $0x3900;
	[dreg:$0x6] =	wrdreg s20  }
0xa: {  	s22 =	simm.s32 $0x3D00;
	[dreg:$0x7] =	wrdreg s21  }
0xb: {  	s23 =	simm.s32 $0x4500;
	[dreg:$0x8] =	wrdreg s22  }
0xc: {  	s24 =	simm.s32 $0x4900;
	[dreg:$0x9] =	wrdreg s23  }
0xd: {  	s25 =	simm.s32 $0x5100;
	[dreg:$0xa] =	wrdreg s24  }
0xe: {  	s26 =	simm.s32 $0x5500;
	[dreg:$0xb] =	wrdreg s25  }
0xf: {  	s31 =	simm.s32 $0x5D00;
	[dreg:$0xc] =	wrdreg s26  }
0x10: {  	s8 =	simm.s32 $0x6D00;
	s9 =	simm.s32 $0x7500;
	[dreg:$0xd] =	wrdreg s31  }
0x11: {  	s10 =	simm.s32 $0x7900;
	s11 =	simm.s32 $0x8100;
	[dreg:$0x10] =	wrdreg s8  }
0x12: {  	s12 =	simm.s32 $0x8500;
	s14 =	simm.s32 $0x8D00;
	[dreg:$0x11] =	wrdreg s9  }
0x13: {  	s15 =	simm.s32 $0x9100;
	s16 =	simm.s32 $0x9900;
	[dreg:$0x12] =	wrdreg s10  }
0x14: {  	s17 =	simm.s32 $0x9D00;
	s18 =	simm.s32 $0xA500;
	[dreg:$0x13] =	wrdreg s11  }
0x15: {  	s28 =	simm.s32 $0x1;
	s29 =	simm.s32 $0x2;
	[dreg:$0x14] =	wrdreg s12  }
0x16: {  	s30 =	simm.s32 $0x0;
	s3 =	sshrl.u32 s3, $0x3;
	[dreg:$0x15] =	wrdreg s14  }
0x17: {  	s7 =	sadd.s32 $0x1598600, s1;
	s3 =	smul.u32 $0x180, s3;
	[dreg:$0x16] =	wrdreg s15  }
0x18: {  	s13 =	ssub.s32 $0x2, s5;
	s6 =	smul.u32 $0x180, s6;
	[dreg:$0x17] =	wrdreg s16  }
0x19: {  	s3 =	sadd.s32 s3, s7;
	s8 =	sshrl.u32 s13, $0x1;
	[dreg:$0x18] =	wrdreg s17  }
0x1a: {  	s9 =	sshll.u32 s0, $0x1;
	[dreg:$0x19] =	wrdreg s18;
	s19 =	simm.s32 $0xA900  }
0x1b: {  	s20 =	simm.s32 $0xB100;
	s22 =	simm.s32 $0xBD00;
	s23 =	simm.s32 $0xC100  }
0x1c: {  	s24 =	simm.s32 $0xC900;
	s25 =	simm.s32 $0xCD00;
	[dreg:$0x4] =	wrdreg s3  }
0x1d: {  	s26 =	simm.s32 $0xD500;
	s31 =	simm.s32 $0xD900;
	[dreg:$0x1a] =	wrdreg s19  }
0x1e: {  	s10 =	simm.s32 $0xE100;
	s11 =	simm.s32 $0xE500;
	[dreg:$0x1b] =	wrdreg s20  }
0x1f: {  	s12 =	simm.s32 $0xED00;
	s14 =	simm.s32 $0xF900;
	[dreg:$0x1c] =	wrdreg s22  }
0x20: {  	s15 =	simm.s32 $0xFD00;
	s16 =	simm.s32 $0x10500;
	[dreg:$0x1d] =	wrdreg s23  }
0x21: {  	s17 =	simm.s32 $0x10900;
	s18 =	simm.s32 $0x11100;
	[dreg:$0x1e] =	wrdreg s24  }
0x22: {  	s6 =	sadd.s32 s6, s7;
	s7 =	simm.s32 $0x6900;
	[dreg:$0x1f] =	wrdreg s25  }
0x23: {  	s3 =	sadd.s32 $0x25AC600, s1;
	s5 =	sor.u32 s5, s9;
	[smem:$0x7FC] =	sst s26  }
0x24: {  	s9 =	simm.s32 $0xB500;
	[smem:$0x7FD] =	sst s31;
	s19 =	simm.s32 $0x11500  }
0x25: {  	s20 =	simm.s32 $0x11D00;
	s22 =	simm.s32 $0x12900;
	s23 =	simm.s32 $0x12D00  }
0x26: {  	s24 =	simm.s32 $0x13500;
	s25 =	simm.s32 $0x13900;
	s26 =	simm.s32 $0x14100  }
0x27: {  	[dreg:$0x3] =	wrdreg s6;
	s6 =	simm.s32 $0x6100;
	s5 =	smul.u32 $0x24C0, s5  }
0x28: {  	[dreg:$0xf] =	wrdreg s7;
	s7 =	ssub.s32 s13, s8;
	s8 =	simm.s32 $0x2500  }
0x29: {  	v2 =	vlaneseq.u32;
	s13 =	simm.s32 $0xF100;
	[dreg:$0xe] =	wrdreg s6;
	s5 =	sshrl.u32 s5, $0x3  }
0x2a: {  	vm0 =	vmmov $0xffff;
	vm1 =	vmmov $0xff;
	v1 =	vshrl.u32 v2, $0x3;
	s6 =	smax.u32 s7, $0x1;
	s7 =	simm.s32 $0x3;
	s21 =	sadd.s32 s4, s5  }
0x2b: {  	v0 =	vand.u32 $0x7, v2;
	v2 =	vor.u32 $0x8, v2;
	v1 =	vmul.u32 $0x8, v1;
	s5 =	sadd.s32 $0x25AC700, s1;
	[smem:$0x7FB] =	sst s21;
	s21 =	simm.s32 $0x12100  }
.LBB2_1:
0x2c: {  	s0 =	sld [smem:$0x7FB];
	_ =	sdelay $0x2  }
0x2d: {  	[tilespmem:s2], [sflag:$0x3] =	stream.linear.gather [hbm4b:s0+s2], $0x24C0, $0x38;
	[tilespmem:$0x14500] =	vst v63  }
0x2e: {  	_ =	swait.ge [sflag:s7], $0x24C0  }
0x2f: {  	[sflag:s7] =	ssyncset.done $0x0  }
0x30: {  	s31 =	simm.s32 $0x60;
	s1 =	simm.s32 $0x0;
	[sflag:s7] =	ssyncadd.s32 $0xFFFFDB40  }
.LBB2_2:
0x31: {  	v3 =	vld [tilespmem:s31+$0xFFFFFFA0];
	_ =	sdelay $0x4  }
0x32: {  	v4 =	vshrl.u32 v3, $0x3  }
0x33: {  	v4 =	vmul.u32 $0x18, v4  }
0x34: {  	v3 =	vand.u32 $0x7, v3  }
0x35: {  	v3 =	vor.u32 v3, v4  }
0x36: {  	v4 =	vperm.xlane v3, v0;
	_ =	sdelay $0x1  }
0x37: {  	v4 =	vadd.s32 v1, v4;
	_ =	sdelay $0x1  }
0x38: {  	v3 =	vperm.xlane v3, v2;
	_ =	sdelay $0x1  }
0x39: {  	v3 =	vadd.s32 v1, v3  }
0x3a: {  	[tilespmem:s8], [sflag:$0x1] =	stream.indirect_vreg.gather [hbm4b:s3+s2], $0x80, v4, vm0, $0xb8;
	[tilespmem:$0x14500] =	vst v63  }
0x3b: {  	s0 =	rddreg [dreg:$0x5]  }
0x3c: {  	[tilespmem:s0], [sflag:$0x1] =	stream.indirect_vreg.gather [hbm4b:s5+s2], $0x80, v4, vm1, $0xb8;
	[tilespmem:$0x14500] =	vst v63  }
0x3d: {  	s4 =	rddreg [dreg:$0x6]  }
0x3e: {  	[tilespmem:s4], [sflag:$0x1] =	stream.indirect_vreg.gather [hbm4b:s3+s2], $0x80, v3, vm0, $0xb8;
	[tilespmem:$0x14500] =	vst v63  }
0x3f: {  	s0 =	rddreg [dreg:$0x7]  }
0x40: {  	[tilespmem:s0], [sflag:$0x1] =	stream.indirect_vreg.gather [hbm4b:s5+s2], $0x80, v3, vm1, $0xb8;
	[tilespmem:$0x14500] =	vst v63  }
0x41: {  	v3 =	vld [tilespmem:s31+$0xFFFFFFB0];
	_ =	sdelay $0x4  }
0x42: {  	v53 =	vshrl.u32 v3, $0x3  }
0x43: {  	v4 =	vmul.u32 $0x18, v53  }
0x44: {  	v3 =	vand.u32 $0x7, v3  }
0x45: {  	v3 =	vor.u32 v3, v4  }
0x46: {  	v4 =	vperm.xlane v3, v0;
	_ =	sdelay $0x1  }
0x47: {  	v4 =	vadd.s32 v1, v4;
	_ =	sdelay $0x1  }
0x48: {  	v3 =	vperm.xlane v3, v2;
	_ =	sdelay $0x1  }
0x49: {  	s0 =	rddreg [dreg:$0x8];
	v3 =	vadd.s32 v1, v3  }
0x4a: {  	[tilespmem:s0], [sflag:$0x1] =	stream.indirect_vreg.gather [hbm4b:s3+s2], $0x80, v4, vm0, $0xb8;
	[tilespmem:$0x14500] =	vst v63  }
0x4b: {  	s4 =	rddreg [dreg:$0x9]  }
0x4c: {  	[tilespmem:s4], [sflag:$0x1] =	stream.indirect_vreg.gather [hbm4b:s5+s2], $0x80, v4, vm1, $0xb8;
	[tilespmem:$0x14500] =	vst v63  }
0x4d: {  	s0 =	rddreg [dreg:$0xa]  }
0x4e: {  	[tilespmem:s0], [sflag:$0x1] =	stream.indirect_vreg.gather [hbm4b:s3+s2], $0x80, v3, vm0, $0xb8;
	[tilespmem:$0x14500] =	vst v63  }
0x4f: {  	s4 =	rddreg [dreg:$0xb]  }
0x50: {  	[tilespmem:s4], [sflag:$0x1] =	stream.indirect_vreg.gather [hbm4b:s5+s2], $0x80, v3, vm1, $0xb8;
	[tilespmem:$0x14500] =	vst v63  }
0x51: {  	v3 =	vld [tilespmem:s31+$0xFFFFFFC0];
	_ =	sdelay $0x4  }
0x52: {  	v54 =	vshrl.u32 v3, $0x3  }
0x53: {  	v4 =	vmul.u32 $0x18, v54  }
0x54: {  	v3 =	vand.u32 $0x7, v3  }
0x55: {  	v3 =	vor.u32 v3, v4  }
0x56: {  	v4 =	vperm.xlane v3, v0;
	_ =	sdelay $0x1  }
0x57: {  	v4 =	vadd.s32 v1, v4;
	_ =	sdelay $0x1  }
0x58: {  	v3 =	vperm.xlane v3, v2;
	_ =	sdelay $0x1  }
0x59: {  	s0 =	rddreg [dreg:$0xc];
	v3 =	vadd.s32 v1, v3  }
0x5a: {  	[tilespmem:s0], [sflag:$0x1] =	stream.indirect_vreg.gather [hbm4b:s3+s2], $0x80, v4, vm0, $0xb8;
	[tilespmem:$0x14500] =	vst v63  }
0x5b: {  	s4 =	rddreg [dreg:$0xd]  }
0x5c: {  	[tilespmem:s4], [sflag:$0x1] =	stream.indirect_vreg.gather [hbm4b:s5+s2], $0x80, v4, vm1, $0xb8;
	[tilespmem:$0x14500] =	vst v63  }
0x5d: {  	s0 =	rddreg [dreg:$0xe]  }
0x5e: {  	[tilespmem:s0], [sflag:$0x1] =	stream.indirect_vreg.gather [hbm4b:s3+s2], $0x80, v3, vm0, $0xb8;
	[tilespmem:$0x14500] =	vst v63  }
0x5f: {  	s4 =	rddreg [dreg:$0xf]  }
0x60: {  	[tilespmem:s4], [sflag:$0x1] =	stream.indirect_vreg.gather [hbm4b:s5+s2], $0x80, v3, vm1, $0xb8;
	[tilespmem:$0x14500] =	vst v63  }
0x61: {  	v3 =	vld [tilespmem:s31+$0xFFFFFFD0];
	_ =	sdelay $0x4  }
0x62: {  	v55 =	vshrl.u32 v3, $0x3  }
0x63: {  	v4 =	vmul.u32 $0x18, v55  }
0x64: {  	v3 =	vand.u32 $0x7, v3  }
0x65: {  	v3 =	vor.u32 v3, v4  }
0x66: {  	v4 =	vperm.xlane v3, v0;
	_ =	sdelay $0x1  }
0x67: {  	v4 =	vadd.s32 v1, v4;
	_ =	sdelay $0x1  }
0x68: {  	v3 =	vperm.xlane v3, v2;
	_ =	sdelay $0x1  }
0x69: {  	s0 =	rddreg [dreg:$0x10];
	v3 =	vadd.s32 v1, v3  }
0x6a: {  	[tilespmem:s0], [sflag:$0x1] =	stream.indirect_vreg.gather [hbm4b:s3+s2], $0x80, v4, vm0, $0xb8;
	[tilespmem:$0x14500] =	vst v63  }
0x6b: {  	s4 =	rddreg [dreg:$0x11]  }
0x6c: {  	[tilespmem:s4], [sflag:$0x1] =	stream.indirect_vreg.gather [hbm4b:s5+s2], $0x80, v4, vm1, $0xb8;
	[tilespmem:$0x14500] =	vst v63  }
0x6d: {  	s0 =	rddreg [dreg:$0x12]  }
0x6e: {  	[tilespmem:s0], [sflag:$0x1] =	stream.indirect_vreg.gather [hbm4b:s3+s2], $0x80, v3, vm0, $0xb8;
	[tilespmem:$0x14500] =	vst v63  }
0x6f: {  	s4 =	rddreg [dreg:$0x13]  }
0x70: {  	[tilespmem:s4], [sflag:$0x1] =	stream.indirect_vreg.gather [hbm4b:s5+s2], $0x80, v3, vm1, $0xb8;
	[tilespmem:$0x14500] =	vst v63  }
0x71: {  	v3 =	vld [tilespmem:s31+$0xFFFFFFE0];
	_ =	sdelay $0x4  }
0x72: {  	v56 =	vshrl.u32 v3, $0x3  }
0x73: {  	v4 =	vmul.u32 $0x18, v56  }
0x74: {  	v3 =	vand.u32 $0x7, v3  }
0x75: {  	v3 =	vor.u32 v3, v4  }
0x76: {  	v4 =	vperm.xlane v3, v0;
	_ =	sdelay $0x1  }
0x77: {  	v4 =	vadd.s32 v1, v4;
	_ =	sdelay $0x1  }
0x78: {  	v3 =	vperm.xlane v3, v2;
	_ =	sdelay $0x1  }
0x79: {  	s0 =	rddreg [dreg:$0x14];
	v3 =	vadd.s32 v1, v3  }
0x7a: {  	[tilespmem:s0], [sflag:$0x1] =	stream.indirect_vreg.gather [hbm4b:s3+s2], $0x80, v4, vm0, $0xb8;
	[tilespmem:$0x14500] =	vst v63  }
0x7b: {  	s4 =	rddreg [dreg:$0x15]  }
0x7c: {  	[tilespmem:s4], [sflag:$0x1] =	stream.indirect_vreg.gather [hbm4b:s5+s2], $0x80, v4, vm1, $0xb8;
	[tilespmem:$0x14500] =	vst v63  }
0x7d: {  	s0 =	rddreg [dreg:$0x16]  }
0x7e: {  	[tilespmem:s0], [sflag:$0x1] =	stream.indirect_vreg.gather [hbm4b:s3+s2], $0x80, v3, vm0, $0xb8;
	[tilespmem:$0x14500] =	vst v63  }
0x7f: {  	s4 =	rddreg [dreg:$0x17]  }
0x80: {  	[tilespmem:s4], [sflag:$0x1] =	stream.indirect_vreg.gather [hbm4b:s5+s2], $0x80, v3, vm1, $0xb8;
	[tilespmem:$0x14500] =	vst v63  }
0x81: {  	v3 =	vld [tilespmem:s31+$0xFFFFFFF0];
	_ =	sdelay $0x4  }
0x82: {  	v57 =	vshrl.u32 v3, $0x3  }
0x83: {  	v4 =	vmul.u32 $0x18, v57  }
0x84: {  	v3 =	vand.u32 $0x7, v3  }
0x85: {  	v3 =	vor.u32 v3, v4  }
0x86: {  	v4 =	vperm.xlane v3, v0;
	_ =	sdelay $0x1  }
0x87: {  	v4 =	vadd.s32 v1, v4;
	_ =	sdelay $0x1  }
0x88: {  	v3 =	vperm.xlane v3, v2;
	_ =	sdelay $0x1  }
0x89: {  	s0 =	rddreg [dreg:$0x18];
	v3 =	vadd.s32 v1, v3  }
0x8a: {  	[tilespmem:s0], [sflag:$0x1] =	stream.indirect_vreg.gather [hbm4b:s3+s2], $0x80, v4, vm0, $0xb8;
	[tilespmem:$0x14500] =	vst v63  }
0x8b: {  	s4 =	rddreg [dreg:$0x19]  }
0x8c: {  	[tilespmem:s4], [sflag:$0x1] =	stream.indirect_vreg.gather [hbm4b:s5+s2], $0x80, v4, vm1, $0xb8;
	[tilespmem:$0x14500] =	vst v63  }
0x8d: {  	s0 =	rddreg [dreg:$0x1a]  }
0x8e: {  	[tilespmem:s0], [sflag:$0x1] =	stream.indirect_vreg.gather [hbm4b:s3+s2], $0x80, v3, vm0, $0xb8;
	[tilespmem:$0x14500] =	vst v63  }
0x8f: {  	s4 =	rddreg [dreg:$0x1b]  }
0x90: {  	[tilespmem:s4], [sflag:$0x1] =	stream.indirect_vreg.gather [hbm4b:s5+s2], $0x80, v3, vm1, $0xb8;
	[tilespmem:$0x14500] =	vst v63  }
0x91: {  	v3 =	vld [tilespmem:s31+$0x0];
	_ =	sdelay $0x4  }
0x92: {  	v58 =	vshrl.u32 v3, $0x3  }
0x93: {  	v4 =	vmul.u32 $0x18, v58  }
0x94: {  	v3 =	vand.u32 $0x7, v3  }
0x95: {  	v3 =	vor.u32 v3, v4  }
0x96: {  	v4 =	vperm.xlane v3, v0;
	_ =	sdelay $0x1  }
0x97: {  	v4 =	vadd.s32 v1, v4;
	_ =	sdelay $0x1  }
0x98: {  	v3 =	vperm.xlane v3, v2;
	_ =	sdelay $0x1  }
0x99: {  	v3 =	vadd.s32 v1, v3  }
0x9a: {  	[tilespmem:s9], [sflag:$0x2] =	stream.indirect_vreg.gather [hbm4b:s3+s2], $0x80, v4, vm0, $0xb8;
	[tilespmem:$0x14500] =	vst v63  }
0x9b: {  	s0 =	rddreg [dreg:$0x1c]  }
0x9c: {  	[tilespmem:s0], [sflag:$0x2] =	stream.indirect_vreg.gather [hbm4b:s5+s2], $0x80, v4, vm1, $0xb8;
	[tilespmem:$0x14500] =	vst v63  }
0x9d: {  	s4 =	rddreg [dreg:$0x1d]  }
0x9e: {  	[tilespmem:s4], [sflag:$0x2] =	stream.indirect_vreg.gather [hbm4b:s3+s2], $0x80, v3, vm0, $0xb8;
	[tilespmem:$0x14500] =	vst v63  }
0x9f: {  	s0 =	rddreg [dreg:$0x1e]  }
0xa0: {  	[tilespmem:s0], [sflag:$0x2] =	stream.indirect_vreg.gather [hbm4b:s5+s2], $0x80, v3, vm1, $0xb8;
	[tilespmem:$0x14500] =	vst v63  }
0xa1: {  	v3 =	vld [tilespmem:s31+$0x10];
	_ =	sdelay $0x4  }
0xa2: {  	v59 =	vshrl.u32 v3, $0x3  }
0xa3: {  	v4 =	vmul.u32 $0x18, v59  }
0xa4: {  	v3 =	vand.u32 $0x7, v3  }
0xa5: {  	v3 =	vor.u32 v3, v4  }
0xa6: {  	v4 =	vperm.xlane v3, v0;
	_ =	sdelay $0x1  }
0xa7: {  	v4 =	vadd.s32 v1, v4;
	_ =	sdelay $0x1  }
0xa8: {  	v3 =	vperm.xlane v3, v2  }
0xa9: {  	s4 =	sld [smem:$0x7FC]  }
0xaa: {  	s0 =	rddreg [dreg:$0x1f];
	v3 =	vadd.s32 v1, v3  }
0xab: {  	[tilespmem:s0], [sflag:$0x2] =	stream.indirect_vreg.gather [hbm4b:s3+s2], $0x80, v4, vm0, $0xb8;
	[tilespmem:$0x14500] =	vst v63  }
0xac: {  	s0 =	sld [smem:$0x7FD]  }
0xad: {  	[tilespmem:s4], [sflag:$0x2] =	stream.indirect_vreg.gather [hbm4b:s5+s2], $0x80, v4, vm1, $0xb8;
	[tilespmem:$0x14500] =	vst v63  }
0xae: {  	_ = 	snop  }
0xaf: {  	[tilespmem:s0], [sflag:$0x2] =	stream.indirect_vreg.gather [hbm4b:s3+s2], $0x80, v3, vm0, $0xb8;
	[tilespmem:$0x14500] =	vst v63  }
0xb0: {  	_ = 	snop  }
0xb1: {  	[tilespmem:s10], [sflag:$0x2] =	stream.indirect_vreg.gather [hbm4b:s5+s2], $0x80, v3, vm1, $0xb8;
	[tilespmem:$0x14500] =	vst v63  }
0xb2: {  	v3 =	vld [tilespmem:s31+$0x20];
	_ =	sdelay $0x4  }
0xb3: {  	v60 =	vshrl.u32 v3, $0x3  }
0xb4: {  	v4 =	vmul.u32 $0x18, v60  }
0xb5: {  	v3 =	vand.u32 $0x7, v3  }
0xb6: {  	v3 =	vor.u32 v3, v4  }
0xb7: {  	v4 =	vperm.xlane v3, v0;
	_ =	sdelay $0x1  }
0xb8: {  	v4 =	vadd.s32 v1, v4;
	_ =	sdelay $0x1  }
0xb9: {  	v3 =	vperm.xlane v3, v2;
	_ =	sdelay $0x1  }
0xba: {  	v3 =	vadd.s32 v1, v3  }
0xbb: {  	[tilespmem:s11], [sflag:$0x2] =	stream.indirect_vreg.gather [hbm4b:s3+s2], $0x80, v4, vm0, $0xb8;
	[tilespmem:$0x14500] =	vst v63  }
0xbc: {  	_ = 	snop  }
0xbd: {  	[tilespmem:s12], [sflag:$0x2] =	stream.indirect_vreg.gather [hbm4b:s5+s2], $0x80, v4, vm1, $0xb8;
	[tilespmem:$0x14500] =	vst v63  }
0xbe: {  	_ = 	snop  }
0xbf: {  	[tilespmem:s13], [sflag:$0x2] =	stream.indirect_vreg.gather [hbm4b:s3+s2], $0x80, v3, vm0, $0xb8;
	[tilespmem:$0x14500] =	vst v63  }
0xc0: {  	_ = 	snop  }
0xc1: {  	[tilespmem:s14], [sflag:$0x2] =	stream.indirect_vreg.gather [hbm4b:s5+s2], $0x80, v3, vm1, $0xb8;
	[tilespmem:$0x14500] =	vst v63  }
0xc2: {  	v3 =	vld [tilespmem:s31+$0x30];
	_ =	sdelay $0x4  }
0xc3: {  	v61 =	vshrl.u32 v3, $0x3  }
0xc4: {  	v4 =	vmul.u32 $0x18, v61  }
0xc5: {  	v3 =	vand.u32 $0x7, v3  }
0xc6: {  	v3 =	vor.u32 v3, v4  }
0xc7: {  	v4 =	vperm.xlane v3, v0;
	_ =	sdelay $0x1  }
0xc8: {  	v4 =	vadd.s32 v1, v4;
	_ =	sdelay $0x1  }
0xc9: {  	v3 =	vperm.xlane v3, v2;
	_ =	sdelay $0x1  }
0xca: {  	v3 =	vadd.s32 v1, v3  }
0xcb: {  	[tilespmem:s15], [sflag:$0x2] =	stream.indirect_vreg.gather [hbm4b:s3+s2], $0x80, v4, vm0, $0xb8;
	[tilespmem:$0x14500] =	vst v63  }
0xcc: {  	_ = 	snop  }
0xcd: {  	[tilespmem:s16], [sflag:$0x2] =	stream.indirect_vreg.gather [hbm4b:s5+s2], $0x80, v4, vm1, $0xb8;
	[tilespmem:$0x14500] =	vst v63  }
0xce: {  	_ = 	snop  }
0xcf: {  	[tilespmem:s17], [sflag:$0x2] =	stream.indirect_vreg.gather [hbm4b:s3+s2], $0x80, v3, vm0, $0xb8;
	[tilespmem:$0x14500] =	vst v63  }
0xd0: {  	_ = 	snop  }
0xd1: {  	[tilespmem:s18], [sflag:$0x2] =	stream.indirect_vreg.gather [hbm4b:s5+s2], $0x80, v3, vm1, $0xb8;
	[tilespmem:$0x14500] =	vst v63  }
0xd2: {  	v3 =	vld [tilespmem:s31+$0x40];
	_ =	sdelay $0x4  }
0xd3: {  	v62 =	vshrl.u32 v3, $0x3  }
0xd4: {  	v4 =	vmul.u32 $0x18, v62  }
0xd5: {  	v3 =	vand.u32 $0x7, v3  }
0xd6: {  	v3 =	vor.u32 v3, v4  }
0xd7: {  	v4 =	vperm.xlane v3, v0;
	_ =	sdelay $0x1  }
0xd8: {  	v4 =	vadd.s32 v1, v4;
	_ =	sdelay $0x1  }
0xd9: {  	v3 =	vperm.xlane v3, v2;
	_ =	sdelay $0x1  }
0xda: {  	v3 =	vadd.s32 v1, v3  }
0xdb: {  	[tilespmem:s19], [sflag:$0x2] =	stream.indirect_vreg.gather [hbm4b:s3+s2], $0x80, v4, vm0, $0xb8;
	[tilespmem:$0x14500] =	vst v63  }
0xdc: {  	_ = 	snop  }
0xdd: {  	[tilespmem:s20], [sflag:$0x2] =	stream.indirect_vreg.gather [hbm4b:s5+s2], $0x80, v4, vm1, $0xb8;
	[tilespmem:$0x14500] =	vst v63  }
0xde: {  	_ = 	snop  }
0xdf: {  	[tilespmem:s21], [sflag:$0x2] =	stream.indirect_vreg.gather [hbm4b:s3+s2], $0x80, v3, vm0, $0xb8;
	[tilespmem:$0x14500] =	vst v63  }
0xe0: {  	_ = 	snop  }
0xe1: {  	[tilespmem:s22], [sflag:$0x2] =	stream.indirect_vreg.gather [hbm4b:s5+s2], $0x80, v3, vm1, $0xb8;
	[tilespmem:$0x14500] =	vst v63  }
0xe2: {  	v3 =	vld [tilespmem:s31+$0x50];
	_ =	sdelay $0x4  }
0xe3: {  	v63 =	vshrl.u32 v3, $0x3  }
0xe4: {  	v4 =	vmul.u32 $0x18, v63  }
0xe5: {  	v3 =	vand.u32 $0x7, v3  }
0xe6: {  	v3 =	vor.u32 v3, v4  }
0xe7: {  	v4 =	vperm.xlane v3, v0;
	_ =	sdelay $0x1  }
0xe8: {  	v4 =	vadd.s32 v1, v4;
	_ =	sdelay $0x1  }
0xe9: {  	v3 =	vperm.xlane v3, v2;
	_ =	sdelay $0x1  }
0xea: {  	v3 =	vadd.s32 v1, v3  }
0xeb: {  	[tilespmem:s23], [sflag:$0x2] =	stream.indirect_vreg.gather [hbm4b:s3+s2], $0x80, v4, vm0, $0xb8;
	[tilespmem:$0x14500] =	vst v63  }
0xec: {  	_ = 	snop  }
0xed: {  	[tilespmem:s24], [sflag:$0x2] =	stream.indirect_vreg.gather [hbm4b:s5+s2], $0x80, v4, vm1, $0xb8;
	[tilespmem:$0x14500] =	vst v63  }
0xee: {  	_ = 	snop  }
0xef: {  	[tilespmem:s25], [sflag:$0x2] =	stream.indirect_vreg.gather [hbm4b:s3+s2], $0x80, v3, vm0, $0xb8;
	[tilespmem:$0x14500] =	vst v63  }
0xf0: {  	_ = 	snop  }
0xf1: {  	[tilespmem:s26], [sflag:$0x2] =	stream.indirect_vreg.gather [hbm4b:s5+s2], $0x80, v3, vm1, $0xb8;
	[tilespmem:$0x14500] =	vst v63  }
0xf2: {  	_ =	swait.ge [sflag:s28], $0x9000  }
0xf3: {  	s4 =	rddreg [dreg:$0x4];
	[sflag:s28] =	ssyncset.done $0x0  }
0xf4: {  	[sflag:s28] =	ssyncadd.s32 $0xFFFF7000;
	s0 =	sadd.s32 s1, s4  }
0xf5: {  	[hbm4b:s0+s2] =	stream.linear.scatter [tilespmem:s8], [sflag:$0x3], $0x9000, $0x38;
	[tilespmem:$0x14500] =	vst v63  }
0xf6: {  	_ =	swait.ge [sflag:s7], $0x9000  }
0xf7: {  	[sflag:s7] =	ssyncset.done $0x0  }
0xf8: {  	[sflag:s7] =	ssyncadd.s32 $0xFFFF7000  }
0xf9: {  	_ =	swait.ge [sflag:s29], $0x9000  }
0xfa: {  	p0 =	sne.s32 s1, $0x6C000;
	s4 =	rddreg [dreg:$0x3];
	[sflag:s29] =	ssyncset.done $0x0  }
.Ltmp0:
0xfb: {  	[sflag:s29] =	ssyncadd.s32 $0xFFFF7000;
	s0 =	sadd.s32 s1, s4;
	(pc) =	sbr.rel @p0 .LBB2_2-.Ltmp0, $4  }
0xfc: {  	[hbm4b:s0+s2] =	stream.linear.scatter [tilespmem:s9], [sflag:$0x3], $0x9000, $0x38;
	[tilespmem:$0x14500] =	vst v63  }
0xfd: {  	_ =	swait.ge [sflag:s7], $0x9000  }
0xfe: {  	[sflag:s7] =	ssyncset.done $0x0  }
0xff: {  	s31 =	sadd.s32 $0xC0, s31;
	s1 =	sadd.s32 $0x2400, s1;
	[sflag:s7] =	ssyncadd.s32 $0xFFFF7000  }
0x100: {  	s30 =	sadd.s32 $0x1, s30  }
0x101: {  	p0 =	sne.s32 s30, s6  }
.Ltmp1:
0x102: {  	_ = 	snop;
	(pc) =	sbr.rel @p0 .LBB2_1-.Ltmp1, $1  }
0x103: {  	_ =	sdelay $0x3  }
0x104: {  	_ =	sfence.sel $0x180000  }
0x105: {  	[bflag:$0x0] =	sbarrier.arrive $0xFFFF  }
0x106: {  	_ =	strace $0x90000050  }
0x107: {  	s0 =	stileid.u32;
	[bflag:$0x2] =	sbarrier.arrive $0xFFFF  }
0x108: {  	p0 =	sne.s32 s0, $0x0;
	s0 =	rddreg [dreg:$0x2]  }
0x109: {  	s0 =	sadd.s32 @!p0 $0x100000, s0  }
0x10a: {  	[sflag:s0] =	ssyncadd.tile.s32 @!p0 $0x1;
	_ =	shalt  }
.Lfunc_end2:
_tile_overlayer_lowered:
.L_overlay_start_2:
0x10b: {  	(tag) =	ssettag $0x2  }
0x10c: {  	s0 =	rddreg [dreg:$0x0];
	s2 =	stileid.u32  }
0x10d: {  	s1 =	rddreg [dreg:$0x1];
	p0 =	sne.s32 s2, $0x0  }
0x10e: {  	s3 =	rddreg [dreg:$0x2];
	[bflag:$0x3] =	sbarrier.arrive $0xFFFF;
	s2 =	simm.s32 @!p0 $0x1C03  }
0x10f: {  	[timem:s3], [sflag:s2] =	dma.local @!p0 [hbm:s0], s1  }
0x110: {  	s0 =	simm.s32 @!p0 $0x3  }
0x111: {  	_ =	swait.ge @!p0 [sflag:s0], s1  }
0x112: {  	s1 =	ssub.s32 @!p0 $0x0, s1;
	[sflag:s0] =	ssyncset.done @!p0 $0x0  }
0x113: {  	[sflag:s0] =	ssyncadd.s32 @!p0 s1  }
0x114: {  	[bflag:$0x3] =	sbarrier.arrive $0xFFFF  }
0x115: {  	_ =	shalt  }

// kernel: kernel.32.cloned.1.call-start
scs
__scs_entry_jumppad:
0x0: {  	(pc) =	sbr.rel $0x88, $3  }
0x1: {  	(tag) =	ssettag $0x0;
	lr =	simm.s32 $0x1  }
0x2: {  	[smem:$0x3F8C] =	sst lr;
	_ =	strace $0xD0000000  }
0x3: {  	_ = 	snop  }
0x4: {  	_ = 	snop  }
0x5: {  	_ = 	snop  }
0x6: {  	_ = 	snop  }
0x7: {  	_ = 	snop  }
__scs_overlays_trampoline_lowered:
0x8: {  	[smem:$0x3F9B] =	sst s0  }
0x9: {  	[smem:$0x3F9C] =	sst s1  }
0xa: {  	[smem:$0x3F9D] =	sst s2  }
0xb: {  	[smem:$0x3F9E] =	sst s3  }
0xc: {  	[smem:$0x3F9F] =	sst s4  }
0xd: {  	[smem:$0x3FA0] =	sst s5  }
0xe: {  	[smem:$0x3FA1] =	sst s6  }
0xf: {  	[smem:$0x3FA2] =	sst s7  }
0x10: {  	[smem:$0x3FA3] =	sst s8  }
0x11: {  	[smem:$0x3FA4] =	sst s9;
	s0 =	simm.s32 @!p0 $0x0  }
0x12: {  	s1 =	sld [smem:$0x3F8A];
	s0 =	simm.s32 @p0 $0x1  }
0x13: {  	[smem:$0x3FA5] =	sst s0;
	s0 =	simm.s32 @!p1 $0x0  }
0x14: {  	s2 =	sld [smem:$0x3F89];
	s0 =	simm.s32 @p1 $0x1  }
0x15: {  	[smem:$0x3FA6] =	sst s0;
	s0 =	simm.s32 @!p2 $0x0  }
0x16: {  	s3 =	sld [smem:$0x3FDB];
	s0 =	simm.s32 @p2 $0x1  }
0x17: {  	s4 =	simm.s32 $0x1BF5;
	[smem:$0x3FA8] =	sst s0  }
0x18: {  	s0 =	sld [smem:$0x3F8B];
	_ =	swait.ge [sflag:s4], $0x0  }
0x19: {  	s7 =	sld [smem:$0x3F8C]  }
0x1a: {  	s8 =	sadd.s32 $0xFFFFE003, lr  }
0x1b: {  	s9 =	sadd.s32 $0xFFFFFEF7, lr;
	s5 =	simm.s32 $0xFFFFFFFF;
	p2 =	slt.u32 s8, $0xFFFFF086  }
0x1c: {  	p1 =	slt.u32 s9, $0xF7A;
	s5 =	simm.s32 @!p2 $0x0  }
0x1d: {  	s5 =	simm.s32 @p1 $0x1;
	p0 =	seq.s32 s7, s2  }
0x1e: {  	s7 =	smul.u32 @!p0 $0xF7A, s2;
	p2 =	seq.s32 @!p0 s5, $0x0  }
0x1f: {  	s9 =	smul.u32 $0xF7A, s1;
	s8 =	simm.s32 @!p0 $0x1BF5;
	p2 =	por !p2, p0  }
0x20: {  	[sflag:s8] =	ssyncset.s32 @!p0 $0xFFFFF086;
	s6 =	sadd.s32 @!p0 s3, s7;
	s7 =	simm.s32 @!p0 $0x108  }
0x21: {  	s3 =	sadd.s32 s3, s9;
	s6 =	sadd.s32 @!p0 $0x88, s6;
	s7 =	simm.s32 @p2 $0x1082  }
0x22: {  	[simem:s7], [sflag:s8] =	dma.local @!p0 [hbm:s6], $0xF7A  }
0x23: {  	s9 =	sor.u32 $0xD0000000, s2;
	s6 =	simm.s32 $0x108;
	_ =	swait.ge @!p0 [sflag:s8], $0x0  }
0x24: {  	s3 =	sadd.s32 $0x88, s3;
	s6 =	simm.s32 @!p1 $0x1082;
	[sflag:s4] =	ssyncset.s32 $0xFFFFF086  }
0x25: {  	[simem:s6], [sflag:s4] =	dma.local [hbm:s3], $0xF7A  }
0x26: {  	[smem:$0x3F8C] =	sst s1;
	(tag) =	ssettag s2;
	_ =	strace s9  }
0x27: {  	s1 =	sld [smem:$0x3F9C]  }
0x28: {  	s2 =	sld [smem:$0x3F9D]  }
0x29: {  	s4 =	sld [smem:$0x3F9F]  }
0x2a: {  	p0 =	seq.s32 s5, $0x0;
	s5 =	sld [smem:$0x3FA0]  }
0x2b: {  	s6 =	sld [smem:$0x3FA1]  }
0x2c: {  	s7 =	sld [smem:$0x3FA2]  }
0x2d: {  	s3 =	simm.s32 $0x108;
	s8 =	sld [smem:$0x3FA3]  }
0x2e: {  	s3 =	simm.s32 @!p0 $0x1082;
	s9 =	sld [smem:$0x3FA4]  }
0x2f: {  	lr =	sadd.s32 s0, s3;
	s0 =	sld [smem:$0x3F9B]  }
0x30: {  	s3 =	sld [smem:$0x3F9E]  }
0x31: {  	[smem:$0x3FA7] =	sst s10  }
0x32: {  	s10 =	sld [smem:$0x3FA5];
	_ =	sdelay $0x3  }
0x33: {  	p0 =	seq.s32 s10, $0x1;
	s10 =	sld [smem:$0x3FA7];
	_ =	sdelay $0x3  }
0x34: {  	[smem:$0x3FA7] =	sst s10  }
0x35: {  	s10 =	sld [smem:$0x3FA6];
	_ =	sdelay $0x3  }
0x36: {  	p1 =	seq.s32 s10, $0x1;
	s10 =	sld [smem:$0x3FA7];
	_ =	sdelay $0x3  }
0x37: {  	[smem:$0x3FA7] =	sst s10  }
0x38: {  	s10 =	sld [smem:$0x3FA8]  }
0x39: {  	_ = 	snop;
	(pc) =	sbr.ind lr, $3  }
0x3a: {  	_ = 	snop  }
0x3b: {  	_ = 	snop  }
0x3c: {  	p2 =	seq.s32 s10, $0x1;
	s10 =	sld [smem:$0x3FA7]  }
0x3d: {  	_ =	shalt  }
0x3e: {  	_ =	shalt  }
0x3f: {  	_ =	shalt  }
0x40: {  	_ =	shalt  }
0x41: {  	_ =	shalt  }
0x42: {  	_ =	shalt  }
0x43: {  	_ =	shalt  }
0x44: {  	_ =	shalt  }
0x45: {  	_ =	shalt  }
0x46: {  	_ =	shalt  }
0x47: {  	_ =	shalt  }
0x48: {  	_ =	shalt  }
0x49: {  	_ =	shalt  }
0x4a: {  	_ =	shalt  }
0x4b: {  	_ =	shalt  }
0x4c: {  	_ =	shalt  }
0x4d: {  	_ =	shalt  }
0x4e: {  	_ =	shalt  }
0x4f: {  	_ =	shalt  }
0x50: {  	_ =	shalt  }
0x51: {  	_ =	shalt  }
0x52: {  	_ =	shalt  }
0x53: {  	_ =	shalt  }
0x54: {  	_ =	shalt  }
0x55: {  	_ =	shalt  }
0x56: {  	_ =	shalt  }
0x57: {  	_ =	shalt  }
0x58: {  	_ =	shalt  }
0x59: {  	_ =	shalt  }
0x5a: {  	_ =	shalt  }
0x5b: {  	_ =	shalt  }
0x5c: {  	_ =	shalt  }
0x5d: {  	_ =	shalt  }
0x5e: {  	_ =	shalt  }
0x5f: {  	_ =	shalt  }
0x60: {  	_ =	shalt  }
0x61: {  	_ =	shalt  }
0x62: {  	_ =	shalt  }
0x63: {  	_ =	shalt  }
0x64: {  	_ =	shalt  }
0x65: {  	_ =	shalt  }
0x66: {  	_ =	shalt  }
0x67: {  	_ =	shalt  }
0x68: {  	_ =	shalt  }
0x69: {  	_ =	shalt  }
0x6a: {  	_ =	shalt  }
0x6b: {  	_ =	shalt  }
0x6c: {  	_ =	shalt  }
0x6d: {  	_ =	shalt  }
0x6e: {  	_ =	shalt  }
0x6f: {  	_ =	shalt  }
0x70: {  	_ =	shalt  }
0x71: {  	_ =	shalt  }
0x72: {  	_ =	shalt  }
0x73: {  	_ =	shalt  }
0x74: {  	_ =	shalt  }
0x75: {  	_ =	shalt  }
0x76: {  	_ =	shalt  }
0x77: {  	_ =	shalt  }
0x78: {  	_ =	shalt  }
0x79: {  	_ =	shalt  }
0x7a: {  	_ =	shalt  }
0x7b: {  	_ =	shalt  }
0x7c: {  	_ =	shalt  }
0x7d: {  	_ =	shalt  }
0x7e: {  	_ =	shalt  }
0x7f: {  	_ =	shalt  }
0x80: {  	_ =	shalt  }
0x81: {  	_ =	shalt  }
0x82: {  	_ =	shalt  }
0x83: {  	_ =	shalt  }
0x84: {  	_ =	shalt  }
0x85: {  	_ =	shalt  }
0x86: {  	_ =	shalt  }
0x87: {  	_ =	shalt  }
.Lfunc_end0:
.L_simem_size_0:
called_computation.5_lowered:
.L_overlay_start_0:
0x88: {  	s2 =	sld [smem:$0x3FD9]  }
0x89: {  	s3 =	sld [smem:$0x3FFE];
	_ =	sdelay $0x1  }
0x8a: {  	s1 =	srdreg.scid  }
0x8b: {  	s0 =	sand.u32 $0x1, s1  }
0x8c: {  	s17 =	sshll.u32 s0, $0xA;
	s2 =	sadd.s32 s3, s2  }
0x8d: {  	s2 =	sadd.s32 s2, s17  }
0x8e: {  	[smem:$0x3FB3] =	sst s2  }
0x8f: {  	_ = 	snop  }
0x90: {  	(tm) =	ssettm $0x1  }
0x91: {  	s18 =	sld [smem:$0x3FFB];
	_ =	sdelay $0x3  }
0x92: {  	_ =	strace s18  }
0x93: {  	s2 =	sld [smem:$0x3FFC];
	_ =	sdelay $0x3  }
0x94: {  	_ =	strace s2  }
0x95: {  	s2 =	sld [smem:$0x3FFD];
	_ =	sdelay $0x3  }
0x96: {  	_ =	strace s2  }
0x97: {  	_ =	strace $0x8FFFFFFF  }
0x98: {  	s19 =	sld [smem:$0x3FDB];
	_ =	sdelay $0x1  }
0x99: {  	s20 =	simm.s32 $_scs_section_size  }
0x9a: {  	s4 =	simm.s32 $_size__tile_overlayer_lowered;
	s5 =	simm.s32 $_tile_overlayer_lowered  }
0x9b: {  	s6 =	simm.s32 $0x1BFF;
	s21 =	sshll.u32 s5, $0x1;
	s3 =	sadd.s32 s20, s19  }
0x9c: {  	s22 =	simm.s32 $0x0;
	s4 =	sshll.u32 s4, $0x1;
	s5 =	sadd.s32 s21, s3  }
0x9d: {  	[timem:s22], [sflag:s6] =	dma.local [hbm:s5], s4  }
0x9e: {  	_ =	swait.ge [sflag:s6], s4  }
0x9f: {  	s4 =	ssub.s32 $0x0, s4;
	[sflag:s6] =	ssyncset.done $0x0  }
0xa0: {  	[sflag:s6] =	ssyncadd.s32 s4;
	_ =	sdelay $0x1  }
0xa1: {  	s23 =	simm.s32 $0x1B8B  }
0xa2: {  	_ =	swait.ge [sflag:s23], $0x1  }
0xa3: {  	[sflag:s23] =	ssyncset.done $0x0  }
0xa4: {  	[sflag:s23] =	ssyncadd.s32 $0xFFFFFFFF  }
0xa5: {  	s4 =	sld [smem:$0x0]  }
0xa6: {  	s5 =	sand.u32 $0xFFFFFFFE, s1  }
0xa7: {  	p0 =	sne.s32 s1, s5  }
0xa8: {  	s5 =	sshll.u32 @p0 s5, $0xE  }
0xa9: {  	s5 =	sadd.s32 @p0 $0x11B8D, s5;
	s6 =	sshll.u32 @p0 s4, $0x11  }
0xaa: {  	s5 =	sor.u32 @p0 s6, s5  }
0xab: {  	[sflag:s5] =	ssyncadd.remote.s32 @p0 $0x1;
	_ =	sdelay $0x1  }
0xac: {  	s5 =	simm.s32 @p0 $0x1B8D  }
0xad: {  	_ =	swait.eq @p0 [sflag:s5], $0x1  }
0xae: {  	[sflag:s5] =	ssyncadd.s32 @p0 $0xFFFFFFFF  }
0xaf: {  	s6 =	sshll.u32 @!p0 s1, $0xE  }
0xb0: {  	s6 =	sor.u32 @!p0 $0x4000, s6;
	s5 =	simm.s32 @!p0 $0x1B8D  }
0xb1: {  	s4 =	sshll.u32 @!p0 s4, $0x11;
	s6 =	sadd.s32 @!p0 $0x11B8D, s6;
	_ =	swait.eq @!p0 [sflag:s5], $0x1  }
0xb2: {  	s4 =	sor.u32 @!p0 s4, s6;
	[sflag:s5] =	ssyncadd.s32 @!p0 $0xFFFFFFFF  }
0xb3: {  	s25 =	simm.s32 $0x1B8E;
	s24 =	sld [smem:$0x3FFE];
	[sflag:s4] =	ssyncadd.remote.s32 @!p0 $0x1  }
0xb4: {  	s26 =	simm.s32 $execute0_lowered;
	[smem:$0x3FD2] =	sst s25  }
0xb5: {  	s5 =	sshll.u32 s26, $0x1;
	_ =	strace $0x80000052;
	[dreg:$0x1] =	wrdreg $0xFFFFFFFF  }
0xb6: {  	s28 =	simm.s32 $_size_execute0_lowered;
	s3 =	sadd.s32 s3, s5;
	[dreg:$0x0] =	wrdreg $0x0  }
0xb7: {  	s5 =	sshll.u32 s28, $0x1;
	[dreg:$0x2] =	wrdreg s3  }
0xb8: {  	[dreg:$0x3] =	wrdreg s5  }
0xb9: {  	[dreg:$0x4] =	wrdreg $0xC0  }
0xba: {  	_ =	task [dreg:s22], $0x5FFFF  }
0xbb: {  	[dreg:$0x1] =	wrdreg $0xFFFFFFFF  }
0xbc: {  	[dreg:$0x0] =	wrdreg $0x60  }
0xbd: {  	[dreg:$0x2] =	wrdreg s24  }
0xbe: {  	[dreg:$0x3] =	wrdreg $0x9  }
0xbf: {  	_ =	task.clear_ibuf [dreg:s22], $0x4FFFF;
	_ =	strace $0x90000052  }
0xc0: {  	s29 =	simm.s32 $0x9;
	_ =	strace $0x80000054  }
0xc1: {  	_ =	swait.ge [sflag:s29], $0x1  }
0xc2: {  	[sflag:s29] =	ssyncadd.s32 $0xFFFFFFFF  }
0xc3: {  	_ =	strace $0x90000054  }
0xc4: {  	_ =	sfence  }
0xc5: {  	s30 =	sld [smem:$0x0];
	_ =	sdelay $0x2  }
0xc6: {  	s31 =	sshll.u32 s1, $0xD;
	s1 =	sshrl.u32 s1, $0x2  }
0xc7: {  	s4 =	sand.u32 $0x4000, s31;
	s1 =	sadd.s32 s1, s30  }
0xc8: {  	s0 =	sor.u32 s4, s0;
	s1 =	sshll.u32 s1, $0x11  }
0xc9: {  	s0 =	sor.u32 s1, s0  }
0xca: {  	s0 =	sadd.s32 $0x8F2B, s0  }
0xcb: {  	[sflag:s0] =	ssyncadd.remote.s32 $0x1  }
0xcc: {  	_ =	sfence.sel $0xFFFF  }
0xcd: {  	[dreg:$0x0] =	wrdreg $0xFFFFFFFF;
	(pc) =	sbr.abs _section_cstart, $3  }
0xce: {  	[dreg:$0x1] =	wrdreg $0xFFFFFFFF  }
0xcf: {  	_ =	task.clear_ibuf [dreg:s22], $0x2FFFF;
	_ =	strace $0x9FFFFFFF  }
0xd0: {  	(tm) =	ssettm $0x7FFFFFFF  }
0xd1: {  	_ =	shalt  }
tec
execute0_lowered:
.L_overlay_start_1:
0x0: {  	(tag) =	ssettag $0x1  }
0x1: {  	s1 =	srdreg.scid;
	s0 =	stileid.u32  }
0x2: {  	s4 =	sand.u32 $0x1, s1;
	s19 =	smul.u32 $0x3180, s0  }
0x3: {  	s2 =	smul.u32 $0x18C0, s4;
	_ =	sdelay $0x1  }
0x4: {  	s3 =	sadd.s32 s2, s19  }
0x5: {  	s2 =	sadd.s32 $0x60, s3  }
0x6: {  	s1 =	rddreg [dreg:$0x0];
	s5 =	sshrl.u32 s2, $0x3;
	s2 =	simm.s32 $0x0  }
0x7: {  	s20 =	simm.s32 $0x2100;
	[smem:$0x7FF] =	sst s2  }
0x8: {  	s21 =	simm.s32 $0x2500;
	_ =	strace $0x80000053;
	[dreg:$0x4] =	wrdreg s20  }
0x9: {  	s22 =	simm.s32 $0x2D00;
	[dreg:$0x5] =	wrdreg s21  }
0xa: {  	s23 =	simm.s32 $0x3100;
	[dreg:$0x6] =	wrdreg s22  }
0xb: {  	s24 =	simm.s32 $0x3900;
	[dreg:$0x7] =	wrdreg s23  }
0xc: {  	s25 =	simm.s32 $0x3D00;
	[dreg:$0x8] =	wrdreg s24  }
0xd: {  	s26 =	simm.s32 $0x4500;
	[dreg:$0x9] =	wrdreg s25  }
0xe: {  	s31 =	simm.s32 $0x4900;
	[dreg:$0xa] =	wrdreg s26  }
0xf: {  	s7 =	simm.s32 $0x5D00;
	[dreg:$0xb] =	wrdreg s31  }
0x10: {  	s8 =	simm.s32 $0x6100;
	[dreg:$0xe] =	wrdreg s7  }
0x11: {  	s9 =	simm.s32 $0x6900;
	[dreg:$0xf] =	wrdreg s8  }
0x12: {  	s10 =	simm.s32 $0x6D00;
	s12 =	simm.s32 $0x7500;
	[dreg:$0x10] =	wrdreg s9  }
0x13: {  	s13 =	simm.s32 $0x7900;
	s14 =	simm.s32 $0x8100;
	[dreg:$0x11] =	wrdreg s10  }
0x14: {  	s15 =	simm.s32 $0x8500;
	s16 =	simm.s32 $0x8D00;
	[dreg:$0x12] =	wrdreg s12  }
0x15: {  	s17 =	simm.s32 $0x9100;
	s18 =	simm.s32 $0x9900;
	[dreg:$0x13] =	wrdreg s13  }
0x16: {  	s28 =	simm.s32 $0x1;
	s29 =	simm.s32 $0x2;
	[dreg:$0x14] =	wrdreg s14  }
0x17: {  	s30 =	simm.s32 $0x0;
	s3 =	sshrl.u32 s3, $0x3;
	[dreg:$0x15] =	wrdreg s15  }
0x18: {  	s11 =	sshll.u32 s0, $0x1;
	s3 =	smul.u32 $0x180, s3;
	[dreg:$0x16] =	wrdreg s16  }
0x19: {  	s6 =	sadd.s32 $0xC000, s1;
	s19 =	simm.s32 $0x9D00;
	[dreg:$0x17] =	wrdreg s17  }
0x1a: {  	s5 =	smul.u32 $0x180, s5;
	s3 =	sadd.s32 s3, s6;
	[dreg:$0x18] =	wrdreg s18  }
0x1b: {  	[dreg:$0x19] =	wrdreg s19;
	s20 =	simm.s32 $0xA500;
	s22 =	simm.s32 $0xB100  }
0x1c: {  	s23 =	simm.s32 $0xB500;
	s24 =	simm.s32 $0xBD00;
	s25 =	simm.s32 $0xC100  }
0x1d: {  	s8 =	simm.s32 $0x1900;
	s26 =	simm.s32 $0xC900;
	[dreg:$0x3] =	wrdreg s3  }
0x1e: {  	s9 =	simm.s32 $0xA900;
	s31 =	simm.s32 $0xCD00;
	[dreg:$0x1a] =	wrdreg s20  }
0x1f: {  	s10 =	simm.s32 $0xD500;
	s12 =	simm.s32 $0xE100;
	[dreg:$0x1b] =	wrdreg s22  }
0x20: {  	s13 =	simm.s32 $0xE500;
	s14 =	simm.s32 $0xED00;
	[dreg:$0x1c] =	wrdreg s23  }
0x21: {  	s15 =	simm.s32 $0xF100;
	s16 =	simm.s32 $0xF900;
	[dreg:$0x1d] =	wrdreg s24  }
0x22: {  	s17 =	simm.s32 $0xFD00;
	s18 =	simm.s32 $0x10500;
	[dreg:$0x1e] =	wrdreg s25  }
0x23: {  	s19 =	simm.s32 $0x10900;
	s5 =	sadd.s32 s5, s6;
	[dreg:$0x1f] =	wrdreg s26  }
0x24: {  	s6 =	simm.s32 $0x5500;
	s3 =	sadd.s32 $0x25AC600, s1;
	[smem:$0x7FD] =	sst s31  }
0x25: {  	s20 =	simm.s32 $0x11100;
	[dreg:$0x2] =	wrdreg s5;
	s5 =	simm.s32 $0x5100  }
0x26: {  	s22 =	simm.s32 $0x11D00;
	[dreg:$0xc] =	wrdreg s5;
	s5 =	sor.u32 s4, s11  }
0x27: {  	s23 =	simm.s32 $0x12100;
	s24 =	simm.s32 $0x12900;
	s5 =	smul.u32 $0x18C0, s5  }
0x28: {  	s25 =	simm.s32 $0x12D00;
	s26 =	simm.s32 $0x13500;
	s4 =	ssub.s32 $0x2, s4  }
0x29: {  	[dreg:$0xd] =	wrdreg s6;
	s7 =	sshrl.u32 s4, $0x1;
	s5 =	sshrl.u32 s5, $0x3  }
0x2a: {  	v2 =	vlaneseq.u32;
	s11 =	simm.s32 $0xD900;
	s7 =	ssub.s32 s4, s7;
	s5 =	sadd.s32 s5, s1  }
0x2b: {  	vm0 =	vmmov $0xffff;
	vm1 =	vmmov $0xff;
	v1 =	vshrl.u32 v2, $0x3;
	s6 =	smax.u32 s7, $0x1;
	s7 =	simm.s32 $0x3;
	s21 =	sadd.s32 $0x5C00, s5  }
0x2c: {  	v0 =	vand.u32 $0x7, v2;
	v2 =	vor.u32 $0x8, v2;
	v1 =	vmul.u32 $0x8, v1;
	s5 =	sadd.s32 $0x25AC700, s1;
	[smem:$0x7FC] =	sst s21;
	s21 =	simm.s32 $0x11500  }
.LBB2_1:
0x2d: {  	s0 =	sld [smem:$0x7FC];
	_ =	sdelay $0x2  }
0x2e: {  	[tilespmem:s2], [sflag:$0x3] =	stream.linear.gather [hbm4b:s0+s2], $0x18C0, $0x38;
	[tilespmem:$0x13900] =	vst v63  }
0x2f: {  	_ =	swait.ge [sflag:s7], $0x18C0  }
0x30: {  	[sflag:s7] =	ssyncset.done $0x0  }
0x31: {  	s31 =	simm.s32 $0x60;
	s1 =	simm.s32 $0x0;
	[sflag:s7] =	ssyncadd.s32 $0xFFFFE740  }
.LBB2_2:
0x32: {  	v3 =	vld [tilespmem:s31+$0xFFFFFFA0];
	_ =	sdelay $0x4  }
0x33: {  	v4 =	vshrl.u32 v3, $0x3  }
0x34: {  	v4 =	vmul.u32 $0x18, v4  }
0x35: {  	v3 =	vand.u32 $0x7, v3  }
0x36: {  	v3 =	vor.u32 v3, v4  }
0x37: {  	v4 =	vperm.xlane v3, v0;
	_ =	sdelay $0x1  }
0x38: {  	v4 =	vadd.s32 v1, v4;
	_ =	sdelay $0x1  }
0x39: {  	v3 =	vperm.xlane v3, v2;
	_ =	sdelay $0x1  }
0x3a: {  	v3 =	vadd.s32 v1, v3  }
0x3b: {  	[tilespmem:s8], [sflag:$0x1] =	stream.indirect_vreg.gather [hbm4b:s3+s2], $0x80, v4, vm0, $0xb8;
	[tilespmem:$0x13900] =	vst v63  }
0x3c: {  	s0 =	rddreg [dreg:$0x4]  }
0x3d: {  	[tilespmem:s0], [sflag:$0x1] =	stream.indirect_vreg.gather [hbm4b:s5+s2], $0x80, v4, vm1, $0xb8;
	[tilespmem:$0x13900] =	vst v63  }
0x3e: {  	s4 =	rddreg [dreg:$0x5]  }
0x3f: {  	[tilespmem:s4], [sflag:$0x1] =	stream.indirect_vreg.gather [hbm4b:s3+s2], $0x80, v3, vm0, $0xb8;
	[tilespmem:$0x13900] =	vst v63  }
0x40: {  	s0 =	rddreg [dreg:$0x6]  }
0x41: {  	[tilespmem:s0], [sflag:$0x1] =	stream.indirect_vreg.gather [hbm4b:s5+s2], $0x80, v3, vm1, $0xb8;
	[tilespmem:$0x13900] =	vst v63  }
0x42: {  	v3 =	vld [tilespmem:s31+$0xFFFFFFB0];
	_ =	sdelay $0x4  }
0x43: {  	v53 =	vshrl.u32 v3, $0x3  }
0x44: {  	v4 =	vmul.u32 $0x18, v53  }
0x45: {  	v3 =	vand.u32 $0x7, v3  }
0x46: {  	v3 =	vor.u32 v3, v4  }
0x47: {  	v4 =	vperm.xlane v3, v0;
	_ =	sdelay $0x1  }
0x48: {  	v4 =	vadd.s32 v1, v4;
	_ =	sdelay $0x1  }
0x49: {  	v3 =	vperm.xlane v3, v2;
	_ =	sdelay $0x1  }
0x4a: {  	s0 =	rddreg [dreg:$0x7];
	v3 =	vadd.s32 v1, v3  }
0x4b: {  	[tilespmem:s0], [sflag:$0x1] =	stream.indirect_vreg.gather [hbm4b:s3+s2], $0x80, v4, vm0, $0xb8;
	[tilespmem:$0x13900] =	vst v63  }
0x4c: {  	s4 =	rddreg [dreg:$0x8]  }
0x4d: {  	[tilespmem:s4], [sflag:$0x1] =	stream.indirect_vreg.gather [hbm4b:s5+s2], $0x80, v4, vm1, $0xb8;
	[tilespmem:$0x13900] =	vst v63  }
0x4e: {  	s0 =	rddreg [dreg:$0x9]  }
0x4f: {  	[tilespmem:s0], [sflag:$0x1] =	stream.indirect_vreg.gather [hbm4b:s3+s2], $0x80, v3, vm0, $0xb8;
	[tilespmem:$0x13900] =	vst v63  }
0x50: {  	s4 =	rddreg [dreg:$0xa]  }
0x51: {  	[tilespmem:s4], [sflag:$0x1] =	stream.indirect_vreg.gather [hbm4b:s5+s2], $0x80, v3, vm1, $0xb8;
	[tilespmem:$0x13900] =	vst v63  }
0x52: {  	v3 =	vld [tilespmem:s31+$0xFFFFFFC0];
	_ =	sdelay $0x4  }
0x53: {  	v54 =	vshrl.u32 v3, $0x3  }
0x54: {  	v4 =	vmul.u32 $0x18, v54  }
0x55: {  	v3 =	vand.u32 $0x7, v3  }
0x56: {  	v3 =	vor.u32 v3, v4  }
0x57: {  	v4 =	vperm.xlane v3, v0;
	_ =	sdelay $0x1  }
0x58: {  	v4 =	vadd.s32 v1, v4;
	_ =	sdelay $0x1  }
0x59: {  	v3 =	vperm.xlane v3, v2;
	_ =	sdelay $0x1  }
0x5a: {  	s0 =	rddreg [dreg:$0xb];
	v3 =	vadd.s32 v1, v3  }
0x5b: {  	[tilespmem:s0], [sflag:$0x1] =	stream.indirect_vreg.gather [hbm4b:s3+s2], $0x80, v4, vm0, $0xb8;
	[tilespmem:$0x13900] =	vst v63  }
0x5c: {  	s4 =	rddreg [dreg:$0xc]  }
0x5d: {  	[tilespmem:s4], [sflag:$0x1] =	stream.indirect_vreg.gather [hbm4b:s5+s2], $0x80, v4, vm1, $0xb8;
	[tilespmem:$0x13900] =	vst v63  }
0x5e: {  	s0 =	rddreg [dreg:$0xd]  }
0x5f: {  	[tilespmem:s0], [sflag:$0x1] =	stream.indirect_vreg.gather [hbm4b:s3+s2], $0x80, v3, vm0, $0xb8;
	[tilespmem:$0x13900] =	vst v63  }
0x60: {  	s4 =	rddreg [dreg:$0xe]  }
0x61: {  	[tilespmem:s4], [sflag:$0x1] =	stream.indirect_vreg.gather [hbm4b:s5+s2], $0x80, v3, vm1, $0xb8;
	[tilespmem:$0x13900] =	vst v63  }
0x62: {  	v3 =	vld [tilespmem:s31+$0xFFFFFFD0];
	_ =	sdelay $0x4  }
0x63: {  	v55 =	vshrl.u32 v3, $0x3  }
0x64: {  	v4 =	vmul.u32 $0x18, v55  }
0x65: {  	v3 =	vand.u32 $0x7, v3  }
0x66: {  	v3 =	vor.u32 v3, v4  }
0x67: {  	v4 =	vperm.xlane v3, v0;
	_ =	sdelay $0x1  }
0x68: {  	v4 =	vadd.s32 v1, v4;
	_ =	sdelay $0x1  }
0x69: {  	v3 =	vperm.xlane v3, v2;
	_ =	sdelay $0x1  }
0x6a: {  	s0 =	rddreg [dreg:$0xf];
	v3 =	vadd.s32 v1, v3  }
0x6b: {  	[tilespmem:s0], [sflag:$0x1] =	stream.indirect_vreg.gather [hbm4b:s3+s2], $0x80, v4, vm0, $0xb8;
	[tilespmem:$0x13900] =	vst v63  }
0x6c: {  	s4 =	rddreg [dreg:$0x10]  }
0x6d: {  	[tilespmem:s4], [sflag:$0x1] =	stream.indirect_vreg.gather [hbm4b:s5+s2], $0x80, v4, vm1, $0xb8;
	[tilespmem:$0x13900] =	vst v63  }
0x6e: {  	s0 =	rddreg [dreg:$0x11]  }
0x6f: {  	[tilespmem:s0], [sflag:$0x1] =	stream.indirect_vreg.gather [hbm4b:s3+s2], $0x80, v3, vm0, $0xb8;
	[tilespmem:$0x13900] =	vst v63  }
0x70: {  	s4 =	rddreg [dreg:$0x12]  }
0x71: {  	[tilespmem:s4], [sflag:$0x1] =	stream.indirect_vreg.gather [hbm4b:s5+s2], $0x80, v3, vm1, $0xb8;
	[tilespmem:$0x13900] =	vst v63  }
0x72: {  	v3 =	vld [tilespmem:s31+$0xFFFFFFE0];
	_ =	sdelay $0x4  }
0x73: {  	v56 =	vshrl.u32 v3, $0x3  }
0x74: {  	v4 =	vmul.u32 $0x18, v56  }
0x75: {  	v3 =	vand.u32 $0x7, v3  }
0x76: {  	v3 =	vor.u32 v3, v4  }
0x77: {  	v4 =	vperm.xlane v3, v0;
	_ =	sdelay $0x1  }
0x78: {  	v4 =	vadd.s32 v1, v4;
	_ =	sdelay $0x1  }
0x79: {  	v3 =	vperm.xlane v3, v2;
	_ =	sdelay $0x1  }
0x7a: {  	s0 =	rddreg [dreg:$0x13];
	v3 =	vadd.s32 v1, v3  }
0x7b: {  	[tilespmem:s0], [sflag:$0x1] =	stream.indirect_vreg.gather [hbm4b:s3+s2], $0x80, v4, vm0, $0xb8;
	[tilespmem:$0x13900] =	vst v63  }
0x7c: {  	s4 =	rddreg [dreg:$0x14]  }
0x7d: {  	[tilespmem:s4], [sflag:$0x1] =	stream.indirect_vreg.gather [hbm4b:s5+s2], $0x80, v4, vm1, $0xb8;
	[tilespmem:$0x13900] =	vst v63  }
0x7e: {  	s0 =	rddreg [dreg:$0x15]  }
0x7f: {  	[tilespmem:s0], [sflag:$0x1] =	stream.indirect_vreg.gather [hbm4b:s3+s2], $0x80, v3, vm0, $0xb8;
	[tilespmem:$0x13900] =	vst v63  }
0x80: {  	s4 =	rddreg [dreg:$0x16]  }
0x81: {  	[tilespmem:s4], [sflag:$0x1] =	stream.indirect_vreg.gather [hbm4b:s5+s2], $0x80, v3, vm1, $0xb8;
	[tilespmem:$0x13900] =	vst v63  }
0x82: {  	v3 =	vld [tilespmem:s31+$0xFFFFFFF0];
	_ =	sdelay $0x4  }
0x83: {  	v57 =	vshrl.u32 v3, $0x3  }
0x84: {  	v4 =	vmul.u32 $0x18, v57  }
0x85: {  	v3 =	vand.u32 $0x7, v3  }
0x86: {  	v3 =	vor.u32 v3, v4  }
0x87: {  	v4 =	vperm.xlane v3, v0;
	_ =	sdelay $0x1  }
0x88: {  	v4 =	vadd.s32 v1, v4;
	_ =	sdelay $0x1  }
0x89: {  	v3 =	vperm.xlane v3, v2;
	_ =	sdelay $0x1  }
0x8a: {  	s0 =	rddreg [dreg:$0x17];
	v3 =	vadd.s32 v1, v3  }
0x8b: {  	[tilespmem:s0], [sflag:$0x1] =	stream.indirect_vreg.gather [hbm4b:s3+s2], $0x80, v4, vm0, $0xb8;
	[tilespmem:$0x13900] =	vst v63  }
0x8c: {  	s4 =	rddreg [dreg:$0x18]  }
0x8d: {  	[tilespmem:s4], [sflag:$0x1] =	stream.indirect_vreg.gather [hbm4b:s5+s2], $0x80, v4, vm1, $0xb8;
	[tilespmem:$0x13900] =	vst v63  }
0x8e: {  	s0 =	rddreg [dreg:$0x19]  }
0x8f: {  	[tilespmem:s0], [sflag:$0x1] =	stream.indirect_vreg.gather [hbm4b:s3+s2], $0x80, v3, vm0, $0xb8;
	[tilespmem:$0x13900] =	vst v63  }
0x90: {  	s4 =	rddreg [dreg:$0x1a]  }
0x91: {  	[tilespmem:s4], [sflag:$0x1] =	stream.indirect_vreg.gather [hbm4b:s5+s2], $0x80, v3, vm1, $0xb8;
	[tilespmem:$0x13900] =	vst v63  }
0x92: {  	v3 =	vld [tilespmem:s31+$0x0];
	_ =	sdelay $0x4  }
0x93: {  	v58 =	vshrl.u32 v3, $0x3  }
0x94: {  	v4 =	vmul.u32 $0x18, v58  }
0x95: {  	v3 =	vand.u32 $0x7, v3  }
0x96: {  	v3 =	vor.u32 v3, v4  }
0x97: {  	v4 =	vperm.xlane v3, v0;
	_ =	sdelay $0x1  }
0x98: {  	v4 =	vadd.s32 v1, v4;
	_ =	sdelay $0x1  }
0x99: {  	v3 =	vperm.xlane v3, v2;
	_ =	sdelay $0x1  }
0x9a: {  	v3 =	vadd.s32 v1, v3  }
0x9b: {  	[tilespmem:s9], [sflag:$0x2] =	stream.indirect_vreg.gather [hbm4b:s3+s2], $0x80, v4, vm0, $0xb8;
	[tilespmem:$0x13900] =	vst v63  }
0x9c: {  	s0 =	rddreg [dreg:$0x1b]  }
0x9d: {  	[tilespmem:s0], [sflag:$0x2] =	stream.indirect_vreg.gather [hbm4b:s5+s2], $0x80, v4, vm1, $0xb8;
	[tilespmem:$0x13900] =	vst v63  }
0x9e: {  	s4 =	rddreg [dreg:$0x1c]  }
0x9f: {  	[tilespmem:s4], [sflag:$0x2] =	stream.indirect_vreg.gather [hbm4b:s3+s2], $0x80, v3, vm0, $0xb8;
	[tilespmem:$0x13900] =	vst v63  }
0xa0: {  	s0 =	rddreg [dreg:$0x1d]  }
0xa1: {  	[tilespmem:s0], [sflag:$0x2] =	stream.indirect_vreg.gather [hbm4b:s5+s2], $0x80, v3, vm1, $0xb8;
	[tilespmem:$0x13900] =	vst v63  }
0xa2: {  	v3 =	vld [tilespmem:s31+$0x10];
	_ =	sdelay $0x4  }
0xa3: {  	v59 =	vshrl.u32 v3, $0x3  }
0xa4: {  	v4 =	vmul.u32 $0x18, v59  }
0xa5: {  	v3 =	vand.u32 $0x7, v3  }
0xa6: {  	v3 =	vor.u32 v3, v4  }
0xa7: {  	v4 =	vperm.xlane v3, v0;
	_ =	sdelay $0x1  }
0xa8: {  	v4 =	vadd.s32 v1, v4;
	_ =	sdelay $0x1  }
0xa9: {  	v3 =	vperm.xlane v3, v2  }
0xaa: {  	s4 =	rddreg [dreg:$0x1f]  }
0xab: {  	s0 =	rddreg [dreg:$0x1e];
	v3 =	vadd.s32 v1, v3  }
0xac: {  	[tilespmem:s0], [sflag:$0x2] =	stream.indirect_vreg.gather [hbm4b:s3+s2], $0x80, v4, vm0, $0xb8;
	[tilespmem:$0x13900] =	vst v63  }
0xad: {  	s0 =	sld [smem:$0x7FD]  }
0xae: {  	[tilespmem:s4], [sflag:$0x2] =	stream.indirect_vreg.gather [hbm4b:s5+s2], $0x80, v4, vm1, $0xb8;
	[tilespmem:$0x13900] =	vst v63  }
0xaf: {  	_ = 	snop  }
0xb0: {  	[tilespmem:s0], [sflag:$0x2] =	stream.indirect_vreg.gather [hbm4b:s3+s2], $0x80, v3, vm0, $0xb8;
	[tilespmem:$0x13900] =	vst v63  }
0xb1: {  	_ = 	snop  }
0xb2: {  	[tilespmem:s10], [sflag:$0x2] =	stream.indirect_vreg.gather [hbm4b:s5+s2], $0x80, v3, vm1, $0xb8;
	[tilespmem:$0x13900] =	vst v63  }
0xb3: {  	v3 =	vld [tilespmem:s31+$0x20];
	_ =	sdelay $0x4  }
0xb4: {  	v60 =	vshrl.u32 v3, $0x3  }
0xb5: {  	v4 =	vmul.u32 $0x18, v60  }
0xb6: {  	v3 =	vand.u32 $0x7, v3  }
0xb7: {  	v3 =	vor.u32 v3, v4  }
0xb8: {  	v4 =	vperm.xlane v3, v0;
	_ =	sdelay $0x1  }
0xb9: {  	v4 =	vadd.s32 v1, v4;
	_ =	sdelay $0x1  }
0xba: {  	v3 =	vperm.xlane v3, v2;
	_ =	sdelay $0x1  }
0xbb: {  	v3 =	vadd.s32 v1, v3  }
0xbc: {  	[tilespmem:s11], [sflag:$0x2] =	stream.indirect_vreg.gather [hbm4b:s3+s2], $0x80, v4, vm0, $0xb8;
	[tilespmem:$0x13900] =	vst v63  }
0xbd: {  	_ = 	snop  }
0xbe: {  	[tilespmem:s12], [sflag:$0x2] =	stream.indirect_vreg.gather [hbm4b:s5+s2], $0x80, v4, vm1, $0xb8;
	[tilespmem:$0x13900] =	vst v63  }
0xbf: {  	_ = 	snop  }
0xc0: {  	[tilespmem:s13], [sflag:$0x2] =	stream.indirect_vreg.gather [hbm4b:s3+s2], $0x80, v3, vm0, $0xb8;
	[tilespmem:$0x13900] =	vst v63  }
0xc1: {  	_ = 	snop  }
0xc2: {  	[tilespmem:s14], [sflag:$0x2] =	stream.indirect_vreg.gather [hbm4b:s5+s2], $0x80, v3, vm1, $0xb8;
	[tilespmem:$0x13900] =	vst v63  }
0xc3: {  	v3 =	vld [tilespmem:s31+$0x30];
	_ =	sdelay $0x4  }
0xc4: {  	v61 =	vshrl.u32 v3, $0x3  }
0xc5: {  	v4 =	vmul.u32 $0x18, v61  }
0xc6: {  	v3 =	vand.u32 $0x7, v3  }
0xc7: {  	v3 =	vor.u32 v3, v4  }
0xc8: {  	v4 =	vperm.xlane v3, v0;
	_ =	sdelay $0x1  }
0xc9: {  	v4 =	vadd.s32 v1, v4;
	_ =	sdelay $0x1  }
0xca: {  	v3 =	vperm.xlane v3, v2;
	_ =	sdelay $0x1  }
0xcb: {  	v3 =	vadd.s32 v1, v3  }
0xcc: {  	[tilespmem:s15], [sflag:$0x2] =	stream.indirect_vreg.gather [hbm4b:s3+s2], $0x80, v4, vm0, $0xb8;
	[tilespmem:$0x13900] =	vst v63  }
0xcd: {  	_ = 	snop  }
0xce: {  	[tilespmem:s16], [sflag:$0x2] =	stream.indirect_vreg.gather [hbm4b:s5+s2], $0x80, v4, vm1, $0xb8;
	[tilespmem:$0x13900] =	vst v63  }
0xcf: {  	_ = 	snop  }
0xd0: {  	[tilespmem:s17], [sflag:$0x2] =	stream.indirect_vreg.gather [hbm4b:s3+s2], $0x80, v3, vm0, $0xb8;
	[tilespmem:$0x13900] =	vst v63  }
0xd1: {  	_ = 	snop  }
0xd2: {  	[tilespmem:s18], [sflag:$0x2] =	stream.indirect_vreg.gather [hbm4b:s5+s2], $0x80, v3, vm1, $0xb8;
	[tilespmem:$0x13900] =	vst v63  }
0xd3: {  	v3 =	vld [tilespmem:s31+$0x40];
	_ =	sdelay $0x4  }
0xd4: {  	v62 =	vshrl.u32 v3, $0x3  }
0xd5: {  	v4 =	vmul.u32 $0x18, v62  }
0xd6: {  	v3 =	vand.u32 $0x7, v3  }
0xd7: {  	v3 =	vor.u32 v3, v4  }
0xd8: {  	v4 =	vperm.xlane v3, v0;
	_ =	sdelay $0x1  }
0xd9: {  	v4 =	vadd.s32 v1, v4;
	_ =	sdelay $0x1  }
0xda: {  	v3 =	vperm.xlane v3, v2;
	_ =	sdelay $0x1  }
0xdb: {  	v3 =	vadd.s32 v1, v3  }
0xdc: {  	[tilespmem:s19], [sflag:$0x2] =	stream.indirect_vreg.gather [hbm4b:s3+s2], $0x80, v4, vm0, $0xb8;
	[tilespmem:$0x13900] =	vst v63  }
0xdd: {  	_ = 	snop  }
0xde: {  	[tilespmem:s20], [sflag:$0x2] =	stream.indirect_vreg.gather [hbm4b:s5+s2], $0x80, v4, vm1, $0xb8;
	[tilespmem:$0x13900] =	vst v63  }
0xdf: {  	_ = 	snop  }
0xe0: {  	[tilespmem:s21], [sflag:$0x2] =	stream.indirect_vreg.gather [hbm4b:s3+s2], $0x80, v3, vm0, $0xb8;
	[tilespmem:$0x13900] =	vst v63  }
0xe1: {  	_ = 	snop  }
0xe2: {  	[tilespmem:s22], [sflag:$0x2] =	stream.indirect_vreg.gather [hbm4b:s5+s2], $0x80, v3, vm1, $0xb8;
	[tilespmem:$0x13900] =	vst v63  }
0xe3: {  	v3 =	vld [tilespmem:s31+$0x50];
	_ =	sdelay $0x4  }
0xe4: {  	v63 =	vshrl.u32 v3, $0x3  }
0xe5: {  	v4 =	vmul.u32 $0x18, v63  }
0xe6: {  	v3 =	vand.u32 $0x7, v3  }
0xe7: {  	v3 =	vor.u32 v3, v4  }
0xe8: {  	v4 =	vperm.xlane v3, v0;
	_ =	sdelay $0x1  }
0xe9: {  	v4 =	vadd.s32 v1, v4;
	_ =	sdelay $0x1  }
0xea: {  	v3 =	vperm.xlane v3, v2;
	_ =	sdelay $0x1  }
0xeb: {  	v3 =	vadd.s32 v1, v3  }
0xec: {  	[tilespmem:s23], [sflag:$0x2] =	stream.indirect_vreg.gather [hbm4b:s3+s2], $0x80, v4, vm0, $0xb8;
	[tilespmem:$0x13900] =	vst v63  }
0xed: {  	_ = 	snop  }
0xee: {  	[tilespmem:s24], [sflag:$0x2] =	stream.indirect_vreg.gather [hbm4b:s5+s2], $0x80, v4, vm1, $0xb8;
	[tilespmem:$0x13900] =	vst v63  }
0xef: {  	_ = 	snop  }
0xf0: {  	[tilespmem:s25], [sflag:$0x2] =	stream.indirect_vreg.gather [hbm4b:s3+s2], $0x80, v3, vm0, $0xb8;
	[tilespmem:$0x13900] =	vst v63  }
0xf1: {  	_ = 	snop  }
0xf2: {  	[tilespmem:s26], [sflag:$0x2] =	stream.indirect_vreg.gather [hbm4b:s5+s2], $0x80, v3, vm1, $0xb8;
	[tilespmem:$0x13900] =	vst v63  }
0xf3: {  	_ =	swait.ge [sflag:s28], $0x9000  }
0xf4: {  	s4 =	rddreg [dreg:$0x3];
	[sflag:s28] =	ssyncset.done $0x0  }
0xf5: {  	[sflag:s28] =	ssyncadd.s32 $0xFFFF7000;
	s0 =	sadd.s32 s1, s4  }
0xf6: {  	[hbm4b:s0+s2] =	stream.linear.scatter [tilespmem:s8], [sflag:$0x3], $0x9000, $0x38;
	[tilespmem:$0x13900] =	vst v63  }
0xf7: {  	_ =	swait.ge [sflag:s7], $0x9000  }
0xf8: {  	[sflag:s7] =	ssyncset.done $0x0  }
0xf9: {  	[sflag:s7] =	ssyncadd.s32 $0xFFFF7000  }
0xfa: {  	_ =	swait.ge [sflag:s29], $0x9000  }
0xfb: {  	p0 =	sne.s32 s1, $0x48000;
	s4 =	rddreg [dreg:$0x2];
	[sflag:s29] =	ssyncset.done $0x0  }
.Ltmp0:
0xfc: {  	[sflag:s29] =	ssyncadd.s32 $0xFFFF7000;
	s0 =	sadd.s32 s1, s4;
	(pc) =	sbr.rel @p0 .LBB2_2-.Ltmp0, $4  }
0xfd: {  	[hbm4b:s0+s2] =	stream.linear.scatter [tilespmem:s9], [sflag:$0x3], $0x9000, $0x38;
	[tilespmem:$0x13900] =	vst v63  }
0xfe: {  	_ =	swait.ge [sflag:s7], $0x9000  }
0xff: {  	[sflag:s7] =	ssyncset.done $0x0  }
0x100: {  	s31 =	sadd.s32 $0xC0, s31;
	s1 =	sadd.s32 $0x2400, s1;
	[sflag:s7] =	ssyncadd.s32 $0xFFFF7000  }
0x101: {  	s30 =	sadd.s32 $0x1, s30  }
0x102: {  	p0 =	sne.s32 s30, s6  }
.Ltmp1:
0x103: {  	_ = 	snop;
	(pc) =	sbr.rel @p0 .LBB2_1-.Ltmp1, $1  }
0x104: {  	_ =	sdelay $0x3  }
0x105: {  	_ =	sfence.sel $0x180000  }
0x106: {  	[bflag:$0x0] =	sbarrier.arrive $0xFFFF  }
0x107: {  	_ =	strace $0x90000053  }
0x108: {  	s0 =	stileid.u32;
	[bflag:$0x2] =	sbarrier.arrive $0xFFFF  }
0x109: {  	p0 =	sne.s32 s0, $0x0;
	s0 =	rddreg [dreg:$0x1]  }
0x10a: {  	s0 =	sadd.s32 @!p0 $0x100000, s0  }
0x10b: {  	[sflag:s0] =	ssyncadd.tile.s32 @!p0 $0x1;
	_ =	shalt  }
.Lfunc_end2:
_tile_overlayer_lowered:
.L_overlay_start_2:
0x10c: {  	(tag) =	ssettag $0x2  }
0x10d: {  	s0 =	rddreg [dreg:$0x0];
	s2 =	stileid.u32  }
0x10e: {  	s1 =	rddreg [dreg:$0x1];
	p0 =	sne.s32 s2, $0x0  }
0x10f: {  	s3 =	rddreg [dreg:$0x2];
	[bflag:$0x3] =	sbarrier.arrive $0xFFFF;
	s2 =	simm.s32 @!p0 $0x1C03  }
0x110: {  	[timem:s3], [sflag:s2] =	dma.local @!p0 [hbm:s0], s1  }
0x111: {  	s0 =	simm.s32 @!p0 $0x3  }
0x112: {  	_ =	swait.ge @!p0 [sflag:s0], s1  }
0x113: {  	s1 =	ssub.s32 @!p0 $0x0, s1;
	[sflag:s0] =	ssyncset.done @!p0 $0x0  }
0x114: {  	[sflag:s0] =	ssyncadd.s32 @!p0 s1  }
0x115: {  	[bflag:$0x3] =	sbarrier.arrive $0xFFFF  }
0x116: {  	_ =	shalt  }

// kernel: kernel.35.cloned.1.call-start
scs
__scs_entry_jumppad:
0x0: {  	(pc) =	sbr.rel $0x88, $3  }
0x1: {  	(tag) =	ssettag $0x0;
	lr =	simm.s32 $0x1  }
0x2: {  	[smem:$0x3F8C] =	sst lr;
	_ =	strace $0xD0000000  }
0x3: {  	_ = 	snop  }
0x4: {  	_ = 	snop  }
0x5: {  	_ = 	snop  }
0x6: {  	_ = 	snop  }
0x7: {  	_ = 	snop  }
__scs_overlays_trampoline_lowered:
0x8: {  	[smem:$0x3F9B] =	sst s0  }
0x9: {  	[smem:$0x3F9C] =	sst s1  }
0xa: {  	[smem:$0x3F9D] =	sst s2  }
0xb: {  	[smem:$0x3F9E] =	sst s3  }
0xc: {  	[smem:$0x3F9F] =	sst s4  }
0xd: {  	[smem:$0x3FA0] =	sst s5  }
0xe: {  	[smem:$0x3FA1] =	sst s6  }
0xf: {  	[smem:$0x3FA2] =	sst s7  }
0x10: {  	[smem:$0x3FA3] =	sst s8  }
0x11: {  	[smem:$0x3FA4] =	sst s9;
	s0 =	simm.s32 @!p0 $0x0  }
0x12: {  	s1 =	sld [smem:$0x3F8A];
	s0 =	simm.s32 @p0 $0x1  }
0x13: {  	[smem:$0x3FA5] =	sst s0;
	s0 =	simm.s32 @!p1 $0x0  }
0x14: {  	s2 =	sld [smem:$0x3F89];
	s0 =	simm.s32 @p1 $0x1  }
0x15: {  	[smem:$0x3FA6] =	sst s0;
	s0 =	simm.s32 @!p2 $0x0  }
0x16: {  	s3 =	sld [smem:$0x3FDB];
	s0 =	simm.s32 @p2 $0x1  }
0x17: {  	s4 =	simm.s32 $0x1BF5;
	[smem:$0x3FA8] =	sst s0  }
0x18: {  	s0 =	sld [smem:$0x3F8B];
	_ =	swait.ge [sflag:s4], $0x0  }
0x19: {  	s7 =	sld [smem:$0x3F8C]  }
0x1a: {  	s8 =	sadd.s32 $0xFFFFE003, lr  }
0x1b: {  	s9 =	sadd.s32 $0xFFFFFEF7, lr;
	s5 =	simm.s32 $0xFFFFFFFF;
	p2 =	slt.u32 s8, $0xFFFFF086  }
0x1c: {  	p1 =	slt.u32 s9, $0xF7A;
	s5 =	simm.s32 @!p2 $0x0  }
0x1d: {  	s5 =	simm.s32 @p1 $0x1;
	p0 =	seq.s32 s7, s2  }
0x1e: {  	s7 =	smul.u32 @!p0 $0xF7A, s2;
	p2 =	seq.s32 @!p0 s5, $0x0  }
0x1f: {  	s9 =	smul.u32 $0xF7A, s1;
	s8 =	simm.s32 @!p0 $0x1BF5;
	p2 =	por !p2, p0  }
0x20: {  	[sflag:s8] =	ssyncset.s32 @!p0 $0xFFFFF086;
	s6 =	sadd.s32 @!p0 s3, s7;
	s7 =	simm.s32 @!p0 $0x108  }
0x21: {  	s3 =	sadd.s32 s3, s9;
	s6 =	sadd.s32 @!p0 $0x88, s6;
	s7 =	simm.s32 @p2 $0x1082  }
0x22: {  	[simem:s7], [sflag:s8] =	dma.local @!p0 [hbm:s6], $0xF7A  }
0x23: {  	s9 =	sor.u32 $0xD0000000, s2;
	s6 =	simm.s32 $0x108;
	_ =	swait.ge @!p0 [sflag:s8], $0x0  }
0x24: {  	s3 =	sadd.s32 $0x88, s3;
	s6 =	simm.s32 @!p1 $0x1082;
	[sflag:s4] =	ssyncset.s32 $0xFFFFF086  }
0x25: {  	[simem:s6], [sflag:s4] =	dma.local [hbm:s3], $0xF7A  }
0x26: {  	[smem:$0x3F8C] =	sst s1;
	(tag) =	ssettag s2;
	_ =	strace s9  }
0x27: {  	s1 =	sld [smem:$0x3F9C]  }
0x28: {  	s2 =	sld [smem:$0x3F9D]  }
0x29: {  	s4 =	sld [smem:$0x3F9F]  }
0x2a: {  	p0 =	seq.s32 s5, $0x0;
	s5 =	sld [smem:$0x3FA0]  }
0x2b: {  	s6 =	sld [smem:$0x3FA1]  }
0x2c: {  	s7 =	sld [smem:$0x3FA2]  }
0x2d: {  	s3 =	simm.s32 $0x108;
	s8 =	sld [smem:$0x3FA3]  }
0x2e: {  	s3 =	simm.s32 @!p0 $0x1082;
	s9 =	sld [smem:$0x3FA4]  }
0x2f: {  	lr =	sadd.s32 s0, s3;
	s0 =	sld [smem:$0x3F9B]  }
0x30: {  	s3 =	sld [smem:$0x3F9E]  }
0x31: {  	[smem:$0x3FA7] =	sst s10  }
0x32: {  	s10 =	sld [smem:$0x3FA5];
	_ =	sdelay $0x3  }
0x33: {  	p0 =	seq.s32 s10, $0x1;
	s10 =	sld [smem:$0x3FA7];
	_ =	sdelay $0x3  }
0x34: {  	[smem:$0x3FA7] =	sst s10  }
0x35: {  	s10 =	sld [smem:$0x3FA6];
	_ =	sdelay $0x3  }
0x36: {  	p1 =	seq.s32 s10, $0x1;
	s10 =	sld [smem:$0x3FA7];
	_ =	sdelay $0x3  }
0x37: {  	[smem:$0x3FA7] =	sst s10  }
0x38: {  	s10 =	sld [smem:$0x3FA8]  }
0x39: {  	_ = 	snop;
	(pc) =	sbr.ind lr, $3  }
0x3a: {  	_ = 	snop  }
0x3b: {  	_ = 	snop  }
0x3c: {  	p2 =	seq.s32 s10, $0x1;
	s10 =	sld [smem:$0x3FA7]  }
0x3d: {  	_ =	shalt  }
0x3e: {  	_ =	shalt  }
0x3f: {  	_ =	shalt  }
0x40: {  	_ =	shalt  }
0x41: {  	_ =	shalt  }
0x42: {  	_ =	shalt  }
0x43: {  	_ =	shalt  }
0x44: {  	_ =	shalt  }
0x45: {  	_ =	shalt  }
0x46: {  	_ =	shalt  }
0x47: {  	_ =	shalt  }
0x48: {  	_ =	shalt  }
0x49: {  	_ =	shalt  }
0x4a: {  	_ =	shalt  }
0x4b: {  	_ =	shalt  }
0x4c: {  	_ =	shalt  }
0x4d: {  	_ =	shalt  }
0x4e: {  	_ =	shalt  }
0x4f: {  	_ =	shalt  }
0x50: {  	_ =	shalt  }
0x51: {  	_ =	shalt  }
0x52: {  	_ =	shalt  }
0x53: {  	_ =	shalt  }
0x54: {  	_ =	shalt  }
0x55: {  	_ =	shalt  }
0x56: {  	_ =	shalt  }
0x57: {  	_ =	shalt  }
0x58: {  	_ =	shalt  }
0x59: {  	_ =	shalt  }
0x5a: {  	_ =	shalt  }
0x5b: {  	_ =	shalt  }
0x5c: {  	_ =	shalt  }
0x5d: {  	_ =	shalt  }
0x5e: {  	_ =	shalt  }
0x5f: {  	_ =	shalt  }
0x60: {  	_ =	shalt  }
0x61: {  	_ =	shalt  }
0x62: {  	_ =	shalt  }
0x63: {  	_ =	shalt  }
0x64: {  	_ =	shalt  }
0x65: {  	_ =	shalt  }
0x66: {  	_ =	shalt  }
0x67: {  	_ =	shalt  }
0x68: {  	_ =	shalt  }
0x69: {  	_ =	shalt  }
0x6a: {  	_ =	shalt  }
0x6b: {  	_ =	shalt  }
0x6c: {  	_ =	shalt  }
0x6d: {  	_ =	shalt  }
0x6e: {  	_ =	shalt  }
0x6f: {  	_ =	shalt  }
0x70: {  	_ =	shalt  }
0x71: {  	_ =	shalt  }
0x72: {  	_ =	shalt  }
0x73: {  	_ =	shalt  }
0x74: {  	_ =	shalt  }
0x75: {  	_ =	shalt  }
0x76: {  	_ =	shalt  }
0x77: {  	_ =	shalt  }
0x78: {  	_ =	shalt  }
0x79: {  	_ =	shalt  }
0x7a: {  	_ =	shalt  }
0x7b: {  	_ =	shalt  }
0x7c: {  	_ =	shalt  }
0x7d: {  	_ =	shalt  }
0x7e: {  	_ =	shalt  }
0x7f: {  	_ =	shalt  }
0x80: {  	_ =	shalt  }
0x81: {  	_ =	shalt  }
0x82: {  	_ =	shalt  }
0x83: {  	_ =	shalt  }
0x84: {  	_ =	shalt  }
0x85: {  	_ =	shalt  }
0x86: {  	_ =	shalt  }
0x87: {  	_ =	shalt  }
.Lfunc_end0:
.L_simem_size_0:
called_computation.6_lowered:
.L_overlay_start_0:
0x88: {  	s2 =	sld [smem:$0x3FD9]  }
0x89: {  	s3 =	sld [smem:$0x3FFE];
	_ =	sdelay $0x1  }
0x8a: {  	s1 =	srdreg.scid  }
0x8b: {  	s0 =	sand.u32 $0x1, s1  }
0x8c: {  	s17 =	sshll.u32 s0, $0xA;
	s2 =	sadd.s32 s3, s2  }
0x8d: {  	s2 =	sadd.s32 s2, s17  }
0x8e: {  	[smem:$0x3FB3] =	sst s2  }
0x8f: {  	_ = 	snop  }
0x90: {  	(tm) =	ssettm $0x1  }
0x91: {  	s18 =	sld [smem:$0x3FFB];
	_ =	sdelay $0x3  }
0x92: {  	_ =	strace s18  }
0x93: {  	s2 =	sld [smem:$0x3FFC];
	_ =	sdelay $0x3  }
0x94: {  	_ =	strace s2  }
0x95: {  	s2 =	sld [smem:$0x3FFD];
	_ =	sdelay $0x3  }
0x96: {  	_ =	strace s2  }
0x97: {  	_ =	strace $0x8FFFFFFF  }
0x98: {  	s19 =	sld [smem:$0x3FDB];
	_ =	sdelay $0x1  }
0x99: {  	s20 =	simm.s32 $_scs_section_size  }
0x9a: {  	s4 =	simm.s32 $_size__tile_overlayer_lowered;
	s5 =	simm.s32 $_tile_overlayer_lowered  }
0x9b: {  	s6 =	simm.s32 $0x1BFF;
	s21 =	sshll.u32 s5, $0x1;
	s3 =	sadd.s32 s20, s19  }
0x9c: {  	s22 =	simm.s32 $0x0;
	s4 =	sshll.u32 s4, $0x1;
	s5 =	sadd.s32 s21, s3  }
0x9d: {  	[timem:s22], [sflag:s6] =	dma.local [hbm:s5], s4  }
0x9e: {  	_ =	swait.ge [sflag:s6], s4  }
0x9f: {  	s4 =	ssub.s32 $0x0, s4;
	[sflag:s6] =	ssyncset.done $0x0  }
0xa0: {  	[sflag:s6] =	ssyncadd.s32 s4;
	_ =	sdelay $0x1  }
0xa1: {  	s23 =	simm.s32 $0x1B8B  }
0xa2: {  	_ =	swait.ge [sflag:s23], $0x1  }
0xa3: {  	[sflag:s23] =	ssyncset.done $0x0  }
0xa4: {  	[sflag:s23] =	ssyncadd.s32 $0xFFFFFFFF  }
0xa5: {  	s4 =	sld [smem:$0x0]  }
0xa6: {  	s5 =	sand.u32 $0xFFFFFFFE, s1  }
0xa7: {  	p0 =	sne.s32 s1, s5  }
0xa8: {  	s5 =	sshll.u32 @p0 s5, $0xE  }
0xa9: {  	s5 =	sadd.s32 @p0 $0x11B8D, s5;
	s6 =	sshll.u32 @p0 s4, $0x11  }
0xaa: {  	s5 =	sor.u32 @p0 s6, s5  }
0xab: {  	[sflag:s5] =	ssyncadd.remote.s32 @p0 $0x1;
	_ =	sdelay $0x1  }
0xac: {  	s5 =	simm.s32 @p0 $0x1B8D  }
0xad: {  	_ =	swait.eq @p0 [sflag:s5], $0x1  }
0xae: {  	[sflag:s5] =	ssyncadd.s32 @p0 $0xFFFFFFFF  }
0xaf: {  	s6 =	sshll.u32 @!p0 s1, $0xE  }
0xb0: {  	s6 =	sor.u32 @!p0 $0x4000, s6;
	s5 =	simm.s32 @!p0 $0x1B8D  }
0xb1: {  	s4 =	sshll.u32 @!p0 s4, $0x11;
	s6 =	sadd.s32 @!p0 $0x11B8D, s6;
	_ =	swait.eq @!p0 [sflag:s5], $0x1  }
0xb2: {  	s4 =	sor.u32 @!p0 s4, s6;
	[sflag:s5] =	ssyncadd.s32 @!p0 $0xFFFFFFFF  }
0xb3: {  	s25 =	simm.s32 $0x1B8E;
	s24 =	sld [smem:$0x3FFE];
	[sflag:s4] =	ssyncadd.remote.s32 @!p0 $0x1  }
0xb4: {  	s26 =	simm.s32 $execute0_lowered;
	[smem:$0x3FD2] =	sst s25  }
0xb5: {  	s5 =	sshll.u32 s26, $0x1;
	_ =	strace $0x80000055;
	[dreg:$0x1] =	wrdreg $0xFFFFFFFF  }
0xb6: {  	s28 =	simm.s32 $_size_execute0_lowered;
	s3 =	sadd.s32 s3, s5;
	[dreg:$0x0] =	wrdreg $0x0  }
0xb7: {  	s5 =	sshll.u32 s28, $0x1;
	[dreg:$0x2] =	wrdreg s3  }
0xb8: {  	[dreg:$0x3] =	wrdreg s5  }
0xb9: {  	[dreg:$0x4] =	wrdreg $0xC0  }
0xba: {  	_ =	task [dreg:s22], $0x5FFFF  }
0xbb: {  	[dreg:$0x1] =	wrdreg $0xFFFFFFFF  }
0xbc: {  	[dreg:$0x0] =	wrdreg $0x60  }
0xbd: {  	[dreg:$0x2] =	wrdreg s24  }
0xbe: {  	[dreg:$0x3] =	wrdreg $0xA  }
0xbf: {  	_ =	task.clear_ibuf [dreg:s22], $0x4FFFF;
	_ =	strace $0x90000055  }
0xc0: {  	s29 =	simm.s32 $0xA;
	_ =	strace $0x80000057  }
0xc1: {  	_ =	swait.ge [sflag:s29], $0x1  }
0xc2: {  	[sflag:s29] =	ssyncadd.s32 $0xFFFFFFFF  }
0xc3: {  	_ =	strace $0x90000057  }
0xc4: {  	_ =	sfence  }
0xc5: {  	s30 =	sld [smem:$0x0];
	_ =	sdelay $0x2  }
0xc6: {  	s31 =	sshll.u32 s1, $0xD;
	s1 =	sshrl.u32 s1, $0x2  }
0xc7: {  	s4 =	sand.u32 $0x4000, s31;
	s1 =	sadd.s32 s1, s30  }
0xc8: {  	s0 =	sor.u32 s4, s0;
	s1 =	sshll.u32 s1, $0x11  }
0xc9: {  	s0 =	sor.u32 s1, s0  }
0xca: {  	s0 =	sadd.s32 $0x8F2B, s0  }
0xcb: {  	[sflag:s0] =	ssyncadd.remote.s32 $0x1  }
0xcc: {  	_ =	sfence.sel $0xFFFF  }
0xcd: {  	[dreg:$0x0] =	wrdreg $0xFFFFFFFF;
	(pc) =	sbr.abs _section_cstart, $3  }
0xce: {  	[dreg:$0x1] =	wrdreg $0xFFFFFFFF  }
0xcf: {  	_ =	task.clear_ibuf [dreg:s22], $0x2FFFF;
	_ =	strace $0x9FFFFFFF  }
0xd0: {  	(tm) =	ssettm $0x7FFFFFFF  }
0xd1: {  	_ =	shalt  }
tec
execute0_lowered:
.L_overlay_start_1:
0x0: {  	(tag) =	ssettag $0x1  }
0x1: {  	s1 =	srdreg.scid;
	s0 =	stileid.u32  }
0x2: {  	s4 =	sand.u32 $0x1, s1;
	s19 =	smul.u32 $0x3180, s0  }
0x3: {  	s2 =	smul.u32 $0x18C0, s4;
	_ =	sdelay $0x1  }
0x4: {  	s3 =	sadd.s32 s2, s19  }
0x5: {  	s2 =	sadd.s32 $0x60, s3  }
0x6: {  	s1 =	rddreg [dreg:$0x0];
	s5 =	sshrl.u32 s2, $0x3;
	s2 =	simm.s32 $0x0  }
0x7: {  	s20 =	simm.s32 $0x2100;
	[smem:$0x7FF] =	sst s2  }
0x8: {  	s21 =	simm.s32 $0x2500;
	_ =	strace $0x80000056;
	[dreg:$0x4] =	wrdreg s20  }
0x9: {  	s22 =	simm.s32 $0x2D00;
	[dreg:$0x5] =	wrdreg s21  }
0xa: {  	s23 =	simm.s32 $0x3100;
	[dreg:$0x6] =	wrdreg s22  }
0xb: {  	s24 =	simm.s32 $0x3900;
	[dreg:$0x7] =	wrdreg s23  }
0xc: {  	s25 =	simm.s32 $0x3D00;
	[dreg:$0x8] =	wrdreg s24  }
0xd: {  	s26 =	simm.s32 $0x4500;
	[dreg:$0x9] =	wrdreg s25  }
0xe: {  	s31 =	simm.s32 $0x4900;
	[dreg:$0xa] =	wrdreg s26  }
0xf: {  	s7 =	simm.s32 $0x5D00;
	[dreg:$0xb] =	wrdreg s31  }
0x10: {  	s8 =	simm.s32 $0x6100;
	[dreg:$0xe] =	wrdreg s7  }
0x11: {  	s9 =	simm.s32 $0x6900;
	[dreg:$0xf] =	wrdreg s8  }
0x12: {  	s10 =	simm.s32 $0x6D00;
	s12 =	simm.s32 $0x7500;
	[dreg:$0x10] =	wrdreg s9  }
0x13: {  	s13 =	simm.s32 $0x7900;
	s14 =	simm.s32 $0x8100;
	[dreg:$0x11] =	wrdreg s10  }
0x14: {  	s15 =	simm.s32 $0x8500;
	s16 =	simm.s32 $0x8D00;
	[dreg:$0x12] =	wrdreg s12  }
0x15: {  	s17 =	simm.s32 $0x9100;
	s18 =	simm.s32 $0x9900;
	[dreg:$0x13] =	wrdreg s13  }
0x16: {  	s28 =	simm.s32 $0x1;
	s29 =	simm.s32 $0x2;
	[dreg:$0x14] =	wrdreg s14  }
0x17: {  	s30 =	simm.s32 $0x0;
	s3 =	sshrl.u32 s3, $0x3;
	[dreg:$0x15] =	wrdreg s15  }
0x18: {  	s11 =	sshll.u32 s0, $0x1;
	s3 =	smul.u32 $0x180, s3;
	[dreg:$0x16] =	wrdreg s16  }
0x19: {  	s6 =	sadd.s32 $0x1598600, s1;
	s19 =	simm.s32 $0x9D00;
	[dreg:$0x17] =	wrdreg s17  }
0x1a: {  	s5 =	smul.u32 $0x180, s5;
	s3 =	sadd.s32 s3, s6;
	[dreg:$0x18] =	wrdreg s18  }
0x1b: {  	[dreg:$0x19] =	wrdreg s19;
	s20 =	simm.s32 $0xA500;
	s22 =	simm.s32 $0xB100  }
0x1c: {  	s23 =	simm.s32 $0xB500;
	s24 =	simm.s32 $0xBD00;
	s25 =	simm.s32 $0xC100  }
0x1d: {  	s8 =	simm.s32 $0x1900;
	s26 =	simm.s32 $0xC900;
	[dreg:$0x3] =	wrdreg s3  }
0x1e: {  	s9 =	simm.s32 $0xA900;
	s31 =	simm.s32 $0xCD00;
	[dreg:$0x1a] =	wrdreg s20  }
0x1f: {  	s10 =	simm.s32 $0xD500;
	s12 =	simm.s32 $0xE100;
	[dreg:$0x1b] =	wrdreg s22  }
0x20: {  	s13 =	simm.s32 $0xE500;
	s14 =	simm.s32 $0xED00;
	[dreg:$0x1c] =	wrdreg s23  }
0x21: {  	s15 =	simm.s32 $0xF100;
	s16 =	simm.s32 $0xF900;
	[dreg:$0x1d] =	wrdreg s24  }
0x22: {  	s17 =	simm.s32 $0xFD00;
	s18 =	simm.s32 $0x10500;
	[dreg:$0x1e] =	wrdreg s25  }
0x23: {  	s19 =	simm.s32 $0x10900;
	s5 =	sadd.s32 s5, s6;
	[dreg:$0x1f] =	wrdreg s26  }
0x24: {  	s6 =	simm.s32 $0x5500;
	s3 =	sadd.s32 $0x2EF4600, s1;
	[smem:$0x7FD] =	sst s31  }
0x25: {  	s20 =	simm.s32 $0x11100;
	[dreg:$0x2] =	wrdreg s5;
	s5 =	simm.s32 $0x5100  }
0x26: {  	s22 =	simm.s32 $0x11D00;
	[dreg:$0xc] =	wrdreg s5;
	s5 =	sor.u32 s4, s11  }
0x27: {  	s23 =	simm.s32 $0x12100;
	s24 =	simm.s32 $0x12900;
	s5 =	smul.u32 $0x18C0, s5  }
0x28: {  	s25 =	simm.s32 $0x12D00;
	s26 =	simm.s32 $0x13500;
	s4 =	ssub.s32 $0x2, s4  }
0x29: {  	[dreg:$0xd] =	wrdreg s6;
	s7 =	sshrl.u32 s4, $0x1;
	s5 =	sshrl.u32 s5, $0x3  }
0x2a: {  	v2 =	vlaneseq.u32;
	s11 =	simm.s32 $0xD900;
	s7 =	ssub.s32 s4, s7;
	s5 =	sadd.s32 s5, s1  }
0x2b: {  	vm0 =	vmmov $0xffff;
	vm1 =	vmmov $0xff;
	v1 =	vshrl.u32 v2, $0x3;
	s6 =	smax.u32 s7, $0x1;
	s7 =	simm.s32 $0x3;
	s21 =	sadd.s32 $0x954000, s5  }
0x2c: {  	v0 =	vand.u32 $0x7, v2;
	v2 =	vor.u32 $0x8, v2;
	v1 =	vmul.u32 $0x8, v1;
	s5 =	sadd.s32 $0x2EF4700, s1;
	[smem:$0x7FC] =	sst s21;
	s21 =	simm.s32 $0x11500  }
.LBB2_1:
0x2d: {  	s0 =	sld [smem:$0x7FC];
	_ =	sdelay $0x2  }
0x2e: {  	[tilespmem:s2], [sflag:$0x3] =	stream.linear.gather [hbm4b:s0+s2], $0x18C0, $0x38;
	[tilespmem:$0x13900] =	vst v63  }
0x2f: {  	_ =	swait.ge [sflag:s7], $0x18C0  }
0x30: {  	[sflag:s7] =	ssyncset.done $0x0  }
0x31: {  	s31 =	simm.s32 $0x60;
	s1 =	simm.s32 $0x0;
	[sflag:s7] =	ssyncadd.s32 $0xFFFFE740  }
.LBB2_2:
0x32: {  	v3 =	vld [tilespmem:s31+$0xFFFFFFA0];
	_ =	sdelay $0x4  }
0x33: {  	v4 =	vshrl.u32 v3, $0x3  }
0x34: {  	v4 =	vmul.u32 $0x18, v4  }
0x35: {  	v3 =	vand.u32 $0x7, v3  }
0x36: {  	v3 =	vor.u32 v3, v4  }
0x37: {  	v4 =	vperm.xlane v3, v0;
	_ =	sdelay $0x1  }
0x38: {  	v4 =	vadd.s32 v1, v4;
	_ =	sdelay $0x1  }
0x39: {  	v3 =	vperm.xlane v3, v2;
	_ =	sdelay $0x1  }
0x3a: {  	v3 =	vadd.s32 v1, v3  }
0x3b: {  	[tilespmem:s8], [sflag:$0x1] =	stream.indirect_vreg.gather [hbm4b:s3+s2], $0x80, v4, vm0, $0xb8;
	[tilespmem:$0x13900] =	vst v63  }
0x3c: {  	s0 =	rddreg [dreg:$0x4]  }
0x3d: {  	[tilespmem:s0], [sflag:$0x1] =	stream.indirect_vreg.gather [hbm4b:s5+s2], $0x80, v4, vm1, $0xb8;
	[tilespmem:$0x13900] =	vst v63  }
0x3e: {  	s4 =	rddreg [dreg:$0x5]  }
0x3f: {  	[tilespmem:s4], [sflag:$0x1] =	stream.indirect_vreg.gather [hbm4b:s3+s2], $0x80, v3, vm0, $0xb8;
	[tilespmem:$0x13900] =	vst v63  }
0x40: {  	s0 =	rddreg [dreg:$0x6]  }
0x41: {  	[tilespmem:s0], [sflag:$0x1] =	stream.indirect_vreg.gather [hbm4b:s5+s2], $0x80, v3, vm1, $0xb8;
	[tilespmem:$0x13900] =	vst v63  }
0x42: {  	v3 =	vld [tilespmem:s31+$0xFFFFFFB0];
	_ =	sdelay $0x4  }
0x43: {  	v53 =	vshrl.u32 v3, $0x3  }
0x44: {  	v4 =	vmul.u32 $0x18, v53  }
0x45: {  	v3 =	vand.u32 $0x7, v3  }
0x46: {  	v3 =	vor.u32 v3, v4  }
0x47: {  	v4 =	vperm.xlane v3, v0;
	_ =	sdelay $0x1  }
0x48: {  	v4 =	vadd.s32 v1, v4;
	_ =	sdelay $0x1  }
0x49: {  	v3 =	vperm.xlane v3, v2;
	_ =	sdelay $0x1  }
0x4a: {  	s0 =	rddreg [dreg:$0x7];
	v3 =	vadd.s32 v1, v3  }
0x4b: {  	[tilespmem:s0], [sflag:$0x1] =	stream.indirect_vreg.gather [hbm4b:s3+s2], $0x80, v4, vm0, $0xb8;
	[tilespmem:$0x13900] =	vst v63  }
0x4c: {  	s4 =	rddreg [dreg:$0x8]  }
0x4d: {  	[tilespmem:s4], [sflag:$0x1] =	stream.indirect_vreg.gather [hbm4b:s5+s2], $0x80, v4, vm1, $0xb8;
	[tilespmem:$0x13900] =	vst v63  }
0x4e: {  	s0 =	rddreg [dreg:$0x9]  }
0x4f: {  	[tilespmem:s0], [sflag:$0x1] =	stream.indirect_vreg.gather [hbm4b:s3+s2], $0x80, v3, vm0, $0xb8;
	[tilespmem:$0x13900] =	vst v63  }
0x50: {  	s4 =	rddreg [dreg:$0xa]  }
0x51: {  	[tilespmem:s4], [sflag:$0x1] =	stream.indirect_vreg.gather [hbm4b:s5+s2], $0x80, v3, vm1, $0xb8;
	[tilespmem:$0x13900] =	vst v63  }
0x52: {  	v3 =	vld [tilespmem:s31+$0xFFFFFFC0];
	_ =	sdelay $0x4  }
0x53: {  	v54 =	vshrl.u32 v3, $0x3  }
0x54: {  	v4 =	vmul.u32 $0x18, v54  }
0x55: {  	v3 =	vand.u32 $0x7, v3  }
0x56: {  	v3 =	vor.u32 v3, v4  }
0x57: {  	v4 =	vperm.xlane v3, v0;
	_ =	sdelay $0x1  }
0x58: {  	v4 =	vadd.s32 v1, v4;
	_ =	sdelay $0x1  }
0x59: {  	v3 =	vperm.xlane v3, v2;
	_ =	sdelay $0x1  }
0x5a: {  	s0 =	rddreg [dreg:$0xb];
	v3 =	vadd.s32 v1, v3  }
0x5b: {  	[tilespmem:s0], [sflag:$0x1] =	stream.indirect_vreg.gather [hbm4b:s3+s2], $0x80, v4, vm0, $0xb8;
	[tilespmem:$0x13900] =	vst v63  }
0x5c: {  	s4 =	rddreg [dreg:$0xc]  }
0x5d: {  	[tilespmem:s4], [sflag:$0x1] =	stream.indirect_vreg.gather [hbm4b:s5+s2], $0x80, v4, vm1, $0xb8;
	[tilespmem:$0x13900] =	vst v63  }
0x5e: {  	s0 =	rddreg [dreg:$0xd]  }
0x5f: {  	[tilespmem:s0], [sflag:$0x1] =	stream.indirect_vreg.gather [hbm4b:s3+s2], $0x80, v3, vm0, $0xb8;
	[tilespmem:$0x13900] =	vst v63  }
0x60: {  	s4 =	rddreg [dreg:$0xe]  }
0x61: {  	[tilespmem:s4], [sflag:$0x1] =	stream.indirect_vreg.gather [hbm4b:s5+s2], $0x80, v3, vm1, $0xb8;
	[tilespmem:$0x13900] =	vst v63  }
0x62: {  	v3 =	vld [tilespmem:s31+$0xFFFFFFD0];
	_ =	sdelay $0x4  }
0x63: {  	v55 =	vshrl.u32 v3, $0x3  }
0x64: {  	v4 =	vmul.u32 $0x18, v55  }
0x65: {  	v3 =	vand.u32 $0x7, v3  }
0x66: {  	v3 =	vor.u32 v3, v4  }
0x67: {  	v4 =	vperm.xlane v3, v0;
	_ =	sdelay $0x1  }
0x68: {  	v4 =	vadd.s32 v1, v4;
	_ =	sdelay $0x1  }
0x69: {  	v3 =	vperm.xlane v3, v2;
	_ =	sdelay $0x1  }
0x6a: {  	s0 =	rddreg [dreg:$0xf];
	v3 =	vadd.s32 v1, v3  }
0x6b: {  	[tilespmem:s0], [sflag:$0x1] =	stream.indirect_vreg.gather [hbm4b:s3+s2], $0x80, v4, vm0, $0xb8;
	[tilespmem:$0x13900] =	vst v63  }
0x6c: {  	s4 =	rddreg [dreg:$0x10]  }
0x6d: {  	[tilespmem:s4], [sflag:$0x1] =	stream.indirect_vreg.gather [hbm4b:s5+s2], $0x80, v4, vm1, $0xb8;
	[tilespmem:$0x13900] =	vst v63  }
0x6e: {  	s0 =	rddreg [dreg:$0x11]  }
0x6f: {  	[tilespmem:s0], [sflag:$0x1] =	stream.indirect_vreg.gather [hbm4b:s3+s2], $0x80, v3, vm0, $0xb8;
	[tilespmem:$0x13900] =	vst v63  }
0x70: {  	s4 =	rddreg [dreg:$0x12]  }
0x71: {  	[tilespmem:s4], [sflag:$0x1] =	stream.indirect_vreg.gather [hbm4b:s5+s2], $0x80, v3, vm1, $0xb8;
	[tilespmem:$0x13900] =	vst v63  }
0x72: {  	v3 =	vld [tilespmem:s31+$0xFFFFFFE0];
	_ =	sdelay $0x4  }
0x73: {  	v56 =	vshrl.u32 v3, $0x3  }
0x74: {  	v4 =	vmul.u32 $0x18, v56  }
0x75: {  	v3 =	vand.u32 $0x7, v3  }
0x76: {  	v3 =	vor.u32 v3, v4  }
0x77: {  	v4 =	vperm.xlane v3, v0;
	_ =	sdelay $0x1  }
0x78: {  	v4 =	vadd.s32 v1, v4;
	_ =	sdelay $0x1  }
0x79: {  	v3 =	vperm.xlane v3, v2;
	_ =	sdelay $0x1  }
0x7a: {  	s0 =	rddreg [dreg:$0x13];
	v3 =	vadd.s32 v1, v3  }
0x7b: {  	[tilespmem:s0], [sflag:$0x1] =	stream.indirect_vreg.gather [hbm4b:s3+s2], $0x80, v4, vm0, $0xb8;
	[tilespmem:$0x13900] =	vst v63  }
0x7c: {  	s4 =	rddreg [dreg:$0x14]  }
0x7d: {  	[tilespmem:s4], [sflag:$0x1] =	stream.indirect_vreg.gather [hbm4b:s5+s2], $0x80, v4, vm1, $0xb8;
	[tilespmem:$0x13900] =	vst v63  }
0x7e: {  	s0 =	rddreg [dreg:$0x15]  }
0x7f: {  	[tilespmem:s0], [sflag:$0x1] =	stream.indirect_vreg.gather [hbm4b:s3+s2], $0x80, v3, vm0, $0xb8;
	[tilespmem:$0x13900] =	vst v63  }
0x80: {  	s4 =	rddreg [dreg:$0x16]  }
0x81: {  	[tilespmem:s4], [sflag:$0x1] =	stream.indirect_vreg.gather [hbm4b:s5+s2], $0x80, v3, vm1, $0xb8;
	[tilespmem:$0x13900] =	vst v63  }
0x82: {  	v3 =	vld [tilespmem:s31+$0xFFFFFFF0];
	_ =	sdelay $0x4  }
0x83: {  	v57 =	vshrl.u32 v3, $0x3  }
0x84: {  	v4 =	vmul.u32 $0x18, v57  }
0x85: {  	v3 =	vand.u32 $0x7, v3  }
0x86: {  	v3 =	vor.u32 v3, v4  }
0x87: {  	v4 =	vperm.xlane v3, v0;
	_ =	sdelay $0x1  }
0x88: {  	v4 =	vadd.s32 v1, v4;
	_ =	sdelay $0x1  }
0x89: {  	v3 =	vperm.xlane v3, v2;
	_ =	sdelay $0x1  }
0x8a: {  	s0 =	rddreg [dreg:$0x17];
	v3 =	vadd.s32 v1, v3  }
0x8b: {  	[tilespmem:s0], [sflag:$0x1] =	stream.indirect_vreg.gather [hbm4b:s3+s2], $0x80, v4, vm0, $0xb8;
	[tilespmem:$0x13900] =	vst v63  }
0x8c: {  	s4 =	rddreg [dreg:$0x18]  }
0x8d: {  	[tilespmem:s4], [sflag:$0x1] =	stream.indirect_vreg.gather [hbm4b:s5+s2], $0x80, v4, vm1, $0xb8;
	[tilespmem:$0x13900] =	vst v63  }
0x8e: {  	s0 =	rddreg [dreg:$0x19]  }
0x8f: {  	[tilespmem:s0], [sflag:$0x1] =	stream.indirect_vreg.gather [hbm4b:s3+s2], $0x80, v3, vm0, $0xb8;
	[tilespmem:$0x13900] =	vst v63  }
0x90: {  	s4 =	rddreg [dreg:$0x1a]  }
0x91: {  	[tilespmem:s4], [sflag:$0x1] =	stream.indirect_vreg.gather [hbm4b:s5+s2], $0x80, v3, vm1, $0xb8;
	[tilespmem:$0x13900] =	vst v63  }
0x92: {  	v3 =	vld [tilespmem:s31+$0x0];
	_ =	sdelay $0x4  }
0x93: {  	v58 =	vshrl.u32 v3, $0x3  }
0x94: {  	v4 =	vmul.u32 $0x18, v58  }
0x95: {  	v3 =	vand.u32 $0x7, v3  }
0x96: {  	v3 =	vor.u32 v3, v4  }
0x97: {  	v4 =	vperm.xlane v3, v0;
	_ =	sdelay $0x1  }
0x98: {  	v4 =	vadd.s32 v1, v4;
	_ =	sdelay $0x1  }
0x99: {  	v3 =	vperm.xlane v3, v2;
	_ =	sdelay $0x1  }
0x9a: {  	v3 =	vadd.s32 v1, v3  }
0x9b: {  	[tilespmem:s9], [sflag:$0x2] =	stream.indirect_vreg.gather [hbm4b:s3+s2], $0x80, v4, vm0, $0xb8;
	[tilespmem:$0x13900] =	vst v63  }
0x9c: {  	s0 =	rddreg [dreg:$0x1b]  }
0x9d: {  	[tilespmem:s0], [sflag:$0x2] =	stream.indirect_vreg.gather [hbm4b:s5+s2], $0x80, v4, vm1, $0xb8;
	[tilespmem:$0x13900] =	vst v63  }
0x9e: {  	s4 =	rddreg [dreg:$0x1c]  }
0x9f: {  	[tilespmem:s4], [sflag:$0x2] =	stream.indirect_vreg.gather [hbm4b:s3+s2], $0x80, v3, vm0, $0xb8;
	[tilespmem:$0x13900] =	vst v63  }
0xa0: {  	s0 =	rddreg [dreg:$0x1d]  }
0xa1: {  	[tilespmem:s0], [sflag:$0x2] =	stream.indirect_vreg.gather [hbm4b:s5+s2], $0x80, v3, vm1, $0xb8;
	[tilespmem:$0x13900] =	vst v63  }
0xa2: {  	v3 =	vld [tilespmem:s31+$0x10];
	_ =	sdelay $0x4  }
0xa3: {  	v59 =	vshrl.u32 v3, $0x3  }
0xa4: {  	v4 =	vmul.u32 $0x18, v59  }
0xa5: {  	v3 =	vand.u32 $0x7, v3  }
0xa6: {  	v3 =	vor.u32 v3, v4  }
0xa7: {  	v4 =	vperm.xlane v3, v0;
	_ =	sdelay $0x1  }
0xa8: {  	v4 =	vadd.s32 v1, v4;
	_ =	sdelay $0x1  }
0xa9: {  	v3 =	vperm.xlane v3, v2  }
0xaa: {  	s4 =	rddreg [dreg:$0x1f]  }
0xab: {  	s0 =	rddreg [dreg:$0x1e];
	v3 =	vadd.s32 v1, v3  }
0xac: {  	[tilespmem:s0], [sflag:$0x2] =	stream.indirect_vreg.gather [hbm4b:s3+s2], $0x80, v4, vm0, $0xb8;
	[tilespmem:$0x13900] =	vst v63  }
0xad: {  	s0 =	sld [smem:$0x7FD]  }
0xae: {  	[tilespmem:s4], [sflag:$0x2] =	stream.indirect_vreg.gather [hbm4b:s5+s2], $0x80, v4, vm1, $0xb8;
	[tilespmem:$0x13900] =	vst v63  }
0xaf: {  	_ = 	snop  }
0xb0: {  	[tilespmem:s0], [sflag:$0x2] =	stream.indirect_vreg.gather [hbm4b:s3+s2], $0x80, v3, vm0, $0xb8;
	[tilespmem:$0x13900] =	vst v63  }
0xb1: {  	_ = 	snop  }
0xb2: {  	[tilespmem:s10], [sflag:$0x2] =	stream.indirect_vreg.gather [hbm4b:s5+s2], $0x80, v3, vm1, $0xb8;
	[tilespmem:$0x13900] =	vst v63  }
0xb3: {  	v3 =	vld [tilespmem:s31+$0x20];
	_ =	sdelay $0x4  }
0xb4: {  	v60 =	vshrl.u32 v3, $0x3  }
0xb5: {  	v4 =	vmul.u32 $0x18, v60  }
0xb6: {  	v3 =	vand.u32 $0x7, v3  }
0xb7: {  	v3 =	vor.u32 v3, v4  }
0xb8: {  	v4 =	vperm.xlane v3, v0;
	_ =	sdelay $0x1  }
0xb9: {  	v4 =	vadd.s32 v1, v4;
	_ =	sdelay $0x1  }
0xba: {  	v3 =	vperm.xlane v3, v2;
	_ =	sdelay $0x1  }
0xbb: {  	v3 =	vadd.s32 v1, v3  }
0xbc: {  	[tilespmem:s11], [sflag:$0x2] =	stream.indirect_vreg.gather [hbm4b:s3+s2], $0x80, v4, vm0, $0xb8;
	[tilespmem:$0x13900] =	vst v63  }
0xbd: {  	_ = 	snop  }
0xbe: {  	[tilespmem:s12], [sflag:$0x2] =	stream.indirect_vreg.gather [hbm4b:s5+s2], $0x80, v4, vm1, $0xb8;
	[tilespmem:$0x13900] =	vst v63  }
0xbf: {  	_ = 	snop  }
0xc0: {  	[tilespmem:s13], [sflag:$0x2] =	stream.indirect_vreg.gather [hbm4b:s3+s2], $0x80, v3, vm0, $0xb8;
	[tilespmem:$0x13900] =	vst v63  }
0xc1: {  	_ = 	snop  }
0xc2: {  	[tilespmem:s14], [sflag:$0x2] =	stream.indirect_vreg.gather [hbm4b:s5+s2], $0x80, v3, vm1, $0xb8;
	[tilespmem:$0x13900] =	vst v63  }
0xc3: {  	v3 =	vld [tilespmem:s31+$0x30];
	_ =	sdelay $0x4  }
0xc4: {  	v61 =	vshrl.u32 v3, $0x3  }
0xc5: {  	v4 =	vmul.u32 $0x18, v61  }
0xc6: {  	v3 =	vand.u32 $0x7, v3  }
0xc7: {  	v3 =	vor.u32 v3, v4  }
0xc8: {  	v4 =	vperm.xlane v3, v0;
	_ =	sdelay $0x1  }
0xc9: {  	v4 =	vadd.s32 v1, v4;
	_ =	sdelay $0x1  }
0xca: {  	v3 =	vperm.xlane v3, v2;
	_ =	sdelay $0x1  }
0xcb: {  	v3 =	vadd.s32 v1, v3  }
0xcc: {  	[tilespmem:s15], [sflag:$0x2] =	stream.indirect_vreg.gather [hbm4b:s3+s2], $0x80, v4, vm0, $0xb8;
	[tilespmem:$0x13900] =	vst v63  }
0xcd: {  	_ = 	snop  }
0xce: {  	[tilespmem:s16], [sflag:$0x2] =	stream.indirect_vreg.gather [hbm4b:s5+s2], $0x80, v4, vm1, $0xb8;
	[tilespmem:$0x13900] =	vst v63  }
0xcf: {  	_ = 	snop  }
0xd0: {  	[tilespmem:s17], [sflag:$0x2] =	stream.indirect_vreg.gather [hbm4b:s3+s2], $0x80, v3, vm0, $0xb8;
	[tilespmem:$0x13900] =	vst v63  }
0xd1: {  	_ = 	snop  }
0xd2: {  	[tilespmem:s18], [sflag:$0x2] =	stream.indirect_vreg.gather [hbm4b:s5+s2], $0x80, v3, vm1, $0xb8;
	[tilespmem:$0x13900] =	vst v63  }
0xd3: {  	v3 =	vld [tilespmem:s31+$0x40];
	_ =	sdelay $0x4  }
0xd4: {  	v62 =	vshrl.u32 v3, $0x3  }
0xd5: {  	v4 =	vmul.u32 $0x18, v62  }
0xd6: {  	v3 =	vand.u32 $0x7, v3  }
0xd7: {  	v3 =	vor.u32 v3, v4  }
0xd8: {  	v4 =	vperm.xlane v3, v0;
	_ =	sdelay $0x1  }
0xd9: {  	v4 =	vadd.s32 v1, v4;
	_ =	sdelay $0x1  }
0xda: {  	v3 =	vperm.xlane v3, v2;
	_ =	sdelay $0x1  }
0xdb: {  	v3 =	vadd.s32 v1, v3  }
0xdc: {  	[tilespmem:s19], [sflag:$0x2] =	stream.indirect_vreg.gather [hbm4b:s3+s2], $0x80, v4, vm0, $0xb8;
	[tilespmem:$0x13900] =	vst v63  }
0xdd: {  	_ = 	snop  }
0xde: {  	[tilespmem:s20], [sflag:$0x2] =	stream.indirect_vreg.gather [hbm4b:s5+s2], $0x80, v4, vm1, $0xb8;
	[tilespmem:$0x13900] =	vst v63  }
0xdf: {  	_ = 	snop  }
0xe0: {  	[tilespmem:s21], [sflag:$0x2] =	stream.indirect_vreg.gather [hbm4b:s3+s2], $0x80, v3, vm0, $0xb8;
	[tilespmem:$0x13900] =	vst v63  }
0xe1: {  	_ = 	snop  }
0xe2: {  	[tilespmem:s22], [sflag:$0x2] =	stream.indirect_vreg.gather [hbm4b:s5+s2], $0x80, v3, vm1, $0xb8;
	[tilespmem:$0x13900] =	vst v63  }
0xe3: {  	v3 =	vld [tilespmem:s31+$0x50];
	_ =	sdelay $0x4  }
0xe4: {  	v63 =	vshrl.u32 v3, $0x3  }
0xe5: {  	v4 =	vmul.u32 $0x18, v63  }
0xe6: {  	v3 =	vand.u32 $0x7, v3  }
0xe7: {  	v3 =	vor.u32 v3, v4  }
0xe8: {  	v4 =	vperm.xlane v3, v0;
	_ =	sdelay $0x1  }
0xe9: {  	v4 =	vadd.s32 v1, v4;
	_ =	sdelay $0x1  }
0xea: {  	v3 =	vperm.xlane v3, v2;
	_ =	sdelay $0x1  }
0xeb: {  	v3 =	vadd.s32 v1, v3  }
0xec: {  	[tilespmem:s23], [sflag:$0x2] =	stream.indirect_vreg.gather [hbm4b:s3+s2], $0x80, v4, vm0, $0xb8;
	[tilespmem:$0x13900] =	vst v63  }
0xed: {  	_ = 	snop  }
0xee: {  	[tilespmem:s24], [sflag:$0x2] =	stream.indirect_vreg.gather [hbm4b:s5+s2], $0x80, v4, vm1, $0xb8;
	[tilespmem:$0x13900] =	vst v63  }
0xef: {  	_ = 	snop  }
0xf0: {  	[tilespmem:s25], [sflag:$0x2] =	stream.indirect_vreg.gather [hbm4b:s3+s2], $0x80, v3, vm0, $0xb8;
	[tilespmem:$0x13900] =	vst v63  }
0xf1: {  	_ = 	snop  }
0xf2: {  	[tilespmem:s26], [sflag:$0x2] =	stream.indirect_vreg.gather [hbm4b:s5+s2], $0x80, v3, vm1, $0xb8;
	[tilespmem:$0x13900] =	vst v63  }
0xf3: {  	_ =	swait.ge [sflag:s28], $0x9000  }
0xf4: {  	s4 =	rddreg [dreg:$0x3];
	[sflag:s28] =	ssyncset.done $0x0  }
0xf5: {  	[sflag:s28] =	ssyncadd.s32 $0xFFFF7000;
	s0 =	sadd.s32 s1, s4  }
0xf6: {  	[hbm4b:s0+s2] =	stream.linear.scatter [tilespmem:s8], [sflag:$0x3], $0x9000, $0x38;
	[tilespmem:$0x13900] =	vst v63  }
0xf7: {  	_ =	swait.ge [sflag:s7], $0x9000  }
0xf8: {  	[sflag:s7] =	ssyncset.done $0x0  }
0xf9: {  	[sflag:s7] =	ssyncadd.s32 $0xFFFF7000  }
0xfa: {  	_ =	swait.ge [sflag:s29], $0x9000  }
0xfb: {  	p0 =	sne.s32 s1, $0x48000;
	s4 =	rddreg [dreg:$0x2];
	[sflag:s29] =	ssyncset.done $0x0  }
.Ltmp0:
0xfc: {  	[sflag:s29] =	ssyncadd.s32 $0xFFFF7000;
	s0 =	sadd.s32 s1, s4;
	(pc) =	sbr.rel @p0 .LBB2_2-.Ltmp0, $4  }
0xfd: {  	[hbm4b:s0+s2] =	stream.linear.scatter [tilespmem:s9], [sflag:$0x3], $0x9000, $0x38;
	[tilespmem:$0x13900] =	vst v63  }
0xfe: {  	_ =	swait.ge [sflag:s7], $0x9000  }
0xff: {  	[sflag:s7] =	ssyncset.done $0x0  }
0x100: {  	s31 =	sadd.s32 $0xC0, s31;
	s1 =	sadd.s32 $0x2400, s1;
	[sflag:s7] =	ssyncadd.s32 $0xFFFF7000  }
0x101: {  	s30 =	sadd.s32 $0x1, s30  }
0x102: {  	p0 =	sne.s32 s30, s6  }
.Ltmp1:
0x103: {  	_ = 	snop;
	(pc) =	sbr.rel @p0 .LBB2_1-.Ltmp1, $1  }
0x104: {  	_ =	sdelay $0x3  }
0x105: {  	_ =	sfence.sel $0x180000  }
0x106: {  	[bflag:$0x0] =	sbarrier.arrive $0xFFFF  }
0x107: {  	_ =	strace $0x90000056  }
0x108: {  	s0 =	stileid.u32;
	[bflag:$0x2] =	sbarrier.arrive $0xFFFF  }
0x109: {  	p0 =	sne.s32 s0, $0x0;
	s0 =	rddreg [dreg:$0x1]  }
0x10a: {  	s0 =	sadd.s32 @!p0 $0x100000, s0  }
0x10b: {  	[sflag:s0] =	ssyncadd.tile.s32 @!p0 $0x1;
	_ =	shalt  }
.Lfunc_end2:
_tile_overlayer_lowered:
.L_overlay_start_2:
0x10c: {  	(tag) =	ssettag $0x2  }
0x10d: {  	s0 =	rddreg [dreg:$0x0];
	s2 =	stileid.u32  }
0x10e: {  	s1 =	rddreg [dreg:$0x1];
	p0 =	sne.s32 s2, $0x0  }
0x10f: {  	s3 =	rddreg [dreg:$0x2];
	[bflag:$0x3] =	sbarrier.arrive $0xFFFF;
	s2 =	simm.s32 @!p0 $0x1C03  }
0x110: {  	[timem:s3], [sflag:s2] =	dma.local @!p0 [hbm:s0], s1  }
0x111: {  	s0 =	simm.s32 @!p0 $0x3  }
0x112: {  	_ =	swait.ge @!p0 [sflag:s0], s1  }
0x113: {  	s1 =	ssub.s32 @!p0 $0x0, s1;
	[sflag:s0] =	ssyncset.done @!p0 $0x0  }
0x114: {  	[sflag:s0] =	ssyncadd.s32 @!p0 s1  }
0x115: {  	[bflag:$0x3] =	sbarrier.arrive $0xFFFF  }
0x116: {  	_ =	shalt  }

// kernel: kernel.38.cloned.1.call-start
scs
__scs_entry_jumppad:
0x0: {  	(pc) =	sbr.rel $0x88, $3  }
0x1: {  	(tag) =	ssettag $0x0;
	lr =	simm.s32 $0x1  }
0x2: {  	[smem:$0x3F8C] =	sst lr;
	_ =	strace $0xD0000000  }
0x3: {  	_ = 	snop  }
0x4: {  	_ = 	snop  }
0x5: {  	_ = 	snop  }
0x6: {  	_ = 	snop  }
0x7: {  	_ = 	snop  }
__scs_overlays_trampoline_lowered:
0x8: {  	[smem:$0x3F9B] =	sst s0  }
0x9: {  	[smem:$0x3F9C] =	sst s1  }
0xa: {  	[smem:$0x3F9D] =	sst s2  }
0xb: {  	[smem:$0x3F9E] =	sst s3  }
0xc: {  	[smem:$0x3F9F] =	sst s4  }
0xd: {  	[smem:$0x3FA0] =	sst s5  }
0xe: {  	[smem:$0x3FA1] =	sst s6  }
0xf: {  	[smem:$0x3FA2] =	sst s7  }
0x10: {  	[smem:$0x3FA3] =	sst s8  }
0x11: {  	[smem:$0x3FA4] =	sst s9;
	s0 =	simm.s32 @!p0 $0x0  }
0x12: {  	s1 =	sld [smem:$0x3F8A];
	s0 =	simm.s32 @p0 $0x1  }
0x13: {  	[smem:$0x3FA5] =	sst s0;
	s0 =	simm.s32 @!p1 $0x0  }
0x14: {  	s2 =	sld [smem:$0x3F89];
	s0 =	simm.s32 @p1 $0x1  }
0x15: {  	[smem:$0x3FA6] =	sst s0;
	s0 =	simm.s32 @!p2 $0x0  }
0x16: {  	s3 =	sld [smem:$0x3FDB];
	s0 =	simm.s32 @p2 $0x1  }
0x17: {  	s4 =	simm.s32 $0x1BF5;
	[smem:$0x3FA8] =	sst s0  }
0x18: {  	s0 =	sld [smem:$0x3F8B];
	_ =	swait.ge [sflag:s4], $0x0  }
0x19: {  	s7 =	sld [smem:$0x3F8C]  }
0x1a: {  	s8 =	sadd.s32 $0xFFFFE003, lr  }
0x1b: {  	s9 =	sadd.s32 $0xFFFFFEF7, lr;
	s5 =	simm.s32 $0xFFFFFFFF;
	p2 =	slt.u32 s8, $0xFFFFF086  }
0x1c: {  	p1 =	slt.u32 s9, $0xF7A;
	s5 =	simm.s32 @!p2 $0x0  }
0x1d: {  	s5 =	simm.s32 @p1 $0x1;
	p0 =	seq.s32 s7, s2  }
0x1e: {  	s7 =	smul.u32 @!p0 $0xF7A, s2;
	p2 =	seq.s32 @!p0 s5, $0x0  }
0x1f: {  	s9 =	smul.u32 $0xF7A, s1;
	s8 =	simm.s32 @!p0 $0x1BF5;
	p2 =	por !p2, p0  }
0x20: {  	[sflag:s8] =	ssyncset.s32 @!p0 $0xFFFFF086;
	s6 =	sadd.s32 @!p0 s3, s7;
	s7 =	simm.s32 @!p0 $0x108  }
0x21: {  	s3 =	sadd.s32 s3, s9;
	s6 =	sadd.s32 @!p0 $0x88, s6;
	s7 =	simm.s32 @p2 $0x1082  }
0x22: {  	[simem:s7], [sflag:s8] =	dma.local @!p0 [hbm:s6], $0xF7A  }
0x23: {  	s9 =	sor.u32 $0xD0000000, s2;
	s6 =	simm.s32 $0x108;
	_ =	swait.ge @!p0 [sflag:s8], $0x0  }
0x24: {  	s3 =	sadd.s32 $0x88, s3;
	s6 =	simm.s32 @!p1 $0x1082;
	[sflag:s4] =	ssyncset.s32 $0xFFFFF086  }
0x25: {  	[simem:s6], [sflag:s4] =	dma.local [hbm:s3], $0xF7A  }
0x26: {  	[smem:$0x3F8C] =	sst s1;
	(tag) =	ssettag s2;
	_ =	strace s9  }
0x27: {  	s1 =	sld [smem:$0x3F9C]  }
0x28: {  	s2 =	sld [smem:$0x3F9D]  }
0x29: {  	s4 =	sld [smem:$0x3F9F]  }
0x2a: {  	p0 =	seq.s32 s5, $0x0;
	s5 =	sld [smem:$0x3FA0]  }
0x2b: {  	s6 =	sld [smem:$0x3FA1]  }
0x2c: {  	s7 =	sld [smem:$0x3FA2]  }
0x2d: {  	s3 =	simm.s32 $0x108;
	s8 =	sld [smem:$0x3FA3]  }
0x2e: {  	s3 =	simm.s32 @!p0 $0x1082;
	s9 =	sld [smem:$0x3FA4]  }
0x2f: {  	lr =	sadd.s32 s0, s3;
	s0 =	sld [smem:$0x3F9B]  }
0x30: {  	s3 =	sld [smem:$0x3F9E]  }
0x31: {  	[smem:$0x3FA7] =	sst s10  }
0x32: {  	s10 =	sld [smem:$0x3FA5];
	_ =	sdelay $0x3  }
0x33: {  	p0 =	seq.s32 s10, $0x1;
	s10 =	sld [smem:$0x3FA7];
	_ =	sdelay $0x3  }
0x34: {  	[smem:$0x3FA7] =	sst s10  }
0x35: {  	s10 =	sld [smem:$0x3FA6];
	_ =	sdelay $0x3  }
0x36: {  	p1 =	seq.s32 s10, $0x1;
	s10 =	sld [smem:$0x3FA7];
	_ =	sdelay $0x3  }
0x37: {  	[smem:$0x3FA7] =	sst s10  }
0x38: {  	s10 =	sld [smem:$0x3FA8]  }
0x39: {  	_ = 	snop;
	(pc) =	sbr.ind lr, $3  }
0x3a: {  	_ = 	snop  }
0x3b: {  	_ = 	snop  }
0x3c: {  	p2 =	seq.s32 s10, $0x1;
	s10 =	sld [smem:$0x3FA7]  }
0x3d: {  	_ =	shalt  }
0x3e: {  	_ =	shalt  }
0x3f: {  	_ =	shalt  }
0x40: {  	_ =	shalt  }
0x41: {  	_ =	shalt  }
0x42: {  	_ =	shalt  }
0x43: {  	_ =	shalt  }
0x44: {  	_ =	shalt  }
0x45: {  	_ =	shalt  }
0x46: {  	_ =	shalt  }
0x47: {  	_ =	shalt  }
0x48: {  	_ =	shalt  }
0x49: {  	_ =	shalt  }
0x4a: {  	_ =	shalt  }
0x4b: {  	_ =	shalt  }
0x4c: {  	_ =	shalt  }
0x4d: {  	_ =	shalt  }
0x4e: {  	_ =	shalt  }
0x4f: {  	_ =	shalt  }
0x50: {  	_ =	shalt  }
0x51: {  	_ =	shalt  }
0x52: {  	_ =	shalt  }
0x53: {  	_ =	shalt  }
0x54: {  	_ =	shalt  }
0x55: {  	_ =	shalt  }
0x56: {  	_ =	shalt  }
0x57: {  	_ =	shalt  }
0x58: {  	_ =	shalt  }
0x59: {  	_ =	shalt  }
0x5a: {  	_ =	shalt  }
0x5b: {  	_ =	shalt  }
0x5c: {  	_ =	shalt  }
0x5d: {  	_ =	shalt  }
0x5e: {  	_ =	shalt  }
0x5f: {  	_ =	shalt  }
0x60: {  	_ =	shalt  }
0x61: {  	_ =	shalt  }
0x62: {  	_ =	shalt  }
0x63: {  	_ =	shalt  }
0x64: {  	_ =	shalt  }
0x65: {  	_ =	shalt  }
0x66: {  	_ =	shalt  }
0x67: {  	_ =	shalt  }
0x68: {  	_ =	shalt  }
0x69: {  	_ =	shalt  }
0x6a: {  	_ =	shalt  }
0x6b: {  	_ =	shalt  }
0x6c: {  	_ =	shalt  }
0x6d: {  	_ =	shalt  }
0x6e: {  	_ =	shalt  }
0x6f: {  	_ =	shalt  }
0x70: {  	_ =	shalt  }
0x71: {  	_ =	shalt  }
0x72: {  	_ =	shalt  }
0x73: {  	_ =	shalt  }
0x74: {  	_ =	shalt  }
0x75: {  	_ =	shalt  }
0x76: {  	_ =	shalt  }
0x77: {  	_ =	shalt  }
0x78: {  	_ =	shalt  }
0x79: {  	_ =	shalt  }
0x7a: {  	_ =	shalt  }
0x7b: {  	_ =	shalt  }
0x7c: {  	_ =	shalt  }
0x7d: {  	_ =	shalt  }
0x7e: {  	_ =	shalt  }
0x7f: {  	_ =	shalt  }
0x80: {  	_ =	shalt  }
0x81: {  	_ =	shalt  }
0x82: {  	_ =	shalt  }
0x83: {  	_ =	shalt  }
0x84: {  	_ =	shalt  }
0x85: {  	_ =	shalt  }
0x86: {  	_ =	shalt  }
0x87: {  	_ =	shalt  }
.Lfunc_end0:
.L_simem_size_0:
called_computation.7_lowered:
.L_overlay_start_0:
0x88: {  	s2 =	sld [smem:$0x3FD9]  }
0x89: {  	s3 =	sld [smem:$0x3FFE];
	_ =	sdelay $0x1  }
0x8a: {  	s1 =	srdreg.scid  }
0x8b: {  	s0 =	sand.u32 $0x1, s1  }
0x8c: {  	s17 =	sshll.u32 s0, $0xA;
	s2 =	sadd.s32 s3, s2  }
0x8d: {  	s2 =	sadd.s32 s2, s17  }
0x8e: {  	[smem:$0x3FB3] =	sst s2  }
0x8f: {  	_ = 	snop  }
0x90: {  	s2 =	sld [smem:$0x3FD0];
	(tm) =	ssettm $0x1  }
0x91: {  	s18 =	sld [smem:$0x3FFB];
	_ =	sdelay $0x3  }
0x92: {  	_ =	strace s18  }
0x93: {  	s3 =	sld [smem:$0x3FFC];
	_ =	sdelay $0x3  }
0x94: {  	_ =	strace s3  }
0x95: {  	s3 =	sld [smem:$0x3FFD];
	_ =	sdelay $0x3  }
0x96: {  	_ =	strace s3  }
0x97: {  	_ =	strace $0x8FFFFFFF  }
0x98: {  	s19 =	sld [smem:$0x3FDB];
	_ =	sdelay $0x1  }
0x99: {  	s4 =	simm.s32 $_scs_section_size  }
0x9a: {  	s5 =	simm.s32 $_size__tile_overlayer_lowered;
	s6 =	simm.s32 $_tile_overlayer_lowered  }
0x9b: {  	s22 =	simm.s32 $0x1BFF;
	s21 =	sshll.u32 s6, $0x1;
	s3 =	sadd.s32 s4, s19  }
0x9c: {  	s7 =	simm.s32 $0x0;
	s20 =	sshll.u32 s5, $0x1;
	s5 =	sadd.s32 s21, s3  }
0x9d: {  	[timem:s7], [sflag:s22] =	dma.local [hbm:s5], s20  }
0x9e: {  	_ =	swait.ge [sflag:s22], s20  }
0x9f: {  	s4 =	ssub.s32 $0x0, s20;
	[sflag:s22] =	ssyncset.done $0x0  }
0xa0: {  	[sflag:s22] =	ssyncadd.s32 s4;
	_ =	sdelay $0x1  }
0xa1: {  	s23 =	simm.s32 $0x1B8B  }
0xa2: {  	_ =	swait.ge [sflag:s23], $0x1  }
0xa3: {  	[sflag:s23] =	ssyncset.done $0x0  }
0xa4: {  	s25 =	simm.s32 $0x1B8E;
	s24 =	sld [smem:$0x3FFE];
	[sflag:s23] =	ssyncadd.s32 $0xFFFFFFFF  }
0xa5: {  	s26 =	simm.s32 $execute0_lowered;
	[smem:$0x3FD2] =	sst s25  }
0xa6: {  	s5 =	sshll.u32 s26, $0x1;
	_ =	strace $0x80000058;
	[dreg:$0x1] =	wrdreg $0xFFFFFFFF  }
0xa7: {  	s28 =	simm.s32 $_size_execute0_lowered;
	s3 =	sadd.s32 s3, s5;
	[dreg:$0x0] =	wrdreg $0x0  }
0xa8: {  	s5 =	sshll.u32 s28, $0x1;
	[dreg:$0x2] =	wrdreg s3  }
0xa9: {  	[dreg:$0x3] =	wrdreg s5  }
0xaa: {  	[dreg:$0x4] =	wrdreg $0xC0  }
0xab: {  	_ =	task [dreg:s7], $0x5FFFF  }
0xac: {  	[dreg:$0x1] =	wrdreg $0xFFFFFFFF  }
0xad: {  	[dreg:$0x0] =	wrdreg $0x60  }
0xae: {  	[dreg:$0x2] =	wrdreg s24  }
0xaf: {  	[dreg:$0x3] =	wrdreg s2  }
0xb0: {  	[dreg:$0x4] =	wrdreg $0x9  }
0xb1: {  	_ =	task.clear_ibuf [dreg:s7], $0x5FFFF;
	_ =	strace $0x90000058  }
0xb2: {  	s29 =	simm.s32 $0x9;
	_ =	strace $0x8000005A  }
0xb3: {  	_ =	swait.ge [sflag:s29], $0x1  }
0xb4: {  	[sflag:s29] =	ssyncadd.s32 $0xFFFFFFFF  }
0xb5: {  	_ =	strace $0x9000005A  }
0xb6: {  	_ =	sfence  }
0xb7: {  	s30 =	sld [smem:$0x0];
	_ =	sdelay $0x2  }
0xb8: {  	s31 =	sshll.u32 s1, $0xD;
	s1 =	sshrl.u32 s1, $0x2  }
0xb9: {  	s3 =	sand.u32 $0x4000, s31;
	s1 =	sadd.s32 s1, s30  }
0xba: {  	s0 =	sor.u32 s3, s0;
	s1 =	sshll.u32 s1, $0x11  }
0xbb: {  	s0 =	sor.u32 s1, s0  }
0xbc: {  	s0 =	sadd.s32 $0x8F2B, s0  }
0xbd: {  	[sflag:s0] =	ssyncadd.remote.s32 $0x1  }
0xbe: {  	_ =	sfence.sel $0xFFFF  }
0xbf: {  	[dreg:$0x0] =	wrdreg $0xFFFFFFFF;
	(pc) =	sbr.abs _section_cstart, $3  }
0xc0: {  	[dreg:$0x1] =	wrdreg $0xFFFFFFFF  }
0xc1: {  	_ =	task.clear_ibuf [dreg:s7], $0x2FFFF;
	_ =	strace $0x9FFFFFFF  }
0xc2: {  	(tm) =	ssettm $0x7FFFFFFF  }
0xc3: {  	_ =	shalt  }
tec
execute0_lowered:
.L_overlay_start_1:
0x0: {  	(tag) =	ssettag $0x1  }
0x1: {  	s1 =	srdreg.scid;
	s0 =	stileid.u32  }
0x2: {  	s5 =	sand.u32 $0x1, s1;
	s2 =	smul.u32 $0x4980, s0  }
0x3: {  	s3 =	smul.u32 $0x24C0, s5;
	_ =	sdelay $0x1  }
0x4: {  	s3 =	sadd.s32 s3, s2  }
0x5: {  	s4 =	rddreg [dreg:$0x1];
	s2 =	sadd.s32 $0x60, s3  }
0x6: {  	s1 =	rddreg [dreg:$0x0];
	s6 =	sshrl.u32 s2, $0x3;
	s2 =	simm.s32 $0x0  }
0x7: {  	s19 =	simm.s32 $0x2D00;
	[smem:$0x7FF] =	sst s2  }
0x8: {  	s20 =	simm.s32 $0x3100;
	_ =	strace $0x80000059;
	[dreg:$0x5] =	wrdreg s19  }
0x9: {  	s21 =	simm.s32 $0x3900;
	[dreg:$0x6] =	wrdreg s20  }
0xa: {  	s22 =	simm.s32 $0x3D00;
	[dreg:$0x7] =	wrdreg s21  }
0xb: {  	s23 =	simm.s32 $0x4500;
	[dreg:$0x8] =	wrdreg s22  }
0xc: {  	s24 =	simm.s32 $0x4900;
	[dreg:$0x9] =	wrdreg s23  }
0xd: {  	s25 =	simm.s32 $0x5100;
	[dreg:$0xa] =	wrdreg s24  }
0xe: {  	s26 =	simm.s32 $0x5500;
	[dreg:$0xb] =	wrdreg s25  }
0xf: {  	s31 =	simm.s32 $0x5D00;
	[dreg:$0xc] =	wrdreg s26  }
0x10: {  	s8 =	simm.s32 $0x6D00;
	s9 =	simm.s32 $0x7500;
	[dreg:$0xd] =	wrdreg s31  }
0x11: {  	s10 =	simm.s32 $0x7900;
	s11 =	simm.s32 $0x8100;
	[dreg:$0x10] =	wrdreg s8  }
0x12: {  	s12 =	simm.s32 $0x8500;
	s14 =	simm.s32 $0x8D00;
	[dreg:$0x11] =	wrdreg s9  }
0x13: {  	s15 =	simm.s32 $0x9100;
	s16 =	simm.s32 $0x9900;
	[dreg:$0x12] =	wrdreg s10  }
0x14: {  	s17 =	simm.s32 $0x9D00;
	s18 =	simm.s32 $0xA500;
	[dreg:$0x13] =	wrdreg s11  }
0x15: {  	s28 =	simm.s32 $0x1;
	s29 =	simm.s32 $0x2;
	[dreg:$0x14] =	wrdreg s12  }
0x16: {  	s30 =	simm.s32 $0x0;
	s3 =	sshrl.u32 s3, $0x3;
	[dreg:$0x15] =	wrdreg s14  }
0x17: {  	s7 =	sadd.s32 $0xBA6400, s1;
	s3 =	smul.u32 $0x180, s3;
	[dreg:$0x16] =	wrdreg s15  }
0x18: {  	s13 =	ssub.s32 $0x2, s5;
	s6 =	smul.u32 $0x180, s6;
	[dreg:$0x17] =	wrdreg s16  }
0x19: {  	s3 =	sadd.s32 s3, s7;
	s8 =	sshrl.u32 s13, $0x1;
	[dreg:$0x18] =	wrdreg s17  }
0x1a: {  	s9 =	sshll.u32 s0, $0x1;
	[dreg:$0x19] =	wrdreg s18;
	s19 =	simm.s32 $0xA900  }
0x1b: {  	s20 =	simm.s32 $0xB100;
	s22 =	simm.s32 $0xBD00;
	s23 =	simm.s32 $0xC100  }
0x1c: {  	s24 =	simm.s32 $0xC900;
	s25 =	simm.s32 $0xCD00;
	[dreg:$0x4] =	wrdreg s3  }
0x1d: {  	s26 =	simm.s32 $0xD500;
	s31 =	simm.s32 $0xD900;
	[dreg:$0x1a] =	wrdreg s19  }
0x1e: {  	s10 =	simm.s32 $0xE100;
	s11 =	simm.s32 $0xE500;
	[dreg:$0x1b] =	wrdreg s20  }
0x1f: {  	s12 =	simm.s32 $0xED00;
	s14 =	simm.s32 $0xF900;
	[dreg:$0x1c] =	wrdreg s22  }
0x20: {  	s15 =	simm.s32 $0xFD00;
	s16 =	simm.s32 $0x10500;
	[dreg:$0x1d] =	wrdreg s23  }
0x21: {  	s17 =	simm.s32 $0x10900;
	s18 =	simm.s32 $0x11100;
	[dreg:$0x1e] =	wrdreg s24  }
0x22: {  	s6 =	sadd.s32 s6, s7;
	s7 =	simm.s32 $0x6900;
	[dreg:$0x1f] =	wrdreg s25  }
0x23: {  	s3 =	sadd.s32 $0x1EE0600, s1;
	s5 =	sor.u32 s5, s9;
	[smem:$0x7FC] =	sst s26  }
0x24: {  	s9 =	simm.s32 $0xB500;
	[smem:$0x7FD] =	sst s31;
	s19 =	simm.s32 $0x11500  }
0x25: {  	s20 =	simm.s32 $0x11D00;
	s22 =	simm.s32 $0x12900;
	s23 =	simm.s32 $0x12D00  }
0x26: {  	s24 =	simm.s32 $0x13500;
	s25 =	simm.s32 $0x13900;
	s26 =	simm.s32 $0x14100  }
0x27: {  	[dreg:$0x3] =	wrdreg s6;
	s6 =	simm.s32 $0x6100;
	s5 =	smul.u32 $0x24C0, s5  }
0x28: {  	[dreg:$0xf] =	wrdreg s7;
	s7 =	ssub.s32 s13, s8;
	s8 =	simm.s32 $0x2500  }
0x29: {  	v2 =	vlaneseq.u32;
	s13 =	simm.s32 $0xF100;
	[dreg:$0xe] =	wrdreg s6;
	s5 =	sshrl.u32 s5, $0x3  }
0x2a: {  	vm0 =	vmmov $0xffff;
	vm1 =	vmmov $0xff;
	v1 =	vshrl.u32 v2, $0x3;
	s6 =	smax.u32 s7, $0x1;
	s7 =	simm.s32 $0x3;
	s21 =	sadd.s32 s4, s5  }
0x2b: {  	v0 =	vand.u32 $0x7, v2;
	v2 =	vor.u32 $0x8, v2;
	v1 =	vmul.u32 $0x8, v1;
	s5 =	sadd.s32 $0x1EE0700, s1;
	[smem:$0x7FB] =	sst s21;
	s21 =	simm.s32 $0x12100  }
.LBB2_1:
0x2c: {  	s0 =	sld [smem:$0x7FB];
	_ =	sdelay $0x2  }
0x2d: {  	[tilespmem:s2], [sflag:$0x3] =	stream.linear.gather [hbm4b:s0+s2], $0x24C0, $0x38;
	[tilespmem:$0x14500] =	vst v63  }
0x2e: {  	_ =	swait.ge [sflag:s7], $0x24C0  }
0x2f: {  	[sflag:s7] =	ssyncset.done $0x0  }
0x30: {  	s31 =	simm.s32 $0x60;
	s1 =	simm.s32 $0x0;
	[sflag:s7] =	ssyncadd.s32 $0xFFFFDB40  }
.LBB2_2:
0x31: {  	v3 =	vld [tilespmem:s31+$0xFFFFFFA0];
	_ =	sdelay $0x4  }
0x32: {  	v4 =	vshrl.u32 v3, $0x3  }
0x33: {  	v4 =	vmul.u32 $0x18, v4  }
0x34: {  	v3 =	vand.u32 $0x7, v3  }
0x35: {  	v3 =	vor.u32 v3, v4  }
0x36: {  	v4 =	vperm.xlane v3, v0;
	_ =	sdelay $0x1  }
0x37: {  	v4 =	vadd.s32 v1, v4;
	_ =	sdelay $0x1  }
0x38: {  	v3 =	vperm.xlane v3, v2;
	_ =	sdelay $0x1  }
0x39: {  	v3 =	vadd.s32 v1, v3  }
0x3a: {  	[tilespmem:s8], [sflag:$0x1] =	stream.indirect_vreg.gather [hbm4b:s3+s2], $0x80, v4, vm0, $0xb8;
	[tilespmem:$0x14500] =	vst v63  }
0x3b: {  	s0 =	rddreg [dreg:$0x5]  }
0x3c: {  	[tilespmem:s0], [sflag:$0x1] =	stream.indirect_vreg.gather [hbm4b:s5+s2], $0x80, v4, vm1, $0xb8;
	[tilespmem:$0x14500] =	vst v63  }
0x3d: {  	s4 =	rddreg [dreg:$0x6]  }
0x3e: {  	[tilespmem:s4], [sflag:$0x1] =	stream.indirect_vreg.gather [hbm4b:s3+s2], $0x80, v3, vm0, $0xb8;
	[tilespmem:$0x14500] =	vst v63  }
0x3f: {  	s0 =	rddreg [dreg:$0x7]  }
0x40: {  	[tilespmem:s0], [sflag:$0x1] =	stream.indirect_vreg.gather [hbm4b:s5+s2], $0x80, v3, vm1, $0xb8;
	[tilespmem:$0x14500] =	vst v63  }
0x41: {  	v3 =	vld [tilespmem:s31+$0xFFFFFFB0];
	_ =	sdelay $0x4  }
0x42: {  	v53 =	vshrl.u32 v3, $0x3  }
0x43: {  	v4 =	vmul.u32 $0x18, v53  }
0x44: {  	v3 =	vand.u32 $0x7, v3  }
0x45: {  	v3 =	vor.u32 v3, v4  }
0x46: {  	v4 =	vperm.xlane v3, v0;
	_ =	sdelay $0x1  }
0x47: {  	v4 =	vadd.s32 v1, v4;
	_ =	sdelay $0x1  }
0x48: {  	v3 =	vperm.xlane v3, v2;
	_ =	sdelay $0x1  }
0x49: {  	s0 =	rddreg [dreg:$0x8];
	v3 =	vadd.s32 v1, v3  }
0x4a: {  	[tilespmem:s0], [sflag:$0x1] =	stream.indirect_vreg.gather [hbm4b:s3+s2], $0x80, v4, vm0, $0xb8;
	[tilespmem:$0x14500] =	vst v63  }
0x4b: {  	s4 =	rddreg [dreg:$0x9]  }
0x4c: {  	[tilespmem:s4], [sflag:$0x1] =	stream.indirect_vreg.gather [hbm4b:s5+s2], $0x80, v4, vm1, $0xb8;
	[tilespmem:$0x14500] =	vst v63  }
0x4d: {  	s0 =	rddreg [dreg:$0xa]  }
0x4e: {  	[tilespmem:s0], [sflag:$0x1] =	stream.indirect_vreg.gather [hbm4b:s3+s2], $0x80, v3, vm0, $0xb8;
	[tilespmem:$0x14500] =	vst v63  }
0x4f: {  	s4 =	rddreg [dreg:$0xb]  }
0x50: {  	[tilespmem:s4], [sflag:$0x1] =	stream.indirect_vreg.gather [hbm4b:s5+s2], $0x80, v3, vm1, $0xb8;
	[tilespmem:$0x14500] =	vst v63  }
0x51: {  	v3 =	vld [tilespmem:s31+$0xFFFFFFC0];
	_ =	sdelay $0x4  }
0x52: {  	v54 =	vshrl.u32 v3, $0x3  }
0x53: {  	v4 =	vmul.u32 $0x18, v54  }
0x54: {  	v3 =	vand.u32 $0x7, v3  }
0x55: {  	v3 =	vor.u32 v3, v4  }
0x56: {  	v4 =	vperm.xlane v3, v0;
	_ =	sdelay $0x1  }
0x57: {  	v4 =	vadd.s32 v1, v4;
	_ =	sdelay $0x1  }
0x58: {  	v3 =	vperm.xlane v3, v2;
	_ =	sdelay $0x1  }
0x59: {  	s0 =	rddreg [dreg:$0xc];
	v3 =	vadd.s32 v1, v3  }
0x5a: {  	[tilespmem:s0], [sflag:$0x1] =	stream.indirect_vreg.gather [hbm4b:s3+s2], $0x80, v4, vm0, $0xb8;
	[tilespmem:$0x14500] =	vst v63  }
0x5b: {  	s4 =	rddreg [dreg:$0xd]  }
0x5c: {  	[tilespmem:s4], [sflag:$0x1] =	stream.indirect_vreg.gather [hbm4b:s5+s2], $0x80, v4, vm1, $0xb8;
	[tilespmem:$0x14500] =	vst v63  }
0x5d: {  	s0 =	rddreg [dreg:$0xe]  }
0x5e: {  	[tilespmem:s0], [sflag:$0x1] =	stream.indirect_vreg.gather [hbm4b:s3+s2], $0x80, v3, vm0, $0xb8;
	[tilespmem:$0x14500] =	vst v63  }
0x5f: {  	s4 =	rddreg [dreg:$0xf]  }
0x60: {  	[tilespmem:s4], [sflag:$0x1] =	stream.indirect_vreg.gather [hbm4b:s5+s2], $0x80, v3, vm1, $0xb8;
	[tilespmem:$0x14500] =	vst v63  }
0x61: {  	v3 =	vld [tilespmem:s31+$0xFFFFFFD0];
	_ =	sdelay $0x4  }
0x62: {  	v55 =	vshrl.u32 v3, $0x3  }
0x63: {  	v4 =	vmul.u32 $0x18, v55  }
0x64: {  	v3 =	vand.u32 $0x7, v3  }
0x65: {  	v3 =	vor.u32 v3, v4  }
0x66: {  	v4 =	vperm.xlane v3, v0;
	_ =	sdelay $0x1  }
0x67: {  	v4 =	vadd.s32 v1, v4;
	_ =	sdelay $0x1  }
0x68: {  	v3 =	vperm.xlane v3, v2;
	_ =	sdelay $0x1  }
0x69: {  	s0 =	rddreg [dreg:$0x10];
	v3 =	vadd.s32 v1, v3  }
0x6a: {  	[tilespmem:s0], [sflag:$0x1] =	stream.indirect_vreg.gather [hbm4b:s3+s2], $0x80, v4, vm0, $0xb8;
	[tilespmem:$0x14500] =	vst v63  }
0x6b: {  	s4 =	rddreg [dreg:$0x11]  }
0x6c: {  	[tilespmem:s4], [sflag:$0x1] =	stream.indirect_vreg.gather [hbm4b:s5+s2], $0x80, v4, vm1, $0xb8;
	[tilespmem:$0x14500] =	vst v63  }
0x6d: {  	s0 =	rddreg [dreg:$0x12]  }
0x6e: {  	[tilespmem:s0], [sflag:$0x1] =	stream.indirect_vreg.gather [hbm4b:s3+s2], $0x80, v3, vm0, $0xb8;
	[tilespmem:$0x14500] =	vst v63  }
0x6f: {  	s4 =	rddreg [dreg:$0x13]  }
0x70: {  	[tilespmem:s4], [sflag:$0x1] =	stream.indirect_vreg.gather [hbm4b:s5+s2], $0x80, v3, vm1, $0xb8;
	[tilespmem:$0x14500] =	vst v63  }
0x71: {  	v3 =	vld [tilespmem:s31+$0xFFFFFFE0];
	_ =	sdelay $0x4  }
0x72: {  	v56 =	vshrl.u32 v3, $0x3  }
0x73: {  	v4 =	vmul.u32 $0x18, v56  }
0x74: {  	v3 =	vand.u32 $0x7, v3  }
0x75: {  	v3 =	vor.u32 v3, v4  }
0x76: {  	v4 =	vperm.xlane v3, v0;
	_ =	sdelay $0x1  }
0x77: {  	v4 =	vadd.s32 v1, v4;
	_ =	sdelay $0x1  }
0x78: {  	v3 =	vperm.xlane v3, v2;
	_ =	sdelay $0x1  }
0x79: {  	s0 =	rddreg [dreg:$0x14];
	v3 =	vadd.s32 v1, v3  }
0x7a: {  	[tilespmem:s0], [sflag:$0x1] =	stream.indirect_vreg.gather [hbm4b:s3+s2], $0x80, v4, vm0, $0xb8;
	[tilespmem:$0x14500] =	vst v63  }
0x7b: {  	s4 =	rddreg [dreg:$0x15]  }
0x7c: {  	[tilespmem:s4], [sflag:$0x1] =	stream.indirect_vreg.gather [hbm4b:s5+s2], $0x80, v4, vm1, $0xb8;
	[tilespmem:$0x14500] =	vst v63  }
0x7d: {  	s0 =	rddreg [dreg:$0x16]  }
0x7e: {  	[tilespmem:s0], [sflag:$0x1] =	stream.indirect_vreg.gather [hbm4b:s3+s2], $0x80, v3, vm0, $0xb8;
	[tilespmem:$0x14500] =	vst v63  }
0x7f: {  	s4 =	rddreg [dreg:$0x17]  }
0x80: {  	[tilespmem:s4], [sflag:$0x1] =	stream.indirect_vreg.gather [hbm4b:s5+s2], $0x80, v3, vm1, $0xb8;
	[tilespmem:$0x14500] =	vst v63  }
0x81: {  	v3 =	vld [tilespmem:s31+$0xFFFFFFF0];
	_ =	sdelay $0x4  }
0x82: {  	v57 =	vshrl.u32 v3, $0x3  }
0x83: {  	v4 =	vmul.u32 $0x18, v57  }
0x84: {  	v3 =	vand.u32 $0x7, v3  }
0x85: {  	v3 =	vor.u32 v3, v4  }
0x86: {  	v4 =	vperm.xlane v3, v0;
	_ =	sdelay $0x1  }
0x87: {  	v4 =	vadd.s32 v1, v4;
	_ =	sdelay $0x1  }
0x88: {  	v3 =	vperm.xlane v3, v2;
	_ =	sdelay $0x1  }
0x89: {  	s0 =	rddreg [dreg:$0x18];
	v3 =	vadd.s32 v1, v3  }
0x8a: {  	[tilespmem:s0], [sflag:$0x1] =	stream.indirect_vreg.gather [hbm4b:s3+s2], $0x80, v4, vm0, $0xb8;
	[tilespmem:$0x14500] =	vst v63  }
0x8b: {  	s4 =	rddreg [dreg:$0x19]  }
0x8c: {  	[tilespmem:s4], [sflag:$0x1] =	stream.indirect_vreg.gather [hbm4b:s5+s2], $0x80, v4, vm1, $0xb8;
	[tilespmem:$0x14500] =	vst v63  }
0x8d: {  	s0 =	rddreg [dreg:$0x1a]  }
0x8e: {  	[tilespmem:s0], [sflag:$0x1] =	stream.indirect_vreg.gather [hbm4b:s3+s2], $0x80, v3, vm0, $0xb8;
	[tilespmem:$0x14500] =	vst v63  }
0x8f: {  	s4 =	rddreg [dreg:$0x1b]  }
0x90: {  	[tilespmem:s4], [sflag:$0x1] =	stream.indirect_vreg.gather [hbm4b:s5+s2], $0x80, v3, vm1, $0xb8;
	[tilespmem:$0x14500] =	vst v63  }
0x91: {  	v3 =	vld [tilespmem:s31+$0x0];
	_ =	sdelay $0x4  }
0x92: {  	v58 =	vshrl.u32 v3, $0x3  }
0x93: {  	v4 =	vmul.u32 $0x18, v58  }
0x94: {  	v3 =	vand.u32 $0x7, v3  }
0x95: {  	v3 =	vor.u32 v3, v4  }
0x96: {  	v4 =	vperm.xlane v3, v0;
	_ =	sdelay $0x1  }
0x97: {  	v4 =	vadd.s32 v1, v4;
	_ =	sdelay $0x1  }
0x98: {  	v3 =	vperm.xlane v3, v2;
	_ =	sdelay $0x1  }
0x99: {  	v3 =	vadd.s32 v1, v3  }
0x9a: {  	[tilespmem:s9], [sflag:$0x2] =	stream.indirect_vreg.gather [hbm4b:s3+s2], $0x80, v4, vm0, $0xb8;
	[tilespmem:$0x14500] =	vst v63  }
0x9b: {  	s0 =	rddreg [dreg:$0x1c]  }
0x9c: {  	[tilespmem:s0], [sflag:$0x2] =	stream.indirect_vreg.gather [hbm4b:s5+s2], $0x80, v4, vm1, $0xb8;
	[tilespmem:$0x14500] =	vst v63  }
0x9d: {  	s4 =	rddreg [dreg:$0x1d]  }
0x9e: {  	[tilespmem:s4], [sflag:$0x2] =	stream.indirect_vreg.gather [hbm4b:s3+s2], $0x80, v3, vm0, $0xb8;
	[tilespmem:$0x14500] =	vst v63  }
0x9f: {  	s0 =	rddreg [dreg:$0x1e]  }
0xa0: {  	[tilespmem:s0], [sflag:$0x2] =	stream.indirect_vreg.gather [hbm4b:s5+s2], $0x80, v3, vm1, $0xb8;
	[tilespmem:$0x14500] =	vst v63  }
0xa1: {  	v3 =	vld [tilespmem:s31+$0x10];
	_ =	sdelay $0x4  }
0xa2: {  	v59 =	vshrl.u32 v3, $0x3  }
0xa3: {  	v4 =	vmul.u32 $0x18, v59  }
0xa4: {  	v3 =	vand.u32 $0x7, v3  }
0xa5: {  	v3 =	vor.u32 v3, v4  }
0xa6: {  	v4 =	vperm.xlane v3, v0;
	_ =	sdelay $0x1  }
0xa7: {  	v4 =	vadd.s32 v1, v4;
	_ =	sdelay $0x1  }
0xa8: {  	v3 =	vperm.xlane v3, v2  }
0xa9: {  	s4 =	sld [smem:$0x7FC]  }
0xaa: {  	s0 =	rddreg [dreg:$0x1f];
	v3 =	vadd.s32 v1, v3  }
0xab: {  	[tilespmem:s0], [sflag:$0x2] =	stream.indirect_vreg.gather [hbm4b:s3+s2], $0x80, v4, vm0, $0xb8;
	[tilespmem:$0x14500] =	vst v63  }
0xac: {  	s0 =	sld [smem:$0x7FD]  }
0xad: {  	[tilespmem:s4], [sflag:$0x2] =	stream.indirect_vreg.gather [hbm4b:s5+s2], $0x80, v4, vm1, $0xb8;
	[tilespmem:$0x14500] =	vst v63  }
0xae: {  	_ = 	snop  }
0xaf: {  	[tilespmem:s0], [sflag:$0x2] =	stream.indirect_vreg.gather [hbm4b:s3+s2], $0x80, v3, vm0, $0xb8;
	[tilespmem:$0x14500] =	vst v63  }
0xb0: {  	_ = 	snop  }
0xb1: {  	[tilespmem:s10], [sflag:$0x2] =	stream.indirect_vreg.gather [hbm4b:s5+s2], $0x80, v3, vm1, $0xb8;
	[tilespmem:$0x14500] =	vst v63  }
0xb2: {  	v3 =	vld [tilespmem:s31+$0x20];
	_ =	sdelay $0x4  }
0xb3: {  	v60 =	vshrl.u32 v3, $0x3  }
0xb4: {  	v4 =	vmul.u32 $0x18, v60  }
0xb5: {  	v3 =	vand.u32 $0x7, v3  }
0xb6: {  	v3 =	vor.u32 v3, v4  }
0xb7: {  	v4 =	vperm.xlane v3, v0;
	_ =	sdelay $0x1  }
0xb8: {  	v4 =	vadd.s32 v1, v4;
	_ =	sdelay $0x1  }
0xb9: {  	v3 =	vperm.xlane v3, v2;
	_ =	sdelay $0x1  }
0xba: {  	v3 =	vadd.s32 v1, v3  }
0xbb: {  	[tilespmem:s11], [sflag:$0x2] =	stream.indirect_vreg.gather [hbm4b:s3+s2], $0x80, v4, vm0, $0xb8;
	[tilespmem:$0x14500] =	vst v63  }
0xbc: {  	_ = 	snop  }
0xbd: {  	[tilespmem:s12], [sflag:$0x2] =	stream.indirect_vreg.gather [hbm4b:s5+s2], $0x80, v4, vm1, $0xb8;
	[tilespmem:$0x14500] =	vst v63  }
0xbe: {  	_ = 	snop  }
0xbf: {  	[tilespmem:s13], [sflag:$0x2] =	stream.indirect_vreg.gather [hbm4b:s3+s2], $0x80, v3, vm0, $0xb8;
	[tilespmem:$0x14500] =	vst v63  }
0xc0: {  	_ = 	snop  }
0xc1: {  	[tilespmem:s14], [sflag:$0x2] =	stream.indirect_vreg.gather [hbm4b:s5+s2], $0x80, v3, vm1, $0xb8;
	[tilespmem:$0x14500] =	vst v63  }
0xc2: {  	v3 =	vld [tilespmem:s31+$0x30];
	_ =	sdelay $0x4  }
0xc3: {  	v61 =	vshrl.u32 v3, $0x3  }
0xc4: {  	v4 =	vmul.u32 $0x18, v61  }
0xc5: {  	v3 =	vand.u32 $0x7, v3  }
0xc6: {  	v3 =	vor.u32 v3, v4  }
0xc7: {  	v4 =	vperm.xlane v3, v0;
	_ =	sdelay $0x1  }
0xc8: {  	v4 =	vadd.s32 v1, v4;
	_ =	sdelay $0x1  }
0xc9: {  	v3 =	vperm.xlane v3, v2;
	_ =	sdelay $0x1  }
0xca: {  	v3 =	vadd.s32 v1, v3  }
0xcb: {  	[tilespmem:s15], [sflag:$0x2] =	stream.indirect_vreg.gather [hbm4b:s3+s2], $0x80, v4, vm0, $0xb8;
	[tilespmem:$0x14500] =	vst v63  }
0xcc: {  	_ = 	snop  }
0xcd: {  	[tilespmem:s16], [sflag:$0x2] =	stream.indirect_vreg.gather [hbm4b:s5+s2], $0x80, v4, vm1, $0xb8;
	[tilespmem:$0x14500] =	vst v63  }
0xce: {  	_ = 	snop  }
0xcf: {  	[tilespmem:s17], [sflag:$0x2] =	stream.indirect_vreg.gather [hbm4b:s3+s2], $0x80, v3, vm0, $0xb8;
	[tilespmem:$0x14500] =	vst v63  }
0xd0: {  	_ = 	snop  }
0xd1: {  	[tilespmem:s18], [sflag:$0x2] =	stream.indirect_vreg.gather [hbm4b:s5+s2], $0x80, v3, vm1, $0xb8;
	[tilespmem:$0x14500] =	vst v63  }
0xd2: {  	v3 =	vld [tilespmem:s31+$0x40];
	_ =	sdelay $0x4  }
0xd3: {  	v62 =	vshrl.u32 v3, $0x3  }
0xd4: {  	v4 =	vmul.u32 $0x18, v62  }
0xd5: {  	v3 =	vand.u32 $0x7, v3  }
0xd6: {  	v3 =	vor.u32 v3, v4  }
0xd7: {  	v4 =	vperm.xlane v3, v0;
	_ =	sdelay $0x1  }
0xd8: {  	v4 =	vadd.s32 v1, v4;
	_ =	sdelay $0x1  }
0xd9: {  	v3 =	vperm.xlane v3, v2;
	_ =	sdelay $0x1  }
0xda: {  	v3 =	vadd.s32 v1, v3  }
0xdb: {  	[tilespmem:s19], [sflag:$0x2] =	stream.indirect_vreg.gather [hbm4b:s3+s2], $0x80, v4, vm0, $0xb8;
	[tilespmem:$0x14500] =	vst v63  }
0xdc: {  	_ = 	snop  }
0xdd: {  	[tilespmem:s20], [sflag:$0x2] =	stream.indirect_vreg.gather [hbm4b:s5+s2], $0x80, v4, vm1, $0xb8;
	[tilespmem:$0x14500] =	vst v63  }
0xde: {  	_ = 	snop  }
0xdf: {  	[tilespmem:s21], [sflag:$0x2] =	stream.indirect_vreg.gather [hbm4b:s3+s2], $0x80, v3, vm0, $0xb8;
	[tilespmem:$0x14500] =	vst v63  }
0xe0: {  	_ = 	snop  }
0xe1: {  	[tilespmem:s22], [sflag:$0x2] =	stream.indirect_vreg.gather [hbm4b:s5+s2], $0x80, v3, vm1, $0xb8;
	[tilespmem:$0x14500] =	vst v63  }
0xe2: {  	v3 =	vld [tilespmem:s31+$0x50];
	_ =	sdelay $0x4  }
0xe3: {  	v63 =	vshrl.u32 v3, $0x3  }
0xe4: {  	v4 =	vmul.u32 $0x18, v63  }
0xe5: {  	v3 =	vand.u32 $0x7, v3  }
0xe6: {  	v3 =	vor.u32 v3, v4  }
0xe7: {  	v4 =	vperm.xlane v3, v0;
	_ =	sdelay $0x1  }
0xe8: {  	v4 =	vadd.s32 v1, v4;
	_ =	sdelay $0x1  }
0xe9: {  	v3 =	vperm.xlane v3, v2;
	_ =	sdelay $0x1  }
0xea: {  	v3 =	vadd.s32 v1, v3  }
0xeb: {  	[tilespmem:s23], [sflag:$0x2] =	stream.indirect_vreg.gather [hbm4b:s3+s2], $0x80, v4, vm0, $0xb8;
	[tilespmem:$0x14500] =	vst v63  }
0xec: {  	_ = 	snop  }
0xed: {  	[tilespmem:s24], [sflag:$0x2] =	stream.indirect_vreg.gather [hbm4b:s5+s2], $0x80, v4, vm1, $0xb8;
	[tilespmem:$0x14500] =	vst v63  }
0xee: {  	_ = 	snop  }
0xef: {  	[tilespmem:s25], [sflag:$0x2] =	stream.indirect_vreg.gather [hbm4b:s3+s2], $0x80, v3, vm0, $0xb8;
	[tilespmem:$0x14500] =	vst v63  }
0xf0: {  	_ = 	snop  }
0xf1: {  	[tilespmem:s26], [sflag:$0x2] =	stream.indirect_vreg.gather [hbm4b:s5+s2], $0x80, v3, vm1, $0xb8;
	[tilespmem:$0x14500] =	vst v63  }
0xf2: {  	_ =	swait.ge [sflag:s28], $0x9000  }
0xf3: {  	s4 =	rddreg [dreg:$0x4];
	[sflag:s28] =	ssyncset.done $0x0  }
0xf4: {  	[sflag:s28] =	ssyncadd.s32 $0xFFFF7000;
	s0 =	sadd.s32 s1, s4  }
0xf5: {  	[hbm4b:s0+s2] =	stream.linear.scatter [tilespmem:s8], [sflag:$0x3], $0x9000, $0x38;
	[tilespmem:$0x14500] =	vst v63  }
0xf6: {  	_ =	swait.ge [sflag:s7], $0x9000  }
0xf7: {  	[sflag:s7] =	ssyncset.done $0x0  }
0xf8: {  	[sflag:s7] =	ssyncadd.s32 $0xFFFF7000  }
0xf9: {  	_ =	swait.ge [sflag:s29], $0x9000  }
0xfa: {  	p0 =	sne.s32 s1, $0x6C000;
	s4 =	rddreg [dreg:$0x3];
	[sflag:s29] =	ssyncset.done $0x0  }
.Ltmp0:
0xfb: {  	[sflag:s29] =	ssyncadd.s32 $0xFFFF7000;
	s0 =	sadd.s32 s1, s4;
	(pc) =	sbr.rel @p0 .LBB2_2-.Ltmp0, $4  }
0xfc: {  	[hbm4b:s0+s2] =	stream.linear.scatter [tilespmem:s9], [sflag:$0x3], $0x9000, $0x38;
	[tilespmem:$0x14500] =	vst v63  }
0xfd: {  	_ =	swait.ge [sflag:s7], $0x9000  }
0xfe: {  	[sflag:s7] =	ssyncset.done $0x0  }
0xff: {  	s31 =	sadd.s32 $0xC0, s31;
	s1 =	sadd.s32 $0x2400, s1;
	[sflag:s7] =	ssyncadd.s32 $0xFFFF7000  }
0x100: {  	s30 =	sadd.s32 $0x1, s30  }
0x101: {  	p0 =	sne.s32 s30, s6  }
.Ltmp1:
0x102: {  	_ = 	snop;
	(pc) =	sbr.rel @p0 .LBB2_1-.Ltmp1, $1  }
0x103: {  	_ =	sdelay $0x3  }
0x104: {  	_ =	sfence.sel $0x180000  }
0x105: {  	[bflag:$0x0] =	sbarrier.arrive $0xFFFF  }
0x106: {  	_ =	strace $0x90000059  }
0x107: {  	s0 =	stileid.u32;
	[bflag:$0x2] =	sbarrier.arrive $0xFFFF  }
0x108: {  	p0 =	sne.s32 s0, $0x0;
	s0 =	rddreg [dreg:$0x2]  }
0x109: {  	s0 =	sadd.s32 @!p0 $0x100000, s0  }
0x10a: {  	[sflag:s0] =	ssyncadd.tile.s32 @!p0 $0x1;
	_ =	shalt  }
.Lfunc_end2:
_tile_overlayer_lowered:
.L_overlay_start_2:
0x10b: {  	(tag) =	ssettag $0x2  }
0x10c: {  	s0 =	rddreg [dreg:$0x0];
	s2 =	stileid.u32  }
0x10d: {  	s1 =	rddreg [dreg:$0x1];
	p0 =	sne.s32 s2, $0x0  }
0x10e: {  	s3 =	rddreg [dreg:$0x2];
	[bflag:$0x3] =	sbarrier.arrive $0xFFFF;
	s2 =	simm.s32 @!p0 $0x1C03  }
0x10f: {  	[timem:s3], [sflag:s2] =	dma.local @!p0 [hbm:s0], s1  }
0x110: {  	s0 =	simm.s32 @!p0 $0x3  }
0x111: {  	_ =	swait.ge @!p0 [sflag:s0], s1  }
0x112: {  	s1 =	ssub.s32 @!p0 $0x0, s1;
	[sflag:s0] =	ssyncset.done @!p0 $0x0  }
0x113: {  	[sflag:s0] =	ssyncadd.s32 @!p0 s1  }
0x114: {  	[bflag:$0x3] =	sbarrier.arrive $0xFFFF  }
0x115: {  	_ =	shalt  }

// kernel: sparse-core-data-format-call.cloned.1.call-start
scs
called_computation_lowered:
.L_overlay_start_0:
0x0: {  	s1 =	sld [smem:$0x3FD9]  }
0x1: {  	s2 =	sld [smem:$0x3FFE];
	_ =	sdelay $0x1  }
0x2: {  	s3 =	srdreg.scid  }
0x3: {  	s0 =	sand.u32 $0x1, s3  }
0x4: {  	s17 =	sshll.u32 s0, $0xA;
	s1 =	sadd.s32 s2, s1  }
0x5: {  	s1 =	sadd.s32 s1, s17  }
0x6: {  	[smem:$0x3FB3] =	sst s1  }
0x7: {  	_ = 	snop  }
0x8: {  	(tm) =	ssettm $0x1  }
0x9: {  	s18 =	sld [smem:$0x3FFB];
	_ =	sdelay $0x3  }
0xa: {  	_ =	strace s18  }
0xb: {  	s1 =	sld [smem:$0x3FFC];
	_ =	sdelay $0x3  }
0xc: {  	_ =	strace s1  }
0xd: {  	s1 =	sld [smem:$0x3FFD];
	_ =	sdelay $0x3  }
0xe: {  	_ =	strace s1  }
0xf: {  	_ =	strace $0x8FFFFFFF  }
0x10: {  	s19 =	sld [smem:$0x3FDB];
	_ =	sdelay $0x1  }
0x11: {  	s20 =	simm.s32 $_scs_section_size  }
0x12: {  	s4 =	simm.s32 $_size__tile_overlayer_lowered;
	s5 =	simm.s32 $_tile_overlayer_lowered  }
0x13: {  	s23 =	simm.s32 $0x1BFF;
	s22 =	sshll.u32 s5, $0x1;
	s1 =	sadd.s32 s20, s19  }
0x14: {  	s6 =	simm.s32 $0x0;
	s21 =	sshll.u32 s4, $0x1;
	s4 =	sadd.s32 s22, s1  }
0x15: {  	[timem:s6], [sflag:s23] =	dma.local [hbm:s4], s21  }
0x16: {  	_ =	swait.ge [sflag:s23], s21  }
0x17: {  	s2 =	ssub.s32 $0x0, s21;
	[sflag:s23] =	ssyncset.done $0x0  }
0x18: {  	[sflag:s23] =	ssyncadd.s32 s2;
	_ =	sdelay $0x1  }
0x19: {  	s24 =	simm.s32 $0x1B8B  }
0x1a: {  	_ =	swait.ge [sflag:s24], $0x1  }
0x1b: {  	[sflag:s24] =	ssyncset.done $0x0  }
0x1c: {  	s26 =	simm.s32 $0x1B8E;
	s25 =	sld [smem:$0x3FFE];
	[sflag:s24] =	ssyncadd.s32 $0xFFFFFFFF  }
0x1d: {  	s27 =	simm.s32 $execute0_lowered;
	[smem:$0x3FD2] =	sst s26  }
0x1e: {  	s4 =	sshll.u32 s27, $0x1;
	_ =	strace $0x8000005B;
	[dreg:$0x1] =	wrdreg $0xFFFFFFFF  }
0x1f: {  	s28 =	simm.s32 $_size_execute0_lowered;
	s1 =	sadd.s32 s1, s4;
	[dreg:$0x0] =	wrdreg $0x0  }
0x20: {  	s4 =	sshll.u32 s28, $0x1;
	[dreg:$0x2] =	wrdreg s1  }
0x21: {  	[dreg:$0x3] =	wrdreg s4  }
0x22: {  	[dreg:$0x4] =	wrdreg $0xC0  }
0x23: {  	_ =	task [dreg:s6], $0x5FFFF  }
0x24: {  	[dreg:$0x1] =	wrdreg $0xFFFFFFFF  }
0x25: {  	[dreg:$0x0] =	wrdreg $0x60  }
0x26: {  	[dreg:$0x2] =	wrdreg s25  }
0x27: {  	[dreg:$0x3] =	wrdreg $0x9  }
0x28: {  	_ =	task.clear_ibuf [dreg:s6], $0x4FFFF;
	_ =	strace $0x9000005B  }
0x29: {  	s29 =	simm.s32 $0x9;
	_ =	strace $0x8000005D  }
0x2a: {  	_ =	swait.ge [sflag:s29], $0x1  }
0x2b: {  	[sflag:s29] =	ssyncadd.s32 $0xFFFFFFFF  }
0x2c: {  	_ =	strace $0x9000005D  }
0x2d: {  	_ =	sfence  }
0x2e: {  	s30 =	sld [smem:$0x0];
	_ =	sdelay $0x2  }
0x2f: {  	s31 =	sshll.u32 s3, $0xD;
	s3 =	sshrl.u32 s3, $0x2  }
0x30: {  	s2 =	sand.u32 $0x4000, s31;
	s1 =	sadd.s32 s3, s30  }
0x31: {  	s0 =	sor.u32 s2, s0;
	s1 =	sshll.u32 s1, $0x11  }
0x32: {  	s0 =	sor.u32 s1, s0  }
0x33: {  	s0 =	sadd.s32 $0x8F2B, s0  }
0x34: {  	[sflag:s0] =	ssyncadd.remote.s32 $0x1  }
0x35: {  	_ =	sfence.sel $0xFFFF  }
0x36: {  	[dreg:$0x0] =	wrdreg $0xFFFFFFFF;
	(pc) =	sbr.abs _section_cstart, $3  }
0x37: {  	[dreg:$0x1] =	wrdreg $0xFFFFFFFF  }
0x38: {  	_ =	task.clear_ibuf [dreg:s6], $0x2FFFF;
	_ =	strace $0x9FFFFFFF  }
0x39: {  	(tm) =	ssettm $0x7FFFFFFF  }
tec
execute0_lowered:
.L_overlay_start_1:
0x0: {  	(tag) =	ssettag $0x1  }
0x1: {  	s0 =	srdreg.scid  }
0x2: {  	s2 =	stileid.u32;
	s1 =	rddreg [dreg:$0x0];
	_ =	strace $0x8000005C  }
0x3: {  	s29 =	simm.s32 $0x1;
	s31 =	simm.s32 $0x2;
	s17 =	simm.s32 $0x0  }
0x4: {  	s19 =	simm.s32 $0x0;
	s18 =	simm.s32 $0x0;
	s0 =	sshll.u32 s0, $0x4  }
0x5: {  	s10 =	simm.s32 $0x0;
	s11 =	simm.s32 $0x0;
	s0 =	sand.u32 $0x10, s0  }
0x6: {  	s13 =	simm.s32 $0x0;
	s7 =	sadd.s32 $0x6E9C00, s1;
	s0 =	sor.u32 s2, s0  }
0x7: {  	s1 =	sadd.s32 $0x5C00, s1;
	s30 =	sshll.u32 s2, $0x7;
	s6 =	sshrl.u32 s0, $0x3  }
0x8: {  	[dreg:$0x4] =	wrdreg s1;
	s9 =	sand.u32 $0x380, s30;
	s0 =	ssub.s32 $0x35, s6  }
.Ltmp0:
0x9: {  	[dreg:$0x3] =	wrdreg s7;
	s0 =	sshrl.u32 s0, $0x2;
	(pc) =	sbr.rel .LBB1_1-.Ltmp0, $4  }
0xa: {  	s12 =	simm.s32 $0x0;
	[dreg:$0x6] =	wrdreg s9;
	s8 =	smul.u32 $0x3, s0  }
0xb: {  	s16 =	simm.s32 $0x0;
	[sflag:s29] =	ssyncpa.u1 $0x0;
	[dreg:$0x2] =	wrdreg s6  }
0xc: {  	[sflag:s31] =	ssyncpa.u1 $0x0;
	s20 =	sadd.s32 $0x1, s8;
	[dreg:$0x5] =	wrdreg s8  }
0xd: {  	s15 =	smov.u32 s9;
	s14 =	smov.u32 s6;
	[dreg:$0x7] =	wrdreg s20  }
.LBB1_14:
0xe: {  	s0 =	sshrl.u32 s13, $0x3  }
0xf: {  	s1 =	sshll.u32 s10, $0x3;
	s0 =	smul.u32 $0xC00, s0  }
0x10: {  	s2 =	sshll.u32 s13, $0x7;
	s1 =	sand.u32 $0xFFFFFC00, s1  }
0x11: {  	s9 =	sand.u32 $0x380, s2;
	s0 =	sadd.s32 s0, s1  }
0x12: {  	s3 =	sand.u32 $0x7F, s10;
	s0 =	sor.u32 s9, s0  }
0x13: {  	p0 =	sgt.s32 s11, $0x31;
	s1 =	sor.u32 s3, s0;
	s0 =	smulhi.u32 $0xAAAAAAAB, s0  }
0x14: {  	s25 =	smul.u32 $0xBB80, s11;
	s26 =	rddreg [dreg:$0x4];
	s2 =	smov.u32 s11  }
0x15: {  	s29 =	sor.u32 $0x8000, s23;
	s2 =	simm.s32 @!p0 $0x31;
	s0 =	sshrl.u32 s0, $0x8  }
0x16: {  	s31 =	simm.s32 $0xC00;
	s2 =	sadd.s32 s22, s2;
	s24 =	smulhi.u32 $0x83126F, s0  }
0x17: {  	s6 =	rddreg [dreg:$0x2];
	s4 =	sadd.s32 $0xFFFFFFCF, s2;
	s3 =	smulhi.u32 $0xAAAAAAAB, s1  }
0x18: {  	s7 =	rddreg [dreg:$0x3];
	p0 =	sgt.s32 s4, $0x0;
	s4 =	sshrl.u32 s24, $0x1  }
0x19: {  	s2 =	ssub.s32 $0x32, s2;
	s3 =	sshrl.u32 s3, $0x8;
	s4 =	smul.u32 $0x3E8, s4  }
0x1a: {  	s8 =	rddreg [dreg:$0x5];
	s2 =	simm.s32 @p0 $0x0;
	s3 =	smul.u32 $0x180, s3  }
0x1b: {  	s9 =	rddreg [dreg:$0x6];
	s2 =	smul.u32 s20, s2;
	s0 =	ssub.s32 s0, s4  }
0x1c: {  	s20 =	rddreg [dreg:$0x7];
	s1 =	ssub.s32 s1, s3;
	s0 =	smul.u32 $0x30, s0  }
0x1d: {  	s2 =	smul.u32 s21, s2;
	s3 =	sadd.s32 s26, s25;
	s27 =	sand.u32 $0x7, s1  }
0x1e: {  	s1 =	sshrl.u32 s1, $0x3;
	s28 =	sshll.u32 s27, $0x12;
	s0 =	sadd.s32 s0, s3  }
0x1f: {  	s2 =	sand.u32 $0x3FFFFFFF, s2;
	s30 =	sor.u32 $0x400, s28;
	s0 =	sadd.s32 s1, s0  }
0x20: {  	[hbm4b:s0+s30] =	stream.strided.scatter [tilespmem:s29], [sflag:$0x2], s2, s31, s30, $0x38;
	[tilespmem:$0x10000] =	vst v63  }
.LBB1_15:
0x21: {  	p0 =	slt.u32 s16, $0x2  }
0x22: {  	s0 =	smov.u32 s19;
	p1 =	sgt.s32 @!p0 s19, $0x31  }
0x23: {  	s2 =	smov.u32 s18;
	s1 =	sshra.s32 @!p0 s19, $0x1F;
	p1 =	por !p1, p0  }
0x24: {  	s1 =	sand.u32 @!p0 s1, s19;
	s0 =	simm.s32 @p1 $0x31;
	p1 =	sgt.s32 @!p0 s18, $0x368  }
0x25: {  	s3 =	sshra.s32 @!p0 s18, $0x1F;
	p1 =	por !p1, p0;
	s0 =	ssub.s32 @!p0 s0, s1  }
0x26: {  	s1 =	sand.u32 @!p0 s3, s18;
	s2 =	simm.s32 @p1 $0x368;
	s3 =	sadd.s32 @!p0 $0xFFFFFFCF, s0  }
0x27: {  	p1 =	sgt.s32 @!p0 s17, $0x100;
	s1 =	ssub.s32 @!p0 s2, s1;
	p2 =	sgt.s32 @!p0 s3, $0x0  }
0x28: {  	p1 =	por !p1, p0;
	s3 =	smov.u32 s17;
	s2 =	sadd.s32 @!p0 $0xFFFFFC98, s1  }
0x29: {  	s3 =	simm.s32 @p1 $0x100;
	p1 =	sgt.s32 @!p0 s2, $0x7F;
	s2 =	sshra.s32 @!p0 s17, $0x1F  }
0x2a: {  	s0 =	ssub.s32 @!p0 $0x32, s0;
	p2 =	por !p2, p0;
	s2 =	sand.u32 @!p0 s2, s17  }
0x2b: {  	s1 =	ssub.s32 @!p0 $0x3E8, s1;
	p1 =	por !p1, p0;
	s2 =	ssub.s32 @!p0 s3, s2  }
0x2c: {  	s0 =	simm.s32 @!p2 $0x0;
	s1 =	simm.s32 @!p1 $0x0;
	s3 =	sadd.s32 @!p0 $0xFFFFFF00, s2  }
0x2d: {  	s4 =	smov.u32 s14;
	s0 =	smul.u32 @!p0 s1, s0;
	p1 =	sgt.s32 @!p0 s3, $0x7F  }
0x2e: {  	s1 =	ssub.s32 @!p0 $0x180, s2;
	s2 =	sadd.s32 $0x80, s12;
	p1 =	por !p1, p0  }
0x2f: {  	s3 =	sadd.s32 $0x4, s14;
	s1 =	simm.s32 @!p1 $0x0;
	p1 =	sgt.s32 s2, $0x12B  }
0x30: {  	s0 =	smul.u32 @!p0 s1, s0;
	s4 =	smov.u32 @p1 s3  }
0x31: {  	s1 =	sadd.s32 $0x400, s15;
	s3 =	smov.u32 s15;
	p2 =	sgt.s32 s4, $0x31  }
0x32: {  	s19 =	smov.u32 s11;
	s3 =	smov.u32 @p2 s1  }
0x33: {  	s11 =	smov.u32 s14;
	s2 =	simm.s32 @p1 $0x0;
	p1 =	sgt.s32 s3, $0x3E7  }
0x34: {  	s18 =	smov.u32 s13;
	s3 =	smov.u32 @p1 s9;
	p1 =	sne.s32 s16, s20  }
.Ltmp1:
0x35: {  	s13 =	smov.u32 s15;
	s17 =	smov.u32 s10;
	(pc) =	sbr.rel @!p1 .LBB1_16-.Ltmp1, $4  }
0x36: {  	s10 =	smov.u32 s12;
	s0 =	sand.u32 @!p0 $0x3FFFFFFF, s0;
	s1 =	simm.s32 @!p0 $0x2  }
0x37: {  	s12 =	smov.u32 s2;
	s4 =	smov.u32 @p2 s6;
	_ =	swait.ge @!p0 [sflag:s1], s0  }
0x38: {  	s0 =	ssub.s32 @!p0 $0x0, s0;
	s14 =	smov.u32 s4;
	[sflag:s1] =	ssyncset.done @!p0 $0x0  }
0x39: {  	s16 =	sadd.s32 $0x1, s16;
	[sflag:s1] =	ssyncadd.s32 @!p0 s0;
	s15 =	smov.u32 s3  }
.LBB1_1:
0x3a: {  	p0 =	sge.u32 s16, s8  }
0x3b: {  	s5 =	smov.u32 s12;
	s0 =	sshrl.u32 @!p0 s14, $0x3  }
0x3c: {  	s1 =	sshll.u32 @!p0 s12, $0x3;
	p1 =	sgt.s32 @!p0 s15, $0x368;
	s0 =	smul.u32 @!p0 $0xC00, s0  }
0x3d: {  	s2 =	sshra.s32 @!p0 s15, $0x1F;
	s3 =	sshll.u32 @!p0 s14, $0x7;
	s1 =	sand.u32 @!p0 $0xFFFFFC00, s1  }
0x3e: {  	p1 =	por !p1, p0;
	s0 =	sadd.s32 @!p0 s0, s1;
	s1 =	smov.u32 s15  }
0x3f: {  	s2 =	sand.u32 @!p0 s2, s15;
	s3 =	sand.u32 @!p0 $0x380, s3;
	s1 =	simm.s32 @p1 $0x368  }
0x40: {  	p1 =	sgt.s32 @!p0 s14, $0x37;
	s0 =	sor.u32 @!p0 s3, s0;
	s1 =	ssub.s32 @!p0 s1, s2  }
0x41: {  	s3 =	smov.u32 s14;
	p1 =	por !p1, p0;
	s2 =	sadd.s32 @!p0 $0xFFFFFC98, s1  }
0x42: {  	s3 =	simm.s32 @p1 $0x37;
	p1 =	sgt.s32 @!p0 s2, $0x7F;
	s2 =	sshra.s32 @!p0 s14, $0x1F  }
0x43: {  	s1 =	ssub.s32 @!p0 $0x3E8, s1;
	p1 =	por !p1, p0;
	s2 =	sand.u32 @!p0 s2, s14  }
0x44: {  	s1 =	simm.s32 @!p1 $0x0;
	s2 =	ssub.s32 @!p0 s3, s2;
	p1 =	sgt.s32 @!p0 s12, $0x100  }
0x45: {  	s3 =	smulhi.u32 @!p0 $0xAAAAAAAB, s0;
	s4 =	sadd.s32 @!p0 $0xFFFFFFC9, s2;
	p1 =	por !p1, p0  }
0x46: {  	s5 =	simm.s32 @p1 $0x100;
	p1 =	sgt.s32 @!p0 s4, $0x0;
	s4 =	sshra.s32 @!p0 s12, $0x1F  }
0x47: {  	s2 =	ssub.s32 @!p0 $0x38, s2;
	p1 =	por !p1, p0;
	s4 =	sand.u32 @!p0 s4, s12  }
0x48: {  	s3 =	sshrl.u32 @!p0 s3, $0x8;
	s4 =	ssub.s32 @!p0 s5, s4;
	s2 =	simm.s32 @!p1 $0x0  }
0x49: {  	s5 =	sand.u32 @!p0 $0x7F, s12;
	s1 =	smul.u32 @!p0 s1, s2;
	s2 =	sadd.s32 @!p0 $0xFFFFFF00, s4  }
0x4a: {  	s0 =	sor.u32 @!p0 s5, s0;
	s5 =	smulhi.u32 @!p0 $0x4924925, s3;
	p1 =	sgt.s32 @!p0 s2, $0x7F  }
0x4b: {  	s4 =	ssub.s32 @!p0 $0x180, s4;
	s2 =	smulhi.u32 @!p0 $0xAAAAAAAB, s0;
	p1 =	por !p1, p0  }
0x4c: {  	s5 =	smul.u32 @!p0 $0x38, s5;
	s4 =	simm.s32 @!p1 $0x0  }
0x4d: {  	s2 =	sshrl.u32 @!p0 s2, $0x8;
	s1 =	smul.u32 @!p0 s4, s1  }
0x4e: {  	s31 =	sadd.s32 $0xFFFFFFFF, s16;
	s4 =	sxor.u32 @!p0 $0xFFFFFFFF, s16;
	s2 =	smul.u32 @!p0 $0x180, s2  }
0x4f: {  	s3 =	ssub.s32 @!p0 s3, s5;
	s5 =	smul.u32 @!p0 $0xA80, s15;
	s4 =	sshll.u32 @!p0 s4, $0xE  }
0x50: {  	s4 =	sand.u32 @!p0 $0x4000, s4;
	s0 =	ssub.s32 @!p0 s0, s2;
	s2 =	smul.u32 @!p0 $0x30, s3  }
0x51: {  	s1 =	sand.u32 @!p0 $0x3FFFFFFF, s1;
	s3 =	sadd.s32 @!p0 s7, s5;
	s5 =	sand.u32 @!p0 $0x7, s0  }
0x52: {  	s0 =	sshrl.u32 @!p0 s0, $0x3;
	s2 =	sadd.s32 @!p0 s2, s3;
	s3 =	sshll.u32 @!p0 s5, $0x12  }
0x53: {  	s0 =	sadd.s32 @!p0 s0, s2;
	s2 =	sor.u32 @!p0 $0x80, s3;
	s3 =	simm.s32 @!p0 $0x5400  }
0x54: {  	[tilespmem:s4], [sflag:$0x1] =	stream.strided.gather @!p0 [hbm4b:s0+s2], s1, s3, s2, $0x38;
	[tilespmem:$0x10000] =	vst v63  }
0x55: {  	p0 =	sge.u32 s31, s8  }
.Ltmp2:
0x56: {  	_ = 	snop;
	(pc) =	sbr.rel @p0 .LBB1_15-.Ltmp2, $1  }
0x57: {  	_ =	sdelay $0x3  }
0x58: {  	p0 =	sgt.s32 s13, $0x368;
	s0 =	smov.u32 s13  }
0x59: {  	s1 =	sshra.s32 s13, $0x1F;
	s23 =	ssub.s32 $0x0, s11;
	s2 =	sshra.s32 s11, $0x1F  }
0x5a: {  	p1 =	sgt.s32 s10, $0x100;
	s3 =	smov.u32 s10;
	s4 =	sshra.s32 s10, $0x1F  }
0x5b: {  	s5 =	smov.u32 s11;
	s0 =	simm.s32 @!p0 $0x368;
	s1 =	sand.u32 s1, s13  }
0x5c: {  	s3 =	simm.s32 @!p1 $0x100;
	p1 =	sgt.s32 s11, $0x37;
	s4 =	sand.u32 s4, s10  }
0x5d: {  	s22 =	sand.u32 s23, s2;
	s2 =	sadd.s32 $0x80, s13;
	s0 =	ssub.s32 s0, s1  }
0x5e: {  	s5 =	simm.s32 @!p1 $0x37;
	s24 =	ssub.s32 s3, s4;
	s3 =	sadd.s32 $0x1, s11  }
0x5f: {  	s1 =	sadd.s32 $0xFFFFFC98, s0;
	s20 =	ssub.s32 $0x3E8, s0;
	s25 =	sadd.s32 s22, s5  }
0x60: {  	s26 =	sadd.s32 $0xFFFFFF00, s24;
	p0 =	sgt.s32 s1, $0x7F;
	s27 =	sadd.s32 $0xFFFFFFC9, s25  }
0x61: {  	s0 =	ssub.s32 $0x38, s25;
	s20 =	simm.s32 @p0 $0x0;
	p0 =	sgt.s32 s27, $0x0  }
0x62: {  	s21 =	ssub.s32 $0x180, s24;
	s0 =	simm.s32 @p0 $0x0;
	p0 =	slt.s32 s2, $0x3E8  }
0x63: {  	p1 =	sgt.s32 s26, $0x7F;
	s2 =	simm.s32 @!p0 $0x3E8;
	p0 =	slt.s32 s3, $0x32  }
0x64: {  	s21 =	simm.s32 @p1 $0x0;
	s24 =	ssub.s32 s2, s13;
	s3 =	simm.s32 @!p0 $0x32  }
0x65: {  	s28 =	smul.u32 s20, s21;
	s25 =	ssub.s32 s3, s11;
	p0 =	slt.s32 s24, $0x1  }
0x66: {  	p1 =	slt.s32 @!p0 s25, $0x1  }
0x67: {  	s0 =	smul.u32 s0, s28;
	p1 =	por p0, p1  }
.Ltmp3:
0x68: {  	_ = 	snop;
	(pc) =	sbr.rel @p1 .LBB1_14-.Ltmp3, $4  }
0x69: {  	s30 =	simm.s32 $0x1;
	s0 =	sand.u32 $0x3FFFFFFF, s0  }
0x6a: {  	_ =	swait.ge [sflag:s30], s0  }
0x6b: {  	s31 =	sshll.u32 s16, $0xE;
	s29 =	ssub.s32 $0x0, s0;
	[sflag:s30] =	ssyncset.done $0x0  }
0x6c: {  	s23 =	sand.u32 $0x4000, s31;
	[sflag:s30] =	ssyncadd.s32 s29  }
0x6d: {  	s0 =	sadd.s32 $0x80, s10  }
0x6e: {  	p1 =	slt.s32 s0, $0x12C  }
.Ltmp4:
0x6f: {  	s0 =	simm.s32 @!p1 $0x12C;
	(pc) =	sbr.rel .LBB1_4-.Ltmp4, $4  }
0x70: {  	s28 =	sor.u32 @!p0 $0x8000, s23;
	s0 =	ssub.s32 s0, s10  }
0x71: {  	s30 =	simm.s32 $0x0;
	s2 =	simm.s32 $0x400;
	s0 =	sadd.s32 $0xF, s0  }
0x72: {  	s26 =	sand.u32 $0xFFFFFFF0, s0;
	s27 =	sand.u32 @!p0 $0xFFFFFF00, s0;
	s1 =	sshll.u32 s0, $0x3  }
0x73: {  	p0 =	slt.s32 s0, $0x100;
	s29 =	sand.u32 $0xFFFFF800, s1;
	p1 =	sge.s32 s27, s26  }
.LBB1_13:
0x74: {  	s30 =	sadd.s32 $0x1, s30  }
0x75: {  	p2 =	sne.s32 s30, s24  }
.Ltmp5:
0x76: {  	_ = 	snop;
	(pc) =	sbr.rel @!p2 .LBB1_14-.Ltmp5, $2  }
0x77: {  	_ =	sdelay $0x2  }
0x78: {  	s2 =	sadd.s32 $0x80, s2  }
.LBB1_4:
.Ltmp6:
0x79: {  	(pc) =	sbr.rel .LBB1_5-.Ltmp6, $4  }
0x7a: {  	_ = 	snop  }
0x7b: {  	s1 =	sshll.u32 s30, $0x7  }
0x7c: {  	s3 =	sand.u32 $0x380, s1  }
0x7d: {  	s4 =	simm.s32 $0x0;
	s0 =	sadd.s32 s1, s23;
	s9 =	sadd.s32 s3, s28  }
.LBB1_12:
0x7e: {  	s4 =	sadd.s32 $0x1, s4  }
0x7f: {  	p2 =	sne.s32 s4, s25  }
.Ltmp7:
0x80: {  	_ = 	snop;
	(pc) =	sbr.rel @!p2 .LBB1_13-.Ltmp7, $1  }
0x81: {  	_ =	sdelay $0x3  }
.LBB1_5:
.Ltmp8:
0x82: {  	(pc) =	sbr.rel @p0 .LBB1_9-.Ltmp8, $2  }
0x83: {  	_ =	sdelay $0x2  }
0x84: {  	s5 =	sshll.u32 s4, $0x10  }
0x85: {  	s3 =	sshll.u32 s4, $0x7  }
0x86: {  	s7 =	sshra.s32 s5, $0x2;
	s3 =	sand.u32 $0x380, s3  }
0x87: {  	s7 =	sadd.s32 s7, s9;
	s3 =	sadd.s32 s3, s0  }
0x88: {  	v0 =	vmov s7;
	v6 =	vld [tilespmem:s3+$0x70]  }
0x89: {  	v7 =	vld [tilespmem:s3+$0x0]  }
0x8a: {  	v8 =	vld [tilespmem:s3+$0x10]  }
0x8b: {  	v1 =	vld [tilespmem:s3+$0x20]  }
0x8c: {  	s6 =	sadd.s32 $0xFFFFFC00, s2;
	s8 =	sand.u32 $0x3C00, s2;
	v2 =	vld [tilespmem:s3+$0x30]  }
0x8d: {  	s7 =	sand.u32 $0x3C00, s6;
	v3 =	vld [tilespmem:s3+$0x40];
	[tilespmem:v0+s8+$0x70 ss:$0x1] =	vst.idx.msk $0xffff, v6  }
0x8e: {  	v5 =	vld [tilespmem:s3+$0x50];
	[tilespmem:v0+s7+$0x0 ss:$0x1] =	vst.idx.msk $0xffff, v7  }
0x8f: {  	v4 =	vld [tilespmem:s3+$0x60];
	[tilespmem:v0+s7+$0x10 ss:$0x1] =	vst.idx.msk $0xffff, v8  }
0x90: {  	[tilespmem:v0+s7+$0x20 ss:$0x1] =	vst.idx.msk $0xffff, v1  }
0x91: {  	[tilespmem:v0+s7+$0x30 ss:$0x1] =	vst.idx.msk $0xffff, v2  }
0x92: {  	p2 =	sgt.s32 s27, $0x100;
	[tilespmem:v0+s7+$0x40 ss:$0x1] =	vst.idx.msk $0xffff, v3  }
.Ltmp9:
0x93: {  	[tilespmem:v0+s7+$0x50 ss:$0x1] =	vst.idx.msk $0xffff, v5;
	(pc) =	sbr.rel @!p2 .LBB1_8-.Ltmp9, $4  }
0x94: {  	[tilespmem:v0+s7+$0x60 ss:$0x1] =	vst.idx.msk $0xffff, v4  }
0x95: {  	[tilespmem:v0+s7+$0x70 ss:$0x1] =	vst.idx.msk $0xffff, v6  }
0x96: {  	[tilespmem:v0+s8+$0x0 ss:$0x1] =	vst.idx.msk $0xffff, v7  }
0x97: {  	s31 =	smov.u32 s2;
	s7 =	simm.s32 $0x100;
	[tilespmem:v0+s8+$0x10 ss:$0x1] =	vst.idx.msk $0xffff, v8  }
.LBB1_7:
0x98: {  	v6 =	vld [tilespmem:s3+$0x70];
	s7 =	sadd.s32 $0x100, s7;
	[tilespmem:v0+s8+$0x20 ss:$0x1] =	vst.idx.msk $0xffff, v1  }
0x99: {  	v7 =	vld [tilespmem:s3+$0x0];
	p2 =	slt.s32 s7, s27;
	[tilespmem:v0+s8+$0x30 ss:$0x1] =	vst.idx.msk $0xffff, v2  }
0x9a: {  	v8 =	vld [tilespmem:s3+$0x10];
	[tilespmem:v0+s8+$0x40 ss:$0x1] =	vst.idx.msk $0xffff, v3  }
0x9b: {  	s31 =	sadd.s32 $0x800, s31;
	v1 =	vld [tilespmem:s3+$0x20];
	[tilespmem:v0+s8+$0x50 ss:$0x1] =	vst.idx.msk $0xffff, v5  }
0x9c: {  	s6 =	sadd.s32 $0xFFFFFC00, s31;
	v2 =	vld [tilespmem:s3+$0x30];
	[tilespmem:v0+s8+$0x60 ss:$0x1] =	vst.idx.msk $0xffff, v4;
	s8 =	sand.u32 $0x3C00, s31  }
0x9d: {  	s6 =	sand.u32 $0x3C00, s6;
	v3 =	vld [tilespmem:s3+$0x40];
	[tilespmem:v0+s8+$0x70 ss:$0x1] =	vst.idx.msk $0xffff, v6  }
0x9e: {  	[tilespmem:v0+s6+$0x0 ss:$0x1] =	vst.idx.msk $0xffff, v7;
	v5 =	vld [tilespmem:s3+$0x50]  }
0x9f: {  	[tilespmem:v0+s6+$0x10 ss:$0x1] =	vst.idx.msk $0xffff, v8;
	v4 =	vld [tilespmem:s3+$0x60]  }
0xa0: {  	[tilespmem:v0+s6+$0x20 ss:$0x1] =	vst.idx.msk $0xffff, v1  }
0xa1: {  	[tilespmem:v0+s6+$0x30 ss:$0x1] =	vst.idx.msk $0xffff, v2  }
0xa2: {  	[tilespmem:v0+s6+$0x40 ss:$0x1] =	vst.idx.msk $0xffff, v3  }
.Ltmp10:
0xa3: {  	[tilespmem:v0+s6+$0x50 ss:$0x1] =	vst.idx.msk $0xffff, v5;
	(pc) =	sbr.rel @p2 .LBB1_7-.Ltmp10, $4  }
0xa4: {  	[tilespmem:v0+s6+$0x60 ss:$0x1] =	vst.idx.msk $0xffff, v4  }
0xa5: {  	[tilespmem:v0+s6+$0x70 ss:$0x1] =	vst.idx.msk $0xffff, v6  }
0xa6: {  	[tilespmem:v0+s8+$0x0 ss:$0x1] =	vst.idx.msk $0xffff, v7  }
0xa7: {  	[tilespmem:v0+s8+$0x10 ss:$0x1] =	vst.idx.msk $0xffff, v8  }
.LBB1_8:
0xa8: {  	_ =	sdelay $0x3  }
0xa9: {  	[tilespmem:v0+s8+$0x20 ss:$0x1] =	vst.idx.msk $0xffff, v1  }
0xaa: {  	[tilespmem:v0+s8+$0x30 ss:$0x1] =	vst.idx.msk $0xffff, v2  }
0xab: {  	[tilespmem:v0+s8+$0x40 ss:$0x1] =	vst.idx.msk $0xffff, v3  }
0xac: {  	[tilespmem:v0+s8+$0x50 ss:$0x1] =	vst.idx.msk $0xffff, v5  }
0xad: {  	[tilespmem:v0+s8+$0x60 ss:$0x1] =	vst.idx.msk $0xffff, v4  }
.LBB1_9:
.Ltmp11:
0xae: {  	(pc) =	sbr.rel @p1 .LBB1_12-.Ltmp11, $1  }
0xaf: {  	_ =	sdelay $0x3  }
0xb0: {  	s3 =	sand.u32 $0x7, s4  }
0xb1: {  	s3 =	sadd.s32 s30, s3  }
0xb2: {  	s3 =	sshll.u32 s3, $0x9  }
0xb3: {  	s3 =	sshra.s32 s3, $0x2  }
0xb4: {  	s7 =	sadd.s32 s3, s23  }
0xb5: {  	v0 =	vmov s7;
	_ =	sdelay $0x1  }
0xb6: {  	s31 =	sshra.s32 s5, $0x2  }
0xb7: {  	s5 =	smov.u32 s29;
	s3 =	sadd.s32 s31, s9;
	s7 =	smov.u32 s27  }
.LBB1_11:
0xb8: {  	s6 =	sand.u32 $0x70, s7;
	s7 =	sadd.s32 $0x10, s7  }
0xb9: {  	s8 =	sand.u32 $0x3C00, s5;
	v1 =	vld.idx.msk [tilespmem:v0+s6+$0x0 ss:$0x1], $0xffff;
	p2 =	slt.s32 s7, s26  }
.Ltmp12:
0xba: {  	s8 =	sadd.s32 s1, s8;
	(pc) =	sbr.rel @p2 .LBB1_11-.Ltmp12, $4  }
0xbb: {  	s8 =	sand.u32 $0x3C00, s8  }
0xbc: {  	s8 =	sadd.s32 s8, s3  }
0xbd: {  	s6 =	sadd.s32 s6, s8  }
0xbe: {  	s5 =	sadd.s32 $0x80, s5;
	[tilespmem:s6+$0x0] =	vst v1  }
.Ltmp13:
0xbf: {  	_ = 	snop;
	(pc) =	sbr.rel .LBB1_12-.Ltmp13, $1  }
0xc0: {  	_ =	sdelay $0x3  }
.LBB1_16:
0xc1: {  	_ =	sfence.sel $0x180000  }
0xc2: {  	s0 =	simm.s32 $0x1;
	[bflag:$0x0] =	sbarrier.arrive $0xFFFF  }
0xc3: {  	s30 =	simm.s32 $0x2;
	[sflag:s0] =	ssyncpa.u1 $0x1  }
0xc4: {  	[sflag:s30] =	ssyncpa.u1 $0x1  }
0xc5: {  	_ =	strace $0x9000005C  }
0xc6: {  	s31 =	stileid.u32;
	[bflag:$0x2] =	sbarrier.arrive $0xFFFF  }
0xc7: {  	p0 =	sne.s32 s31, $0x0;
	s0 =	rddreg [dreg:$0x1]  }
0xc8: {  	s0 =	sadd.s32 @!p0 $0x100000, s0  }
0xc9: {  	[sflag:s0] =	ssyncadd.tile.s32 @!p0 $0x1;
	_ =	shalt  }
.Lfunc_end1:
_tile_overlayer_lowered:
.L_overlay_start_2:
0xca: {  	(tag) =	ssettag $0x2  }
0xcb: {  	s0 =	rddreg [dreg:$0x0];
	s2 =	stileid.u32  }
0xcc: {  	s1 =	rddreg [dreg:$0x1];
	p0 =	sne.s32 s2, $0x0  }
0xcd: {  	s3 =	rddreg [dreg:$0x2];
	[bflag:$0x3] =	sbarrier.arrive $0xFFFF;
	s2 =	simm.s32 @!p0 $0x1C01  }
0xce: {  	[timem:s3], [sflag:s2] =	dma.local @!p0 [hbm:s0], s1  }
0xcf: {  	s0 =	simm.s32 @!p0 $0x1  }
0xd0: {  	_ =	swait.ge @!p0 [sflag:s0], s1  }
0xd1: {  	s1 =	ssub.s32 @!p0 $0x0, s1;
	[sflag:s0] =	ssyncset.done @!p0 $0x0  }
0xd2: {  	[sflag:s0] =	ssyncadd.s32 @!p0 s1  }
0xd3: {  	[bflag:$0x3] =	sbarrier.arrive $0xFFFF  }
0xd4: {  	_ =	shalt  }

</sc_bundles>
